<compile_context>
chip_gen: v7x
topology: tpu7x:2x2x1
jax: 0.10.2.dev20260603
libtpu: 0.0.44.dev20260713+nightly
codegen_flags: <defaults>
</compile_context>

<pallas_src>
import functools

import jax
import jax.numpy as jnp
from jax import lax
from jax.experimental import pallas as pl
from jax.experimental.pallas import tpu as pltpu
from jax.experimental.pallas import tpu_sc as plsc

N = 10000
E = 320000
D = 128
DH = D // 2

NC = 2
NS = 16
NT = NC * NS
CHUNK = 128
CPT = 160
E_PAD = NS * CPT * CHUNK
NP = 10240

ROWS_PER_TILE = NP // NS

IB = 8
KB = CPT // IB

DCPT = E_PAD // (NT * CHUNK)


NBUF = 4
LOOK = 2
NSH = 10016
SRT = NSH // NS


def _sc_agg_body(yy_hbm, src_hbm, dst_hbm, deg_order_hbm, psum_hbm, *rest):
    srcb = rest[0:2]
    dstb = rest[2:4]
    bufs = rest[4:4 + NBUF]
    acc = rest[4 + NBUF]
    y_sh = rest[5 + NBUF]
    sem_g = rest[6 + NBUF:6 + 2 * NBUF]
    sem_s = rest[6 + 2 * NBUF:6 + 3 * NBUF]
    sem_is = rest[6 + 3 * NBUF:8 + 3 * NBUF]
    sem_id = rest[8 + 3 * NBUF:10 + 3 * NBUF]
    buf0 = bufs[0]
    c = lax.axis_index("c")
    s = lax.axis_index("s")
    zero16 = jnp.zeros((16,), jnp.float32)

    pltpu.sync_copy(yy_hbm.at[c].at[pl.ds(s * SRT, SRT)],
                    y_sh.at[pl.ds(s * SRT, SRT)])

    def _zrow(r, _):
        for l in range(DH // 16):
            buf0[r, pl.ds(l * 16, 16)] = zero16
        return 0
    lax.fori_loop(0, CHUNK, _zrow, 0)

    pltpu.sync_copy(src_hbm.at[pl.ds(s * CPT, IB)], srcb[0])
    pltpu.sync_copy(dst_hbm.at[pl.ds(s * CPT, IB)], dstb[0])

    rows = pl.ds(s * ROWS_PER_TILE, ROWS_PER_TILE)

    def _zacc(j, _):
        pltpu.sync_copy(
            buf0, acc.at[pl.ds(s * ROWS_PER_TILE + j * CHUNK, CHUNK)])
        return 0

    lax.fori_loop(0, ROWS_PER_TILE // CHUNK, _zacc, 0)

    def _gather_start(q, r, b):
        pltpu.async_copy(y_sh.at[srcb[q].at[r]], bufs[b], sem_g[b])

    def _gather_wait(q, r, b):
        pltpu.make_async_copy(y_sh.at[srcb[q].at[r]], bufs[b], sem_g[b]).wait()

    def _scatter_wait(b):
        pltpu.make_async_copy(bufs[b], acc.at[dstb[0].at[0]], sem_s[b]).wait()

    plsc.subcore_barrier()
    for b in range(LOOK):
        _gather_start(0, b, b)

    def _block(B, pb):
        qb = 1 - pb
        @pl.when(B >= 1)
        def _():
            pltpu.make_async_copy(
                dst_hbm.at[pl.ds(s * CPT, IB)], dstb[pb], sem_id[pb]).wait()

        for r in range(IB):
            b = r % NBUF
            bn = (r + LOOK) % NBUF

            if r < LOOK:
                @pl.when(B >= 1)
                def _():
                    _scatter_wait(bn)
                _gather_start(pb, r + LOOK, bn)
            elif r < IB - LOOK:
                _scatter_wait(bn)
                _gather_start(pb, r + LOOK, bn)
            else:
                @pl.when(B + 1 < KB)
                def _():
                    _scatter_wait(bn)
                    if r == IB - LOOK:
                        pltpu.make_async_copy(
                            src_hbm.at[pl.ds(s * CPT, IB)], srcb[qb],
                            sem_is[qb]).wait()
                    _gather_start(qb, r + LOOK - IB, bn)

            _gather_wait(pb, r, b)

            pltpu.async_copy(bufs[b], acc.at[dstb[pb].at[r]], sem_s[b],
                             add=True)

            if r == 0:
                @pl.when(B + 1 < KB)
                def _():
                    pltpu.async_copy(
                        src_hbm.at[pl.ds(s * CPT + (B + 1) * IB, IB)],
                        srcb[qb], sem_is[qb])
            if r == LOOK:
                @pl.when(B + 1 < KB)
                def _():
                    pltpu.async_copy(
                        dst_hbm.at[pl.ds(s * CPT + (B + 1) * IB, IB)],
                        dstb[qb], sem_id[qb])

    def _super(t, _):
        _block(2 * t, 0)
        _block(2 * t + 1, 1)
        return 0

    lax.fori_loop(0, KB // 2, _super, 0)

    for b in range(NBUF):
        _scatter_wait(b)
    plsc.subcore_barrier()

    pltpu.sync_copy(acc.at[rows], psum_hbm.at[c].at[rows])


_sc_agg = pl.kernel(
    _sc_agg_body,
    out_type=[jax.ShapeDtypeStruct((NC, NP, DH), jnp.float32)],
    mesh=plsc.VectorSubcoreMesh(core_axis_name="c", subcore_axis_name="s"),
    scratch_types=[
        pltpu.VMEM((IB, CHUNK), jnp.int32),
        pltpu.VMEM((IB, CHUNK), jnp.int32),
        pltpu.VMEM((IB, CHUNK), jnp.int32),
        pltpu.VMEM((IB, CHUNK), jnp.int32),
    ] + [pltpu.VMEM((CHUNK, DH), jnp.float32) for _ in range(NBUF)] + [
        pltpu.VMEM_SHARED((NP, DH), jnp.float32),
        pltpu.VMEM_SHARED((NSH, DH), jnp.float32),
    ] + [pltpu.SemaphoreType.DMA] * (2 * NBUF + 4),
    compiler_params=pltpu.CompilerParams(needs_layout_passes=False,
                                         use_tc_tiling_on_sc=False),
    name="sc_segment_sum",
)


def _sc_deg_body(dst_hbm, deg_hbm, dst_v, deg_v, degblk_v, degsum_v, deg_sh):
    c = lax.axis_index("c")
    s = lax.axis_index("s")
    wid = c * NS + s
    zero16 = jnp.zeros((16,), jnp.float32)
    ones16 = jnp.ones((16,), jnp.float32)

    pltpu.sync_copy(dst_hbm.at[pl.ds(wid * DCPT, DCPT)], dst_v)

    def _zdeg(i, _):
        deg_v[pl.ds(i * 16, 16)] = zero16
        return 0
    lax.fori_loop(0, NP // 16, _zdeg, 0)

    def _chunk(j, _):
        for l in range(CHUNK // 16):
            idx = dst_v[j, pl.ds(l * 16, 16)]
            plsc.addupdate_scatter(deg_v, [idx], ones16)
        return 0
    lax.fori_loop(0, DCPT, _chunk, 0)

    pltpu.sync_copy(deg_v, deg_sh.at[s])
    plsc.subcore_barrier()
    pltpu.sync_copy(deg_sh.at[:, pl.ds(s * ROWS_PER_TILE, ROWS_PER_TILE)],
                    degblk_v)

    def _red(o, _):
        tot = degblk_v[0, pl.ds(o * 16, 16)]
        for r in range(1, NS):
            tot = tot + degblk_v[r, pl.ds(o * 16, 16)]
        degsum_v[pl.ds(o * 16, 16)] = tot
        return 0
    lax.fori_loop(0, ROWS_PER_TILE // 16, _red, 0)

    pltpu.sync_copy(
        degsum_v, deg_hbm.at[pl.ds(c * NP + s * ROWS_PER_TILE, ROWS_PER_TILE)])


_sc_deg = pl.kernel(
    _sc_deg_body,
    out_type=[jax.ShapeDtypeStruct((NC * NP,), jnp.float32)],
    mesh=plsc.VectorSubcoreMesh(core_axis_name="c", subcore_axis_name="s"),
    scratch_types=[
        pltpu.VMEM((DCPT, CHUNK), jnp.int32),
        pltpu.VMEM((NP,), jnp.float32),
        pltpu.VMEM((NS, ROWS_PER_TILE), jnp.float32),
        pltpu.VMEM((ROWS_PER_TILE,), jnp.float32),
        pltpu.VMEM_SHARED((NS, NP), jnp.float32),
    ],
    compiler_params=pltpu.CompilerParams(needs_layout_passes=False),
    name="sc_degree",
)

BR = 1024


def _mm_bias_body(copy_table, x_ref, w_ref, b_ref, *o_refs):
    x = jnp.concatenate([x_ref[0], x_ref[1]], axis=1)
    o_refs[0][...] = (
        lax.dot_general(x, w_ref[...], (((1,), (1,)), ((), ())),
                        preferred_element_type=jnp.float32)
        + b_ref[...]
    )
    if copy_table:
        o_refs[1][...] = x_ref[...]


def _mm_bias(xh, w, b, copy_table=False):
    out_specs = [pl.BlockSpec((BR, D), lambda i: (i, 0))]
    out_shape = [jax.ShapeDtypeStruct((NP, D), jnp.float32)]
    if copy_table:
        out_specs.append(pl.BlockSpec((NC, BR, DH), lambda i: (0, i, 0)))
        out_shape.append(jax.ShapeDtypeStruct((NC, NP, DH), jnp.float32))
    return pl.pallas_call(
        functools.partial(_mm_bias_body, copy_table),
        grid=(NP // BR,),
        in_specs=[
            pl.BlockSpec((NC, BR, DH), lambda i: (0, i, 0)),
            pl.BlockSpec((D, D), lambda i: (0, 0)),
            pl.BlockSpec((1, D), lambda i: (0, 0)),
        ],
        out_specs=out_specs,
        out_shape=out_shape,
    )(xh, w, b.reshape(1, D))


def _combine_body(final, psum_ref, deg_ref, z_ref, w_ref, *rest):
    p = jnp.concatenate([psum_ref[0], psum_ref[1]], axis=1)
    recip = 1.0 / jnp.maximum(deg_ref[...], 1.0)
    agg = p * recip
    a = lax.dot_general(agg, w_ref[...], (((1,), (1,)), ((), ())),
                        preferred_element_type=jnp.float32) + z_ref[...]
    if final:
        o_ref = rest[0]
        m = jnp.max(a, axis=1, keepdims=True)
        lse = jnp.log(jnp.sum(jnp.exp(a - m), axis=1, keepdims=True)) + m
        o_ref[...] = a - lse
    else:
        w2_ref, b2_ref, o_ref, z2_ref = rest
        h = jnp.maximum(a, 0.0)
        o_ref[0] = h[:, :DH]
        o_ref[1] = h[:, DH:]
        z2_ref[...] = lax.dot_general(
            h, w2_ref[...], (((1,), (1,)), ((), ())),
            preferred_element_type=jnp.float32) + b2_ref[...]


def _combine(final, psum, deg, z, w, w2=None, b2=None):
    in_specs = [
        pl.BlockSpec((NC, BR, DH), lambda i: (0, i, 0)),
        pl.BlockSpec((BR, 1), lambda i: (i, 0)),
        pl.BlockSpec((BR, D), lambda i: (i, 0)),
        pl.BlockSpec((D, D), lambda i: (0, 0)),
    ]
    args = [psum, deg, z, w]
    if final:
        out_specs = pl.BlockSpec((BR, D), lambda i: (i, 0))
        out_shape = jax.ShapeDtypeStruct((NP, D), jnp.float32)
    else:
        in_specs += [pl.BlockSpec((D, D), lambda i: (0, 0)),
                     pl.BlockSpec((1, D), lambda i: (0, 0))]
        args += [w2, b2.reshape(1, D)]
        out_specs = [pl.BlockSpec((NC, BR, DH), lambda i: (0, i, 0)),
                     pl.BlockSpec((BR, D), lambda i: (i, 0))]
        out_shape = [jax.ShapeDtypeStruct((NC, NP, DH), jnp.float32),
                     jax.ShapeDtypeStruct((NP, D), jnp.float32)]
    return pl.pallas_call(
        functools.partial(_combine_body, final),
        grid=(NP // BR,),
        in_specs=in_specs,
        out_specs=out_specs,
        out_shape=out_shape,
    )(*args)


def kernel(x, edge_index, W_l0, b_l0, W_r0, W_l1, b_l1, W_r1):
    src = edge_index[0].astype(jnp.int32)
    dst = edge_index[1].astype(jnp.int32)
    pad = E_PAD - E
    src_p = jnp.concatenate([src, jnp.zeros((pad,), jnp.int32)]).reshape(NS * CPT, CHUNK)
    dst_p = jnp.concatenate([dst, jnp.full((pad,), N, jnp.int32)]).reshape(NS * CPT, CHUNK)

    xp = jnp.pad(x, ((0, NP - N), (0, 0)))
    xh = jnp.stack([xp[:, :DH], xp[:, DH:]])

    (degp,) = _sc_deg(dst_p)
    degp = degp.reshape(NC, NP)
    deg = (degp[0] + degp[1]).reshape(NP, 1)

    z0, xh2 = _mm_bias(xh, W_r0, b_l0, copy_table=True)
    (psum0,) = _sc_agg(xh2, src_p, dst_p, degp)
    hh, z1 = _combine(False, psum0, deg, z0, W_l0, W_r1, b_l1)

    (psum1,) = _sc_agg(hh, src_p, dst_p, degp)
    return _combine(True, psum1, deg, z1, W_l1)[:N]

# --- scband reference (transcript-rebuilt; emitter-appended) ---
"""Pipeline reference for scband-sage-15075335209145 (READ-ONLY COPY).

The authoritative reference and input builder live on the scoring server;
editing this copy changes nothing except your own understanding.
"""

import jax, jax.numpy as jnp
import numpy as np

N = 10000
E = 320000
D_IN = 128
D_HID = 128
D_OUT = 128

def setup_inputs(seed: int = 0) -> dict:
    key = jax.random.key(seed)
    ks = jax.random.split(key, 8)
    x = jax.random.normal(ks[0], (N, D_IN), dtype=jnp.float32)
    edge_index = jax.random.randint(ks[1], (2, E), 0, N, dtype=jnp.int64)
    s = 1.0 / np.sqrt(D_IN)
    W_l0 = jax.random.uniform(ks[2], (D_HID, D_IN), jnp.float32, -s, s)
    b_l0 = jnp.zeros((D_HID,), jnp.float32)
    W_r0 = jax.random.uniform(ks[3], (D_HID, D_IN), jnp.float32, -s, s)
    s2 = 1.0 / np.sqrt(D_HID)
    W_l1 = jax.random.uniform(ks[4], (D_OUT, D_HID), jnp.float32, -s2, s2)
    b_l1 = jnp.zeros((D_OUT,), jnp.float32)
    W_r1 = jax.random.uniform(ks[5], (D_OUT, D_HID), jnp.float32, -s2, s2)
    return {"x": x, "edge_index": edge_index, "W_l0": W_l0, "b_l0": b_l0, "W_r0": W_r0, "W_l1": W_l1, "b_l1": b_l1, "W_r1": W_r1}

def _sage_conv(h, src, dst, W_l, b_l, W_r):
    # matmul(adj, h_all, reduce='mean'): mean-aggregate src features into dst rows
    msg = jnp.take(h, src, axis=0)
    agg_sum = jax.ops.segment_sum(msg, dst, num_segments=N)
    deg = jax.ops.segment_sum(jnp.ones((src.shape[0],), jnp.float32), dst, num_segments=N)
    agg = agg_sum / jnp.clip(deg, 1.0, None)[:, None]
    # lin_l on aggregated (with bias), lin_r on self (no bias)
    return agg @ W_l.T + b_l + h @ W_r.T

def reference(x, edge_index, W_l0, b_l0, W_r0, W_l1, b_l1, W_r1):
    src = edge_index[0]
    dst = edge_index[1]
    # eval mode: dropout(p=0.2, training=False) is identity; all_gather is identity on one shard
    act = x
    act = _sage_conv(act, src, dst, W_l0, b_l0, W_r0)
    act = jax.nn.relu(act)
    act = _sage_conv(act, src, dst, W_l1, b_l1, W_r1)
    return jax.nn.log_softmax(act, axis=1)

if __name__ == "__main__":
    import jax
    _d = setup_inputs()
    print(jax.jit(kernel)(*tuple(_d.values())))

</pallas_src>

<mosaic_0001>
#map = affine_map<(d0, d1) -> (0, 0, 0)>
#map1 = affine_map<(d0, d1) -> (0, 0)>
module attributes {stable_mosaic.version = 14 : i64} {
  func.func @sc_segment_sum(%arg0: i32, %arg1: i32, %arg2: memref<2x10240x64xf32, #tpu.memory_space<hbm>>, %arg3: memref<2560x128xi32, #tpu.memory_space<hbm>>, %arg4: memref<2560x128xi32, #tpu.memory_space<hbm>>, %arg5: memref<2x10240xf32, #tpu.memory_space<hbm>>, %arg6: memref<2x10240x64xf32, #tpu.memory_space<hbm>>, %arg7: memref<8x128xi32, #tpu.memory_space<vmem>>, %arg8: memref<8x128xi32, #tpu.memory_space<vmem>>, %arg9: memref<8x128xi32, #tpu.memory_space<vmem>>, %arg10: memref<8x128xi32, #tpu.memory_space<vmem>>, %arg11: memref<128x64xf32, #tpu.memory_space<vmem>>, %arg12: memref<128x64xf32, #tpu.memory_space<vmem>>, %arg13: memref<128x64xf32, #tpu.memory_space<vmem>>, %arg14: memref<128x64xf32, #tpu.memory_space<vmem>>, %arg15: memref<10240x64xf32, #tpu.memory_space<vmem_shared>>, %arg16: memref<10016x64xf32, #tpu.memory_space<vmem_shared>>, %arg17: memref<!tpu.dma_semaphore, #tpu.memory_space<semaphore_mem>>, %arg18: memref<!tpu.dma_semaphore, #tpu.memory_space<semaphore_mem>>, %arg19: memref<!tpu.dma_semaphore, #tpu.memory_space<semaphore_mem>>, %arg20: memref<!tpu.dma_semaphore, #tpu.memory_space<semaphore_mem>>, %arg21: memref<!tpu.dma_semaphore, #tpu.memory_space<semaphore_mem>>, %arg22: memref<!tpu.dma_semaphore, #tpu.memory_space<semaphore_mem>>, %arg23: memref<!tpu.dma_semaphore, #tpu.memory_space<semaphore_mem>>, %arg24: memref<!tpu.dma_semaphore, #tpu.memory_space<semaphore_mem>>, %arg25: memref<!tpu.dma_semaphore, #tpu.memory_space<semaphore_mem>>, %arg26: memref<!tpu.dma_semaphore, #tpu.memory_space<semaphore_mem>>, %arg27: memref<!tpu.dma_semaphore, #tpu.memory_space<semaphore_mem>>, %arg28: memref<!tpu.dma_semaphore, #tpu.memory_space<semaphore_mem>>) attributes {dimension_semantics = [#tpu.dimension_semantics<core_parallel>, #tpu.dimension_semantics<subcore_parallel>], iteration_bounds = array<i64: 2, 16>, scalar_prefetch = 0 : i64, scratch_operands = 22 : i64, tpu.core_type = #tpu.core_type<sc_vector_subcore>, window_params = [{transform_indices = #map}, {transform_indices = #map1}, {transform_indices = #map1}, {transform_indices = #map1}, {transform_indices = #map}]} {
    %broadcast_in_dim3A = arith.constant 0.000000e+00 : f32
    %broadcast_in_dim3A_0 = vector.broadcast %broadcast_in_dim3A : f32 to vector<16xf32>
    %mul3A = arith.constant 626 : i32
    %mul3A_1 = arith.muli %arg1, %mul3A : i32
    %mul3A_2 = arith.constant 626 : i32
    %mul3A_3 = arith.muli %arg1, %mul3A_2 : i32
    "tpu.region"() ({
      %run_scoped3A = tpu.sem_alloc : memref<!tpu.dma_semaphore, #tpu.memory_space<semaphore_mem>>
      %dma_start3A_71 = arith.constant 0 : i32
      %dma_start3A_72 = tpu.memref_slice %arg16[%mul3A_3, %dma_start3A_71] : memref<10016x64xf32, #tpu.memory_space<vmem_shared>> -> memref<626x64xf32, #tpu.memory_space<vmem_shared>>
      %dma_start3A_73 = arith.constant 0 : i32
      %dma_start3A_74 = arith.constant 0 : i32
      %dma_start3A_75 = tpu.memref_slice %arg2[%arg0, %dma_start3A_73, %dma_start3A_74] : memref<2x10240x64xf32, #tpu.memory_space<hbm>> -> memref<1x10240x64xf32, #tpu.memory_space<hbm>>
      %dma_start3A_76 = tpu.memref_squeeze %dma_start3A_75 : memref<1x10240x64xf32, #tpu.memory_space<hbm>> -> memref<10240x64xf32, #tpu.memory_space<hbm>>
      %dma_start3A_77 = arith.constant 0 : i32
      %dma_start3A_78 = tpu.memref_slice %dma_start3A_76[%mul3A_1, %dma_start3A_77] : memref<10240x64xf32, #tpu.memory_space<hbm>> -> memref<626x64xf32, #tpu.memory_space<hbm>>
      tpu.enqueue_dma source(%dma_start3A_78 : memref<626x64xf32, #tpu.memory_space<hbm>>) target(%dma_start3A_72 : memref<626x64xf32, #tpu.memory_space<vmem_shared>>) target_semaphore(%run_scoped3A : memref<!tpu.dma_semaphore, #tpu.memory_space<semaphore_mem>>)
      %dma_wait3A_79 = arith.constant 0 : i32
      %dma_wait3A_80 = tpu.memref_slice %arg16[%mul3A_3, %dma_wait3A_79] : memref<10016x64xf32, #tpu.memory_space<vmem_shared>> -> memref<626x64xf32, #tpu.memory_space<vmem_shared>>
      %dma_wait3A_81 = arith.constant 0 : i32
      %dma_wait3A_82 = arith.constant 0 : i32
      %dma_wait3A_83 = tpu.memref_slice %arg2[%arg0, %dma_wait3A_81, %dma_wait3A_82] : memref<2x10240x64xf32, #tpu.memory_space<hbm>> -> memref<1x10240x64xf32, #tpu.memory_space<hbm>>
      %dma_wait3A_84 = tpu.memref_squeeze %dma_wait3A_83 : memref<1x10240x64xf32, #tpu.memory_space<hbm>> -> memref<10240x64xf32, #tpu.memory_space<hbm>>
      %dma_wait3A_85 = arith.constant 0 : i32
      %dma_wait3A_86 = tpu.memref_slice %dma_wait3A_84[%mul3A_1, %dma_wait3A_85] : memref<10240x64xf32, #tpu.memory_space<hbm>> -> memref<626x64xf32, #tpu.memory_space<hbm>>
      tpu.wait_dma2 semaphore(%run_scoped3A : memref<!tpu.dma_semaphore, #tpu.memory_space<semaphore_mem>>) src(%dma_wait3A_86 : memref<626x64xf32, #tpu.memory_space<hbm>>) dst(%dma_wait3A_80 : memref<626x64xf32, #tpu.memory_space<vmem_shared>>)
      tpu.yield
    }) : () -> ()
    %scan3A = arith.constant 0 : i32
    %scan3A_4 = arith.constant 0 : i32
    %scan3A_5 = arith.constant 128 : i32
    %scan3A_6 = arith.addi %scan3A_4, %scan3A_5 : i32
    %scan3A_7 = arith.constant 1 : i32
    %scan3A_8 = scf.for %scan3A_71 = %scan3A_4 to %scan3A_6 step %scan3A_7 iter_args(%scan3A_72 = %scan3A) -> (i32)  : i32 {
      %swap3A = arith.index_cast %scan3A_71 : i32 to index
      %swap3A_73 = arith.constant 0 : index
      %swap3A_74 = tpu.vector_load %arg11[%swap3A, %swap3A_73] {strides = array<i32>} : memref<128x64xf32, #tpu.memory_space<vmem>>, vector<16xf32>,
      tpu.vector_store %arg11[%swap3A, %swap3A_73], %broadcast_in_dim3A_0 {strides = array<i32>} : memref<128x64xf32, #tpu.memory_space<vmem>>, vector<16xf32>,
      %swap3A_75 = arith.index_cast %scan3A_71 : i32 to index
      %swap3A_76 = arith.constant 16 : index
      %swap3A_77 = tpu.vector_load %arg11[%swap3A_75, %swap3A_76] {strides = array<i32>} : memref<128x64xf32, #tpu.memory_space<vmem>>, vector<16xf32>,
      tpu.vector_store %arg11[%swap3A_75, %swap3A_76], %broadcast_in_dim3A_0 {strides = array<i32>} : memref<128x64xf32, #tpu.memory_space<vmem>>, vector<16xf32>,
      %swap3A_78 = arith.index_cast %scan3A_71 : i32 to index
      %swap3A_79 = arith.constant 32 : index
      %swap3A_80 = tpu.vector_load %arg11[%swap3A_78, %swap3A_79] {strides = array<i32>} : memref<128x64xf32, #tpu.memory_space<vmem>>, vector<16xf32>,
      tpu.vector_store %arg11[%swap3A_78, %swap3A_79], %broadcast_in_dim3A_0 {strides = array<i32>} : memref<128x64xf32, #tpu.memory_space<vmem>>, vector<16xf32>,
      %swap3A_81 = arith.index_cast %scan3A_71 : i32 to index
      %swap3A_82 = arith.constant 48 : index
      %swap3A_83 = tpu.vector_load %arg11[%swap3A_81, %swap3A_82] {strides = array<i32>} : memref<128x64xf32, #tpu.memory_space<vmem>>, vector<16xf32>,
      tpu.vector_store %arg11[%swap3A_81, %swap3A_82], %broadcast_in_dim3A_0 {strides = array<i32>} : memref<128x64xf32, #tpu.memory_space<vmem>>, vector<16xf32>,
      %scan3A_84 = arith.constant 0 : i32
      scf.yield %scan3A_84 : i32
    }
    %scan3A_9 = arith.constant 128 : i32
    %mul3A_10 = arith.constant 160 : i32
    %mul3A_11 = arith.muli %arg1, %mul3A_10 : i32
    "tpu.region"() ({
      %run_scoped3A = tpu.sem_alloc : memref<!tpu.dma_semaphore, #tpu.memory_space<semaphore_mem>>
      %dma_start3A_71 = arith.constant 0 : i32
      %dma_start3A_72 = tpu.memref_slice %arg3[%mul3A_11, %dma_start3A_71] : memref<2560x128xi32, #tpu.memory_space<hbm>> -> memref<8x128xi32, #tpu.memory_space<hbm>>
      %dma_start3A_73 = arith.constant 0 : i32
      %dma_start3A_74 = tpu.memref_slice %arg3[%mul3A_11, %dma_start3A_73] : memref<2560x128xi32, #tpu.memory_space<hbm>> -> memref<8x128xi32, #tpu.memory_space<hbm>>
      tpu.enqueue_dma source(%dma_start3A_74 : memref<8x128xi32, #tpu.memory_space<hbm>>) target(%arg7 : memref<8x128xi32, #tpu.memory_space<vmem>>) target_semaphore(%run_scoped3A : memref<!tpu.dma_semaphore, #tpu.memory_space<semaphore_mem>>)
      %dma_wait3A_75 = arith.constant 0 : i32
      %dma_wait3A_76 = tpu.memref_slice %arg3[%mul3A_11, %dma_wait3A_75] : memref<2560x128xi32, #tpu.memory_space<hbm>> -> memref<8x128xi32, #tpu.memory_space<hbm>>
      %dma_wait3A_77 = arith.constant 0 : i32
      %dma_wait3A_78 = tpu.memref_slice %arg3[%mul3A_11, %dma_wait3A_77] : memref<2560x128xi32, #tpu.memory_space<hbm>> -> memref<8x128xi32, #tpu.memory_space<hbm>>
      tpu.wait_dma2 semaphore(%run_scoped3A : memref<!tpu.dma_semaphore, #tpu.memory_space<semaphore_mem>>) src(%dma_wait3A_78 : memref<8x128xi32, #tpu.memory_space<hbm>>) dst(%arg7 : memref<8x128xi32, #tpu.memory_space<vmem>>)
      tpu.yield
    }) : () -> ()
    %mul3A_12 = arith.constant 160 : i32
    %mul3A_13 = arith.muli %arg1, %mul3A_12 : i32
    "tpu.region"() ({
      %run_scoped3A = tpu.sem_alloc : memref<!tpu.dma_semaphore, #tpu.memory_space<semaphore_mem>>
      %dma_start3A_71 = arith.constant 0 : i32
      %dma_start3A_72 = tpu.memref_slice %arg4[%mul3A_13, %dma_start3A_71] : memref<2560x128xi32, #tpu.memory_space<hbm>> -> memref<8x128xi32, #tpu.memory_space<hbm>>
      %dma_start3A_73 = arith.constant 0 : i32
      %dma_start3A_74 = tpu.memref_slice %arg4[%mul3A_13, %dma_start3A_73] : memref<2560x128xi32, #tpu.memory_space<hbm>> -> memref<8x128xi32, #tpu.memory_space<hbm>>
      tpu.enqueue_dma source(%dma_start3A_74 : memref<8x128xi32, #tpu.memory_space<hbm>>) target(%arg9 : memref<8x128xi32, #tpu.memory_space<vmem>>) target_semaphore(%run_scoped3A : memref<!tpu.dma_semaphore, #tpu.memory_space<semaphore_mem>>)
      %dma_wait3A_75 = arith.constant 0 : i32
      %dma_wait3A_76 = tpu.memref_slice %arg4[%mul3A_13, %dma_wait3A_75] : memref<2560x128xi32, #tpu.memory_space<hbm>> -> memref<8x128xi32, #tpu.memory_space<hbm>>
      %dma_wait3A_77 = arith.constant 0 : i32
      %dma_wait3A_78 = tpu.memref_slice %arg4[%mul3A_13, %dma_wait3A_77] : memref<2560x128xi32, #tpu.memory_space<hbm>> -> memref<8x128xi32, #tpu.memory_space<hbm>>
      tpu.wait_dma2 semaphore(%run_scoped3A : memref<!tpu.dma_semaphore, #tpu.memory_space<semaphore_mem>>) src(%dma_wait3A_78 : memref<8x128xi32, #tpu.memory_space<hbm>>) dst(%arg9 : memref<8x128xi32, #tpu.memory_space<vmem>>)
      tpu.yield
    }) : () -> ()
    %mul3A_14 = arith.constant 640 : i32
    %mul3A_15 = arith.muli %arg1, %mul3A_14 : i32
    %scan3A_16 = arith.constant 0 : i32
    %scan3A_17 = arith.constant 0 : i32
    %scan3A_18 = arith.constant 5 : i32
    %scan3A_19 = arith.addi %scan3A_17, %scan3A_18 : i32
    %scan3A_20 = arith.constant 1 : i32
    %scan3A_21 = scf.for %scan3A_71 = %scan3A_17 to %scan3A_19 step %scan3A_20 iter_args(%scan3A_72 = %scan3A_16) -> (i32)  : i32 {
      %mul3A_73 = arith.constant 640 : i32
      %mul3A_74 = arith.muli %arg1, %mul3A_73 : i32
      %mul3A_75 = arith.constant 128 : i32
      %mul3A_76 = arith.muli %scan3A_71, %mul3A_75 : i32
      %add3A = arith.addi %mul3A_74, %mul3A_76 : i32
      "tpu.region"() ({
        %run_scoped3A = tpu.sem_alloc : memref<!tpu.dma_semaphore, #tpu.memory_space<semaphore_mem>>
        %dma_start3A_78 = arith.constant 0 : i32
        %dma_start3A_79 = tpu.memref_slice %arg15[%add3A, %dma_start3A_78] : memref<10240x64xf32, #tpu.memory_space<vmem_shared>> -> memref<128x64xf32, #tpu.memory_space<vmem_shared>>
        %dma_start3A_80 = arith.constant 0 : i32
        %dma_start3A_81 = tpu.memref_slice %arg15[%add3A, %dma_start3A_80] : memref<10240x64xf32, #tpu.memory_space<vmem_shared>> -> memref<128x64xf32, #tpu.memory_space<vmem_shared>>
        tpu.enqueue_dma source(%arg11 : memref<128x64xf32, #tpu.memory_space<vmem>>) target(%dma_start3A_81 : memref<128x64xf32, #tpu.memory_space<vmem_shared>>) target_semaphore(%run_scoped3A : memref<!tpu.dma_semaphore, #tpu.memory_space<semaphore_mem>>)
        %dma_wait3A_82 = arith.constant 0 : i32
        %dma_wait3A_83 = tpu.memref_slice %arg15[%add3A, %dma_wait3A_82] : memref<10240x64xf32, #tpu.memory_space<vmem_shared>> -> memref<128x64xf32, #tpu.memory_space<vmem_shared>>
        %dma_wait3A_84 = arith.constant 0 : i32
        %dma_wait3A_85 = tpu.memref_slice %arg15[%add3A, %dma_wait3A_84] : memref<10240x64xf32, #tpu.memory_space<vmem_shared>> -> memref<128x64xf32, #tpu.memory_space<vmem_shared>>
        tpu.wait_dma2 semaphore(%run_scoped3A : memref<!tpu.dma_semaphore, #tpu.memory_space<semaphore_mem>>) src(%arg11 : memref<128x64xf32, #tpu.memory_space<vmem>>) dst(%dma_wait3A_85 : memref<128x64xf32, #tpu.memory_space<vmem_shared>>)
        tpu.yield
      }) : () -> ()
      %scan3A_77 = arith.constant 0 : i32
      scf.yield %scan3A_77 : i32
    }
    %scan3A_22 = arith.constant 5 : i32
    %barrier3A = arith.constant 0 : index
    tpu.barrier barrier_id(%barrier3A)
    %dma_start3A = arith.constant 0 : i32
    %dma_start3A_23 = arith.constant 0 : i32
    %dma_start3A_24 = tpu.memref_slice %arg7[%dma_start3A, %dma_start3A_23] : memref<8x128xi32, #tpu.memory_space<vmem>> -> memref<1x128xi32, #tpu.memory_space<vmem>>
    %dma_start3A_25 = tpu.memref_squeeze %dma_start3A_24 : memref<1x128xi32, #tpu.memory_space<vmem>> -> memref<128xi32, #tpu.memory_space<vmem>>
    %dma_start3A_26 = arith.constant 0 : i32
    %dma_start3A_27 = arith.constant 0 : i32
    %dma_start3A_28 = tpu.memref_slice %arg16[%dma_start3A_26, %dma_start3A_27] : memref<10016x64xf32, #tpu.memory_space<vmem_shared>> -> memref<10016x64xf32, #tpu.memory_space<vmem_shared>>
    tpu.enqueue_indirect_dma source(%dma_start3A_28 : memref<10016x64xf32, #tpu.memory_space<vmem_shared>>) target(%arg11 : memref<128x64xf32, #tpu.memory_space<vmem>>) offsets(%dma_start3A_25 : memref<128xi32, #tpu.memory_space<vmem>>) semaphore(%arg17 : memref<!tpu.dma_semaphore, #tpu.memory_space<semaphore_mem>>)
    %dma_start3A_29 = arith.constant 1 : i32
    %dma_start3A_30 = arith.constant 0 : i32
    %dma_start3A_31 = tpu.memref_slice %arg7[%dma_start3A_29, %dma_start3A_30] : memref<8x128xi32, #tpu.memory_space<vmem>> -> memref<1x128xi32, #tpu.memory_space<vmem>>
    %dma_start3A_32 = tpu.memref_squeeze %dma_start3A_31 : memref<1x128xi32, #tpu.memory_space<vmem>> -> memref<128xi32, #tpu.memory_space<vmem>>
    %dma_start3A_33 = arith.constant 0 : i32
    %dma_start3A_34 = arith.constant 0 : i32
    %dma_start3A_35 = tpu.memref_slice %arg16[%dma_start3A_33, %dma_start3A_34] : memref<10016x64xf32, #tpu.memory_space<vmem_shared>> -> memref<10016x64xf32, #tpu.memory_space<vmem_shared>>
    tpu.enqueue_indirect_dma source(%dma_start3A_35 : memref<10016x64xf32, #tpu.memory_space<vmem_shared>>) target(%arg12 : memref<128x64xf32, #tpu.memory_space<vmem>>) offsets(%dma_start3A_32 : memref<128xi32, #tpu.memory_space<vmem>>) semaphore(%arg18 : memref<!tpu.dma_semaphore, #tpu.memory_space<semaphore_mem>>)
    %scan3A_36 = arith.constant 0 : i32
    %scan3A_37 = arith.constant 0 : i32
    %scan3A_38 = arith.constant 10 : i32
    %scan3A_39 = arith.addi %scan3A_37, %scan3A_38 : i32
    %scan3A_40 = arith.constant 1 : i32
    %scan3A_41 = scf.for %scan3A_71 = %scan3A_37 to %scan3A_39 step %scan3A_40 iter_args(%scan3A_72 = %scan3A_36) -> (i32)  : i32 {
      %mul3A_73 = arith.constant 2 : i32
      %mul3A_74 = arith.muli %mul3A_73, %scan3A_71 : i32
      %ge3A = arith.constant 1 : i32
      %ge3A_75 = arith.cmpi sge, %mul3A_74, %ge3A : i32
      %convert_element_type3A = arith.extui %ge3A_75 : i1 to i32
      %cond3A = arith.constant 0 : i32
      %cond3A_76 = arith.cmpi ne, %convert_element_type3A, %cond3A : i32
      scf.if %cond3A_76 {
        %mul3A_525 = arith.constant 160 : i32
        %mul3A_526 = arith.muli %arg1, %mul3A_525 : i32
        %dma_wait3A_527 = arith.constant 0 : i32
        %dma_wait3A_528 = tpu.memref_slice %arg4[%mul3A_526, %dma_wait3A_527] : memref<2560x128xi32, #tpu.memory_space<hbm>> -> memref<8x128xi32, #tpu.memory_space<hbm>>
        %dma_wait3A_529 = arith.constant 0 : i32
        %dma_wait3A_530 = tpu.memref_slice %arg4[%mul3A_526, %dma_wait3A_529] : memref<2560x128xi32, #tpu.memory_space<hbm>> -> memref<8x128xi32, #tpu.memory_space<hbm>>
        tpu.wait_dma2 semaphore(%arg27 : memref<!tpu.dma_semaphore, #tpu.memory_space<semaphore_mem>>) src(%dma_wait3A_530 : memref<8x128xi32, #tpu.memory_space<hbm>>) dst(%arg9 : memref<8x128xi32, #tpu.memory_space<vmem>>)
      } else {
      }
      %ge3A_77 = arith.constant 1 : i32
      %ge3A_78 = arith.cmpi sge, %mul3A_74, %ge3A_77 : i32
      %convert_element_type3A_79 = arith.extui %ge3A_78 : i1 to i32
      %cond3A_80 = arith.constant 0 : i32
      %cond3A_81 = arith.cmpi ne, %convert_element_type3A_79, %cond3A_80 : i32
      scf.if %cond3A_81 {
        %dma_wait3A_525 = arith.constant 0 : i32
        %dma_wait3A_526 = arith.constant 0 : i32
        %dma_wait3A_527 = tpu.memref_slice %arg9[%dma_wait3A_525, %dma_wait3A_526] : memref<8x128xi32, #tpu.memory_space<vmem>> -> memref<1x128xi32, #tpu.memory_space<vmem>>
        %dma_wait3A_528 = tpu.memref_squeeze %dma_wait3A_527 : memref<1x128xi32, #tpu.memory_space<vmem>> -> memref<128xi32, #tpu.memory_space<vmem>>
        %dma_wait3A_529 = arith.constant 0 : i32
        %dma_wait3A_530 = arith.constant 0 : i32
        %dma_wait3A_531 = tpu.memref_slice %arg15[%dma_wait3A_529, %dma_wait3A_530] : memref<10240x64xf32, #tpu.memory_space<vmem_shared>> -> memref<10240x64xf32, #tpu.memory_space<vmem_shared>>
        tpu.wait_indirect_dma semaphore(%arg23 : memref<!tpu.dma_semaphore, #tpu.memory_space<semaphore_mem>>) src(%arg13 : memref<128x64xf32, #tpu.memory_space<vmem>>) dst(%dma_wait3A_531 : memref<10240x64xf32, #tpu.memory_space<vmem_shared>>)
      } else {
      }
      %dma_start3A_82 = arith.constant 2 : i32
      %dma_start3A_83 = arith.constant 0 : i32
      %dma_start3A_84 = tpu.memref_slice %arg7[%dma_start3A_82, %dma_start3A_83] : memref<8x128xi32, #tpu.memory_space<vmem>> -> memref<1x128xi32, #tpu.memory_space<vmem>>
      %dma_start3A_85 = tpu.memref_squeeze %dma_start3A_84 : memref<1x128xi32, #tpu.memory_space<vmem>> -> memref<128xi32, #tpu.memory_space<vmem>>
      %dma_start3A_86 = arith.constant 0 : i32
      %dma_start3A_87 = arith.constant 0 : i32
      %dma_start3A_88 = tpu.memref_slice %arg16[%dma_start3A_86, %dma_start3A_87] : memref<10016x64xf32, #tpu.memory_space<vmem_shared>> -> memref<10016x64xf32, #tpu.memory_space<vmem_shared>>
      tpu.enqueue_indirect_dma source(%dma_start3A_88 : memref<10016x64xf32, #tpu.memory_space<vmem_shared>>) target(%arg13 : memref<128x64xf32, #tpu.memory_space<vmem>>) offsets(%dma_start3A_85 : memref<128xi32, #tpu.memory_space<vmem>>) semaphore(%arg19 : memref<!tpu.dma_semaphore, #tpu.memory_space<semaphore_mem>>)
      %dma_wait3A_89 = arith.constant 0 : i32
      %dma_wait3A_90 = arith.constant 0 : i32
      %dma_wait3A_91 = tpu.memref_slice %arg7[%dma_wait3A_89, %dma_wait3A_90] : memref<8x128xi32, #tpu.memory_space<vmem>> -> memref<1x128xi32, #tpu.memory_space<vmem>>
      %dma_wait3A_92 = tpu.memref_squeeze %dma_wait3A_91 : memref<1x128xi32, #tpu.memory_space<vmem>> -> memref<128xi32, #tpu.memory_space<vmem>>
      %dma_wait3A_93 = arith.constant 0 : i32
      %dma_wait3A_94 = arith.constant 0 : i32
      %dma_wait3A_95 = tpu.memref_slice %arg16[%dma_wait3A_93, %dma_wait3A_94] : memref<10016x64xf32, #tpu.memory_space<vmem_shared>> -> memref<10016x64xf32, #tpu.memory_space<vmem_shared>>
      tpu.wait_indirect_dma semaphore(%arg17 : memref<!tpu.dma_semaphore, #tpu.memory_space<semaphore_mem>>) src(%dma_wait3A_95 : memref<10016x64xf32, #tpu.memory_space<vmem_shared>>) dst(%arg11 : memref<128x64xf32, #tpu.memory_space<vmem>>)
      %dma_start3A_96 = arith.constant 0 : i32
      %dma_start3A_97 = arith.constant 0 : i32
      %dma_start3A_98 = tpu.memref_slice %arg9[%dma_start3A_96, %dma_start3A_97] : memref<8x128xi32, #tpu.memory_space<vmem>> -> memref<1x128xi32, #tpu.memory_space<vmem>>
      %dma_start3A_99 = tpu.memref_squeeze %dma_start3A_98 : memref<1x128xi32, #tpu.memory_space<vmem>> -> memref<128xi32, #tpu.memory_space<vmem>>
      %dma_start3A_100 = arith.constant 0 : i32
      %dma_start3A_101 = arith.constant 0 : i32
      %dma_start3A_102 = tpu.memref_slice %arg15[%dma_start3A_100, %dma_start3A_101] : memref<10240x64xf32, #tpu.memory_space<vmem_shared>> -> memref<10240x64xf32, #tpu.memory_space<vmem_shared>>
      tpu.enqueue_indirect_dma source(%arg11 : memref<128x64xf32, #tpu.memory_space<vmem>>) target(%dma_start3A_102 : memref<10240x64xf32, #tpu.memory_space<vmem_shared>>) offsets(%dma_start3A_99 : memref<128xi32, #tpu.memory_space<vmem>>) semaphore(%arg21 : memref<!tpu.dma_semaphore, #tpu.memory_space<semaphore_mem>>) {add = true}
      %add3A = arith.constant 1 : i32
      %add3A_103 = arith.addi %mul3A_74, %add3A : i32
      %lt3A = arith.constant 20 : i32
      %lt3A_104 = arith.cmpi slt, %add3A_103, %lt3A : i32
      %convert_element_type3A_105 = arith.extui %lt3A_104 : i1 to i32
      %cond3A_106 = arith.constant 0 : i32
      %cond3A_107 = arith.cmpi ne, %convert_element_type3A_105, %cond3A_106 : i32
      scf.if %cond3A_107 {
        %mul3A_525 = arith.constant 160 : i32
        %mul3A_526 = arith.muli %arg1, %mul3A_525 : i32
        %add3A_527 = arith.constant 1 : i32
        %add3A_528 = arith.addi %mul3A_74, %add3A_527 : i32
        %mul3A_529 = arith.constant 8 : i32
        %mul3A_530 = arith.muli %add3A_528, %mul3A_529 : i32
        %add3A_531 = arith.addi %mul3A_526, %mul3A_530 : i32
        %dma_start3A_532 = arith.constant 0 : i32
        %dma_start3A_533 = tpu.memref_slice %arg3[%add3A_531, %dma_start3A_532] : memref<2560x128xi32, #tpu.memory_space<hbm>> -> memref<8x128xi32, #tpu.memory_space<hbm>>
        %dma_start3A_534 = arith.constant 0 : i32
        %dma_start3A_535 = tpu.memref_slice %arg3[%add3A_531, %dma_start3A_534] : memref<2560x128xi32, #tpu.memory_space<hbm>> -> memref<8x128xi32, #tpu.memory_space<hbm>>
        tpu.enqueue_dma source(%dma_start3A_535 : memref<8x128xi32, #tpu.memory_space<hbm>>) target(%arg8 : memref<8x128xi32, #tpu.memory_space<vmem>>) target_semaphore(%arg26 : memref<!tpu.dma_semaphore, #tpu.memory_space<semaphore_mem>>)
      } else {
      }
      %ge3A_108 = arith.constant 1 : i32
      %ge3A_109 = arith.cmpi sge, %mul3A_74, %ge3A_108 : i32
      %convert_element_type3A_110 = arith.extui %ge3A_109 : i1 to i32
      %cond3A_111 = arith.constant 0 : i32
      %cond3A_112 = arith.cmpi ne, %convert_element_type3A_110, %cond3A_111 : i32
      scf.if %cond3A_112 {
        %dma_wait3A_525 = arith.constant 0 : i32
        %dma_wait3A_526 = arith.constant 0 : i32
        %dma_wait3A_527 = tpu.memref_slice %arg9[%dma_wait3A_525, %dma_wait3A_526] : memref<8x128xi32, #tpu.memory_space<vmem>> -> memref<1x128xi32, #tpu.memory_space<vmem>>
        %dma_wait3A_528 = tpu.memref_squeeze %dma_wait3A_527 : memref<1x128xi32, #tpu.memory_space<vmem>> -> memref<128xi32, #tpu.memory_space<vmem>>
        %dma_wait3A_529 = arith.constant 0 : i32
        %dma_wait3A_530 = arith.constant 0 : i32
        %dma_wait3A_531 = tpu.memref_slice %arg15[%dma_wait3A_529, %dma_wait3A_530] : memref<10240x64xf32, #tpu.memory_space<vmem_shared>> -> memref<10240x64xf32, #tpu.memory_space<vmem_shared>>
        tpu.wait_indirect_dma semaphore(%arg24 : memref<!tpu.dma_semaphore, #tpu.memory_space<semaphore_mem>>) src(%arg14 : memref<128x64xf32, #tpu.memory_space<vmem>>) dst(%dma_wait3A_531 : memref<10240x64xf32, #tpu.memory_space<vmem_shared>>)
      } else {
      }
      %dma_start3A_113 = arith.constant 3 : i32
      %dma_start3A_114 = arith.constant 0 : i32
      %dma_start3A_115 = tpu.memref_slice %arg7[%dma_start3A_113, %dma_start3A_114] : memref<8x128xi32, #tpu.memory_space<vmem>> -> memref<1x128xi32, #tpu.memory_space<vmem>>
      %dma_start3A_116 = tpu.memref_squeeze %dma_start3A_115 : memref<1x128xi32, #tpu.memory_space<vmem>> -> memref<128xi32, #tpu.memory_space<vmem>>
      %dma_start3A_117 = arith.constant 0 : i32
      %dma_start3A_118 = arith.constant 0 : i32
      %dma_start3A_119 = tpu.memref_slice %arg16[%dma_start3A_117, %dma_start3A_118] : memref<10016x64xf32, #tpu.memory_space<vmem_shared>> -> memref<10016x64xf32, #tpu.memory_space<vmem_shared>>
      tpu.enqueue_indirect_dma source(%dma_start3A_119 : memref<10016x64xf32, #tpu.memory_space<vmem_shared>>) target(%arg14 : memref<128x64xf32, #tpu.memory_space<vmem>>) offsets(%dma_start3A_116 : memref<128xi32, #tpu.memory_space<vmem>>) semaphore(%arg20 : memref<!tpu.dma_semaphore, #tpu.memory_space<semaphore_mem>>)
      %dma_wait3A_120 = arith.constant 1 : i32
      %dma_wait3A_121 = arith.constant 0 : i32
      %dma_wait3A_122 = tpu.memref_slice %arg7[%dma_wait3A_120, %dma_wait3A_121] : memref<8x128xi32, #tpu.memory_space<vmem>> -> memref<1x128xi32, #tpu.memory_space<vmem>>
      %dma_wait3A_123 = tpu.memref_squeeze %dma_wait3A_122 : memref<1x128xi32, #tpu.memory_space<vmem>> -> memref<128xi32, #tpu.memory_space<vmem>>
      %dma_wait3A_124 = arith.constant 0 : i32
      %dma_wait3A_125 = arith.constant 0 : i32
      %dma_wait3A_126 = tpu.memref_slice %arg16[%dma_wait3A_124, %dma_wait3A_125] : memref<10016x64xf32, #tpu.memory_space<vmem_shared>> -> memref<10016x64xf32, #tpu.memory_space<vmem_shared>>
      tpu.wait_indirect_dma semaphore(%arg18 : memref<!tpu.dma_semaphore, #tpu.memory_space<semaphore_mem>>) src(%dma_wait3A_126 : memref<10016x64xf32, #tpu.memory_space<vmem_shared>>) dst(%arg12 : memref<128x64xf32, #tpu.memory_space<vmem>>)
      %dma_start3A_127 = arith.constant 1 : i32
      %dma_start3A_128 = arith.constant 0 : i32
      %dma_start3A_129 = tpu.memref_slice %arg9[%dma_start3A_127, %dma_start3A_128] : memref<8x128xi32, #tpu.memory_space<vmem>> -> memref<1x128xi32, #tpu.memory_space<vmem>>
      %dma_start3A_130 = tpu.memref_squeeze %dma_start3A_129 : memref<1x128xi32, #tpu.memory_space<vmem>> -> memref<128xi32, #tpu.memory_space<vmem>>
      %dma_start3A_131 = arith.constant 0 : i32
      %dma_start3A_132 = arith.constant 0 : i32
      %dma_start3A_133 = tpu.memref_slice %arg15[%dma_start3A_131, %dma_start3A_132] : memref<10240x64xf32, #tpu.memory_space<vmem_shared>> -> memref<10240x64xf32, #tpu.memory_space<vmem_shared>>
      tpu.enqueue_indirect_dma source(%arg12 : memref<128x64xf32, #tpu.memory_space<vmem>>) target(%dma_start3A_133 : memref<10240x64xf32, #tpu.memory_space<vmem_shared>>) offsets(%dma_start3A_130 : memref<128xi32, #tpu.memory_space<vmem>>) semaphore(%arg22 : memref<!tpu.dma_semaphore, #tpu.memory_space<semaphore_mem>>) {add = true}
      %dma_wait3A_134 = arith.constant 0 : i32
      %dma_wait3A_135 = arith.constant 0 : i32
      %dma_wait3A_136 = tpu.memref_slice %arg9[%dma_wait3A_134, %dma_wait3A_135] : memref<8x128xi32, #tpu.memory_space<vmem>> -> memref<1x128xi32, #tpu.memory_space<vmem>>
      %dma_wait3A_137 = tpu.memref_squeeze %dma_wait3A_136 : memref<1x128xi32, #tpu.memory_space<vmem>> -> memref<128xi32, #tpu.memory_space<vmem>>
      %dma_wait3A_138 = arith.constant 0 : i32
      %dma_wait3A_139 = arith.constant 0 : i32
      %dma_wait3A_140 = tpu.memref_slice %arg15[%dma_wait3A_138, %dma_wait3A_139] : memref<10240x64xf32, #tpu.memory_space<vmem_shared>> -> memref<10240x64xf32, #tpu.memory_space<vmem_shared>>
      tpu.wait_indirect_dma semaphore(%arg21 : memref<!tpu.dma_semaphore, #tpu.memory_space<semaphore_mem>>) src(%arg11 : memref<128x64xf32, #tpu.memory_space<vmem>>) dst(%dma_wait3A_140 : memref<10240x64xf32, #tpu.memory_space<vmem_shared>>)
      %dma_start3A_141 = arith.constant 4 : i32
      %dma_start3A_142 = arith.constant 0 : i32
      %dma_start3A_143 = tpu.memref_slice %arg7[%dma_start3A_141, %dma_start3A_142] : memref<8x128xi32, #tpu.memory_space<vmem>> -> memref<1x128xi32, #tpu.memory_space<vmem>>
      %dma_start3A_144 = tpu.memref_squeeze %dma_start3A_143 : memref<1x128xi32, #tpu.memory_space<vmem>> -> memref<128xi32, #tpu.memory_space<vmem>>
      %dma_start3A_145 = arith.constant 0 : i32
      %dma_start3A_146 = arith.constant 0 : i32
      %dma_start3A_147 = tpu.memref_slice %arg16[%dma_start3A_145, %dma_start3A_146] : memref<10016x64xf32, #tpu.memory_space<vmem_shared>> -> memref<10016x64xf32, #tpu.memory_space<vmem_shared>>
      tpu.enqueue_indirect_dma source(%dma_start3A_147 : memref<10016x64xf32, #tpu.memory_space<vmem_shared>>) target(%arg11 : memref<128x64xf32, #tpu.memory_space<vmem>>) offsets(%dma_start3A_144 : memref<128xi32, #tpu.memory_space<vmem>>) semaphore(%arg17 : memref<!tpu.dma_semaphore, #tpu.memory_space<semaphore_mem>>)
      %dma_wait3A_148 = arith.constant 2 : i32
      %dma_wait3A_149 = arith.constant 0 : i32
      %dma_wait3A_150 = tpu.memref_slice %arg7[%dma_wait3A_148, %dma_wait3A_149] : memref<8x128xi32, #tpu.memory_space<vmem>> -> memref<1x128xi32, #tpu.memory_space<vmem>>
      %dma_wait3A_151 = tpu.memref_squeeze %dma_wait3A_150 : memref<1x128xi32, #tpu.memory_space<vmem>> -> memref<128xi32, #tpu.memory_space<vmem>>
      %dma_wait3A_152 = arith.constant 0 : i32
      %dma_wait3A_153 = arith.constant 0 : i32
      %dma_wait3A_154 = tpu.memref_slice %arg16[%dma_wait3A_152, %dma_wait3A_153] : memref<10016x64xf32, #tpu.memory_space<vmem_shared>> -> memref<10016x64xf32, #tpu.memory_space<vmem_shared>>
      tpu.wait_indirect_dma semaphore(%arg19 : memref<!tpu.dma_semaphore, #tpu.memory_space<semaphore_mem>>) src(%dma_wait3A_154 : memref<10016x64xf32, #tpu.memory_space<vmem_shared>>) dst(%arg13 : memref<128x64xf32, #tpu.memory_space<vmem>>)
      %dma_start3A_155 = arith.constant 2 : i32
      %dma_start3A_156 = arith.constant 0 : i32
      %dma_start3A_157 = tpu.memref_slice %arg9[%dma_start3A_155, %dma_start3A_156] : memref<8x128xi32, #tpu.memory_space<vmem>> -> memref<1x128xi32, #tpu.memory_space<vmem>>
      %dma_start3A_158 = tpu.memref_squeeze %dma_start3A_157 : memref<1x128xi32, #tpu.memory_space<vmem>> -> memref<128xi32, #tpu.memory_space<vmem>>
      %dma_start3A_159 = arith.constant 0 : i32
      %dma_start3A_160 = arith.constant 0 : i32
      %dma_start3A_161 = tpu.memref_slice %arg15[%dma_start3A_159, %dma_start3A_160] : memref<10240x64xf32, #tpu.memory_space<vmem_shared>> -> memref<10240x64xf32, #tpu.memory_space<vmem_shared>>
      tpu.enqueue_indirect_dma source(%arg13 : memref<128x64xf32, #tpu.memory_space<vmem>>) target(%dma_start3A_161 : memref<10240x64xf32, #tpu.memory_space<vmem_shared>>) offsets(%dma_start3A_158 : memref<128xi32, #tpu.memory_space<vmem>>) semaphore(%arg23 : memref<!tpu.dma_semaphore, #tpu.memory_space<semaphore_mem>>) {add = true}
      %add3A_162 = arith.constant 1 : i32
      %add3A_163 = arith.addi %mul3A_74, %add3A_162 : i32
      %lt3A_164 = arith.constant 20 : i32
      %lt3A_165 = arith.cmpi slt, %add3A_163, %lt3A_164 : i32
      %convert_element_type3A_166 = arith.extui %lt3A_165 : i1 to i32
      %cond3A_167 = arith.constant 0 : i32
      %cond3A_168 = arith.cmpi ne, %convert_element_type3A_166, %cond3A_167 : i32
      scf.if %cond3A_168 {
        %mul3A_525 = arith.constant 160 : i32
        %mul3A_526 = arith.muli %arg1, %mul3A_525 : i32
        %add3A_527 = arith.constant 1 : i32
        %add3A_528 = arith.addi %mul3A_74, %add3A_527 : i32
        %mul3A_529 = arith.constant 8 : i32
        %mul3A_530 = arith.muli %add3A_528, %mul3A_529 : i32
        %add3A_531 = arith.addi %mul3A_526, %mul3A_530 : i32
        %dma_start3A_532 = arith.constant 0 : i32
        %dma_start3A_533 = tpu.memref_slice %arg4[%add3A_531, %dma_start3A_532] : memref<2560x128xi32, #tpu.memory_space<hbm>> -> memref<8x128xi32, #tpu.memory_space<hbm>>
        %dma_start3A_534 = arith.constant 0 : i32
        %dma_start3A_535 = tpu.memref_slice %arg4[%add3A_531, %dma_start3A_534] : memref<2560x128xi32, #tpu.memory_space<hbm>> -> memref<8x128xi32, #tpu.memory_space<hbm>>
        tpu.enqueue_dma source(%dma_start3A_535 : memref<8x128xi32, #tpu.memory_space<hbm>>) target(%arg10 : memref<8x128xi32, #tpu.memory_space<vmem>>) target_semaphore(%arg28 : memref<!tpu.dma_semaphore, #tpu.memory_space<semaphore_mem>>)
      } else {
      }
      %dma_wait3A_169 = arith.constant 0 : i32
      %dma_wait3A_170 = arith.constant 0 : i32
      %dma_wait3A_171 = tpu.memref_slice %arg9[%dma_wait3A_169, %dma_wait3A_170] : memref<8x128xi32, #tpu.memory_space<vmem>> -> memref<1x128xi32, #tpu.memory_space<vmem>>
      %dma_wait3A_172 = tpu.memref_squeeze %dma_wait3A_171 : memref<1x128xi32, #tpu.memory_space<vmem>> -> memref<128xi32, #tpu.memory_space<vmem>>
      %dma_wait3A_173 = arith.constant 0 : i32
      %dma_wait3A_174 = arith.constant 0 : i32
      %dma_wait3A_175 = tpu.memref_slice %arg15[%dma_wait3A_173, %dma_wait3A_174] : memref<10240x64xf32, #tpu.memory_space<vmem_shared>> -> memref<10240x64xf32, #tpu.memory_space<vmem_shared>>
      tpu.wait_indirect_dma semaphore(%arg22 : memref<!tpu.dma_semaphore, #tpu.memory_space<semaphore_mem>>) src(%arg12 : memref<128x64xf32, #tpu.memory_space<vmem>>) dst(%dma_wait3A_175 : memref<10240x64xf32, #tpu.memory_space<vmem_shared>>)
      %dma_start3A_176 = arith.constant 5 : i32
      %dma_start3A_177 = arith.constant 0 : i32
      %dma_start3A_178 = tpu.memref_slice %arg7[%dma_start3A_176, %dma_start3A_177] : memref<8x128xi32, #tpu.memory_space<vmem>> -> memref<1x128xi32, #tpu.memory_space<vmem>>
      %dma_start3A_179 = tpu.memref_squeeze %dma_start3A_178 : memref<1x128xi32, #tpu.memory_space<vmem>> -> memref<128xi32, #tpu.memory_space<vmem>>
      %dma_start3A_180 = arith.constant 0 : i32
      %dma_start3A_181 = arith.constant 0 : i32
      %dma_start3A_182 = tpu.memref_slice %arg16[%dma_start3A_180, %dma_start3A_181] : memref<10016x64xf32, #tpu.memory_space<vmem_shared>> -> memref<10016x64xf32, #tpu.memory_space<vmem_shared>>
      tpu.enqueue_indirect_dma source(%dma_start3A_182 : memref<10016x64xf32, #tpu.memory_space<vmem_shared>>) target(%arg12 : memref<128x64xf32, #tpu.memory_space<vmem>>) offsets(%dma_start3A_179 : memref<128xi32, #tpu.memory_space<vmem>>) semaphore(%arg18 : memref<!tpu.dma_semaphore, #tpu.memory_space<semaphore_mem>>)
      %dma_wait3A_183 = arith.constant 3 : i32
      %dma_wait3A_184 = arith.constant 0 : i32
      %dma_wait3A_185 = tpu.memref_slice %arg7[%dma_wait3A_183, %dma_wait3A_184] : memref<8x128xi32, #tpu.memory_space<vmem>> -> memref<1x128xi32, #tpu.memory_space<vmem>>
      %dma_wait3A_186 = tpu.memref_squeeze %dma_wait3A_185 : memref<1x128xi32, #tpu.memory_space<vmem>> -> memref<128xi32, #tpu.memory_space<vmem>>
      %dma_wait3A_187 = arith.constant 0 : i32
      %dma_wait3A_188 = arith.constant 0 : i32
      %dma_wait3A_189 = tpu.memref_slice %arg16[%dma_wait3A_187, %dma_wait3A_188] : memref<10016x64xf32, #tpu.memory_space<vmem_shared>> -> memref<10016x64xf32, #tpu.memory_space<vmem_shared>>
      tpu.wait_indirect_dma semaphore(%arg20 : memref<!tpu.dma_semaphore, #tpu.memory_space<semaphore_mem>>) src(%dma_wait3A_189 : memref<10016x64xf32, #tpu.memory_space<vmem_shared>>) dst(%arg14 : memref<128x64xf32, #tpu.memory_space<vmem>>)
      %dma_start3A_190 = arith.constant 3 : i32
      %dma_start3A_191 = arith.constant 0 : i32
      %dma_start3A_192 = tpu.memref_slice %arg9[%dma_start3A_190, %dma_start3A_191] : memref<8x128xi32, #tpu.memory_space<vmem>> -> memref<1x128xi32, #tpu.memory_space<vmem>>
      %dma_start3A_193 = tpu.memref_squeeze %dma_start3A_192 : memref<1x128xi32, #tpu.memory_space<vmem>> -> memref<128xi32, #tpu.memory_space<vmem>>
      %dma_start3A_194 = arith.constant 0 : i32
      %dma_start3A_195 = arith.constant 0 : i32
      %dma_start3A_196 = tpu.memref_slice %arg15[%dma_start3A_194, %dma_start3A_195] : memref<10240x64xf32, #tpu.memory_space<vmem_shared>> -> memref<10240x64xf32, #tpu.memory_space<vmem_shared>>
      tpu.enqueue_indirect_dma source(%arg14 : memref<128x64xf32, #tpu.memory_space<vmem>>) target(%dma_start3A_196 : memref<10240x64xf32, #tpu.memory_space<vmem_shared>>) offsets(%dma_start3A_193 : memref<128xi32, #tpu.memory_space<vmem>>) semaphore(%arg24 : memref<!tpu.dma_semaphore, #tpu.memory_space<semaphore_mem>>) {add = true}
      %dma_wait3A_197 = arith.constant 0 : i32
      %dma_wait3A_198 = arith.constant 0 : i32
      %dma_wait3A_199 = tpu.memref_slice %arg9[%dma_wait3A_197, %dma_wait3A_198] : memref<8x128xi32, #tpu.memory_space<vmem>> -> memref<1x128xi32, #tpu.memory_space<vmem>>
      %dma_wait3A_200 = tpu.memref_squeeze %dma_wait3A_199 : memref<1x128xi32, #tpu.memory_space<vmem>> -> memref<128xi32, #tpu.memory_space<vmem>>
      %dma_wait3A_201 = arith.constant 0 : i32
      %dma_wait3A_202 = arith.constant 0 : i32
      %dma_wait3A_203 = tpu.memref_slice %arg15[%dma_wait3A_201, %dma_wait3A_202] : memref<10240x64xf32, #tpu.memory_space<vmem_shared>> -> memref<10240x64xf32, #tpu.memory_space<vmem_shared>>
      tpu.wait_indirect_dma semaphore(%arg23 : memref<!tpu.dma_semaphore, #tpu.memory_space<semaphore_mem>>) src(%arg13 : memref<128x64xf32, #tpu.memory_space<vmem>>) dst(%dma_wait3A_203 : memref<10240x64xf32, #tpu.memory_space<vmem_shared>>)
      %dma_start3A_204 = arith.constant 6 : i32
      %dma_start3A_205 = arith.constant 0 : i32
      %dma_start3A_206 = tpu.memref_slice %arg7[%dma_start3A_204, %dma_start3A_205] : memref<8x128xi32, #tpu.memory_space<vmem>> -> memref<1x128xi32, #tpu.memory_space<vmem>>
      %dma_start3A_207 = tpu.memref_squeeze %dma_start3A_206 : memref<1x128xi32, #tpu.memory_space<vmem>> -> memref<128xi32, #tpu.memory_space<vmem>>
      %dma_start3A_208 = arith.constant 0 : i32
      %dma_start3A_209 = arith.constant 0 : i32
      %dma_start3A_210 = tpu.memref_slice %arg16[%dma_start3A_208, %dma_start3A_209] : memref<10016x64xf32, #tpu.memory_space<vmem_shared>> -> memref<10016x64xf32, #tpu.memory_space<vmem_shared>>
      tpu.enqueue_indirect_dma source(%dma_start3A_210 : memref<10016x64xf32, #tpu.memory_space<vmem_shared>>) target(%arg13 : memref<128x64xf32, #tpu.memory_space<vmem>>) offsets(%dma_start3A_207 : memref<128xi32, #tpu.memory_space<vmem>>) semaphore(%arg19 : memref<!tpu.dma_semaphore, #tpu.memory_space<semaphore_mem>>)
      %dma_wait3A_211 = arith.constant 4 : i32
      %dma_wait3A_212 = arith.constant 0 : i32
      %dma_wait3A_213 = tpu.memref_slice %arg7[%dma_wait3A_211, %dma_wait3A_212] : memref<8x128xi32, #tpu.memory_space<vmem>> -> memref<1x128xi32, #tpu.memory_space<vmem>>
      %dma_wait3A_214 = tpu.memref_squeeze %dma_wait3A_213 : memref<1x128xi32, #tpu.memory_space<vmem>> -> memref<128xi32, #tpu.memory_space<vmem>>
      %dma_wait3A_215 = arith.constant 0 : i32
      %dma_wait3A_216 = arith.constant 0 : i32
      %dma_wait3A_217 = tpu.memref_slice %arg16[%dma_wait3A_215, %dma_wait3A_216] : memref<10016x64xf32, #tpu.memory_space<vmem_shared>> -> memref<10016x64xf32, #tpu.memory_space<vmem_shared>>
      tpu.wait_indirect_dma semaphore(%arg17 : memref<!tpu.dma_semaphore, #tpu.memory_space<semaphore_mem>>) src(%dma_wait3A_217 : memref<10016x64xf32, #tpu.memory_space<vmem_shared>>) dst(%arg11 : memref<128x64xf32, #tpu.memory_space<vmem>>)
      %dma_start3A_218 = arith.constant 4 : i32
      %dma_start3A_219 = arith.constant 0 : i32
      %dma_start3A_220 = tpu.memref_slice %arg9[%dma_start3A_218, %dma_start3A_219] : memref<8x128xi32, #tpu.memory_space<vmem>> -> memref<1x128xi32, #tpu.memory_space<vmem>>
      %dma_start3A_221 = tpu.memref_squeeze %dma_start3A_220 : memref<1x128xi32, #tpu.memory_space<vmem>> -> memref<128xi32, #tpu.memory_space<vmem>>
      %dma_start3A_222 = arith.constant 0 : i32
      %dma_start3A_223 = arith.constant 0 : i32
      %dma_start3A_224 = tpu.memref_slice %arg15[%dma_start3A_222, %dma_start3A_223] : memref<10240x64xf32, #tpu.memory_space<vmem_shared>> -> memref<10240x64xf32, #tpu.memory_space<vmem_shared>>
      tpu.enqueue_indirect_dma source(%arg11 : memref<128x64xf32, #tpu.memory_space<vmem>>) target(%dma_start3A_224 : memref<10240x64xf32, #tpu.memory_space<vmem_shared>>) offsets(%dma_start3A_221 : memref<128xi32, #tpu.memory_space<vmem>>) semaphore(%arg21 : memref<!tpu.dma_semaphore, #tpu.memory_space<semaphore_mem>>) {add = true}
      %dma_wait3A_225 = arith.constant 0 : i32
      %dma_wait3A_226 = arith.constant 0 : i32
      %dma_wait3A_227 = tpu.memref_slice %arg9[%dma_wait3A_225, %dma_wait3A_226] : memref<8x128xi32, #tpu.memory_space<vmem>> -> memref<1x128xi32, #tpu.memory_space<vmem>>
      %dma_wait3A_228 = tpu.memref_squeeze %dma_wait3A_227 : memref<1x128xi32, #tpu.memory_space<vmem>> -> memref<128xi32, #tpu.memory_space<vmem>>
      %dma_wait3A_229 = arith.constant 0 : i32
      %dma_wait3A_230 = arith.constant 0 : i32
      %dma_wait3A_231 = tpu.memref_slice %arg15[%dma_wait3A_229, %dma_wait3A_230] : memref<10240x64xf32, #tpu.memory_space<vmem_shared>> -> memref<10240x64xf32, #tpu.memory_space<vmem_shared>>
      tpu.wait_indirect_dma semaphore(%arg24 : memref<!tpu.dma_semaphore, #tpu.memory_space<semaphore_mem>>) src(%arg14 : memref<128x64xf32, #tpu.memory_space<vmem>>) dst(%dma_wait3A_231 : memref<10240x64xf32, #tpu.memory_space<vmem_shared>>)
      %dma_start3A_232 = arith.constant 7 : i32
      %dma_start3A_233 = arith.constant 0 : i32
      %dma_start3A_234 = tpu.memref_slice %arg7[%dma_start3A_232, %dma_start3A_233] : memref<8x128xi32, #tpu.memory_space<vmem>> -> memref<1x128xi32, #tpu.memory_space<vmem>>
      %dma_start3A_235 = tpu.memref_squeeze %dma_start3A_234 : memref<1x128xi32, #tpu.memory_space<vmem>> -> memref<128xi32, #tpu.memory_space<vmem>>
      %dma_start3A_236 = arith.constant 0 : i32
      %dma_start3A_237 = arith.constant 0 : i32
      %dma_start3A_238 = tpu.memref_slice %arg16[%dma_start3A_236, %dma_start3A_237] : memref<10016x64xf32, #tpu.memory_space<vmem_shared>> -> memref<10016x64xf32, #tpu.memory_space<vmem_shared>>
      tpu.enqueue_indirect_dma source(%dma_start3A_238 : memref<10016x64xf32, #tpu.memory_space<vmem_shared>>) target(%arg14 : memref<128x64xf32, #tpu.memory_space<vmem>>) offsets(%dma_start3A_235 : memref<128xi32, #tpu.memory_space<vmem>>) semaphore(%arg20 : memref<!tpu.dma_semaphore, #tpu.memory_space<semaphore_mem>>)
      %dma_wait3A_239 = arith.constant 5 : i32
      %dma_wait3A_240 = arith.constant 0 : i32
      %dma_wait3A_241 = tpu.memref_slice %arg7[%dma_wait3A_239, %dma_wait3A_240] : memref<8x128xi32, #tpu.memory_space<vmem>> -> memref<1x128xi32, #tpu.memory_space<vmem>>
      %dma_wait3A_242 = tpu.memref_squeeze %dma_wait3A_241 : memref<1x128xi32, #tpu.memory_space<vmem>> -> memref<128xi32, #tpu.memory_space<vmem>>
      %dma_wait3A_243 = arith.constant 0 : i32
      %dma_wait3A_244 = arith.constant 0 : i32
      %dma_wait3A_245 = tpu.memref_slice %arg16[%dma_wait3A_243, %dma_wait3A_244] : memref<10016x64xf32, #tpu.memory_space<vmem_shared>> -> memref<10016x64xf32, #tpu.memory_space<vmem_shared>>
      tpu.wait_indirect_dma semaphore(%arg18 : memref<!tpu.dma_semaphore, #tpu.memory_space<semaphore_mem>>) src(%dma_wait3A_245 : memref<10016x64xf32, #tpu.memory_space<vmem_shared>>) dst(%arg12 : memref<128x64xf32, #tpu.memory_space<vmem>>)
      %dma_start3A_246 = arith.constant 5 : i32
      %dma_start3A_247 = arith.constant 0 : i32
      %dma_start3A_248 = tpu.memref_slice %arg9[%dma_start3A_246, %dma_start3A_247] : memref<8x128xi32, #tpu.memory_space<vmem>> -> memref<1x128xi32, #tpu.memory_space<vmem>>
      %dma_start3A_249 = tpu.memref_squeeze %dma_start3A_248 : memref<1x128xi32, #tpu.memory_space<vmem>> -> memref<128xi32, #tpu.memory_space<vmem>>
      %dma_start3A_250 = arith.constant 0 : i32
      %dma_start3A_251 = arith.constant 0 : i32
      %dma_start3A_252 = tpu.memref_slice %arg15[%dma_start3A_250, %dma_start3A_251] : memref<10240x64xf32, #tpu.memory_space<vmem_shared>> -> memref<10240x64xf32, #tpu.memory_space<vmem_shared>>
      tpu.enqueue_indirect_dma source(%arg12 : memref<128x64xf32, #tpu.memory_space<vmem>>) target(%dma_start3A_252 : memref<10240x64xf32, #tpu.memory_space<vmem_shared>>) offsets(%dma_start3A_249 : memref<128xi32, #tpu.memory_space<vmem>>) semaphore(%arg22 : memref<!tpu.dma_semaphore, #tpu.memory_space<semaphore_mem>>) {add = true}
      %add3A_253 = arith.constant 1 : i32
      %add3A_254 = arith.addi %mul3A_74, %add3A_253 : i32
      %lt3A_255 = arith.constant 20 : i32
      %lt3A_256 = arith.cmpi slt, %add3A_254, %lt3A_255 : i32
      %convert_element_type3A_257 = arith.extui %lt3A_256 : i1 to i32
      %cond3A_258 = arith.constant 0 : i32
      %cond3A_259 = arith.cmpi ne, %convert_element_type3A_257, %cond3A_258 : i32
      scf.if %cond3A_259 {
        %dma_wait3A_525 = arith.constant 0 : i32
        %dma_wait3A_526 = arith.constant 0 : i32
        %dma_wait3A_527 = tpu.memref_slice %arg9[%dma_wait3A_525, %dma_wait3A_526] : memref<8x128xi32, #tpu.memory_space<vmem>> -> memref<1x128xi32, #tpu.memory_space<vmem>>
        %dma_wait3A_528 = tpu.memref_squeeze %dma_wait3A_527 : memref<1x128xi32, #tpu.memory_space<vmem>> -> memref<128xi32, #tpu.memory_space<vmem>>
        %dma_wait3A_529 = arith.constant 0 : i32
        %dma_wait3A_530 = arith.constant 0 : i32
        %dma_wait3A_531 = tpu.memref_slice %arg15[%dma_wait3A_529, %dma_wait3A_530] : memref<10240x64xf32, #tpu.memory_space<vmem_shared>> -> memref<10240x64xf32, #tpu.memory_space<vmem_shared>>
        tpu.wait_indirect_dma semaphore(%arg21 : memref<!tpu.dma_semaphore, #tpu.memory_space<semaphore_mem>>) src(%arg11 : memref<128x64xf32, #tpu.memory_space<vmem>>) dst(%dma_wait3A_531 : memref<10240x64xf32, #tpu.memory_space<vmem_shared>>)
        %mul3A_532 = arith.constant 160 : i32
        %mul3A_533 = arith.muli %arg1, %mul3A_532 : i32
        %dma_wait3A_534 = arith.constant 0 : i32
        %dma_wait3A_535 = tpu.memref_slice %arg3[%mul3A_533, %dma_wait3A_534] : memref<2560x128xi32, #tpu.memory_space<hbm>> -> memref<8x128xi32, #tpu.memory_space<hbm>>
        %dma_wait3A_536 = arith.constant 0 : i32
        %dma_wait3A_537 = tpu.memref_slice %arg3[%mul3A_533, %dma_wait3A_536] : memref<2560x128xi32, #tpu.memory_space<hbm>> -> memref<8x128xi32, #tpu.memory_space<hbm>>
        tpu.wait_dma2 semaphore(%arg26 : memref<!tpu.dma_semaphore, #tpu.memory_space<semaphore_mem>>) src(%dma_wait3A_537 : memref<8x128xi32, #tpu.memory_space<hbm>>) dst(%arg8 : memref<8x128xi32, #tpu.memory_space<vmem>>)
        %dma_start3A_538 = arith.constant 0 : i32
        %dma_start3A_539 = arith.constant 0 : i32
        %dma_start3A_540 = tpu.memref_slice %arg8[%dma_start3A_538, %dma_start3A_539] : memref<8x128xi32, #tpu.memory_space<vmem>> -> memref<1x128xi32, #tpu.memory_space<vmem>>
        %dma_start3A_541 = tpu.memref_squeeze %dma_start3A_540 : memref<1x128xi32, #tpu.memory_space<vmem>> -> memref<128xi32, #tpu.memory_space<vmem>>
        %dma_start3A_542 = arith.constant 0 : i32
        %dma_start3A_543 = arith.constant 0 : i32
        %dma_start3A_544 = tpu.memref_slice %arg16[%dma_start3A_542, %dma_start3A_543] : memref<10016x64xf32, #tpu.memory_space<vmem_shared>> -> memref<10016x64xf32, #tpu.memory_space<vmem_shared>>
        tpu.enqueue_indirect_dma source(%dma_start3A_544 : memref<10016x64xf32, #tpu.memory_space<vmem_shared>>) target(%arg11 : memref<128x64xf32, #tpu.memory_space<vmem>>) offsets(%dma_start3A_541 : memref<128xi32, #tpu.memory_space<vmem>>) semaphore(%arg17 : memref<!tpu.dma_semaphore, #tpu.memory_space<semaphore_mem>>)
      } else {
      }
      %dma_wait3A_260 = arith.constant 6 : i32
      %dma_wait3A_261 = arith.constant 0 : i32
      %dma_wait3A_262 = tpu.memref_slice %arg7[%dma_wait3A_260, %dma_wait3A_261] : memref<8x128xi32, #tpu.memory_space<vmem>> -> memref<1x128xi32, #tpu.memory_space<vmem>>
      %dma_wait3A_263 = tpu.memref_squeeze %dma_wait3A_262 : memref<1x128xi32, #tpu.memory_space<vmem>> -> memref<128xi32, #tpu.memory_space<vmem>>
      %dma_wait3A_264 = arith.constant 0 : i32
      %dma_wait3A_265 = arith.constant 0 : i32
      %dma_wait3A_266 = tpu.memref_slice %arg16[%dma_wait3A_264, %dma_wait3A_265] : memref<10016x64xf32, #tpu.memory_space<vmem_shared>> -> memref<10016x64xf32, #tpu.memory_space<vmem_shared>>
      tpu.wait_indirect_dma semaphore(%arg19 : memref<!tpu.dma_semaphore, #tpu.memory_space<semaphore_mem>>) src(%dma_wait3A_266 : memref<10016x64xf32, #tpu.memory_space<vmem_shared>>) dst(%arg13 : memref<128x64xf32, #tpu.memory_space<vmem>>)
      %dma_start3A_267 = arith.constant 6 : i32
      %dma_start3A_268 = arith.constant 0 : i32
      %dma_start3A_269 = tpu.memref_slice %arg9[%dma_start3A_267, %dma_start3A_268] : memref<8x128xi32, #tpu.memory_space<vmem>> -> memref<1x128xi32, #tpu.memory_space<vmem>>
      %dma_start3A_270 = tpu.memref_squeeze %dma_start3A_269 : memref<1x128xi32, #tpu.memory_space<vmem>> -> memref<128xi32, #tpu.memory_space<vmem>>
      %dma_start3A_271 = arith.constant 0 : i32
      %dma_start3A_272 = arith.constant 0 : i32
      %dma_start3A_273 = tpu.memref_slice %arg15[%dma_start3A_271, %dma_start3A_272] : memref<10240x64xf32, #tpu.memory_space<vmem_shared>> -> memref<10240x64xf32, #tpu.memory_space<vmem_shared>>
      tpu.enqueue_indirect_dma source(%arg13 : memref<128x64xf32, #tpu.memory_space<vmem>>) target(%dma_start3A_273 : memref<10240x64xf32, #tpu.memory_space<vmem_shared>>) offsets(%dma_start3A_270 : memref<128xi32, #tpu.memory_space<vmem>>) semaphore(%arg23 : memref<!tpu.dma_semaphore, #tpu.memory_space<semaphore_mem>>) {add = true}
      %add3A_274 = arith.constant 1 : i32
      %add3A_275 = arith.addi %mul3A_74, %add3A_274 : i32
      %lt3A_276 = arith.constant 20 : i32
      %lt3A_277 = arith.cmpi slt, %add3A_275, %lt3A_276 : i32
      %convert_element_type3A_278 = arith.extui %lt3A_277 : i1 to i32
      %cond3A_279 = arith.constant 0 : i32
      %cond3A_280 = arith.cmpi ne, %convert_element_type3A_278, %cond3A_279 : i32
      scf.if %cond3A_280 {
        %dma_wait3A_525 = arith.constant 0 : i32
        %dma_wait3A_526 = arith.constant 0 : i32
        %dma_wait3A_527 = tpu.memref_slice %arg9[%dma_wait3A_525, %dma_wait3A_526] : memref<8x128xi32, #tpu.memory_space<vmem>> -> memref<1x128xi32, #tpu.memory_space<vmem>>
        %dma_wait3A_528 = tpu.memref_squeeze %dma_wait3A_527 : memref<1x128xi32, #tpu.memory_space<vmem>> -> memref<128xi32, #tpu.memory_space<vmem>>
        %dma_wait3A_529 = arith.constant 0 : i32
        %dma_wait3A_530 = arith.constant 0 : i32
        %dma_wait3A_531 = tpu.memref_slice %arg15[%dma_wait3A_529, %dma_wait3A_530] : memref<10240x64xf32, #tpu.memory_space<vmem_shared>> -> memref<10240x64xf32, #tpu.memory_space<vmem_shared>>
        tpu.wait_indirect_dma semaphore(%arg22 : memref<!tpu.dma_semaphore, #tpu.memory_space<semaphore_mem>>) src(%arg12 : memref<128x64xf32, #tpu.memory_space<vmem>>) dst(%dma_wait3A_531 : memref<10240x64xf32, #tpu.memory_space<vmem_shared>>)
        %dma_start3A_532 = arith.constant 1 : i32
        %dma_start3A_533 = arith.constant 0 : i32
        %dma_start3A_534 = tpu.memref_slice %arg8[%dma_start3A_532, %dma_start3A_533] : memref<8x128xi32, #tpu.memory_space<vmem>> -> memref<1x128xi32, #tpu.memory_space<vmem>>
        %dma_start3A_535 = tpu.memref_squeeze %dma_start3A_534 : memref<1x128xi32, #tpu.memory_space<vmem>> -> memref<128xi32, #tpu.memory_space<vmem>>
        %dma_start3A_536 = arith.constant 0 : i32
        %dma_start3A_537 = arith.constant 0 : i32
        %dma_start3A_538 = tpu.memref_slice %arg16[%dma_start3A_536, %dma_start3A_537] : memref<10016x64xf32, #tpu.memory_space<vmem_shared>> -> memref<10016x64xf32, #tpu.memory_space<vmem_shared>>
        tpu.enqueue_indirect_dma source(%dma_start3A_538 : memref<10016x64xf32, #tpu.memory_space<vmem_shared>>) target(%arg12 : memref<128x64xf32, #tpu.memory_space<vmem>>) offsets(%dma_start3A_535 : memref<128xi32, #tpu.memory_space<vmem>>) semaphore(%arg18 : memref<!tpu.dma_semaphore, #tpu.memory_space<semaphore_mem>>)
      } else {
      }
      %dma_wait3A_281 = arith.constant 7 : i32
      %dma_wait3A_282 = arith.constant 0 : i32
      %dma_wait3A_283 = tpu.memref_slice %arg7[%dma_wait3A_281, %dma_wait3A_282] : memref<8x128xi32, #tpu.memory_space<vmem>> -> memref<1x128xi32, #tpu.memory_space<vmem>>
      %dma_wait3A_284 = tpu.memref_squeeze %dma_wait3A_283 : memref<1x128xi32, #tpu.memory_space<vmem>> -> memref<128xi32, #tpu.memory_space<vmem>>
      %dma_wait3A_285 = arith.constant 0 : i32
      %dma_wait3A_286 = arith.constant 0 : i32
      %dma_wait3A_287 = tpu.memref_slice %arg16[%dma_wait3A_285, %dma_wait3A_286] : memref<10016x64xf32, #tpu.memory_space<vmem_shared>> -> memref<10016x64xf32, #tpu.memory_space<vmem_shared>>
      tpu.wait_indirect_dma semaphore(%arg20 : memref<!tpu.dma_semaphore, #tpu.memory_space<semaphore_mem>>) src(%dma_wait3A_287 : memref<10016x64xf32, #tpu.memory_space<vmem_shared>>) dst(%arg14 : memref<128x64xf32, #tpu.memory_space<vmem>>)
      %dma_start3A_288 = arith.constant 7 : i32
      %dma_start3A_289 = arith.constant 0 : i32
      %dma_start3A_290 = tpu.memref_slice %arg9[%dma_start3A_288, %dma_start3A_289] : memref<8x128xi32, #tpu.memory_space<vmem>> -> memref<1x128xi32, #tpu.memory_space<vmem>>
      %dma_start3A_291 = tpu.memref_squeeze %dma_start3A_290 : memref<1x128xi32, #tpu.memory_space<vmem>> -> memref<128xi32, #tpu.memory_space<vmem>>
      %dma_start3A_292 = arith.constant 0 : i32
      %dma_start3A_293 = arith.constant 0 : i32
      %dma_start3A_294 = tpu.memref_slice %arg15[%dma_start3A_292, %dma_start3A_293] : memref<10240x64xf32, #tpu.memory_space<vmem_shared>> -> memref<10240x64xf32, #tpu.memory_space<vmem_shared>>
      tpu.enqueue_indirect_dma source(%arg14 : memref<128x64xf32, #tpu.memory_space<vmem>>) target(%dma_start3A_294 : memref<10240x64xf32, #tpu.memory_space<vmem_shared>>) offsets(%dma_start3A_291 : memref<128xi32, #tpu.memory_space<vmem>>) semaphore(%arg24 : memref<!tpu.dma_semaphore, #tpu.memory_space<semaphore_mem>>) {add = true}
      %mul3A_295 = arith.constant 2 : i32
      %mul3A_296 = arith.muli %mul3A_295, %scan3A_71 : i32
      %add3A_297 = arith.constant 1 : i32
      %add3A_298 = arith.addi %mul3A_296, %add3A_297 : i32
      %ge3A_299 = arith.constant 1 : i32
      %ge3A_300 = arith.cmpi sge, %add3A_298, %ge3A_299 : i32
      %convert_element_type3A_301 = arith.extui %ge3A_300 : i1 to i32
      %cond3A_302 = arith.constant 0 : i32
      %cond3A_303 = arith.cmpi ne, %convert_element_type3A_301, %cond3A_302 : i32
      scf.if %cond3A_303 {
        %mul3A_525 = arith.constant 160 : i32
        %mul3A_526 = arith.muli %arg1, %mul3A_525 : i32
        %dma_wait3A_527 = arith.constant 0 : i32
        %dma_wait3A_528 = tpu.memref_slice %arg4[%mul3A_526, %dma_wait3A_527] : memref<2560x128xi32, #tpu.memory_space<hbm>> -> memref<8x128xi32, #tpu.memory_space<hbm>>
        %dma_wait3A_529 = arith.constant 0 : i32
        %dma_wait3A_530 = tpu.memref_slice %arg4[%mul3A_526, %dma_wait3A_529] : memref<2560x128xi32, #tpu.memory_space<hbm>> -> memref<8x128xi32, #tpu.memory_space<hbm>>
        tpu.wait_dma2 semaphore(%arg28 : memref<!tpu.dma_semaphore, #tpu.memory_space<semaphore_mem>>) src(%dma_wait3A_530 : memref<8x128xi32, #tpu.memory_space<hbm>>) dst(%arg10 : memref<8x128xi32, #tpu.memory_space<vmem>>)
      } else {
      }
      %ge3A_304 = arith.constant 1 : i32
      %ge3A_305 = arith.cmpi sge, %add3A_298, %ge3A_304 : i32
      %convert_element_type3A_306 = arith.extui %ge3A_305 : i1 to i32
      %cond3A_307 = arith.constant 0 : i32
      %cond3A_308 = arith.cmpi ne, %convert_element_type3A_306, %cond3A_307 : i32
      scf.if %cond3A_308 {
        %dma_wait3A_525 = arith.constant 0 : i32
        %dma_wait3A_526 = arith.constant 0 : i32
        %dma_wait3A_527 = tpu.memref_slice %arg9[%dma_wait3A_525, %dma_wait3A_526] : memref<8x128xi32, #tpu.memory_space<vmem>> -> memref<1x128xi32, #tpu.memory_space<vmem>>
        %dma_wait3A_528 = tpu.memref_squeeze %dma_wait3A_527 : memref<1x128xi32, #tpu.memory_space<vmem>> -> memref<128xi32, #tpu.memory_space<vmem>>
        %dma_wait3A_529 = arith.constant 0 : i32
        %dma_wait3A_530 = arith.constant 0 : i32
        %dma_wait3A_531 = tpu.memref_slice %arg15[%dma_wait3A_529, %dma_wait3A_530] : memref<10240x64xf32, #tpu.memory_space<vmem_shared>> -> memref<10240x64xf32, #tpu.memory_space<vmem_shared>>
        tpu.wait_indirect_dma semaphore(%arg23 : memref<!tpu.dma_semaphore, #tpu.memory_space<semaphore_mem>>) src(%arg13 : memref<128x64xf32, #tpu.memory_space<vmem>>) dst(%dma_wait3A_531 : memref<10240x64xf32, #tpu.memory_space<vmem_shared>>)
      } else {
      }
      %dma_start3A_309 = arith.constant 2 : i32
      %dma_start3A_310 = arith.constant 0 : i32
      %dma_start3A_311 = tpu.memref_slice %arg8[%dma_start3A_309, %dma_start3A_310] : memref<8x128xi32, #tpu.memory_space<vmem>> -> memref<1x128xi32, #tpu.memory_space<vmem>>
      %dma_start3A_312 = tpu.memref_squeeze %dma_start3A_311 : memref<1x128xi32, #tpu.memory_space<vmem>> -> memref<128xi32, #tpu.memory_space<vmem>>
      %dma_start3A_313 = arith.constant 0 : i32
      %dma_start3A_314 = arith.constant 0 : i32
      %dma_start3A_315 = tpu.memref_slice %arg16[%dma_start3A_313, %dma_start3A_314] : memref<10016x64xf32, #tpu.memory_space<vmem_shared>> -> memref<10016x64xf32, #tpu.memory_space<vmem_shared>>
      tpu.enqueue_indirect_dma source(%dma_start3A_315 : memref<10016x64xf32, #tpu.memory_space<vmem_shared>>) target(%arg13 : memref<128x64xf32, #tpu.memory_space<vmem>>) offsets(%dma_start3A_312 : memref<128xi32, #tpu.memory_space<vmem>>) semaphore(%arg19 : memref<!tpu.dma_semaphore, #tpu.memory_space<semaphore_mem>>)
      %dma_wait3A_316 = arith.constant 0 : i32
      %dma_wait3A_317 = arith.constant 0 : i32
      %dma_wait3A_318 = tpu.memref_slice %arg8[%dma_wait3A_316, %dma_wait3A_317] : memref<8x128xi32, #tpu.memory_space<vmem>> -> memref<1x128xi32, #tpu.memory_space<vmem>>
      %dma_wait3A_319 = tpu.memref_squeeze %dma_wait3A_318 : memref<1x128xi32, #tpu.memory_space<vmem>> -> memref<128xi32, #tpu.memory_space<vmem>>
      %dma_wait3A_320 = arith.constant 0 : i32
      %dma_wait3A_321 = arith.constant 0 : i32
      %dma_wait3A_322 = tpu.memref_slice %arg16[%dma_wait3A_320, %dma_wait3A_321] : memref<10016x64xf32, #tpu.memory_space<vmem_shared>> -> memref<10016x64xf32, #tpu.memory_space<vmem_shared>>
      tpu.wait_indirect_dma semaphore(%arg17 : memref<!tpu.dma_semaphore, #tpu.memory_space<semaphore_mem>>) src(%dma_wait3A_322 : memref<10016x64xf32, #tpu.memory_space<vmem_shared>>) dst(%arg11 : memref<128x64xf32, #tpu.memory_space<vmem>>)
      %dma_start3A_323 = arith.constant 0 : i32
      %dma_start3A_324 = arith.constant 0 : i32
      %dma_start3A_325 = tpu.memref_slice %arg10[%dma_start3A_323, %dma_start3A_324] : memref<8x128xi32, #tpu.memory_space<vmem>> -> memref<1x128xi32, #tpu.memory_space<vmem>>
      %dma_start3A_326 = tpu.memref_squeeze %dma_start3A_325 : memref<1x128xi32, #tpu.memory_space<vmem>> -> memref<128xi32, #tpu.memory_space<vmem>>
      %dma_start3A_327 = arith.constant 0 : i32
      %dma_start3A_328 = arith.constant 0 : i32
      %dma_start3A_329 = tpu.memref_slice %arg15[%dma_start3A_327, %dma_start3A_328] : memref<10240x64xf32, #tpu.memory_space<vmem_shared>> -> memref<10240x64xf32, #tpu.memory_space<vmem_shared>>
      tpu.enqueue_indirect_dma source(%arg11 : memref<128x64xf32, #tpu.memory_space<vmem>>) target(%dma_start3A_329 : memref<10240x64xf32, #tpu.memory_space<vmem_shared>>) offsets(%dma_start3A_326 : memref<128xi32, #tpu.memory_space<vmem>>) semaphore(%arg21 : memref<!tpu.dma_semaphore, #tpu.memory_space<semaphore_mem>>) {add = true}
      %add3A_330 = arith.constant 1 : i32
      %add3A_331 = arith.addi %add3A_298, %add3A_330 : i32
      %lt3A_332 = arith.constant 20 : i32
      %lt3A_333 = arith.cmpi slt, %add3A_331, %lt3A_332 : i32
      %convert_element_type3A_334 = arith.extui %lt3A_333 : i1 to i32
      %cond3A_335 = arith.constant 0 : i32
      %cond3A_336 = arith.cmpi ne, %convert_element_type3A_334, %cond3A_335 : i32
      scf.if %cond3A_336 {
        %mul3A_525 = arith.constant 160 : i32
        %mul3A_526 = arith.muli %arg1, %mul3A_525 : i32
        %add3A_527 = arith.constant 1 : i32
        %add3A_528 = arith.addi %add3A_298, %add3A_527 : i32
        %mul3A_529 = arith.constant 8 : i32
        %mul3A_530 = arith.muli %add3A_528, %mul3A_529 : i32
        %add3A_531 = arith.addi %mul3A_526, %mul3A_530 : i32
        %dma_start3A_532 = arith.constant 0 : i32
        %dma_start3A_533 = tpu.memref_slice %arg3[%add3A_531, %dma_start3A_532] : memref<2560x128xi32, #tpu.memory_space<hbm>> -> memref<8x128xi32, #tpu.memory_space<hbm>>
        %dma_start3A_534 = arith.constant 0 : i32
        %dma_start3A_535 = tpu.memref_slice %arg3[%add3A_531, %dma_start3A_534] : memref<2560x128xi32, #tpu.memory_space<hbm>> -> memref<8x128xi32, #tpu.memory_space<hbm>>
        tpu.enqueue_dma source(%dma_start3A_535 : memref<8x128xi32, #tpu.memory_space<hbm>>) target(%arg7 : memref<8x128xi32, #tpu.memory_space<vmem>>) target_semaphore(%arg25 : memref<!tpu.dma_semaphore, #tpu.memory_space<semaphore_mem>>)
      } else {
      }
      %ge3A_337 = arith.constant 1 : i32
      %ge3A_338 = arith.cmpi sge, %add3A_298, %ge3A_337 : i32
      %convert_element_type3A_339 = arith.extui %ge3A_338 : i1 to i32
      %cond3A_340 = arith.constant 0 : i32
      %cond3A_341 = arith.cmpi ne, %convert_element_type3A_339, %cond3A_340 : i32
      scf.if %cond3A_341 {
        %dma_wait3A_525 = arith.constant 0 : i32
        %dma_wait3A_526 = arith.constant 0 : i32
        %dma_wait3A_527 = tpu.memref_slice %arg9[%dma_wait3A_525, %dma_wait3A_526] : memref<8x128xi32, #tpu.memory_space<vmem>> -> memref<1x128xi32, #tpu.memory_space<vmem>>
        %dma_wait3A_528 = tpu.memref_squeeze %dma_wait3A_527 : memref<1x128xi32, #tpu.memory_space<vmem>> -> memref<128xi32, #tpu.memory_space<vmem>>
        %dma_wait3A_529 = arith.constant 0 : i32
        %dma_wait3A_530 = arith.constant 0 : i32
        %dma_wait3A_531 = tpu.memref_slice %arg15[%dma_wait3A_529, %dma_wait3A_530] : memref<10240x64xf32, #tpu.memory_space<vmem_shared>> -> memref<10240x64xf32, #tpu.memory_space<vmem_shared>>
        tpu.wait_indirect_dma semaphore(%arg24 : memref<!tpu.dma_semaphore, #tpu.memory_space<semaphore_mem>>) src(%arg14 : memref<128x64xf32, #tpu.memory_space<vmem>>) dst(%dma_wait3A_531 : memref<10240x64xf32, #tpu.memory_space<vmem_shared>>)
      } else {
      }
      %dma_start3A_342 = arith.constant 3 : i32
      %dma_start3A_343 = arith.constant 0 : i32
      %dma_start3A_344 = tpu.memref_slice %arg8[%dma_start3A_342, %dma_start3A_343] : memref<8x128xi32, #tpu.memory_space<vmem>> -> memref<1x128xi32, #tpu.memory_space<vmem>>
      %dma_start3A_345 = tpu.memref_squeeze %dma_start3A_344 : memref<1x128xi32, #tpu.memory_space<vmem>> -> memref<128xi32, #tpu.memory_space<vmem>>
      %dma_start3A_346 = arith.constant 0 : i32
      %dma_start3A_347 = arith.constant 0 : i32
      %dma_start3A_348 = tpu.memref_slice %arg16[%dma_start3A_346, %dma_start3A_347] : memref<10016x64xf32, #tpu.memory_space<vmem_shared>> -> memref<10016x64xf32, #tpu.memory_space<vmem_shared>>
      tpu.enqueue_indirect_dma source(%dma_start3A_348 : memref<10016x64xf32, #tpu.memory_space<vmem_shared>>) target(%arg14 : memref<128x64xf32, #tpu.memory_space<vmem>>) offsets(%dma_start3A_345 : memref<128xi32, #tpu.memory_space<vmem>>) semaphore(%arg20 : memref<!tpu.dma_semaphore, #tpu.memory_space<semaphore_mem>>)
      %dma_wait3A_349 = arith.constant 1 : i32
      %dma_wait3A_350 = arith.constant 0 : i32
      %dma_wait3A_351 = tpu.memref_slice %arg8[%dma_wait3A_349, %dma_wait3A_350] : memref<8x128xi32, #tpu.memory_space<vmem>> -> memref<1x128xi32, #tpu.memory_space<vmem>>
      %dma_wait3A_352 = tpu.memref_squeeze %dma_wait3A_351 : memref<1x128xi32, #tpu.memory_space<vmem>> -> memref<128xi32, #tpu.memory_space<vmem>>
      %dma_wait3A_353 = arith.constant 0 : i32
      %dma_wait3A_354 = arith.constant 0 : i32
      %dma_wait3A_355 = tpu.memref_slice %arg16[%dma_wait3A_353, %dma_wait3A_354] : memref<10016x64xf32, #tpu.memory_space<vmem_shared>> -> memref<10016x64xf32, #tpu.memory_space<vmem_shared>>
      tpu.wait_indirect_dma semaphore(%arg18 : memref<!tpu.dma_semaphore, #tpu.memory_space<semaphore_mem>>) src(%dma_wait3A_355 : memref<10016x64xf32, #tpu.memory_space<vmem_shared>>) dst(%arg12 : memref<128x64xf32, #tpu.memory_space<vmem>>)
      %dma_start3A_356 = arith.constant 1 : i32
      %dma_start3A_357 = arith.constant 0 : i32
      %dma_start3A_358 = tpu.memref_slice %arg10[%dma_start3A_356, %dma_start3A_357] : memref<8x128xi32, #tpu.memory_space<vmem>> -> memref<1x128xi32, #tpu.memory_space<vmem>>
      %dma_start3A_359 = tpu.memref_squeeze %dma_start3A_358 : memref<1x128xi32, #tpu.memory_space<vmem>> -> memref<128xi32, #tpu.memory_space<vmem>>
      %dma_start3A_360 = arith.constant 0 : i32
      %dma_start3A_361 = arith.constant 0 : i32
      %dma_start3A_362 = tpu.memref_slice %arg15[%dma_start3A_360, %dma_start3A_361] : memref<10240x64xf32, #tpu.memory_space<vmem_shared>> -> memref<10240x64xf32, #tpu.memory_space<vmem_shared>>
      tpu.enqueue_indirect_dma source(%arg12 : memref<128x64xf32, #tpu.memory_space<vmem>>) target(%dma_start3A_362 : memref<10240x64xf32, #tpu.memory_space<vmem_shared>>) offsets(%dma_start3A_359 : memref<128xi32, #tpu.memory_space<vmem>>) semaphore(%arg22 : memref<!tpu.dma_semaphore, #tpu.memory_space<semaphore_mem>>) {add = true}
      %dma_wait3A_363 = arith.constant 0 : i32
      %dma_wait3A_364 = arith.constant 0 : i32
      %dma_wait3A_365 = tpu.memref_slice %arg9[%dma_wait3A_363, %dma_wait3A_364] : memref<8x128xi32, #tpu.memory_space<vmem>> -> memref<1x128xi32, #tpu.memory_space<vmem>>
      %dma_wait3A_366 = tpu.memref_squeeze %dma_wait3A_365 : memref<1x128xi32, #tpu.memory_space<vmem>> -> memref<128xi32, #tpu.memory_space<vmem>>
      %dma_wait3A_367 = arith.constant 0 : i32
      %dma_wait3A_368 = arith.constant 0 : i32
      %dma_wait3A_369 = tpu.memref_slice %arg15[%dma_wait3A_367, %dma_wait3A_368] : memref<10240x64xf32, #tpu.memory_space<vmem_shared>> -> memref<10240x64xf32, #tpu.memory_space<vmem_shared>>
      tpu.wait_indirect_dma semaphore(%arg21 : memref<!tpu.dma_semaphore, #tpu.memory_space<semaphore_mem>>) src(%arg11 : memref<128x64xf32, #tpu.memory_space<vmem>>) dst(%dma_wait3A_369 : memref<10240x64xf32, #tpu.memory_space<vmem_shared>>)
      %dma_start3A_370 = arith.constant 4 : i32
      %dma_start3A_371 = arith.constant 0 : i32
      %dma_start3A_372 = tpu.memref_slice %arg8[%dma_start3A_370, %dma_start3A_371] : memref<8x128xi32, #tpu.memory_space<vmem>> -> memref<1x128xi32, #tpu.memory_space<vmem>>
      %dma_start3A_373 = tpu.memref_squeeze %dma_start3A_372 : memref<1x128xi32, #tpu.memory_space<vmem>> -> memref<128xi32, #tpu.memory_space<vmem>>
      %dma_start3A_374 = arith.constant 0 : i32
      %dma_start3A_375 = arith.constant 0 : i32
      %dma_start3A_376 = tpu.memref_slice %arg16[%dma_start3A_374, %dma_start3A_375] : memref<10016x64xf32, #tpu.memory_space<vmem_shared>> -> memref<10016x64xf32, #tpu.memory_space<vmem_shared>>
      tpu.enqueue_indirect_dma source(%dma_start3A_376 : memref<10016x64xf32, #tpu.memory_space<vmem_shared>>) target(%arg11 : memref<128x64xf32, #tpu.memory_space<vmem>>) offsets(%dma_start3A_373 : memref<128xi32, #tpu.memory_space<vmem>>) semaphore(%arg17 : memref<!tpu.dma_semaphore, #tpu.memory_space<semaphore_mem>>)
      %dma_wait3A_377 = arith.constant 2 : i32
      %dma_wait3A_378 = arith.constant 0 : i32
      %dma_wait3A_379 = tpu.memref_slice %arg8[%dma_wait3A_377, %dma_wait3A_378] : memref<8x128xi32, #tpu.memory_space<vmem>> -> memref<1x128xi32, #tpu.memory_space<vmem>>
      %dma_wait3A_380 = tpu.memref_squeeze %dma_wait3A_379 : memref<1x128xi32, #tpu.memory_space<vmem>> -> memref<128xi32, #tpu.memory_space<vmem>>
      %dma_wait3A_381 = arith.constant 0 : i32
      %dma_wait3A_382 = arith.constant 0 : i32
      %dma_wait3A_383 = tpu.memref_slice %arg16[%dma_wait3A_381, %dma_wait3A_382] : memref<10016x64xf32, #tpu.memory_space<vmem_shared>> -> memref<10016x64xf32, #tpu.memory_space<vmem_shared>>
      tpu.wait_indirect_dma semaphore(%arg19 : memref<!tpu.dma_semaphore, #tpu.memory_space<semaphore_mem>>) src(%dma_wait3A_383 : memref<10016x64xf32, #tpu.memory_space<vmem_shared>>) dst(%arg13 : memref<128x64xf32, #tpu.memory_space<vmem>>)
      %dma_start3A_384 = arith.constant 2 : i32
      %dma_start3A_385 = arith.constant 0 : i32
      %dma_start3A_386 = tpu.memref_slice %arg10[%dma_start3A_384, %dma_start3A_385] : memref<8x128xi32, #tpu.memory_space<vmem>> -> memref<1x128xi32, #tpu.memory_space<vmem>>
      %dma_start3A_387 = tpu.memref_squeeze %dma_start3A_386 : memref<1x128xi32, #tpu.memory_space<vmem>> -> memref<128xi32, #tpu.memory_space<vmem>>
      %dma_start3A_388 = arith.constant 0 : i32
      %dma_start3A_389 = arith.constant 0 : i32
      %dma_start3A_390 = tpu.memref_slice %arg15[%dma_start3A_388, %dma_start3A_389] : memref<10240x64xf32, #tpu.memory_space<vmem_shared>> -> memref<10240x64xf32, #tpu.memory_space<vmem_shared>>
      tpu.enqueue_indirect_dma source(%arg13 : memref<128x64xf32, #tpu.memory_space<vmem>>) target(%dma_start3A_390 : memref<10240x64xf32, #tpu.memory_space<vmem_shared>>) offsets(%dma_start3A_387 : memref<128xi32, #tpu.memory_space<vmem>>) semaphore(%arg23 : memref<!tpu.dma_semaphore, #tpu.memory_space<semaphore_mem>>) {add = true}
      %add3A_391 = arith.constant 1 : i32
      %add3A_392 = arith.addi %add3A_298, %add3A_391 : i32
      %lt3A_393 = arith.constant 20 : i32
      %lt3A_394 = arith.cmpi slt, %add3A_392, %lt3A_393 : i32
      %convert_element_type3A_395 = arith.extui %lt3A_394 : i1 to i32
      %cond3A_396 = arith.constant 0 : i32
      %cond3A_397 = arith.cmpi ne, %convert_element_type3A_395, %cond3A_396 : i32
      scf.if %cond3A_397 {
        %mul3A_525 = arith.constant 160 : i32
        %mul3A_526 = arith.muli %arg1, %mul3A_525 : i32
        %add3A_527 = arith.constant 1 : i32
        %add3A_528 = arith.addi %add3A_298, %add3A_527 : i32
        %mul3A_529 = arith.constant 8 : i32
        %mul3A_530 = arith.muli %add3A_528, %mul3A_529 : i32
        %add3A_531 = arith.addi %mul3A_526, %mul3A_530 : i32
        %dma_start3A_532 = arith.constant 0 : i32
        %dma_start3A_533 = tpu.memref_slice %arg4[%add3A_531, %dma_start3A_532] : memref<2560x128xi32, #tpu.memory_space<hbm>> -> memref<8x128xi32, #tpu.memory_space<hbm>>
        %dma_start3A_534 = arith.constant 0 : i32
        %dma_start3A_535 = tpu.memref_slice %arg4[%add3A_531, %dma_start3A_534] : memref<2560x128xi32, #tpu.memory_space<hbm>> -> memref<8x128xi32, #tpu.memory_space<hbm>>
        tpu.enqueue_dma source(%dma_start3A_535 : memref<8x128xi32, #tpu.memory_space<hbm>>) target(%arg9 : memref<8x128xi32, #tpu.memory_space<vmem>>) target_semaphore(%arg27 : memref<!tpu.dma_semaphore, #tpu.memory_space<semaphore_mem>>)
      } else {
      }
      %dma_wait3A_398 = arith.constant 0 : i32
      %dma_wait3A_399 = arith.constant 0 : i32
      %dma_wait3A_400 = tpu.memref_slice %arg9[%dma_wait3A_398, %dma_wait3A_399] : memref<8x128xi32, #tpu.memory_space<vmem>> -> memref<1x128xi32, #tpu.memory_space<vmem>>
      %dma_wait3A_401 = tpu.memref_squeeze %dma_wait3A_400 : memref<1x128xi32, #tpu.memory_space<vmem>> -> memref<128xi32, #tpu.memory_space<vmem>>
      %dma_wait3A_402 = arith.constant 0 : i32
      %dma_wait3A_403 = arith.constant 0 : i32
      %dma_wait3A_404 = tpu.memref_slice %arg15[%dma_wait3A_402, %dma_wait3A_403] : memref<10240x64xf32, #tpu.memory_space<vmem_shared>> -> memref<10240x64xf32, #tpu.memory_space<vmem_shared>>
      tpu.wait_indirect_dma semaphore(%arg22 : memref<!tpu.dma_semaphore, #tpu.memory_space<semaphore_mem>>) src(%arg12 : memref<128x64xf32, #tpu.memory_space<vmem>>) dst(%dma_wait3A_404 : memref<10240x64xf32, #tpu.memory_space<vmem_shared>>)
      %dma_start3A_405 = arith.constant 5 : i32
      %dma_start3A_406 = arith.constant 0 : i32
      %dma_start3A_407 = tpu.memref_slice %arg8[%dma_start3A_405, %dma_start3A_406] : memref<8x128xi32, #tpu.memory_space<vmem>> -> memref<1x128xi32, #tpu.memory_space<vmem>>
      %dma_start3A_408 = tpu.memref_squeeze %dma_start3A_407 : memref<1x128xi32, #tpu.memory_space<vmem>> -> memref<128xi32, #tpu.memory_space<vmem>>
      %dma_start3A_409 = arith.constant 0 : i32
      %dma_start3A_410 = arith.constant 0 : i32
      %dma_start3A_411 = tpu.memref_slice %arg16[%dma_start3A_409, %dma_start3A_410] : memref<10016x64xf32, #tpu.memory_space<vmem_shared>> -> memref<10016x64xf32, #tpu.memory_space<vmem_shared>>
      tpu.enqueue_indirect_dma source(%dma_start3A_411 : memref<10016x64xf32, #tpu.memory_space<vmem_shared>>) target(%arg12 : memref<128x64xf32, #tpu.memory_space<vmem>>) offsets(%dma_start3A_408 : memref<128xi32, #tpu.memory_space<vmem>>) semaphore(%arg18 : memref<!tpu.dma_semaphore, #tpu.memory_space<semaphore_mem>>)
      %dma_wait3A_412 = arith.constant 3 : i32
      %dma_wait3A_413 = arith.constant 0 : i32
      %dma_wait3A_414 = tpu.memref_slice %arg8[%dma_wait3A_412, %dma_wait3A_413] : memref<8x128xi32, #tpu.memory_space<vmem>> -> memref<1x128xi32, #tpu.memory_space<vmem>>
      %dma_wait3A_415 = tpu.memref_squeeze %dma_wait3A_414 : memref<1x128xi32, #tpu.memory_space<vmem>> -> memref<128xi32, #tpu.memory_space<vmem>>
      %dma_wait3A_416 = arith.constant 0 : i32
      %dma_wait3A_417 = arith.constant 0 : i32
      %dma_wait3A_418 = tpu.memref_slice %arg16[%dma_wait3A_416, %dma_wait3A_417] : memref<10016x64xf32, #tpu.memory_space<vmem_shared>> -> memref<10016x64xf32, #tpu.memory_space<vmem_shared>>
      tpu.wait_indirect_dma semaphore(%arg20 : memref<!tpu.dma_semaphore, #tpu.memory_space<semaphore_mem>>) src(%dma_wait3A_418 : memref<10016x64xf32, #tpu.memory_space<vmem_shared>>) dst(%arg14 : memref<128x64xf32, #tpu.memory_space<vmem>>)
      %dma_start3A_419 = arith.constant 3 : i32
      %dma_start3A_420 = arith.constant 0 : i32
      %dma_start3A_421 = tpu.memref_slice %arg10[%dma_start3A_419, %dma_start3A_420] : memref<8x128xi32, #tpu.memory_space<vmem>> -> memref<1x128xi32, #tpu.memory_space<vmem>>
      %dma_start3A_422 = tpu.memref_squeeze %dma_start3A_421 : memref<1x128xi32, #tpu.memory_space<vmem>> -> memref<128xi32, #tpu.memory_space<vmem>>
      %dma_start3A_423 = arith.constant 0 : i32
      %dma_start3A_424 = arith.constant 0 : i32
      %dma_start3A_425 = tpu.memref_slice %arg15[%dma_start3A_423, %dma_start3A_424] : memref<10240x64xf32, #tpu.memory_space<vmem_shared>> -> memref<10240x64xf32, #tpu.memory_space<vmem_shared>>
      tpu.enqueue_indirect_dma source(%arg14 : memref<128x64xf32, #tpu.memory_space<vmem>>) target(%dma_start3A_425 : memref<10240x64xf32, #tpu.memory_space<vmem_shared>>) offsets(%dma_start3A_422 : memref<128xi32, #tpu.memory_space<vmem>>) semaphore(%arg24 : memref<!tpu.dma_semaphore, #tpu.memory_space<semaphore_mem>>) {add = true}
      %dma_wait3A_426 = arith.constant 0 : i32
      %dma_wait3A_427 = arith.constant 0 : i32
      %dma_wait3A_428 = tpu.memref_slice %arg9[%dma_wait3A_426, %dma_wait3A_427] : memref<8x128xi32, #tpu.memory_space<vmem>> -> memref<1x128xi32, #tpu.memory_space<vmem>>
      %dma_wait3A_429 = tpu.memref_squeeze %dma_wait3A_428 : memref<1x128xi32, #tpu.memory_space<vmem>> -> memref<128xi32, #tpu.memory_space<vmem>>
      %dma_wait3A_430 = arith.constant 0 : i32
      %dma_wait3A_431 = arith.constant 0 : i32
      %dma_wait3A_432 = tpu.memref_slice %arg15[%dma_wait3A_430, %dma_wait3A_431] : memref<10240x64xf32, #tpu.memory_space<vmem_shared>> -> memref<10240x64xf32, #tpu.memory_space<vmem_shared>>
      tpu.wait_indirect_dma semaphore(%arg23 : memref<!tpu.dma_semaphore, #tpu.memory_space<semaphore_mem>>) src(%arg13 : memref<128x64xf32, #tpu.memory_space<vmem>>) dst(%dma_wait3A_432 : memref<10240x64xf32, #tpu.memory_space<vmem_shared>>)
      %dma_start3A_433 = arith.constant 6 : i32
      %dma_start3A_434 = arith.constant 0 : i32
      %dma_start3A_435 = tpu.memref_slice %arg8[%dma_start3A_433, %dma_start3A_434] : memref<8x128xi32, #tpu.memory_space<vmem>> -> memref<1x128xi32, #tpu.memory_space<vmem>>
      %dma_start3A_436 = tpu.memref_squeeze %dma_start3A_435 : memref<1x128xi32, #tpu.memory_space<vmem>> -> memref<128xi32, #tpu.memory_space<vmem>>
      %dma_start3A_437 = arith.constant 0 : i32
      %dma_start3A_438 = arith.constant 0 : i32
      %dma_start3A_439 = tpu.memref_slice %arg16[%dma_start3A_437, %dma_start3A_438] : memref<10016x64xf32, #tpu.memory_space<vmem_shared>> -> memref<10016x64xf32, #tpu.memory_space<vmem_shared>>
      tpu.enqueue_indirect_dma source(%dma_start3A_439 : memref<10016x64xf32, #tpu.memory_space<vmem_shared>>) target(%arg13 : memref<128x64xf32, #tpu.memory_space<vmem>>) offsets(%dma_start3A_436 : memref<128xi32, #tpu.memory_space<vmem>>) semaphore(%arg19 : memref<!tpu.dma_semaphore, #tpu.memory_space<semaphore_mem>>)
      %dma_wait3A_440 = arith.constant 4 : i32
      %dma_wait3A_441 = arith.constant 0 : i32
      %dma_wait3A_442 = tpu.memref_slice %arg8[%dma_wait3A_440, %dma_wait3A_441] : memref<8x128xi32, #tpu.memory_space<vmem>> -> memref<1x128xi32, #tpu.memory_space<vmem>>
      %dma_wait3A_443 = tpu.memref_squeeze %dma_wait3A_442 : memref<1x128xi32, #tpu.memory_space<vmem>> -> memref<128xi32, #tpu.memory_space<vmem>>
      %dma_wait3A_444 = arith.constant 0 : i32
      %dma_wait3A_445 = arith.constant 0 : i32
      %dma_wait3A_446 = tpu.memref_slice %arg16[%dma_wait3A_444, %dma_wait3A_445] : memref<10016x64xf32, #tpu.memory_space<vmem_shared>> -> memref<10016x64xf32, #tpu.memory_space<vmem_shared>>
      tpu.wait_indirect_dma semaphore(%arg17 : memref<!tpu.dma_semaphore, #tpu.memory_space<semaphore_mem>>) src(%dma_wait3A_446 : memref<10016x64xf32, #tpu.memory_space<vmem_shared>>) dst(%arg11 : memref<128x64xf32, #tpu.memory_space<vmem>>)
      %dma_start3A_447 = arith.constant 4 : i32
      %dma_start3A_448 = arith.constant 0 : i32
      %dma_start3A_449 = tpu.memref_slice %arg10[%dma_start3A_447, %dma_start3A_448] : memref<8x128xi32, #tpu.memory_space<vmem>> -> memref<1x128xi32, #tpu.memory_space<vmem>>
      %dma_start3A_450 = tpu.memref_squeeze %dma_start3A_449 : memref<1x128xi32, #tpu.memory_space<vmem>> -> memref<128xi32, #tpu.memory_space<vmem>>
      %dma_start3A_451 = arith.constant 0 : i32
      %dma_start3A_452 = arith.constant 0 : i32
      %dma_start3A_453 = tpu.memref_slice %arg15[%dma_start3A_451, %dma_start3A_452] : memref<10240x64xf32, #tpu.memory_space<vmem_shared>> -> memref<10240x64xf32, #tpu.memory_space<vmem_shared>>
      tpu.enqueue_indirect_dma source(%arg11 : memref<128x64xf32, #tpu.memory_space<vmem>>) target(%dma_start3A_453 : memref<10240x64xf32, #tpu.memory_space<vmem_shared>>) offsets(%dma_start3A_450 : memref<128xi32, #tpu.memory_space<vmem>>) semaphore(%arg21 : memref<!tpu.dma_semaphore, #tpu.memory_space<semaphore_mem>>) {add = true}
      %dma_wait3A_454 = arith.constant 0 : i32
      %dma_wait3A_455 = arith.constant 0 : i32
      %dma_wait3A_456 = tpu.memref_slice %arg9[%dma_wait3A_454, %dma_wait3A_455] : memref<8x128xi32, #tpu.memory_space<vmem>> -> memref<1x128xi32, #tpu.memory_space<vmem>>
      %dma_wait3A_457 = tpu.memref_squeeze %dma_wait3A_456 : memref<1x128xi32, #tpu.memory_space<vmem>> -> memref<128xi32, #tpu.memory_space<vmem>>
      %dma_wait3A_458 = arith.constant 0 : i32
      %dma_wait3A_459 = arith.constant 0 : i32
      %dma_wait3A_460 = tpu.memref_slice %arg15[%dma_wait3A_458, %dma_wait3A_459] : memref<10240x64xf32, #tpu.memory_space<vmem_shared>> -> memref<10240x64xf32, #tpu.memory_space<vmem_shared>>
      tpu.wait_indirect_dma semaphore(%arg24 : memref<!tpu.dma_semaphore, #tpu.memory_space<semaphore_mem>>) src(%arg14 : memref<128x64xf32, #tpu.memory_space<vmem>>) dst(%dma_wait3A_460 : memref<10240x64xf32, #tpu.memory_space<vmem_shared>>)
      %dma_start3A_461 = arith.constant 7 : i32
      %dma_start3A_462 = arith.constant 0 : i32
      %dma_start3A_463 = tpu.memref_slice %arg8[%dma_start3A_461, %dma_start3A_462] : memref<8x128xi32, #tpu.memory_space<vmem>> -> memref<1x128xi32, #tpu.memory_space<vmem>>
      %dma_start3A_464 = tpu.memref_squeeze %dma_start3A_463 : memref<1x128xi32, #tpu.memory_space<vmem>> -> memref<128xi32, #tpu.memory_space<vmem>>
      %dma_start3A_465 = arith.constant 0 : i32
      %dma_start3A_466 = arith.constant 0 : i32
      %dma_start3A_467 = tpu.memref_slice %arg16[%dma_start3A_465, %dma_start3A_466] : memref<10016x64xf32, #tpu.memory_space<vmem_shared>> -> memref<10016x64xf32, #tpu.memory_space<vmem_shared>>
      tpu.enqueue_indirect_dma source(%dma_start3A_467 : memref<10016x64xf32, #tpu.memory_space<vmem_shared>>) target(%arg14 : memref<128x64xf32, #tpu.memory_space<vmem>>) offsets(%dma_start3A_464 : memref<128xi32, #tpu.memory_space<vmem>>) semaphore(%arg20 : memref<!tpu.dma_semaphore, #tpu.memory_space<semaphore_mem>>)
      %dma_wait3A_468 = arith.constant 5 : i32
      %dma_wait3A_469 = arith.constant 0 : i32
      %dma_wait3A_470 = tpu.memref_slice %arg8[%dma_wait3A_468, %dma_wait3A_469] : memref<8x128xi32, #tpu.memory_space<vmem>> -> memref<1x128xi32, #tpu.memory_space<vmem>>
      %dma_wait3A_471 = tpu.memref_squeeze %dma_wait3A_470 : memref<1x128xi32, #tpu.memory_space<vmem>> -> memref<128xi32, #tpu.memory_space<vmem>>
      %dma_wait3A_472 = arith.constant 0 : i32
      %dma_wait3A_473 = arith.constant 0 : i32
      %dma_wait3A_474 = tpu.memref_slice %arg16[%dma_wait3A_472, %dma_wait3A_473] : memref<10016x64xf32, #tpu.memory_space<vmem_shared>> -> memref<10016x64xf32, #tpu.memory_space<vmem_shared>>
      tpu.wait_indirect_dma semaphore(%arg18 : memref<!tpu.dma_semaphore, #tpu.memory_space<semaphore_mem>>) src(%dma_wait3A_474 : memref<10016x64xf32, #tpu.memory_space<vmem_shared>>) dst(%arg12 : memref<128x64xf32, #tpu.memory_space<vmem>>)
      %dma_start3A_475 = arith.constant 5 : i32
      %dma_start3A_476 = arith.constant 0 : i32
      %dma_start3A_477 = tpu.memref_slice %arg10[%dma_start3A_475, %dma_start3A_476] : memref<8x128xi32, #tpu.memory_space<vmem>> -> memref<1x128xi32, #tpu.memory_space<vmem>>
      %dma_start3A_478 = tpu.memref_squeeze %dma_start3A_477 : memref<1x128xi32, #tpu.memory_space<vmem>> -> memref<128xi32, #tpu.memory_space<vmem>>
      %dma_start3A_479 = arith.constant 0 : i32
      %dma_start3A_480 = arith.constant 0 : i32
      %dma_start3A_481 = tpu.memref_slice %arg15[%dma_start3A_479, %dma_start3A_480] : memref<10240x64xf32, #tpu.memory_space<vmem_shared>> -> memref<10240x64xf32, #tpu.memory_space<vmem_shared>>
      tpu.enqueue_indirect_dma source(%arg12 : memref<128x64xf32, #tpu.memory_space<vmem>>) target(%dma_start3A_481 : memref<10240x64xf32, #tpu.memory_space<vmem_shared>>) offsets(%dma_start3A_478 : memref<128xi32, #tpu.memory_space<vmem>>) semaphore(%arg22 : memref<!tpu.dma_semaphore, #tpu.memory_space<semaphore_mem>>) {add = true}
      %add3A_482 = arith.constant 1 : i32
      %add3A_483 = arith.addi %add3A_298, %add3A_482 : i32
      %lt3A_484 = arith.constant 20 : i32
      %lt3A_485 = arith.cmpi slt, %add3A_483, %lt3A_484 : i32
      %convert_element_type3A_486 = arith.extui %lt3A_485 : i1 to i32
      %cond3A_487 = arith.constant 0 : i32
      %cond3A_488 = arith.cmpi ne, %convert_element_type3A_486, %cond3A_487 : i32
      scf.if %cond3A_488 {
        %dma_wait3A_525 = arith.constant 0 : i32
        %dma_wait3A_526 = arith.constant 0 : i32
        %dma_wait3A_527 = tpu.memref_slice %arg9[%dma_wait3A_525, %dma_wait3A_526] : memref<8x128xi32, #tpu.memory_space<vmem>> -> memref<1x128xi32, #tpu.memory_space<vmem>>
        %dma_wait3A_528 = tpu.memref_squeeze %dma_wait3A_527 : memref<1x128xi32, #tpu.memory_space<vmem>> -> memref<128xi32, #tpu.memory_space<vmem>>
        %dma_wait3A_529 = arith.constant 0 : i32
        %dma_wait3A_530 = arith.constant 0 : i32
        %dma_wait3A_531 = tpu.memref_slice %arg15[%dma_wait3A_529, %dma_wait3A_530] : memref<10240x64xf32, #tpu.memory_space<vmem_shared>> -> memref<10240x64xf32, #tpu.memory_space<vmem_shared>>
        tpu.wait_indirect_dma semaphore(%arg21 : memref<!tpu.dma_semaphore, #tpu.memory_space<semaphore_mem>>) src(%arg11 : memref<128x64xf32, #tpu.memory_space<vmem>>) dst(%dma_wait3A_531 : memref<10240x64xf32, #tpu.memory_space<vmem_shared>>)
        %mul3A_532 = arith.constant 160 : i32
        %mul3A_533 = arith.muli %arg1, %mul3A_532 : i32
        %dma_wait3A_534 = arith.constant 0 : i32
        %dma_wait3A_535 = tpu.memref_slice %arg3[%mul3A_533, %dma_wait3A_534] : memref<2560x128xi32, #tpu.memory_space<hbm>> -> memref<8x128xi32, #tpu.memory_space<hbm>>
        %dma_wait3A_536 = arith.constant 0 : i32
        %dma_wait3A_537 = tpu.memref_slice %arg3[%mul3A_533, %dma_wait3A_536] : memref<2560x128xi32, #tpu.memory_space<hbm>> -> memref<8x128xi32, #tpu.memory_space<hbm>>
        tpu.wait_dma2 semaphore(%arg25 : memref<!tpu.dma_semaphore, #tpu.memory_space<semaphore_mem>>) src(%dma_wait3A_537 : memref<8x128xi32, #tpu.memory_space<hbm>>) dst(%arg7 : memref<8x128xi32, #tpu.memory_space<vmem>>)
        %dma_start3A_538 = arith.constant 0 : i32
        %dma_start3A_539 = arith.constant 0 : i32
        %dma_start3A_540 = tpu.memref_slice %arg7[%dma_start3A_538, %dma_start3A_539] : memref<8x128xi32, #tpu.memory_space<vmem>> -> memref<1x128xi32, #tpu.memory_space<vmem>>
        %dma_start3A_541 = tpu.memref_squeeze %dma_start3A_540 : memref<1x128xi32, #tpu.memory_space<vmem>> -> memref<128xi32, #tpu.memory_space<vmem>>
        %dma_start3A_542 = arith.constant 0 : i32
        %dma_start3A_543 = arith.constant 0 : i32
        %dma_start3A_544 = tpu.memref_slice %arg16[%dma_start3A_542, %dma_start3A_543] : memref<10016x64xf32, #tpu.memory_space<vmem_shared>> -> memref<10016x64xf32, #tpu.memory_space<vmem_shared>>
        tpu.enqueue_indirect_dma source(%dma_start3A_544 : memref<10016x64xf32, #tpu.memory_space<vmem_shared>>) target(%arg11 : memref<128x64xf32, #tpu.memory_space<vmem>>) offsets(%dma_start3A_541 : memref<128xi32, #tpu.memory_space<vmem>>) semaphore(%arg17 : memref<!tpu.dma_semaphore, #tpu.memory_space<semaphore_mem>>)
      } else {
      }
      %dma_wait3A_489 = arith.constant 6 : i32
      %dma_wait3A_490 = arith.constant 0 : i32
      %dma_wait3A_491 = tpu.memref_slice %arg8[%dma_wait3A_489, %dma_wait3A_490] : memref<8x128xi32, #tpu.memory_space<vmem>> -> memref<1x128xi32, #tpu.memory_space<vmem>>
      %dma_wait3A_492 = tpu.memref_squeeze %dma_wait3A_491 : memref<1x128xi32, #tpu.memory_space<vmem>> -> memref<128xi32, #tpu.memory_space<vmem>>
      %dma_wait3A_493 = arith.constant 0 : i32
      %dma_wait3A_494 = arith.constant 0 : i32
      %dma_wait3A_495 = tpu.memref_slice %arg16[%dma_wait3A_493, %dma_wait3A_494] : memref<10016x64xf32, #tpu.memory_space<vmem_shared>> -> memref<10016x64xf32, #tpu.memory_space<vmem_shared>>
      tpu.wait_indirect_dma semaphore(%arg19 : memref<!tpu.dma_semaphore, #tpu.memory_space<semaphore_mem>>) src(%dma_wait3A_495 : memref<10016x64xf32, #tpu.memory_space<vmem_shared>>) dst(%arg13 : memref<128x64xf32, #tpu.memory_space<vmem>>)
      %dma_start3A_496 = arith.constant 6 : i32
      %dma_start3A_497 = arith.constant 0 : i32
      %dma_start3A_498 = tpu.memref_slice %arg10[%dma_start3A_496, %dma_start3A_497] : memref<8x128xi32, #tpu.memory_space<vmem>> -> memref<1x128xi32, #tpu.memory_space<vmem>>
      %dma_start3A_499 = tpu.memref_squeeze %dma_start3A_498 : memref<1x128xi32, #tpu.memory_space<vmem>> -> memref<128xi32, #tpu.memory_space<vmem>>
      %dma_start3A_500 = arith.constant 0 : i32
      %dma_start3A_501 = arith.constant 0 : i32
      %dma_start3A_502 = tpu.memref_slice %arg15[%dma_start3A_500, %dma_start3A_501] : memref<10240x64xf32, #tpu.memory_space<vmem_shared>> -> memref<10240x64xf32, #tpu.memory_space<vmem_shared>>
      tpu.enqueue_indirect_dma source(%arg13 : memref<128x64xf32, #tpu.memory_space<vmem>>) target(%dma_start3A_502 : memref<10240x64xf32, #tpu.memory_space<vmem_shared>>) offsets(%dma_start3A_499 : memref<128xi32, #tpu.memory_space<vmem>>) semaphore(%arg23 : memref<!tpu.dma_semaphore, #tpu.memory_space<semaphore_mem>>) {add = true}
      %add3A_503 = arith.constant 1 : i32
      %add3A_504 = arith.addi %add3A_298, %add3A_503 : i32
      %lt3A_505 = arith.constant 20 : i32
      %lt3A_506 = arith.cmpi slt, %add3A_504, %lt3A_505 : i32
      %convert_element_type3A_507 = arith.extui %lt3A_506 : i1 to i32
      %cond3A_508 = arith.constant 0 : i32
      %cond3A_509 = arith.cmpi ne, %convert_element_type3A_507, %cond3A_508 : i32
      scf.if %cond3A_509 {
        %dma_wait3A_525 = arith.constant 0 : i32
        %dma_wait3A_526 = arith.constant 0 : i32
        %dma_wait3A_527 = tpu.memref_slice %arg9[%dma_wait3A_525, %dma_wait3A_526] : memref<8x128xi32, #tpu.memory_space<vmem>> -> memref<1x128xi32, #tpu.memory_space<vmem>>
        %dma_wait3A_528 = tpu.memref_squeeze %dma_wait3A_527 : memref<1x128xi32, #tpu.memory_space<vmem>> -> memref<128xi32, #tpu.memory_space<vmem>>
        %dma_wait3A_529 = arith.constant 0 : i32
        %dma_wait3A_530 = arith.constant 0 : i32
        %dma_wait3A_531 = tpu.memref_slice %arg15[%dma_wait3A_529, %dma_wait3A_530] : memref<10240x64xf32, #tpu.memory_space<vmem_shared>> -> memref<10240x64xf32, #tpu.memory_space<vmem_shared>>
        tpu.wait_indirect_dma semaphore(%arg22 : memref<!tpu.dma_semaphore, #tpu.memory_space<semaphore_mem>>) src(%arg12 : memref<128x64xf32, #tpu.memory_space<vmem>>) dst(%dma_wait3A_531 : memref<10240x64xf32, #tpu.memory_space<vmem_shared>>)
        %dma_start3A_532 = arith.constant 1 : i32
        %dma_start3A_533 = arith.constant 0 : i32
        %dma_start3A_534 = tpu.memref_slice %arg7[%dma_start3A_532, %dma_start3A_533] : memref<8x128xi32, #tpu.memory_space<vmem>> -> memref<1x128xi32, #tpu.memory_space<vmem>>
        %dma_start3A_535 = tpu.memref_squeeze %dma_start3A_534 : memref<1x128xi32, #tpu.memory_space<vmem>> -> memref<128xi32, #tpu.memory_space<vmem>>
        %dma_start3A_536 = arith.constant 0 : i32
        %dma_start3A_537 = arith.constant 0 : i32
        %dma_start3A_538 = tpu.memref_slice %arg16[%dma_start3A_536, %dma_start3A_537] : memref<10016x64xf32, #tpu.memory_space<vmem_shared>> -> memref<10016x64xf32, #tpu.memory_space<vmem_shared>>
        tpu.enqueue_indirect_dma source(%dma_start3A_538 : memref<10016x64xf32, #tpu.memory_space<vmem_shared>>) target(%arg12 : memref<128x64xf32, #tpu.memory_space<vmem>>) offsets(%dma_start3A_535 : memref<128xi32, #tpu.memory_space<vmem>>) semaphore(%arg18 : memref<!tpu.dma_semaphore, #tpu.memory_space<semaphore_mem>>)
      } else {
      }
      %dma_wait3A_510 = arith.constant 7 : i32
      %dma_wait3A_511 = arith.constant 0 : i32
      %dma_wait3A_512 = tpu.memref_slice %arg8[%dma_wait3A_510, %dma_wait3A_511] : memref<8x128xi32, #tpu.memory_space<vmem>> -> memref<1x128xi32, #tpu.memory_space<vmem>>
      %dma_wait3A_513 = tpu.memref_squeeze %dma_wait3A_512 : memref<1x128xi32, #tpu.memory_space<vmem>> -> memref<128xi32, #tpu.memory_space<vmem>>
      %dma_wait3A_514 = arith.constant 0 : i32
      %dma_wait3A_515 = arith.constant 0 : i32
      %dma_wait3A_516 = tpu.memref_slice %arg16[%dma_wait3A_514, %dma_wait3A_515] : memref<10016x64xf32, #tpu.memory_space<vmem_shared>> -> memref<10016x64xf32, #tpu.memory_space<vmem_shared>>
      tpu.wait_indirect_dma semaphore(%arg20 : memref<!tpu.dma_semaphore, #tpu.memory_space<semaphore_mem>>) src(%dma_wait3A_516 : memref<10016x64xf32, #tpu.memory_space<vmem_shared>>) dst(%arg14 : memref<128x64xf32, #tpu.memory_space<vmem>>)
      %dma_start3A_517 = arith.constant 7 : i32
      %dma_start3A_518 = arith.constant 0 : i32
      %dma_start3A_519 = tpu.memref_slice %arg10[%dma_start3A_517, %dma_start3A_518] : memref<8x128xi32, #tpu.memory_space<vmem>> -> memref<1x128xi32, #tpu.memory_space<vmem>>
      %dma_start3A_520 = tpu.memref_squeeze %dma_start3A_519 : memref<1x128xi32, #tpu.memory_space<vmem>> -> memref<128xi32, #tpu.memory_space<vmem>>
      %dma_start3A_521 = arith.constant 0 : i32
      %dma_start3A_522 = arith.constant 0 : i32
      %dma_start3A_523 = tpu.memref_slice %arg15[%dma_start3A_521, %dma_start3A_522] : memref<10240x64xf32, #tpu.memory_space<vmem_shared>> -> memref<10240x64xf32, #tpu.memory_space<vmem_shared>>
      tpu.enqueue_indirect_dma source(%arg14 : memref<128x64xf32, #tpu.memory_space<vmem>>) target(%dma_start3A_523 : memref<10240x64xf32, #tpu.memory_space<vmem_shared>>) offsets(%dma_start3A_520 : memref<128xi32, #tpu.memory_space<vmem>>) semaphore(%arg24 : memref<!tpu.dma_semaphore, #tpu.memory_space<semaphore_mem>>) {add = true}
      %scan3A_524 = arith.constant 0 : i32
      scf.yield %scan3A_524 : i32
    }
    %scan3A_42 = arith.constant 10 : i32
    %dma_wait3A = arith.constant 0 : i32
    %dma_wait3A_43 = arith.constant 0 : i32
    %dma_wait3A_44 = tpu.memref_slice %arg9[%dma_wait3A, %dma_wait3A_43] : memref<8x128xi32, #tpu.memory_space<vmem>> -> memref<1x128xi32, #tpu.memory_space<vmem>>
    %dma_wait3A_45 = tpu.memref_squeeze %dma_wait3A_44 : memref<1x128xi32, #tpu.memory_space<vmem>> -> memref<128xi32, #tpu.memory_space<vmem>>
    %dma_wait3A_46 = arith.constant 0 : i32
    %dma_wait3A_47 = arith.constant 0 : i32
    %dma_wait3A_48 = tpu.memref_slice %arg15[%dma_wait3A_46, %dma_wait3A_47] : memref<10240x64xf32, #tpu.memory_space<vmem_shared>> -> memref<10240x64xf32, #tpu.memory_space<vmem_shared>>
    tpu.wait_indirect_dma semaphore(%arg21 : memref<!tpu.dma_semaphore, #tpu.memory_space<semaphore_mem>>) src(%arg11 : memref<128x64xf32, #tpu.memory_space<vmem>>) dst(%dma_wait3A_48 : memref<10240x64xf32, #tpu.memory_space<vmem_shared>>)
    %dma_wait3A_49 = arith.constant 0 : i32
    %dma_wait3A_50 = arith.constant 0 : i32
    %dma_wait3A_51 = tpu.memref_slice %arg9[%dma_wait3A_49, %dma_wait3A_50] : memref<8x128xi32, #tpu.memory_space<vmem>> -> memref<1x128xi32, #tpu.memory_space<vmem>>
    %dma_wait3A_52 = tpu.memref_squeeze %dma_wait3A_51 : memref<1x128xi32, #tpu.memory_space<vmem>> -> memref<128xi32, #tpu.memory_space<vmem>>
    %dma_wait3A_53 = arith.constant 0 : i32
    %dma_wait3A_54 = arith.constant 0 : i32
    %dma_wait3A_55 = tpu.memref_slice %arg15[%dma_wait3A_53, %dma_wait3A_54] : memref<10240x64xf32, #tpu.memory_space<vmem_shared>> -> memref<10240x64xf32, #tpu.memory_space<vmem_shared>>
    tpu.wait_indirect_dma semaphore(%arg22 : memref<!tpu.dma_semaphore, #tpu.memory_space<semaphore_mem>>) src(%arg12 : memref<128x64xf32, #tpu.memory_space<vmem>>) dst(%dma_wait3A_55 : memref<10240x64xf32, #tpu.memory_space<vmem_shared>>)
    %dma_wait3A_56 = arith.constant 0 : i32
    %dma_wait3A_57 = arith.constant 0 : i32
    %dma_wait3A_58 = tpu.memref_slice %arg9[%dma_wait3A_56, %dma_wait3A_57] : memref<8x128xi32, #tpu.memory_space<vmem>> -> memref<1x128xi32, #tpu.memory_space<vmem>>
    %dma_wait3A_59 = tpu.memref_squeeze %dma_wait3A_58 : memref<1x128xi32, #tpu.memory_space<vmem>> -> memref<128xi32, #tpu.memory_space<vmem>>
    %dma_wait3A_60 = arith.constant 0 : i32
    %dma_wait3A_61 = arith.constant 0 : i32
    %dma_wait3A_62 = tpu.memref_slice %arg15[%dma_wait3A_60, %dma_wait3A_61] : memref<10240x64xf32, #tpu.memory_space<vmem_shared>> -> memref<10240x64xf32, #tpu.memory_space<vmem_shared>>
    tpu.wait_indirect_dma semaphore(%arg23 : memref<!tpu.dma_semaphore, #tpu.memory_space<semaphore_mem>>) src(%arg13 : memref<128x64xf32, #tpu.memory_space<vmem>>) dst(%dma_wait3A_62 : memref<10240x64xf32, #tpu.memory_space<vmem_shared>>)
    %dma_wait3A_63 = arith.constant 0 : i32
    %dma_wait3A_64 = arith.constant 0 : i32
    %dma_wait3A_65 = tpu.memref_slice %arg9[%dma_wait3A_63, %dma_wait3A_64] : memref<8x128xi32, #tpu.memory_space<vmem>> -> memref<1x128xi32, #tpu.memory_space<vmem>>
    %dma_wait3A_66 = tpu.memref_squeeze %dma_wait3A_65 : memref<1x128xi32, #tpu.memory_space<vmem>> -> memref<128xi32, #tpu.memory_space<vmem>>
    %dma_wait3A_67 = arith.constant 0 : i32
    %dma_wait3A_68 = arith.constant 0 : i32
    %dma_wait3A_69 = tpu.memref_slice %arg15[%dma_wait3A_67, %dma_wait3A_68] : memref<10240x64xf32, #tpu.memory_space<vmem_shared>> -> memref<10240x64xf32, #tpu.memory_space<vmem_shared>>
    tpu.wait_indirect_dma semaphore(%arg24 : memref<!tpu.dma_semaphore, #tpu.memory_space<semaphore_mem>>) src(%arg14 : memref<128x64xf32, #tpu.memory_space<vmem>>) dst(%dma_wait3A_69 : memref<10240x64xf32, #tpu.memory_space<vmem_shared>>)
    %barrier3A_70 = arith.constant 0 : index
    tpu.barrier barrier_id(%barrier3A_70)
    "tpu.region"() ({
      %run_scoped3A = tpu.sem_alloc : memref<!tpu.dma_semaphore, #tpu.memory_space<semaphore_mem>>
      %dma_start3A_71 = arith.constant 0 : i32
      %dma_start3A_72 = arith.constant 0 : i32
      %dma_start3A_73 = tpu.memref_slice %arg6[%arg0, %dma_start3A_71, %dma_start3A_72] : memref<2x10240x64xf32, #tpu.memory_space<hbm>> -> memref<1x10240x64xf32, #tpu.memory_space<hbm>>
      %dma_start3A_74 = tpu.memref_squeeze %dma_start3A_73 : memref<1x10240x64xf32, #tpu.memory_space<hbm>> -> memref<10240x64xf32, #tpu.memory_space<hbm>>
      %dma_start3A_75 = arith.constant 0 : i32
      %dma_start3A_76 = tpu.memref_slice %dma_start3A_74[%mul3A_15, %dma_start3A_75] : memref<10240x64xf32, #tpu.memory_space<hbm>> -> memref<640x64xf32, #tpu.memory_space<hbm>>
      %dma_start3A_77 = arith.constant 0 : i32
      %dma_start3A_78 = tpu.memref_slice %arg15[%mul3A_15, %dma_start3A_77] : memref<10240x64xf32, #tpu.memory_space<vmem_shared>> -> memref<640x64xf32, #tpu.memory_space<vmem_shared>>
      tpu.enqueue_dma source(%dma_start3A_78 : memref<640x64xf32, #tpu.memory_space<vmem_shared>>) target(%dma_start3A_76 : memref<640x64xf32, #tpu.memory_space<hbm>>) target_semaphore(%run_scoped3A : memref<!tpu.dma_semaphore, #tpu.memory_space<semaphore_mem>>)
      %dma_wait3A_79 = arith.constant 0 : i32
      %dma_wait3A_80 = arith.constant 0 : i32
      %dma_wait3A_81 = tpu.memref_slice %arg6[%arg0, %dma_wait3A_79, %dma_wait3A_80] : memref<2x10240x64xf32, #tpu.memory_space<hbm>> -> memref<1x10240x64xf32, #tpu.memory_space<hbm>>
      %dma_wait3A_82 = tpu.memref_squeeze %dma_wait3A_81 : memref<1x10240x64xf32, #tpu.memory_space<hbm>> -> memref<10240x64xf32, #tpu.memory_space<hbm>>
      %dma_wait3A_83 = arith.constant 0 : i32
      %dma_wait3A_84 = tpu.memref_slice %dma_wait3A_82[%mul3A_15, %dma_wait3A_83] : memref<10240x64xf32, #tpu.memory_space<hbm>> -> memref<640x64xf32, #tpu.memory_space<hbm>>
      %dma_wait3A_85 = arith.constant 0 : i32
      %dma_wait3A_86 = tpu.memref_slice %arg15[%mul3A_15, %dma_wait3A_85] : memref<10240x64xf32, #tpu.memory_space<vmem_shared>> -> memref<640x64xf32, #tpu.memory_space<vmem_shared>>
      tpu.wait_dma2 semaphore(%run_scoped3A : memref<!tpu.dma_semaphore, #tpu.memory_space<semaphore_mem>>) src(%dma_wait3A_86 : memref<640x64xf32, #tpu.memory_space<vmem_shared>>) dst(%dma_wait3A_84 : memref<640x64xf32, #tpu.memory_space<hbm>>)
      tpu.yield
    }) : () -> ()
    return
  }
}

#map = affine_map<(d0, d1) -> (0, 0)>
#map1 = affine_map<(d0, d1) -> (0)>
module attributes {stable_mosaic.version = 14 : i64} {
  func.func @sc_degree(%arg0: i32, %arg1: i32, %arg2: memref<2560x128xi32, #tpu.memory_space<hbm>>, %arg3: memref<20480xf32, #tpu.memory_space<hbm>>, %arg4: memref<80x128xi32, #tpu.memory_space<vmem>>, %arg5: memref<10240xf32, #tpu.memory_space<vmem>>, %arg6: memref<16x640xf32, #tpu.memory_space<vmem>>, %arg7: memref<640xf32, #tpu.memory_space<vmem>>, %arg8: memref<16x10240xf32, #tpu.memory_space<vmem_shared>>) attributes {dimension_semantics = [#tpu.dimension_semantics<core_parallel>, #tpu.dimension_semantics<subcore_parallel>], iteration_bounds = array<i64: 2, 16>, scalar_prefetch = 0 : i64, scratch_operands = 5 : i64, tpu.core_type = #tpu.core_type<sc_vector_subcore>, window_params = [{transform_indices = #map}, {transform_indices = #map1}]} {
    %mul3A = arith.constant 16 : i32
    %mul3A_0 = arith.muli %arg0, %mul3A : i32
    %add3A = arith.addi %mul3A_0, %arg1 : i32
    %broadcast_in_dim3A = arith.constant 0.000000e+00 : f32
    %broadcast_in_dim3A_1 = vector.broadcast %broadcast_in_dim3A : f32 to vector<16xf32>
    %broadcast_in_dim3A_2 = arith.constant 1.000000e+00 : f32
    %broadcast_in_dim3A_3 = vector.broadcast %broadcast_in_dim3A_2 : f32 to vector<16xf32>
    %mul3A_4 = arith.constant 80 : i32
    %mul3A_5 = arith.muli %add3A, %mul3A_4 : i32
    "tpu.region"() ({
      %run_scoped3A = tpu.sem_alloc : memref<!tpu.dma_semaphore, #tpu.memory_space<semaphore_mem>>
      %dma_start3A = arith.constant 0 : i32
      %dma_start3A_33 = tpu.memref_slice %arg2[%mul3A_5, %dma_start3A] : memref<2560x128xi32, #tpu.memory_space<hbm>> -> memref<80x128xi32, #tpu.memory_space<hbm>>
      %dma_start3A_34 = arith.constant 0 : i32
      %dma_start3A_35 = tpu.memref_slice %arg2[%mul3A_5, %dma_start3A_34] : memref<2560x128xi32, #tpu.memory_space<hbm>> -> memref<80x128xi32, #tpu.memory_space<hbm>>
      tpu.enqueue_dma source(%dma_start3A_35 : memref<80x128xi32, #tpu.memory_space<hbm>>) target(%arg4 : memref<80x128xi32, #tpu.memory_space<vmem>>) target_semaphore(%run_scoped3A : memref<!tpu.dma_semaphore, #tpu.memory_space<semaphore_mem>>)
      %dma_wait3A = arith.constant 0 : i32
      %dma_wait3A_36 = tpu.memref_slice %arg2[%mul3A_5, %dma_wait3A] : memref<2560x128xi32, #tpu.memory_space<hbm>> -> memref<80x128xi32, #tpu.memory_space<hbm>>
      %dma_wait3A_37 = arith.constant 0 : i32
      %dma_wait3A_38 = tpu.memref_slice %arg2[%mul3A_5, %dma_wait3A_37] : memref<2560x128xi32, #tpu.memory_space<hbm>> -> memref<80x128xi32, #tpu.memory_space<hbm>>
      tpu.wait_dma2 semaphore(%run_scoped3A : memref<!tpu.dma_semaphore, #tpu.memory_space<semaphore_mem>>) src(%dma_wait3A_38 : memref<80x128xi32, #tpu.memory_space<hbm>>) dst(%arg4 : memref<80x128xi32, #tpu.memory_space<vmem>>)
      tpu.yield
    }) : () -> ()
    %scan3A = arith.constant 0 : i32
    %scan3A_6 = arith.constant 0 : i32
    %scan3A_7 = arith.constant 640 : i32
    %scan3A_8 = arith.addi %scan3A_6, %scan3A_7 : i32
    %scan3A_9 = arith.constant 1 : i32
    %scan3A_10 = scf.for %scan3A_33 = %scan3A_6 to %scan3A_8 step %scan3A_9 iter_args(%scan3A_34 = %scan3A) -> (i32)  : i32 {
      %mul3A_35 = arith.constant 16 : i32
      %mul3A_36 = arith.muli %scan3A_33, %mul3A_35 : i32
      %swap3A = arith.index_cast %mul3A_36 : i32 to index
      %swap3A_37 = tpu.vector_load %arg5[%swap3A] {strides = array<i32>} : memref<10240xf32, #tpu.memory_space<vmem>>, vector<16xf32>,
      tpu.vector_store %arg5[%swap3A], %broadcast_in_dim3A_1 {strides = array<i32>} : memref<10240xf32, #tpu.memory_space<vmem>>, vector<16xf32>,
      %scan3A_38 = arith.constant 0 : i32
      scf.yield %scan3A_38 : i32
    }
    %scan3A_11 = arith.constant 640 : i32
    %scan3A_12 = arith.constant 0 : i32
    %scan3A_13 = arith.constant 0 : i32
    %scan3A_14 = arith.constant 80 : i32
    %scan3A_15 = arith.addi %scan3A_13, %scan3A_14 : i32
    %scan3A_16 = arith.constant 1 : i32
    %scan3A_17 = scf.for %scan3A_33 = %scan3A_13 to %scan3A_15 step %scan3A_16 iter_args(%scan3A_34 = %scan3A_12) -> (i32)  : i32 {
      %get3A = arith.index_cast %scan3A_33 : i32 to index
      %get3A_35 = arith.constant 0 : index
      %get3A_36 = tpu.vector_load %arg4[%get3A, %get3A_35] {strides = array<i32>} : memref<80x128xi32, #tpu.memory_space<vmem>>, vector<16xi32>,
      tpu.vector_store_idx %arg5[%get3A_36], %broadcast_in_dim3A_3 {add = true} : memref<10240xf32, #tpu.memory_space<vmem>>[vector<16xi32>], vector<16xf32>,
      %get3A_37 = arith.index_cast %scan3A_33 : i32 to index
      %get3A_38 = arith.constant 16 : index
      %get3A_39 = tpu.vector_load %arg4[%get3A_37, %get3A_38] {strides = array<i32>} : memref<80x128xi32, #tpu.memory_space<vmem>>, vector<16xi32>,
      tpu.vector_store_idx %arg5[%get3A_39], %broadcast_in_dim3A_3 {add = true} : memref<10240xf32, #tpu.memory_space<vmem>>[vector<16xi32>], vector<16xf32>,
      %get3A_40 = arith.index_cast %scan3A_33 : i32 to index
      %get3A_41 = arith.constant 32 : index
      %get3A_42 = tpu.vector_load %arg4[%get3A_40, %get3A_41] {strides = array<i32>} : memref<80x128xi32, #tpu.memory_space<vmem>>, vector<16xi32>,
      tpu.vector_store_idx %arg5[%get3A_42], %broadcast_in_dim3A_3 {add = true} : memref<10240xf32, #tpu.memory_space<vmem>>[vector<16xi32>], vector<16xf32>,
      %get3A_43 = arith.index_cast %scan3A_33 : i32 to index
      %get3A_44 = arith.constant 48 : index
      %get3A_45 = tpu.vector_load %arg4[%get3A_43, %get3A_44] {strides = array<i32>} : memref<80x128xi32, #tpu.memory_space<vmem>>, vector<16xi32>,
      tpu.vector_store_idx %arg5[%get3A_45], %broadcast_in_dim3A_3 {add = true} : memref<10240xf32, #tpu.memory_space<vmem>>[vector<16xi32>], vector<16xf32>,
      %get3A_46 = arith.index_cast %scan3A_33 : i32 to index
      %get3A_47 = arith.constant 64 : index
      %get3A_48 = tpu.vector_load %arg4[%get3A_46, %get3A_47] {strides = array<i32>} : memref<80x128xi32, #tpu.memory_space<vmem>>, vector<16xi32>,
      tpu.vector_store_idx %arg5[%get3A_48], %broadcast_in_dim3A_3 {add = true} : memref<10240xf32, #tpu.memory_space<vmem>>[vector<16xi32>], vector<16xf32>,
      %get3A_49 = arith.index_cast %scan3A_33 : i32 to index
      %get3A_50 = arith.constant 80 : index
      %get3A_51 = tpu.vector_load %arg4[%get3A_49, %get3A_50] {strides = array<i32>} : memref<80x128xi32, #tpu.memory_space<vmem>>, vector<16xi32>,
      tpu.vector_store_idx %arg5[%get3A_51], %broadcast_in_dim3A_3 {add = true} : memref<10240xf32, #tpu.memory_space<vmem>>[vector<16xi32>], vector<16xf32>,
      %get3A_52 = arith.index_cast %scan3A_33 : i32 to index
      %get3A_53 = arith.constant 96 : index
      %get3A_54 = tpu.vector_load %arg4[%get3A_52, %get3A_53] {strides = array<i32>} : memref<80x128xi32, #tpu.memory_space<vmem>>, vector<16xi32>,
      tpu.vector_store_idx %arg5[%get3A_54], %broadcast_in_dim3A_3 {add = true} : memref<10240xf32, #tpu.memory_space<vmem>>[vector<16xi32>], vector<16xf32>,
      %get3A_55 = arith.index_cast %scan3A_33 : i32 to index
      %get3A_56 = arith.constant 112 : index
      %get3A_57 = tpu.vector_load %arg4[%get3A_55, %get3A_56] {strides = array<i32>} : memref<80x128xi32, #tpu.memory_space<vmem>>, vector<16xi32>,
      tpu.vector_store_idx %arg5[%get3A_57], %broadcast_in_dim3A_3 {add = true} : memref<10240xf32, #tpu.memory_space<vmem>>[vector<16xi32>], vector<16xf32>,
      %scan3A_58 = arith.constant 0 : i32
      scf.yield %scan3A_58 : i32
    }
    %scan3A_18 = arith.constant 80 : i32
    "tpu.region"() ({
      %run_scoped3A = tpu.sem_alloc : memref<!tpu.dma_semaphore, #tpu.memory_space<semaphore_mem>>
      %dma_start3A = arith.constant 0 : i32
      %dma_start3A_33 = tpu.memref_slice %arg8[%arg1, %dma_start3A] : memref<16x10240xf32, #tpu.memory_space<vmem_shared>> -> memref<1x10240xf32, #tpu.memory_space<vmem_shared>>
      %dma_start3A_34 = tpu.memref_squeeze %dma_start3A_33 : memref<1x10240xf32, #tpu.memory_space<vmem_shared>> -> memref<10240xf32, #tpu.memory_space<vmem_shared>>
      %dma_start3A_35 = arith.constant 0 : i32
      %dma_start3A_36 = tpu.memref_slice %arg8[%arg1, %dma_start3A_35] : memref<16x10240xf32, #tpu.memory_space<vmem_shared>> -> memref<1x10240xf32, #tpu.memory_space<vmem_shared>>
      %dma_start3A_37 = tpu.memref_squeeze %dma_start3A_36 : memref<1x10240xf32, #tpu.memory_space<vmem_shared>> -> memref<10240xf32, #tpu.memory_space<vmem_shared>>
      tpu.enqueue_dma source(%arg5 : memref<10240xf32, #tpu.memory_space<vmem>>) target(%dma_start3A_37 : memref<10240xf32, #tpu.memory_space<vmem_shared>>) target_semaphore(%run_scoped3A : memref<!tpu.dma_semaphore, #tpu.memory_space<semaphore_mem>>)
      %dma_wait3A = arith.constant 0 : i32
      %dma_wait3A_38 = tpu.memref_slice %arg8[%arg1, %dma_wait3A] : memref<16x10240xf32, #tpu.memory_space<vmem_shared>> -> memref<1x10240xf32, #tpu.memory_space<vmem_shared>>
      %dma_wait3A_39 = tpu.memref_squeeze %dma_wait3A_38 : memref<1x10240xf32, #tpu.memory_space<vmem_shared>> -> memref<10240xf32, #tpu.memory_space<vmem_shared>>
      %dma_wait3A_40 = arith.constant 0 : i32
      %dma_wait3A_41 = tpu.memref_slice %arg8[%arg1, %dma_wait3A_40] : memref<16x10240xf32, #tpu.memory_space<vmem_shared>> -> memref<1x10240xf32, #tpu.memory_space<vmem_shared>>
      %dma_wait3A_42 = tpu.memref_squeeze %dma_wait3A_41 : memref<1x10240xf32, #tpu.memory_space<vmem_shared>> -> memref<10240xf32, #tpu.memory_space<vmem_shared>>
      tpu.wait_dma2 semaphore(%run_scoped3A : memref<!tpu.dma_semaphore, #tpu.memory_space<semaphore_mem>>) src(%arg5 : memref<10240xf32, #tpu.memory_space<vmem>>) dst(%dma_wait3A_42 : memref<10240xf32, #tpu.memory_space<vmem_shared>>)
      tpu.yield
    }) : () -> ()
    %barrier3A = arith.constant 0 : index
    tpu.barrier barrier_id(%barrier3A)
    %mul3A_19 = arith.constant 640 : i32
    %mul3A_20 = arith.muli %arg1, %mul3A_19 : i32
    "tpu.region"() ({
      %run_scoped3A = tpu.sem_alloc : memref<!tpu.dma_semaphore, #tpu.memory_space<semaphore_mem>>
      %dma_start3A = arith.constant 0 : i32
      %dma_start3A_33 = tpu.memref_slice %arg8[%dma_start3A, %mul3A_20] : memref<16x10240xf32, #tpu.memory_space<vmem_shared>> -> memref<16x640xf32, #tpu.memory_space<vmem_shared>>
      %dma_start3A_34 = arith.constant 0 : i32
      %dma_start3A_35 = tpu.memref_slice %arg8[%dma_start3A_34, %mul3A_20] : memref<16x10240xf32, #tpu.memory_space<vmem_shared>> -> memref<16x640xf32, #tpu.memory_space<vmem_shared>>
      tpu.enqueue_dma source(%dma_start3A_35 : memref<16x640xf32, #tpu.memory_space<vmem_shared>>) target(%arg6 : memref<16x640xf32, #tpu.memory_space<vmem>>) target_semaphore(%run_scoped3A : memref<!tpu.dma_semaphore, #tpu.memory_space<semaphore_mem>>)
      %dma_wait3A = arith.constant 0 : i32
      %dma_wait3A_36 = tpu.memref_slice %arg8[%dma_wait3A, %mul3A_20] : memref<16x10240xf32, #tpu.memory_space<vmem_shared>> -> memref<16x640xf32, #tpu.memory_space<vmem_shared>>
      %dma_wait3A_37 = arith.constant 0 : i32
      %dma_wait3A_38 = tpu.memref_slice %arg8[%dma_wait3A_37, %mul3A_20] : memref<16x10240xf32, #tpu.memory_space<vmem_shared>> -> memref<16x640xf32, #tpu.memory_space<vmem_shared>>
      tpu.wait_dma2 semaphore(%run_scoped3A : memref<!tpu.dma_semaphore, #tpu.memory_space<semaphore_mem>>) src(%dma_wait3A_38 : memref<16x640xf32, #tpu.memory_space<vmem_shared>>) dst(%arg6 : memref<16x640xf32, #tpu.memory_space<vmem>>)
      tpu.yield
    }) : () -> ()
    %scan3A_21 = arith.constant 0 : i32
    %scan3A_22 = arith.constant 0 : i32
    %scan3A_23 = arith.constant 40 : i32
    %scan3A_24 = arith.addi %scan3A_22, %scan3A_23 : i32
    %scan3A_25 = arith.constant 1 : i32
    %scan3A_26 = scf.for %scan3A_33 = %scan3A_22 to %scan3A_24 step %scan3A_25 iter_args(%scan3A_34 = %scan3A_21) -> (i32)  : i32 {
      %mul3A_35 = arith.constant 16 : i32
      %mul3A_36 = arith.muli %scan3A_33, %mul3A_35 : i32
      %get3A = arith.constant 0 : i32
      %get3A_37 = arith.index_cast %get3A : i32 to index
      %get3A_38 = arith.index_cast %mul3A_36 : i32 to index
      %get3A_39 = tpu.vector_load %arg6[%get3A_37, %get3A_38] {strides = array<i32>} : memref<16x640xf32, #tpu.memory_space<vmem>>, vector<16xf32>,
      %mul3A_40 = arith.constant 16 : i32
      %mul3A_41 = arith.muli %scan3A_33, %mul3A_40 : i32
      %get3A_42 = arith.constant 1 : i32
      %get3A_43 = arith.index_cast %get3A_42 : i32 to index
      %get3A_44 = arith.index_cast %mul3A_41 : i32 to index
      %get3A_45 = tpu.vector_load %arg6[%get3A_43, %get3A_44] {strides = array<i32>} : memref<16x640xf32, #tpu.memory_space<vmem>>, vector<16xf32>,
      %add3A_46 = arith.addf %get3A_39, %get3A_45 : vector<16xf32>
      %mul3A_47 = arith.constant 16 : i32
      %mul3A_48 = arith.muli %scan3A_33, %mul3A_47 : i32
      %get3A_49 = arith.constant 2 : i32
      %get3A_50 = arith.index_cast %get3A_49 : i32 to index
      %get3A_51 = arith.index_cast %mul3A_48 : i32 to index
      %get3A_52 = tpu.vector_load %arg6[%get3A_50, %get3A_51] {strides = array<i32>} : memref<16x640xf32, #tpu.memory_space<vmem>>, vector<16xf32>,
      %add3A_53 = arith.addf %add3A_46, %get3A_52 : vector<16xf32>
      %mul3A_54 = arith.constant 16 : i32
      %mul3A_55 = arith.muli %scan3A_33, %mul3A_54 : i32
      %get3A_56 = arith.constant 3 : i32
      %get3A_57 = arith.index_cast %get3A_56 : i32 to index
      %get3A_58 = arith.index_cast %mul3A_55 : i32 to index
      %get3A_59 = tpu.vector_load %arg6[%get3A_57, %get3A_58] {strides = array<i32>} : memref<16x640xf32, #tpu.memory_space<vmem>>, vector<16xf32>,
      %add3A_60 = arith.addf %add3A_53, %get3A_59 : vector<16xf32>
      %mul3A_61 = arith.constant 16 : i32
      %mul3A_62 = arith.muli %scan3A_33, %mul3A_61 : i32
      %get3A_63 = arith.constant 4 : i32
      %get3A_64 = arith.index_cast %get3A_63 : i32 to index
      %get3A_65 = arith.index_cast %mul3A_62 : i32 to index
      %get3A_66 = tpu.vector_load %arg6[%get3A_64, %get3A_65] {strides = array<i32>} : memref<16x640xf32, #tpu.memory_space<vmem>>, vector<16xf32>,
      %add3A_67 = arith.addf %add3A_60, %get3A_66 : vector<16xf32>
      %mul3A_68 = arith.constant 16 : i32
      %mul3A_69 = arith.muli %scan3A_33, %mul3A_68 : i32
      %get3A_70 = arith.constant 5 : i32
      %get3A_71 = arith.index_cast %get3A_70 : i32 to index
      %get3A_72 = arith.index_cast %mul3A_69 : i32 to index
      %get3A_73 = tpu.vector_load %arg6[%get3A_71, %get3A_72] {strides = array<i32>} : memref<16x640xf32, #tpu.memory_space<vmem>>, vector<16xf32>,
      %add3A_74 = arith.addf %add3A_67, %get3A_73 : vector<16xf32>
      %mul3A_75 = arith.constant 16 : i32
      %mul3A_76 = arith.muli %scan3A_33, %mul3A_75 : i32
      %get3A_77 = arith.constant 6 : i32
      %get3A_78 = arith.index_cast %get3A_77 : i32 to index
      %get3A_79 = arith.index_cast %mul3A_76 : i32 to index
      %get3A_80 = tpu.vector_load %arg6[%get3A_78, %get3A_79] {strides = array<i32>} : memref<16x640xf32, #tpu.memory_space<vmem>>, vector<16xf32>,
      %add3A_81 = arith.addf %add3A_74, %get3A_80 : vector<16xf32>
      %mul3A_82 = arith.constant 16 : i32
      %mul3A_83 = arith.muli %scan3A_33, %mul3A_82 : i32
      %get3A_84 = arith.constant 7 : i32
      %get3A_85 = arith.index_cast %get3A_84 : i32 to index
      %get3A_86 = arith.index_cast %mul3A_83 : i32 to index
      %get3A_87 = tpu.vector_load %arg6[%get3A_85, %get3A_86] {strides = array<i32>} : memref<16x640xf32, #tpu.memory_space<vmem>>, vector<16xf32>,
      %add3A_88 = arith.addf %add3A_81, %get3A_87 : vector<16xf32>
      %mul3A_89 = arith.constant 16 : i32
      %mul3A_90 = arith.muli %scan3A_33, %mul3A_89 : i32
      %get3A_91 = arith.constant 8 : i32
      %get3A_92 = arith.index_cast %get3A_91 : i32 to index
      %get3A_93 = arith.index_cast %mul3A_90 : i32 to index
      %get3A_94 = tpu.vector_load %arg6[%get3A_92, %get3A_93] {strides = array<i32>} : memref<16x640xf32, #tpu.memory_space<vmem>>, vector<16xf32>,
      %add3A_95 = arith.addf %add3A_88, %get3A_94 : vector<16xf32>
      %mul3A_96 = arith.constant 16 : i32
      %mul3A_97 = arith.muli %scan3A_33, %mul3A_96 : i32
      %get3A_98 = arith.constant 9 : i32
      %get3A_99 = arith.index_cast %get3A_98 : i32 to index
      %get3A_100 = arith.index_cast %mul3A_97 : i32 to index
      %get3A_101 = tpu.vector_load %arg6[%get3A_99, %get3A_100] {strides = array<i32>} : memref<16x640xf32, #tpu.memory_space<vmem>>, vector<16xf32>,
      %add3A_102 = arith.addf %add3A_95, %get3A_101 : vector<16xf32>
      %mul3A_103 = arith.constant 16 : i32
      %mul3A_104 = arith.muli %scan3A_33, %mul3A_103 : i32
      %get3A_105 = arith.constant 10 : i32
      %get3A_106 = arith.index_cast %get3A_105 : i32 to index
      %get3A_107 = arith.index_cast %mul3A_104 : i32 to index
      %get3A_108 = tpu.vector_load %arg6[%get3A_106, %get3A_107] {strides = array<i32>} : memref<16x640xf32, #tpu.memory_space<vmem>>, vector<16xf32>,
      %add3A_109 = arith.addf %add3A_102, %get3A_108 : vector<16xf32>
      %mul3A_110 = arith.constant 16 : i32
      %mul3A_111 = arith.muli %scan3A_33, %mul3A_110 : i32
      %get3A_112 = arith.constant 11 : i32
      %get3A_113 = arith.index_cast %get3A_112 : i32 to index
      %get3A_114 = arith.index_cast %mul3A_111 : i32 to index
      %get3A_115 = tpu.vector_load %arg6[%get3A_113, %get3A_114] {strides = array<i32>} : memref<16x640xf32, #tpu.memory_space<vmem>>, vector<16xf32>,
      %add3A_116 = arith.addf %add3A_109, %get3A_115 : vector<16xf32>
      %mul3A_117 = arith.constant 16 : i32
      %mul3A_118 = arith.muli %scan3A_33, %mul3A_117 : i32
      %get3A_119 = arith.constant 12 : i32
      %get3A_120 = arith.index_cast %get3A_119 : i32 to index
      %get3A_121 = arith.index_cast %mul3A_118 : i32 to index
      %get3A_122 = tpu.vector_load %arg6[%get3A_120, %get3A_121] {strides = array<i32>} : memref<16x640xf32, #tpu.memory_space<vmem>>, vector<16xf32>,
      %add3A_123 = arith.addf %add3A_116, %get3A_122 : vector<16xf32>
      %mul3A_124 = arith.constant 16 : i32
      %mul3A_125 = arith.muli %scan3A_33, %mul3A_124 : i32
      %get3A_126 = arith.constant 13 : i32
      %get3A_127 = arith.index_cast %get3A_126 : i32 to index
      %get3A_128 = arith.index_cast %mul3A_125 : i32 to index
      %get3A_129 = tpu.vector_load %arg6[%get3A_127, %get3A_128] {strides = array<i32>} : memref<16x640xf32, #tpu.memory_space<vmem>>, vector<16xf32>,
      %add3A_130 = arith.addf %add3A_123, %get3A_129 : vector<16xf32>
      %mul3A_131 = arith.constant 16 : i32
      %mul3A_132 = arith.muli %scan3A_33, %mul3A_131 : i32
      %get3A_133 = arith.constant 14 : i32
      %get3A_134 = arith.index_cast %get3A_133 : i32 to index
      %get3A_135 = arith.index_cast %mul3A_132 : i32 to index
      %get3A_136 = tpu.vector_load %arg6[%get3A_134, %get3A_135] {strides = array<i32>} : memref<16x640xf32, #tpu.memory_space<vmem>>, vector<16xf32>,
      %add3A_137 = arith.addf %add3A_130, %get3A_136 : vector<16xf32>
      %mul3A_138 = arith.constant 16 : i32
      %mul3A_139 = arith.muli %scan3A_33, %mul3A_138 : i32
      %get3A_140 = arith.constant 15 : i32
      %get3A_141 = arith.index_cast %get3A_140 : i32 to index
      %get3A_142 = arith.index_cast %mul3A_139 : i32 to index
      %get3A_143 = tpu.vector_load %arg6[%get3A_141, %get3A_142] {strides = array<i32>} : memref<16x640xf32, #tpu.memory_space<vmem>>, vector<16xf32>,
      %add3A_144 = arith.addf %add3A_137, %get3A_143 : vector<16xf32>
      %mul3A_145 = arith.constant 16 : i32
      %mul3A_146 = arith.muli %scan3A_33, %mul3A_145 : i32
      %swap3A = arith.index_cast %mul3A_146 : i32 to index
      %swap3A_147 = tpu.vector_load %arg7[%swap3A] {strides = array<i32>} : memref<640xf32, #tpu.memory_space<vmem>>, vector<16xf32>,
      tpu.vector_store %arg7[%swap3A], %add3A_144 {strides = array<i32>} : memref<640xf32, #tpu.memory_space<vmem>>, vector<16xf32>,
      %scan3A_148 = arith.constant 0 : i32
      scf.yield %scan3A_148 : i32
    }
    %scan3A_27 = arith.constant 40 : i32
    %mul3A_28 = arith.constant 10240 : i32
    %mul3A_29 = arith.muli %arg0, %mul3A_28 : i32
    %mul3A_30 = arith.constant 640 : i32
    %mul3A_31 = arith.muli %arg1, %mul3A_30 : i32
    %add3A_32 = arith.addi %mul3A_29, %mul3A_31 : i32
    "tpu.region"() ({
      %run_scoped3A = tpu.sem_alloc : memref<!tpu.dma_semaphore, #tpu.memory_space<semaphore_mem>>
      %dma_start3A = tpu.memref_slice %arg3[%add3A_32] : memref<20480xf32, #tpu.memory_space<hbm>> -> memref<640xf32, #tpu.memory_space<hbm>>
      %dma_start3A_33 = tpu.memref_slice %arg3[%add3A_32] : memref<20480xf32, #tpu.memory_space<hbm>> -> memref<640xf32, #tpu.memory_space<hbm>>
      tpu.enqueue_dma source(%arg7 : memref<640xf32, #tpu.memory_space<vmem>>) target(%dma_start3A_33 : memref<640xf32, #tpu.memory_space<hbm>>) target_semaphore(%run_scoped3A : memref<!tpu.dma_semaphore, #tpu.memory_space<semaphore_mem>>)
      %dma_wait3A = tpu.memref_slice %arg3[%add3A_32] : memref<20480xf32, #tpu.memory_space<hbm>> -> memref<640xf32, #tpu.memory_space<hbm>>
      %dma_wait3A_34 = tpu.memref_slice %arg3[%add3A_32] : memref<20480xf32, #tpu.memory_space<hbm>> -> memref<640xf32, #tpu.memory_space<hbm>>
      tpu.wait_dma2 semaphore(%run_scoped3A : memref<!tpu.dma_semaphore, #tpu.memory_space<semaphore_mem>>) src(%arg7 : memref<640xf32, #tpu.memory_space<vmem>>) dst(%dma_wait3A_34 : memref<640xf32, #tpu.memory_space<hbm>>)
      tpu.yield
    }) : () -> ()
    return
  }
}

#map = affine_map<(d0, d1) -> (0, 0, 0)>
#map1 = affine_map<(d0, d1) -> (0, 0)>
module attributes {stable_mosaic.version = 14 : i64} {
  func.func @sc_segment_sum(%arg0: i32, %arg1: i32, %arg2: memref<2x10240x64xf32, #tpu.memory_space<hbm>>, %arg3: memref<2560x128xi32, #tpu.memory_space<hbm>>, %arg4: memref<2560x128xi32, #tpu.memory_space<hbm>>, %arg5: memref<2x10240xf32, #tpu.memory_space<hbm>>, %arg6: memref<2x10240x64xf32, #tpu.memory_space<hbm>>, %arg7: memref<8x128xi32, #tpu.memory_space<vmem>>, %arg8: memref<8x128xi32, #tpu.memory_space<vmem>>, %arg9: memref<8x128xi32, #tpu.memory_space<vmem>>, %arg10: memref<8x128xi32, #tpu.memory_space<vmem>>, %arg11: memref<128x64xf32, #tpu.memory_space<vmem>>, %arg12: memref<128x64xf32, #tpu.memory_space<vmem>>, %arg13: memref<128x64xf32, #tpu.memory_space<vmem>>, %arg14: memref<128x64xf32, #tpu.memory_space<vmem>>, %arg15: memref<10240x64xf32, #tpu.memory_space<vmem_shared>>, %arg16: memref<10016x64xf32, #tpu.memory_space<vmem_shared>>, %arg17: memref<!tpu.dma_semaphore, #tpu.memory_space<semaphore_mem>>, %arg18: memref<!tpu.dma_semaphore, #tpu.memory_space<semaphore_mem>>, %arg19: memref<!tpu.dma_semaphore, #tpu.memory_space<semaphore_mem>>, %arg20: memref<!tpu.dma_semaphore, #tpu.memory_space<semaphore_mem>>, %arg21: memref<!tpu.dma_semaphore, #tpu.memory_space<semaphore_mem>>, %arg22: memref<!tpu.dma_semaphore, #tpu.memory_space<semaphore_mem>>, %arg23: memref<!tpu.dma_semaphore, #tpu.memory_space<semaphore_mem>>, %arg24: memref<!tpu.dma_semaphore, #tpu.memory_space<semaphore_mem>>, %arg25: memref<!tpu.dma_semaphore, #tpu.memory_space<semaphore_mem>>, %arg26: memref<!tpu.dma_semaphore, #tpu.memory_space<semaphore_mem>>, %arg27: memref<!tpu.dma_semaphore, #tpu.memory_space<semaphore_mem>>, %arg28: memref<!tpu.dma_semaphore, #tpu.memory_space<semaphore_mem>>) attributes {dimension_semantics = [#tpu.dimension_semantics<core_parallel>, #tpu.dimension_semantics<subcore_parallel>], iteration_bounds = array<i64: 2, 16>, scalar_prefetch = 0 : i64, scratch_operands = 22 : i64, tpu.core_type = #tpu.core_type<sc_vector_subcore>, window_params = [{transform_indices = #map}, {transform_indices = #map1}, {transform_indices = #map1}, {transform_indices = #map1}, {transform_indices = #map}]} {
    %broadcast_in_dim3A = arith.constant 0.000000e+00 : f32
    %broadcast_in_dim3A_0 = vector.broadcast %broadcast_in_dim3A : f32 to vector<16xf32>
    %mul3A = arith.constant 626 : i32
    %mul3A_1 = arith.muli %arg1, %mul3A : i32
    %mul3A_2 = arith.constant 626 : i32
    %mul3A_3 = arith.muli %arg1, %mul3A_2 : i32
    "tpu.region"() ({
      %run_scoped3A = tpu.sem_alloc : memref<!tpu.dma_semaphore, #tpu.memory_space<semaphore_mem>>
      %dma_start3A_71 = arith.constant 0 : i32
      %dma_start3A_72 = tpu.memref_slice %arg16[%mul3A_3, %dma_start3A_71] : memref<10016x64xf32, #tpu.memory_space<vmem_shared>> -> memref<626x64xf32, #tpu.memory_space<vmem_shared>>
      %dma_start3A_73 = arith.constant 0 : i32
      %dma_start3A_74 = arith.constant 0 : i32
      %dma_start3A_75 = tpu.memref_slice %arg2[%arg0, %dma_start3A_73, %dma_start3A_74] : memref<2x10240x64xf32, #tpu.memory_space<hbm>> -> memref<1x10240x64xf32, #tpu.memory_space<hbm>>
      %dma_start3A_76 = tpu.memref_squeeze %dma_start3A_75 : memref<1x10240x64xf32, #tpu.memory_space<hbm>> -> memref<10240x64xf32, #tpu.memory_space<hbm>>
      %dma_start3A_77 = arith.constant 0 : i32
      %dma_start3A_78 = tpu.memref_slice %dma_start3A_76[%mul3A_1, %dma_start3A_77] : memref<10240x64xf32, #tpu.memory_space<hbm>> -> memref<626x64xf32, #tpu.memory_space<hbm>>
      tpu.enqueue_dma source(%dma_start3A_78 : memref<626x64xf32, #tpu.memory_space<hbm>>) target(%dma_start3A_72 : memref<626x64xf32, #tpu.memory_space<vmem_shared>>) target_semaphore(%run_scoped3A : memref<!tpu.dma_semaphore, #tpu.memory_space<semaphore_mem>>)
      %dma_wait3A_79 = arith.constant 0 : i32
      %dma_wait3A_80 = tpu.memref_slice %arg16[%mul3A_3, %dma_wait3A_79] : memref<10016x64xf32, #tpu.memory_space<vmem_shared>> -> memref<626x64xf32, #tpu.memory_space<vmem_shared>>
      %dma_wait3A_81 = arith.constant 0 : i32
      %dma_wait3A_82 = arith.constant 0 : i32
      %dma_wait3A_83 = tpu.memref_slice %arg2[%arg0, %dma_wait3A_81, %dma_wait3A_82] : memref<2x10240x64xf32, #tpu.memory_space<hbm>> -> memref<1x10240x64xf32, #tpu.memory_space<hbm>>
      %dma_wait3A_84 = tpu.memref_squeeze %dma_wait3A_83 : memref<1x10240x64xf32, #tpu.memory_space<hbm>> -> memref<10240x64xf32, #tpu.memory_space<hbm>>
      %dma_wait3A_85 = arith.constant 0 : i32
      %dma_wait3A_86 = tpu.memref_slice %dma_wait3A_84[%mul3A_1, %dma_wait3A_85] : memref<10240x64xf32, #tpu.memory_space<hbm>> -> memref<626x64xf32, #tpu.memory_space<hbm>>
      tpu.wait_dma2 semaphore(%run_scoped3A : memref<!tpu.dma_semaphore, #tpu.memory_space<semaphore_mem>>) src(%dma_wait3A_86 : memref<626x64xf32, #tpu.memory_space<hbm>>) dst(%dma_wait3A_80 : memref<626x64xf32, #tpu.memory_space<vmem_shared>>)
      tpu.yield
    }) : () -> ()
    %scan3A = arith.constant 0 : i32
    %scan3A_4 = arith.constant 0 : i32
    %scan3A_5 = arith.constant 128 : i32
    %scan3A_6 = arith.addi %scan3A_4, %scan3A_5 : i32
    %scan3A_7 = arith.constant 1 : i32
    %scan3A_8 = scf.for %scan3A_71 = %scan3A_4 to %scan3A_6 step %scan3A_7 iter_args(%scan3A_72 = %scan3A) -> (i32)  : i32 {
      %swap3A = arith.index_cast %scan3A_71 : i32 to index
      %swap3A_73 = arith.constant 0 : index
      %swap3A_74 = tpu.vector_load %arg11[%swap3A, %swap3A_73] {strides = array<i32>} : memref<128x64xf32, #tpu.memory_space<vmem>>, vector<16xf32>,
      tpu.vector_store %arg11[%swap3A, %swap3A_73], %broadcast_in_dim3A_0 {strides = array<i32>} : memref<128x64xf32, #tpu.memory_space<vmem>>, vector<16xf32>,
      %swap3A_75 = arith.index_cast %scan3A_71 : i32 to index
      %swap3A_76 = arith.constant 16 : index
      %swap3A_77 = tpu.vector_load %arg11[%swap3A_75, %swap3A_76] {strides = array<i32>} : memref<128x64xf32, #tpu.memory_space<vmem>>, vector<16xf32>,
      tpu.vector_store %arg11[%swap3A_75, %swap3A_76], %broadcast_in_dim3A_0 {strides = array<i32>} : memref<128x64xf32, #tpu.memory_space<vmem>>, vector<16xf32>,
      %swap3A_78 = arith.index_cast %scan3A_71 : i32 to index
      %swap3A_79 = arith.constant 32 : index
      %swap3A_80 = tpu.vector_load %arg11[%swap3A_78, %swap3A_79] {strides = array<i32>} : memref<128x64xf32, #tpu.memory_space<vmem>>, vector<16xf32>,
      tpu.vector_store %arg11[%swap3A_78, %swap3A_79], %broadcast_in_dim3A_0 {strides = array<i32>} : memref<128x64xf32, #tpu.memory_space<vmem>>, vector<16xf32>,
      %swap3A_81 = arith.index_cast %scan3A_71 : i32 to index
      %swap3A_82 = arith.constant 48 : index
      %swap3A_83 = tpu.vector_load %arg11[%swap3A_81, %swap3A_82] {strides = array<i32>} : memref<128x64xf32, #tpu.memory_space<vmem>>, vector<16xf32>,
      tpu.vector_store %arg11[%swap3A_81, %swap3A_82], %broadcast_in_dim3A_0 {strides = array<i32>} : memref<128x64xf32, #tpu.memory_space<vmem>>, vector<16xf32>,
      %scan3A_84 = arith.constant 0 : i32
      scf.yield %scan3A_84 : i32
    }
    %scan3A_9 = arith.constant 128 : i32
    %mul3A_10 = arith.constant 160 : i32
    %mul3A_11 = arith.muli %arg1, %mul3A_10 : i32
    "tpu.region"() ({
      %run_scoped3A = tpu.sem_alloc : memref<!tpu.dma_semaphore, #tpu.memory_space<semaphore_mem>>
      %dma_start3A_71 = arith.constant 0 : i32
      %dma_start3A_72 = tpu.memref_slice %arg3[%mul3A_11, %dma_start3A_71] : memref<2560x128xi32, #tpu.memory_space<hbm>> -> memref<8x128xi32, #tpu.memory_space<hbm>>
      %dma_start3A_73 = arith.constant 0 : i32
      %dma_start3A_74 = tpu.memref_slice %arg3[%mul3A_11, %dma_start3A_73] : memref<2560x128xi32, #tpu.memory_space<hbm>> -> memref<8x128xi32, #tpu.memory_space<hbm>>
      tpu.enqueue_dma source(%dma_start3A_74 : memref<8x128xi32, #tpu.memory_space<hbm>>) target(%arg7 : memref<8x128xi32, #tpu.memory_space<vmem>>) target_semaphore(%run_scoped3A : memref<!tpu.dma_semaphore, #tpu.memory_space<semaphore_mem>>)
      %dma_wait3A_75 = arith.constant 0 : i32
      %dma_wait3A_76 = tpu.memref_slice %arg3[%mul3A_11, %dma_wait3A_75] : memref<2560x128xi32, #tpu.memory_space<hbm>> -> memref<8x128xi32, #tpu.memory_space<hbm>>
      %dma_wait3A_77 = arith.constant 0 : i32
      %dma_wait3A_78 = tpu.memref_slice %arg3[%mul3A_11, %dma_wait3A_77] : memref<2560x128xi32, #tpu.memory_space<hbm>> -> memref<8x128xi32, #tpu.memory_space<hbm>>
      tpu.wait_dma2 semaphore(%run_scoped3A : memref<!tpu.dma_semaphore, #tpu.memory_space<semaphore_mem>>) src(%dma_wait3A_78 : memref<8x128xi32, #tpu.memory_space<hbm>>) dst(%arg7 : memref<8x128xi32, #tpu.memory_space<vmem>>)
      tpu.yield
    }) : () -> ()
    %mul3A_12 = arith.constant 160 : i32
    %mul3A_13 = arith.muli %arg1, %mul3A_12 : i32
    "tpu.region"() ({
      %run_scoped3A = tpu.sem_alloc : memref<!tpu.dma_semaphore, #tpu.memory_space<semaphore_mem>>
      %dma_start3A_71 = arith.constant 0 : i32
      %dma_start3A_72 = tpu.memref_slice %arg4[%mul3A_13, %dma_start3A_71] : memref<2560x128xi32, #tpu.memory_space<hbm>> -> memref<8x128xi32, #tpu.memory_space<hbm>>
      %dma_start3A_73 = arith.constant 0 : i32
      %dma_start3A_74 = tpu.memref_slice %arg4[%mul3A_13, %dma_start3A_73] : memref<2560x128xi32, #tpu.memory_space<hbm>> -> memref<8x128xi32, #tpu.memory_space<hbm>>
      tpu.enqueue_dma source(%dma_start3A_74 : memref<8x128xi32, #tpu.memory_space<hbm>>) target(%arg9 : memref<8x128xi32, #tpu.memory_space<vmem>>) target_semaphore(%run_scoped3A : memref<!tpu.dma_semaphore, #tpu.memory_space<semaphore_mem>>)
      %dma_wait3A_75 = arith.constant 0 : i32
      %dma_wait3A_76 = tpu.memref_slice %arg4[%mul3A_13, %dma_wait3A_75] : memref<2560x128xi32, #tpu.memory_space<hbm>> -> memref<8x128xi32, #tpu.memory_space<hbm>>
      %dma_wait3A_77 = arith.constant 0 : i32
      %dma_wait3A_78 = tpu.memref_slice %arg4[%mul3A_13, %dma_wait3A_77] : memref<2560x128xi32, #tpu.memory_space<hbm>> -> memref<8x128xi32, #tpu.memory_space<hbm>>
      tpu.wait_dma2 semaphore(%run_scoped3A : memref<!tpu.dma_semaphore, #tpu.memory_space<semaphore_mem>>) src(%dma_wait3A_78 : memref<8x128xi32, #tpu.memory_space<hbm>>) dst(%arg9 : memref<8x128xi32, #tpu.memory_space<vmem>>)
      tpu.yield
    }) : () -> ()
    %mul3A_14 = arith.constant 640 : i32
    %mul3A_15 = arith.muli %arg1, %mul3A_14 : i32
    %scan3A_16 = arith.constant 0 : i32
    %scan3A_17 = arith.constant 0 : i32
    %scan3A_18 = arith.constant 5 : i32
    %scan3A_19 = arith.addi %scan3A_17, %scan3A_18 : i32
    %scan3A_20 = arith.constant 1 : i32
    %scan3A_21 = scf.for %scan3A_71 = %scan3A_17 to %scan3A_19 step %scan3A_20 iter_args(%scan3A_72 = %scan3A_16) -> (i32)  : i32 {
      %mul3A_73 = arith.constant 640 : i32
      %mul3A_74 = arith.muli %arg1, %mul3A_73 : i32
      %mul3A_75 = arith.constant 128 : i32
      %mul3A_76 = arith.muli %scan3A_71, %mul3A_75 : i32
      %add3A = arith.addi %mul3A_74, %mul3A_76 : i32
      "tpu.region"() ({
        %run_scoped3A = tpu.sem_alloc : memref<!tpu.dma_semaphore, #tpu.memory_space<semaphore_mem>>
        %dma_start3A_78 = arith.constant 0 : i32
        %dma_start3A_79 = tpu.memref_slice %arg15[%add3A, %dma_start3A_78] : memref<10240x64xf32, #tpu.memory_space<vmem_shared>> -> memref<128x64xf32, #tpu.memory_space<vmem_shared>>
        %dma_start3A_80 = arith.constant 0 : i32
        %dma_start3A_81 = tpu.memref_slice %arg15[%add3A, %dma_start3A_80] : memref<10240x64xf32, #tpu.memory_space<vmem_shared>> -> memref<128x64xf32, #tpu.memory_space<vmem_shared>>
        tpu.enqueue_dma source(%arg11 : memref<128x64xf32, #tpu.memory_space<vmem>>) target(%dma_start3A_81 : memref<128x64xf32, #tpu.memory_space<vmem_shared>>) target_semaphore(%run_scoped3A : memref<!tpu.dma_semaphore, #tpu.memory_space<semaphore_mem>>)
        %dma_wait3A_82 = arith.constant 0 : i32
        %dma_wait3A_83 = tpu.memref_slice %arg15[%add3A, %dma_wait3A_82] : memref<10240x64xf32, #tpu.memory_space<vmem_shared>> -> memref<128x64xf32, #tpu.memory_space<vmem_shared>>
        %dma_wait3A_84 = arith.constant 0 : i32
        %dma_wait3A_85 = tpu.memref_slice %arg15[%add3A, %dma_wait3A_84] : memref<10240x64xf32, #tpu.memory_space<vmem_shared>> -> memref<128x64xf32, #tpu.memory_space<vmem_shared>>
        tpu.wait_dma2 semaphore(%run_scoped3A : memref<!tpu.dma_semaphore, #tpu.memory_space<semaphore_mem>>) src(%arg11 : memref<128x64xf32, #tpu.memory_space<vmem>>) dst(%dma_wait3A_85 : memref<128x64xf32, #tpu.memory_space<vmem_shared>>)
        tpu.yield
      }) : () -> ()
      %scan3A_77 = arith.constant 0 : i32
      scf.yield %scan3A_77 : i32
    }
    %scan3A_22 = arith.constant 5 : i32
    %barrier3A = arith.constant 0 : index
    tpu.barrier barrier_id(%barrier3A)
    %dma_start3A = arith.constant 0 : i32
    %dma_start3A_23 = arith.constant 0 : i32
    %dma_start3A_24 = tpu.memref_slice %arg7[%dma_start3A, %dma_start3A_23] : memref<8x128xi32, #tpu.memory_space<vmem>> -> memref<1x128xi32, #tpu.memory_space<vmem>>
    %dma_start3A_25 = tpu.memref_squeeze %dma_start3A_24 : memref<1x128xi32, #tpu.memory_space<vmem>> -> memref<128xi32, #tpu.memory_space<vmem>>
    %dma_start3A_26 = arith.constant 0 : i32
    %dma_start3A_27 = arith.constant 0 : i32
    %dma_start3A_28 = tpu.memref_slice %arg16[%dma_start3A_26, %dma_start3A_27] : memref<10016x64xf32, #tpu.memory_space<vmem_shared>> -> memref<10016x64xf32, #tpu.memory_space<vmem_shared>>
    tpu.enqueue_indirect_dma source(%dma_start3A_28 : memref<10016x64xf32, #tpu.memory_space<vmem_shared>>) target(%arg11 : memref<128x64xf32, #tpu.memory_space<vmem>>) offsets(%dma_start3A_25 : memref<128xi32, #tpu.memory_space<vmem>>) semaphore(%arg17 : memref<!tpu.dma_semaphore, #tpu.memory_space<semaphore_mem>>)
    %dma_start3A_29 = arith.constant 1 : i32
    %dma_start3A_30 = arith.constant 0 : i32
    %dma_start3A_31 = tpu.memref_slice %arg7[%dma_start3A_29, %dma_start3A_30] : memref<8x128xi32, #tpu.memory_space<vmem>> -> memref<1x128xi32, #tpu.memory_space<vmem>>
    %dma_start3A_32 = tpu.memref_squeeze %dma_start3A_31 : memref<1x128xi32, #tpu.memory_space<vmem>> -> memref<128xi32, #tpu.memory_space<vmem>>
    %dma_start3A_33 = arith.constant 0 : i32
    %dma_start3A_34 = arith.constant 0 : i32
    %dma_start3A_35 = tpu.memref_slice %arg16[%dma_start3A_33, %dma_start3A_34] : memref<10016x64xf32, #tpu.memory_space<vmem_shared>> -> memref<10016x64xf32, #tpu.memory_space<vmem_shared>>
    tpu.enqueue_indirect_dma source(%dma_start3A_35 : memref<10016x64xf32, #tpu.memory_space<vmem_shared>>) target(%arg12 : memref<128x64xf32, #tpu.memory_space<vmem>>) offsets(%dma_start3A_32 : memref<128xi32, #tpu.memory_space<vmem>>) semaphore(%arg18 : memref<!tpu.dma_semaphore, #tpu.memory_space<semaphore_mem>>)
    %scan3A_36 = arith.constant 0 : i32
    %scan3A_37 = arith.constant 0 : i32
    %scan3A_38 = arith.constant 10 : i32
    %scan3A_39 = arith.addi %scan3A_37, %scan3A_38 : i32
    %scan3A_40 = arith.constant 1 : i32
    %scan3A_41 = scf.for %scan3A_71 = %scan3A_37 to %scan3A_39 step %scan3A_40 iter_args(%scan3A_72 = %scan3A_36) -> (i32)  : i32 {
      %mul3A_73 = arith.constant 2 : i32
      %mul3A_74 = arith.muli %mul3A_73, %scan3A_71 : i32
      %ge3A = arith.constant 1 : i32
      %ge3A_75 = arith.cmpi sge, %mul3A_74, %ge3A : i32
      %convert_element_type3A = arith.extui %ge3A_75 : i1 to i32
      %cond3A = arith.constant 0 : i32
      %cond3A_76 = arith.cmpi ne, %convert_element_type3A, %cond3A : i32
      scf.if %cond3A_76 {
        %mul3A_525 = arith.constant 160 : i32
        %mul3A_526 = arith.muli %arg1, %mul3A_525 : i32
        %dma_wait3A_527 = arith.constant 0 : i32
        %dma_wait3A_528 = tpu.memref_slice %arg4[%mul3A_526, %dma_wait3A_527] : memref<2560x128xi32, #tpu.memory_space<hbm>> -> memref<8x128xi32, #tpu.memory_space<hbm>>
        %dma_wait3A_529 = arith.constant 0 : i32
        %dma_wait3A_530 = tpu.memref_slice %arg4[%mul3A_526, %dma_wait3A_529] : memref<2560x128xi32, #tpu.memory_space<hbm>> -> memref<8x128xi32, #tpu.memory_space<hbm>>
        tpu.wait_dma2 semaphore(%arg27 : memref<!tpu.dma_semaphore, #tpu.memory_space<semaphore_mem>>) src(%dma_wait3A_530 : memref<8x128xi32, #tpu.memory_space<hbm>>) dst(%arg9 : memref<8x128xi32, #tpu.memory_space<vmem>>)
      } else {
      }
      %ge3A_77 = arith.constant 1 : i32
      %ge3A_78 = arith.cmpi sge, %mul3A_74, %ge3A_77 : i32
      %convert_element_type3A_79 = arith.extui %ge3A_78 : i1 to i32
      %cond3A_80 = arith.constant 0 : i32
      %cond3A_81 = arith.cmpi ne, %convert_element_type3A_79, %cond3A_80 : i32
      scf.if %cond3A_81 {
        %dma_wait3A_525 = arith.constant 0 : i32
        %dma_wait3A_526 = arith.constant 0 : i32
        %dma_wait3A_527 = tpu.memref_slice %arg9[%dma_wait3A_525, %dma_wait3A_526] : memref<8x128xi32, #tpu.memory_space<vmem>> -> memref<1x128xi32, #tpu.memory_space<vmem>>
        %dma_wait3A_528 = tpu.memref_squeeze %dma_wait3A_527 : memref<1x128xi32, #tpu.memory_space<vmem>> -> memref<128xi32, #tpu.memory_space<vmem>>
        %dma_wait3A_529 = arith.constant 0 : i32
        %dma_wait3A_530 = arith.constant 0 : i32
        %dma_wait3A_531 = tpu.memref_slice %arg15[%dma_wait3A_529, %dma_wait3A_530] : memref<10240x64xf32, #tpu.memory_space<vmem_shared>> -> memref<10240x64xf32, #tpu.memory_space<vmem_shared>>
        tpu.wait_indirect_dma semaphore(%arg23 : memref<!tpu.dma_semaphore, #tpu.memory_space<semaphore_mem>>) src(%arg13 : memref<128x64xf32, #tpu.memory_space<vmem>>) dst(%dma_wait3A_531 : memref<10240x64xf32, #tpu.memory_space<vmem_shared>>)
      } else {
      }
      %dma_start3A_82 = arith.constant 2 : i32
      %dma_start3A_83 = arith.constant 0 : i32
      %dma_start3A_84 = tpu.memref_slice %arg7[%dma_start3A_82, %dma_start3A_83] : memref<8x128xi32, #tpu.memory_space<vmem>> -> memref<1x128xi32, #tpu.memory_space<vmem>>
      %dma_start3A_85 = tpu.memref_squeeze %dma_start3A_84 : memref<1x128xi32, #tpu.memory_space<vmem>> -> memref<128xi32, #tpu.memory_space<vmem>>
      %dma_start3A_86 = arith.constant 0 : i32
      %dma_start3A_87 = arith.constant 0 : i32
      %dma_start3A_88 = tpu.memref_slice %arg16[%dma_start3A_86, %dma_start3A_87] : memref<10016x64xf32, #tpu.memory_space<vmem_shared>> -> memref<10016x64xf32, #tpu.memory_space<vmem_shared>>
      tpu.enqueue_indirect_dma source(%dma_start3A_88 : memref<10016x64xf32, #tpu.memory_space<vmem_shared>>) target(%arg13 : memref<128x64xf32, #tpu.memory_space<vmem>>) offsets(%dma_start3A_85 : memref<128xi32, #tpu.memory_space<vmem>>) semaphore(%arg19 : memref<!tpu.dma_semaphore, #tpu.memory_space<semaphore_mem>>)
      %dma_wait3A_89 = arith.constant 0 : i32
      %dma_wait3A_90 = arith.constant 0 : i32
      %dma_wait3A_91 = tpu.memref_slice %arg7[%dma_wait3A_89, %dma_wait3A_90] : memref<8x128xi32, #tpu.memory_space<vmem>> -> memref<1x128xi32, #tpu.memory_space<vmem>>
      %dma_wait3A_92 = tpu.memref_squeeze %dma_wait3A_91 : memref<1x128xi32, #tpu.memory_space<vmem>> -> memref<128xi32, #tpu.memory_space<vmem>>
      %dma_wait3A_93 = arith.constant 0 : i32
      %dma_wait3A_94 = arith.constant 0 : i32
      %dma_wait3A_95 = tpu.memref_slice %arg16[%dma_wait3A_93, %dma_wait3A_94] : memref<10016x64xf32, #tpu.memory_space<vmem_shared>> -> memref<10016x64xf32, #tpu.memory_space<vmem_shared>>
      tpu.wait_indirect_dma semaphore(%arg17 : memref<!tpu.dma_semaphore, #tpu.memory_space<semaphore_mem>>) src(%dma_wait3A_95 : memref<10016x64xf32, #tpu.memory_space<vmem_shared>>) dst(%arg11 : memref<128x64xf32, #tpu.memory_space<vmem>>)
      %dma_start3A_96 = arith.constant 0 : i32
      %dma_start3A_97 = arith.constant 0 : i32
      %dma_start3A_98 = tpu.memref_slice %arg9[%dma_start3A_96, %dma_start3A_97] : memref<8x128xi32, #tpu.memory_space<vmem>> -> memref<1x128xi32, #tpu.memory_space<vmem>>
      %dma_start3A_99 = tpu.memref_squeeze %dma_start3A_98 : memref<1x128xi32, #tpu.memory_space<vmem>> -> memref<128xi32, #tpu.memory_space<vmem>>
      %dma_start3A_100 = arith.constant 0 : i32
      %dma_start3A_101 = arith.constant 0 : i32
      %dma_start3A_102 = tpu.memref_slice %arg15[%dma_start3A_100, %dma_start3A_101] : memref<10240x64xf32, #tpu.memory_space<vmem_shared>> -> memref<10240x64xf32, #tpu.memory_space<vmem_shared>>
      tpu.enqueue_indirect_dma source(%arg11 : memref<128x64xf32, #tpu.memory_space<vmem>>) target(%dma_start3A_102 : memref<10240x64xf32, #tpu.memory_space<vmem_shared>>) offsets(%dma_start3A_99 : memref<128xi32, #tpu.memory_space<vmem>>) semaphore(%arg21 : memref<!tpu.dma_semaphore, #tpu.memory_space<semaphore_mem>>) {add = true}
      %add3A = arith.constant 1 : i32
      %add3A_103 = arith.addi %mul3A_74, %add3A : i32
      %lt3A = arith.constant 20 : i32
      %lt3A_104 = arith.cmpi slt, %add3A_103, %lt3A : i32
      %convert_element_type3A_105 = arith.extui %lt3A_104 : i1 to i32
      %cond3A_106 = arith.constant 0 : i32
      %cond3A_107 = arith.cmpi ne, %convert_element_type3A_105, %cond3A_106 : i32
      scf.if %cond3A_107 {
        %mul3A_525 = arith.constant 160 : i32
        %mul3A_526 = arith.muli %arg1, %mul3A_525 : i32
        %add3A_527 = arith.constant 1 : i32
        %add3A_528 = arith.addi %mul3A_74, %add3A_527 : i32
        %mul3A_529 = arith.constant 8 : i32
        %mul3A_530 = arith.muli %add3A_528, %mul3A_529 : i32
        %add3A_531 = arith.addi %mul3A_526, %mul3A_530 : i32
        %dma_start3A_532 = arith.constant 0 : i32
        %dma_start3A_533 = tpu.memref_slice %arg3[%add3A_531, %dma_start3A_532] : memref<2560x128xi32, #tpu.memory_space<hbm>> -> memref<8x128xi32, #tpu.memory_space<hbm>>
        %dma_start3A_534 = arith.constant 0 : i32
        %dma_start3A_535 = tpu.memref_slice %arg3[%add3A_531, %dma_start3A_534] : memref<2560x128xi32, #tpu.memory_space<hbm>> -> memref<8x128xi32, #tpu.memory_space<hbm>>
        tpu.enqueue_dma source(%dma_start3A_535 : memref<8x128xi32, #tpu.memory_space<hbm>>) target(%arg8 : memref<8x128xi32, #tpu.memory_space<vmem>>) target_semaphore(%arg26 : memref<!tpu.dma_semaphore, #tpu.memory_space<semaphore_mem>>)
      } else {
      }
      %ge3A_108 = arith.constant 1 : i32
      %ge3A_109 = arith.cmpi sge, %mul3A_74, %ge3A_108 : i32
      %convert_element_type3A_110 = arith.extui %ge3A_109 : i1 to i32
      %cond3A_111 = arith.constant 0 : i32
      %cond3A_112 = arith.cmpi ne, %convert_element_type3A_110, %cond3A_111 : i32
      scf.if %cond3A_112 {
        %dma_wait3A_525 = arith.constant 0 : i32
        %dma_wait3A_526 = arith.constant 0 : i32
        %dma_wait3A_527 = tpu.memref_slice %arg9[%dma_wait3A_525, %dma_wait3A_526] : memref<8x128xi32, #tpu.memory_space<vmem>> -> memref<1x128xi32, #tpu.memory_space<vmem>>
        %dma_wait3A_528 = tpu.memref_squeeze %dma_wait3A_527 : memref<1x128xi32, #tpu.memory_space<vmem>> -> memref<128xi32, #tpu.memory_space<vmem>>
        %dma_wait3A_529 = arith.constant 0 : i32
        %dma_wait3A_530 = arith.constant 0 : i32
        %dma_wait3A_531 = tpu.memref_slice %arg15[%dma_wait3A_529, %dma_wait3A_530] : memref<10240x64xf32, #tpu.memory_space<vmem_shared>> -> memref<10240x64xf32, #tpu.memory_space<vmem_shared>>
        tpu.wait_indirect_dma semaphore(%arg24 : memref<!tpu.dma_semaphore, #tpu.memory_space<semaphore_mem>>) src(%arg14 : memref<128x64xf32, #tpu.memory_space<vmem>>) dst(%dma_wait3A_531 : memref<10240x64xf32, #tpu.memory_space<vmem_shared>>)
      } else {
      }
      %dma_start3A_113 = arith.constant 3 : i32
      %dma_start3A_114 = arith.constant 0 : i32
      %dma_start3A_115 = tpu.memref_slice %arg7[%dma_start3A_113, %dma_start3A_114] : memref<8x128xi32, #tpu.memory_space<vmem>> -> memref<1x128xi32, #tpu.memory_space<vmem>>
      %dma_start3A_116 = tpu.memref_squeeze %dma_start3A_115 : memref<1x128xi32, #tpu.memory_space<vmem>> -> memref<128xi32, #tpu.memory_space<vmem>>
      %dma_start3A_117 = arith.constant 0 : i32
      %dma_start3A_118 = arith.constant 0 : i32
      %dma_start3A_119 = tpu.memref_slice %arg16[%dma_start3A_117, %dma_start3A_118] : memref<10016x64xf32, #tpu.memory_space<vmem_shared>> -> memref<10016x64xf32, #tpu.memory_space<vmem_shared>>
      tpu.enqueue_indirect_dma source(%dma_start3A_119 : memref<10016x64xf32, #tpu.memory_space<vmem_shared>>) target(%arg14 : memref<128x64xf32, #tpu.memory_space<vmem>>) offsets(%dma_start3A_116 : memref<128xi32, #tpu.memory_space<vmem>>) semaphore(%arg20 : memref<!tpu.dma_semaphore, #tpu.memory_space<semaphore_mem>>)
      %dma_wait3A_120 = arith.constant 1 : i32
      %dma_wait3A_121 = arith.constant 0 : i32
      %dma_wait3A_122 = tpu.memref_slice %arg7[%dma_wait3A_120, %dma_wait3A_121] : memref<8x128xi32, #tpu.memory_space<vmem>> -> memref<1x128xi32, #tpu.memory_space<vmem>>
      %dma_wait3A_123 = tpu.memref_squeeze %dma_wait3A_122 : memref<1x128xi32, #tpu.memory_space<vmem>> -> memref<128xi32, #tpu.memory_space<vmem>>
      %dma_wait3A_124 = arith.constant 0 : i32
      %dma_wait3A_125 = arith.constant 0 : i32
      %dma_wait3A_126 = tpu.memref_slice %arg16[%dma_wait3A_124, %dma_wait3A_125] : memref<10016x64xf32, #tpu.memory_space<vmem_shared>> -> memref<10016x64xf32, #tpu.memory_space<vmem_shared>>
      tpu.wait_indirect_dma semaphore(%arg18 : memref<!tpu.dma_semaphore, #tpu.memory_space<semaphore_mem>>) src(%dma_wait3A_126 : memref<10016x64xf32, #tpu.memory_space<vmem_shared>>) dst(%arg12 : memref<128x64xf32, #tpu.memory_space<vmem>>)
      %dma_start3A_127 = arith.constant 1 : i32
      %dma_start3A_128 = arith.constant 0 : i32
      %dma_start3A_129 = tpu.memref_slice %arg9[%dma_start3A_127, %dma_start3A_128] : memref<8x128xi32, #tpu.memory_space<vmem>> -> memref<1x128xi32, #tpu.memory_space<vmem>>
      %dma_start3A_130 = tpu.memref_squeeze %dma_start3A_129 : memref<1x128xi32, #tpu.memory_space<vmem>> -> memref<128xi32, #tpu.memory_space<vmem>>
      %dma_start3A_131 = arith.constant 0 : i32
      %dma_start3A_132 = arith.constant 0 : i32
      %dma_start3A_133 = tpu.memref_slice %arg15[%dma_start3A_131, %dma_start3A_132] : memref<10240x64xf32, #tpu.memory_space<vmem_shared>> -> memref<10240x64xf32, #tpu.memory_space<vmem_shared>>
      tpu.enqueue_indirect_dma source(%arg12 : memref<128x64xf32, #tpu.memory_space<vmem>>) target(%dma_start3A_133 : memref<10240x64xf32, #tpu.memory_space<vmem_shared>>) offsets(%dma_start3A_130 : memref<128xi32, #tpu.memory_space<vmem>>) semaphore(%arg22 : memref<!tpu.dma_semaphore, #tpu.memory_space<semaphore_mem>>) {add = true}
      %dma_wait3A_134 = arith.constant 0 : i32
      %dma_wait3A_135 = arith.constant 0 : i32
      %dma_wait3A_136 = tpu.memref_slice %arg9[%dma_wait3A_134, %dma_wait3A_135] : memref<8x128xi32, #tpu.memory_space<vmem>> -> memref<1x128xi32, #tpu.memory_space<vmem>>
      %dma_wait3A_137 = tpu.memref_squeeze %dma_wait3A_136 : memref<1x128xi32, #tpu.memory_space<vmem>> -> memref<128xi32, #tpu.memory_space<vmem>>
      %dma_wait3A_138 = arith.constant 0 : i32
      %dma_wait3A_139 = arith.constant 0 : i32
      %dma_wait3A_140 = tpu.memref_slice %arg15[%dma_wait3A_138, %dma_wait3A_139] : memref<10240x64xf32, #tpu.memory_space<vmem_shared>> -> memref<10240x64xf32, #tpu.memory_space<vmem_shared>>
      tpu.wait_indirect_dma semaphore(%arg21 : memref<!tpu.dma_semaphore, #tpu.memory_space<semaphore_mem>>) src(%arg11 : memref<128x64xf32, #tpu.memory_space<vmem>>) dst(%dma_wait3A_140 : memref<10240x64xf32, #tpu.memory_space<vmem_shared>>)
      %dma_start3A_141 = arith.constant 4 : i32
      %dma_start3A_142 = arith.constant 0 : i32
      %dma_start3A_143 = tpu.memref_slice %arg7[%dma_start3A_141, %dma_start3A_142] : memref<8x128xi32, #tpu.memory_space<vmem>> -> memref<1x128xi32, #tpu.memory_space<vmem>>
      %dma_start3A_144 = tpu.memref_squeeze %dma_start3A_143 : memref<1x128xi32, #tpu.memory_space<vmem>> -> memref<128xi32, #tpu.memory_space<vmem>>
      %dma_start3A_145 = arith.constant 0 : i32
      %dma_start3A_146 = arith.constant 0 : i32
      %dma_start3A_147 = tpu.memref_slice %arg16[%dma_start3A_145, %dma_start3A_146] : memref<10016x64xf32, #tpu.memory_space<vmem_shared>> -> memref<10016x64xf32, #tpu.memory_space<vmem_shared>>
      tpu.enqueue_indirect_dma source(%dma_start3A_147 : memref<10016x64xf32, #tpu.memory_space<vmem_shared>>) target(%arg11 : memref<128x64xf32, #tpu.memory_space<vmem>>) offsets(%dma_start3A_144 : memref<128xi32, #tpu.memory_space<vmem>>) semaphore(%arg17 : memref<!tpu.dma_semaphore, #tpu.memory_space<semaphore_mem>>)
      %dma_wait3A_148 = arith.constant 2 : i32
      %dma_wait3A_149 = arith.constant 0 : i32
      %dma_wait3A_150 = tpu.memref_slice %arg7[%dma_wait3A_148, %dma_wait3A_149] : memref<8x128xi32, #tpu.memory_space<vmem>> -> memref<1x128xi32, #tpu.memory_space<vmem>>
      %dma_wait3A_151 = tpu.memref_squeeze %dma_wait3A_150 : memref<1x128xi32, #tpu.memory_space<vmem>> -> memref<128xi32, #tpu.memory_space<vmem>>
      %dma_wait3A_152 = arith.constant 0 : i32
      %dma_wait3A_153 = arith.constant 0 : i32
      %dma_wait3A_154 = tpu.memref_slice %arg16[%dma_wait3A_152, %dma_wait3A_153] : memref<10016x64xf32, #tpu.memory_space<vmem_shared>> -> memref<10016x64xf32, #tpu.memory_space<vmem_shared>>
      tpu.wait_indirect_dma semaphore(%arg19 : memref<!tpu.dma_semaphore, #tpu.memory_space<semaphore_mem>>) src(%dma_wait3A_154 : memref<10016x64xf32, #tpu.memory_space<vmem_shared>>) dst(%arg13 : memref<128x64xf32, #tpu.memory_space<vmem>>)
      %dma_start3A_155 = arith.constant 2 : i32
      %dma_start3A_156 = arith.constant 0 : i32
      %dma_start3A_157 = tpu.memref_slice %arg9[%dma_start3A_155, %dma_start3A_156] : memref<8x128xi32, #tpu.memory_space<vmem>> -> memref<1x128xi32, #tpu.memory_space<vmem>>
      %dma_start3A_158 = tpu.memref_squeeze %dma_start3A_157 : memref<1x128xi32, #tpu.memory_space<vmem>> -> memref<128xi32, #tpu.memory_space<vmem>>
      %dma_start3A_159 = arith.constant 0 : i32
      %dma_start3A_160 = arith.constant 0 : i32
      %dma_start3A_161 = tpu.memref_slice %arg15[%dma_start3A_159, %dma_start3A_160] : memref<10240x64xf32, #tpu.memory_space<vmem_shared>> -> memref<10240x64xf32, #tpu.memory_space<vmem_shared>>
      tpu.enqueue_indirect_dma source(%arg13 : memref<128x64xf32, #tpu.memory_space<vmem>>) target(%dma_start3A_161 : memref<10240x64xf32, #tpu.memory_space<vmem_shared>>) offsets(%dma_start3A_158 : memref<128xi32, #tpu.memory_space<vmem>>) semaphore(%arg23 : memref<!tpu.dma_semaphore, #tpu.memory_space<semaphore_mem>>) {add = true}
      %add3A_162 = arith.constant 1 : i32
      %add3A_163 = arith.addi %mul3A_74, %add3A_162 : i32
      %lt3A_164 = arith.constant 20 : i32
      %lt3A_165 = arith.cmpi slt, %add3A_163, %lt3A_164 : i32
      %convert_element_type3A_166 = arith.extui %lt3A_165 : i1 to i32
      %cond3A_167 = arith.constant 0 : i32
      %cond3A_168 = arith.cmpi ne, %convert_element_type3A_166, %cond3A_167 : i32
      scf.if %cond3A_168 {
        %mul3A_525 = arith.constant 160 : i32
        %mul3A_526 = arith.muli %arg1, %mul3A_525 : i32
        %add3A_527 = arith.constant 1 : i32
        %add3A_528 = arith.addi %mul3A_74, %add3A_527 : i32
        %mul3A_529 = arith.constant 8 : i32
        %mul3A_530 = arith.muli %add3A_528, %mul3A_529 : i32
        %add3A_531 = arith.addi %mul3A_526, %mul3A_530 : i32
        %dma_start3A_532 = arith.constant 0 : i32
        %dma_start3A_533 = tpu.memref_slice %arg4[%add3A_531, %dma_start3A_532] : memref<2560x128xi32, #tpu.memory_space<hbm>> -> memref<8x128xi32, #tpu.memory_space<hbm>>
        %dma_start3A_534 = arith.constant 0 : i32
        %dma_start3A_535 = tpu.memref_slice %arg4[%add3A_531, %dma_start3A_534] : memref<2560x128xi32, #tpu.memory_space<hbm>> -> memref<8x128xi32, #tpu.memory_space<hbm>>
        tpu.enqueue_dma source(%dma_start3A_535 : memref<8x128xi32, #tpu.memory_space<hbm>>) target(%arg10 : memref<8x128xi32, #tpu.memory_space<vmem>>) target_semaphore(%arg28 : memref<!tpu.dma_semaphore, #tpu.memory_space<semaphore_mem>>)
      } else {
      }
      %dma_wait3A_169 = arith.constant 0 : i32
      %dma_wait3A_170 = arith.constant 0 : i32
      %dma_wait3A_171 = tpu.memref_slice %arg9[%dma_wait3A_169, %dma_wait3A_170] : memref<8x128xi32, #tpu.memory_space<vmem>> -> memref<1x128xi32, #tpu.memory_space<vmem>>
      %dma_wait3A_172 = tpu.memref_squeeze %dma_wait3A_171 : memref<1x128xi32, #tpu.memory_space<vmem>> -> memref<128xi32, #tpu.memory_space<vmem>>
      %dma_wait3A_173 = arith.constant 0 : i32
      %dma_wait3A_174 = arith.constant 0 : i32
      %dma_wait3A_175 = tpu.memref_slice %arg15[%dma_wait3A_173, %dma_wait3A_174] : memref<10240x64xf32, #tpu.memory_space<vmem_shared>> -> memref<10240x64xf32, #tpu.memory_space<vmem_shared>>
      tpu.wait_indirect_dma semaphore(%arg22 : memref<!tpu.dma_semaphore, #tpu.memory_space<semaphore_mem>>) src(%arg12 : memref<128x64xf32, #tpu.memory_space<vmem>>) dst(%dma_wait3A_175 : memref<10240x64xf32, #tpu.memory_space<vmem_shared>>)
      %dma_start3A_176 = arith.constant 5 : i32
      %dma_start3A_177 = arith.constant 0 : i32
      %dma_start3A_178 = tpu.memref_slice %arg7[%dma_start3A_176, %dma_start3A_177] : memref<8x128xi32, #tpu.memory_space<vmem>> -> memref<1x128xi32, #tpu.memory_space<vmem>>
      %dma_start3A_179 = tpu.memref_squeeze %dma_start3A_178 : memref<1x128xi32, #tpu.memory_space<vmem>> -> memref<128xi32, #tpu.memory_space<vmem>>
      %dma_start3A_180 = arith.constant 0 : i32
      %dma_start3A_181 = arith.constant 0 : i32
      %dma_start3A_182 = tpu.memref_slice %arg16[%dma_start3A_180, %dma_start3A_181] : memref<10016x64xf32, #tpu.memory_space<vmem_shared>> -> memref<10016x64xf32, #tpu.memory_space<vmem_shared>>
      tpu.enqueue_indirect_dma source(%dma_start3A_182 : memref<10016x64xf32, #tpu.memory_space<vmem_shared>>) target(%arg12 : memref<128x64xf32, #tpu.memory_space<vmem>>) offsets(%dma_start3A_179 : memref<128xi32, #tpu.memory_space<vmem>>) semaphore(%arg18 : memref<!tpu.dma_semaphore, #tpu.memory_space<semaphore_mem>>)
      %dma_wait3A_183 = arith.constant 3 : i32
      %dma_wait3A_184 = arith.constant 0 : i32
      %dma_wait3A_185 = tpu.memref_slice %arg7[%dma_wait3A_183, %dma_wait3A_184] : memref<8x128xi32, #tpu.memory_space<vmem>> -> memref<1x128xi32, #tpu.memory_space<vmem>>
      %dma_wait3A_186 = tpu.memref_squeeze %dma_wait3A_185 : memref<1x128xi32, #tpu.memory_space<vmem>> -> memref<128xi32, #tpu.memory_space<vmem>>
      %dma_wait3A_187 = arith.constant 0 : i32
      %dma_wait3A_188 = arith.constant 0 : i32
      %dma_wait3A_189 = tpu.memref_slice %arg16[%dma_wait3A_187, %dma_wait3A_188] : memref<10016x64xf32, #tpu.memory_space<vmem_shared>> -> memref<10016x64xf32, #tpu.memory_space<vmem_shared>>
      tpu.wait_indirect_dma semaphore(%arg20 : memref<!tpu.dma_semaphore, #tpu.memory_space<semaphore_mem>>) src(%dma_wait3A_189 : memref<10016x64xf32, #tpu.memory_space<vmem_shared>>) dst(%arg14 : memref<128x64xf32, #tpu.memory_space<vmem>>)
      %dma_start3A_190 = arith.constant 3 : i32
      %dma_start3A_191 = arith.constant 0 : i32
      %dma_start3A_192 = tpu.memref_slice %arg9[%dma_start3A_190, %dma_start3A_191] : memref<8x128xi32, #tpu.memory_space<vmem>> -> memref<1x128xi32, #tpu.memory_space<vmem>>
      %dma_start3A_193 = tpu.memref_squeeze %dma_start3A_192 : memref<1x128xi32, #tpu.memory_space<vmem>> -> memref<128xi32, #tpu.memory_space<vmem>>
      %dma_start3A_194 = arith.constant 0 : i32
      %dma_start3A_195 = arith.constant 0 : i32
      %dma_start3A_196 = tpu.memref_slice %arg15[%dma_start3A_194, %dma_start3A_195] : memref<10240x64xf32, #tpu.memory_space<vmem_shared>> -> memref<10240x64xf32, #tpu.memory_space<vmem_shared>>
      tpu.enqueue_indirect_dma source(%arg14 : memref<128x64xf32, #tpu.memory_space<vmem>>) target(%dma_start3A_196 : memref<10240x64xf32, #tpu.memory_space<vmem_shared>>) offsets(%dma_start3A_193 : memref<128xi32, #tpu.memory_space<vmem>>) semaphore(%arg24 : memref<!tpu.dma_semaphore, #tpu.memory_space<semaphore_mem>>) {add = true}
      %dma_wait3A_197 = arith.constant 0 : i32
      %dma_wait3A_198 = arith.constant 0 : i32
      %dma_wait3A_199 = tpu.memref_slice %arg9[%dma_wait3A_197, %dma_wait3A_198] : memref<8x128xi32, #tpu.memory_space<vmem>> -> memref<1x128xi32, #tpu.memory_space<vmem>>
      %dma_wait3A_200 = tpu.memref_squeeze %dma_wait3A_199 : memref<1x128xi32, #tpu.memory_space<vmem>> -> memref<128xi32, #tpu.memory_space<vmem>>
      %dma_wait3A_201 = arith.constant 0 : i32
      %dma_wait3A_202 = arith.constant 0 : i32
      %dma_wait3A_203 = tpu.memref_slice %arg15[%dma_wait3A_201, %dma_wait3A_202] : memref<10240x64xf32, #tpu.memory_space<vmem_shared>> -> memref<10240x64xf32, #tpu.memory_space<vmem_shared>>
      tpu.wait_indirect_dma semaphore(%arg23 : memref<!tpu.dma_semaphore, #tpu.memory_space<semaphore_mem>>) src(%arg13 : memref<128x64xf32, #tpu.memory_space<vmem>>) dst(%dma_wait3A_203 : memref<10240x64xf32, #tpu.memory_space<vmem_shared>>)
      %dma_start3A_204 = arith.constant 6 : i32
      %dma_start3A_205 = arith.constant 0 : i32
      %dma_start3A_206 = tpu.memref_slice %arg7[%dma_start3A_204, %dma_start3A_205] : memref<8x128xi32, #tpu.memory_space<vmem>> -> memref<1x128xi32, #tpu.memory_space<vmem>>
      %dma_start3A_207 = tpu.memref_squeeze %dma_start3A_206 : memref<1x128xi32, #tpu.memory_space<vmem>> -> memref<128xi32, #tpu.memory_space<vmem>>
      %dma_start3A_208 = arith.constant 0 : i32
      %dma_start3A_209 = arith.constant 0 : i32
      %dma_start3A_210 = tpu.memref_slice %arg16[%dma_start3A_208, %dma_start3A_209] : memref<10016x64xf32, #tpu.memory_space<vmem_shared>> -> memref<10016x64xf32, #tpu.memory_space<vmem_shared>>
      tpu.enqueue_indirect_dma source(%dma_start3A_210 : memref<10016x64xf32, #tpu.memory_space<vmem_shared>>) target(%arg13 : memref<128x64xf32, #tpu.memory_space<vmem>>) offsets(%dma_start3A_207 : memref<128xi32, #tpu.memory_space<vmem>>) semaphore(%arg19 : memref<!tpu.dma_semaphore, #tpu.memory_space<semaphore_mem>>)
      %dma_wait3A_211 = arith.constant 4 : i32
      %dma_wait3A_212 = arith.constant 0 : i32
      %dma_wait3A_213 = tpu.memref_slice %arg7[%dma_wait3A_211, %dma_wait3A_212] : memref<8x128xi32, #tpu.memory_space<vmem>> -> memref<1x128xi32, #tpu.memory_space<vmem>>
      %dma_wait3A_214 = tpu.memref_squeeze %dma_wait3A_213 : memref<1x128xi32, #tpu.memory_space<vmem>> -> memref<128xi32, #tpu.memory_space<vmem>>
      %dma_wait3A_215 = arith.constant 0 : i32
      %dma_wait3A_216 = arith.constant 0 : i32
      %dma_wait3A_217 = tpu.memref_slice %arg16[%dma_wait3A_215, %dma_wait3A_216] : memref<10016x64xf32, #tpu.memory_space<vmem_shared>> -> memref<10016x64xf32, #tpu.memory_space<vmem_shared>>
      tpu.wait_indirect_dma semaphore(%arg17 : memref<!tpu.dma_semaphore, #tpu.memory_space<semaphore_mem>>) src(%dma_wait3A_217 : memref<10016x64xf32, #tpu.memory_space<vmem_shared>>) dst(%arg11 : memref<128x64xf32, #tpu.memory_space<vmem>>)
      %dma_start3A_218 = arith.constant 4 : i32
      %dma_start3A_219 = arith.constant 0 : i32
      %dma_start3A_220 = tpu.memref_slice %arg9[%dma_start3A_218, %dma_start3A_219] : memref<8x128xi32, #tpu.memory_space<vmem>> -> memref<1x128xi32, #tpu.memory_space<vmem>>
      %dma_start3A_221 = tpu.memref_squeeze %dma_start3A_220 : memref<1x128xi32, #tpu.memory_space<vmem>> -> memref<128xi32, #tpu.memory_space<vmem>>
      %dma_start3A_222 = arith.constant 0 : i32
      %dma_start3A_223 = arith.constant 0 : i32
      %dma_start3A_224 = tpu.memref_slice %arg15[%dma_start3A_222, %dma_start3A_223] : memref<10240x64xf32, #tpu.memory_space<vmem_shared>> -> memref<10240x64xf32, #tpu.memory_space<vmem_shared>>
      tpu.enqueue_indirect_dma source(%arg11 : memref<128x64xf32, #tpu.memory_space<vmem>>) target(%dma_start3A_224 : memref<10240x64xf32, #tpu.memory_space<vmem_shared>>) offsets(%dma_start3A_221 : memref<128xi32, #tpu.memory_space<vmem>>) semaphore(%arg21 : memref<!tpu.dma_semaphore, #tpu.memory_space<semaphore_mem>>) {add = true}
      %dma_wait3A_225 = arith.constant 0 : i32
      %dma_wait3A_226 = arith.constant 0 : i32
      %dma_wait3A_227 = tpu.memref_slice %arg9[%dma_wait3A_225, %dma_wait3A_226] : memref<8x128xi32, #tpu.memory_space<vmem>> -> memref<1x128xi32, #tpu.memory_space<vmem>>
      %dma_wait3A_228 = tpu.memref_squeeze %dma_wait3A_227 : memref<1x128xi32, #tpu.memory_space<vmem>> -> memref<128xi32, #tpu.memory_space<vmem>>
      %dma_wait3A_229 = arith.constant 0 : i32
      %dma_wait3A_230 = arith.constant 0 : i32
      %dma_wait3A_231 = tpu.memref_slice %arg15[%dma_wait3A_229, %dma_wait3A_230] : memref<10240x64xf32, #tpu.memory_space<vmem_shared>> -> memref<10240x64xf32, #tpu.memory_space<vmem_shared>>
      tpu.wait_indirect_dma semaphore(%arg24 : memref<!tpu.dma_semaphore, #tpu.memory_space<semaphore_mem>>) src(%arg14 : memref<128x64xf32, #tpu.memory_space<vmem>>) dst(%dma_wait3A_231 : memref<10240x64xf32, #tpu.memory_space<vmem_shared>>)
      %dma_start3A_232 = arith.constant 7 : i32
      %dma_start3A_233 = arith.constant 0 : i32
      %dma_start3A_234 = tpu.memref_slice %arg7[%dma_start3A_232, %dma_start3A_233] : memref<8x128xi32, #tpu.memory_space<vmem>> -> memref<1x128xi32, #tpu.memory_space<vmem>>
      %dma_start3A_235 = tpu.memref_squeeze %dma_start3A_234 : memref<1x128xi32, #tpu.memory_space<vmem>> -> memref<128xi32, #tpu.memory_space<vmem>>
      %dma_start3A_236 = arith.constant 0 : i32
      %dma_start3A_237 = arith.constant 0 : i32
      %dma_start3A_238 = tpu.memref_slice %arg16[%dma_start3A_236, %dma_start3A_237] : memref<10016x64xf32, #tpu.memory_space<vmem_shared>> -> memref<10016x64xf32, #tpu.memory_space<vmem_shared>>
      tpu.enqueue_indirect_dma source(%dma_start3A_238 : memref<10016x64xf32, #tpu.memory_space<vmem_shared>>) target(%arg14 : memref<128x64xf32, #tpu.memory_space<vmem>>) offsets(%dma_start3A_235 : memref<128xi32, #tpu.memory_space<vmem>>) semaphore(%arg20 : memref<!tpu.dma_semaphore, #tpu.memory_space<semaphore_mem>>)
      %dma_wait3A_239 = arith.constant 5 : i32
      %dma_wait3A_240 = arith.constant 0 : i32
      %dma_wait3A_241 = tpu.memref_slice %arg7[%dma_wait3A_239, %dma_wait3A_240] : memref<8x128xi32, #tpu.memory_space<vmem>> -> memref<1x128xi32, #tpu.memory_space<vmem>>
      %dma_wait3A_242 = tpu.memref_squeeze %dma_wait3A_241 : memref<1x128xi32, #tpu.memory_space<vmem>> -> memref<128xi32, #tpu.memory_space<vmem>>
      %dma_wait3A_243 = arith.constant 0 : i32
      %dma_wait3A_244 = arith.constant 0 : i32
      %dma_wait3A_245 = tpu.memref_slice %arg16[%dma_wait3A_243, %dma_wait3A_244] : memref<10016x64xf32, #tpu.memory_space<vmem_shared>> -> memref<10016x64xf32, #tpu.memory_space<vmem_shared>>
      tpu.wait_indirect_dma semaphore(%arg18 : memref<!tpu.dma_semaphore, #tpu.memory_space<semaphore_mem>>) src(%dma_wait3A_245 : memref<10016x64xf32, #tpu.memory_space<vmem_shared>>) dst(%arg12 : memref<128x64xf32, #tpu.memory_space<vmem>>)
      %dma_start3A_246 = arith.constant 5 : i32
      %dma_start3A_247 = arith.constant 0 : i32
      %dma_start3A_248 = tpu.memref_slice %arg9[%dma_start3A_246, %dma_start3A_247] : memref<8x128xi32, #tpu.memory_space<vmem>> -> memref<1x128xi32, #tpu.memory_space<vmem>>
      %dma_start3A_249 = tpu.memref_squeeze %dma_start3A_248 : memref<1x128xi32, #tpu.memory_space<vmem>> -> memref<128xi32, #tpu.memory_space<vmem>>
      %dma_start3A_250 = arith.constant 0 : i32
      %dma_start3A_251 = arith.constant 0 : i32
      %dma_start3A_252 = tpu.memref_slice %arg15[%dma_start3A_250, %dma_start3A_251] : memref<10240x64xf32, #tpu.memory_space<vmem_shared>> -> memref<10240x64xf32, #tpu.memory_space<vmem_shared>>
      tpu.enqueue_indirect_dma source(%arg12 : memref<128x64xf32, #tpu.memory_space<vmem>>) target(%dma_start3A_252 : memref<10240x64xf32, #tpu.memory_space<vmem_shared>>) offsets(%dma_start3A_249 : memref<128xi32, #tpu.memory_space<vmem>>) semaphore(%arg22 : memref<!tpu.dma_semaphore, #tpu.memory_space<semaphore_mem>>) {add = true}
      %add3A_253 = arith.constant 1 : i32
      %add3A_254 = arith.addi %mul3A_74, %add3A_253 : i32
      %lt3A_255 = arith.constant 20 : i32
      %lt3A_256 = arith.cmpi slt, %add3A_254, %lt3A_255 : i32
      %convert_element_type3A_257 = arith.extui %lt3A_256 : i1 to i32
      %cond3A_258 = arith.constant 0 : i32
      %cond3A_259 = arith.cmpi ne, %convert_element_type3A_257, %cond3A_258 : i32
      scf.if %cond3A_259 {
        %dma_wait3A_525 = arith.constant 0 : i32
        %dma_wait3A_526 = arith.constant 0 : i32
        %dma_wait3A_527 = tpu.memref_slice %arg9[%dma_wait3A_525, %dma_wait3A_526] : memref<8x128xi32, #tpu.memory_space<vmem>> -> memref<1x128xi32, #tpu.memory_space<vmem>>
        %dma_wait3A_528 = tpu.memref_squeeze %dma_wait3A_527 : memref<1x128xi32, #tpu.memory_space<vmem>> -> memref<128xi32, #tpu.memory_space<vmem>>
        %dma_wait3A_529 = arith.constant 0 : i32
        %dma_wait3A_530 = arith.constant 0 : i32
        %dma_wait3A_531 = tpu.memref_slice %arg15[%dma_wait3A_529, %dma_wait3A_530] : memref<10240x64xf32, #tpu.memory_space<vmem_shared>> -> memref<10240x64xf32, #tpu.memory_space<vmem_shared>>
        tpu.wait_indirect_dma semaphore(%arg21 : memref<!tpu.dma_semaphore, #tpu.memory_space<semaphore_mem>>) src(%arg11 : memref<128x64xf32, #tpu.memory_space<vmem>>) dst(%dma_wait3A_531 : memref<10240x64xf32, #tpu.memory_space<vmem_shared>>)
        %mul3A_532 = arith.constant 160 : i32
        %mul3A_533 = arith.muli %arg1, %mul3A_532 : i32
        %dma_wait3A_534 = arith.constant 0 : i32
        %dma_wait3A_535 = tpu.memref_slice %arg3[%mul3A_533, %dma_wait3A_534] : memref<2560x128xi32, #tpu.memory_space<hbm>> -> memref<8x128xi32, #tpu.memory_space<hbm>>
        %dma_wait3A_536 = arith.constant 0 : i32
        %dma_wait3A_537 = tpu.memref_slice %arg3[%mul3A_533, %dma_wait3A_536] : memref<2560x128xi32, #tpu.memory_space<hbm>> -> memref<8x128xi32, #tpu.memory_space<hbm>>
        tpu.wait_dma2 semaphore(%arg26 : memref<!tpu.dma_semaphore, #tpu.memory_space<semaphore_mem>>) src(%dma_wait3A_537 : memref<8x128xi32, #tpu.memory_space<hbm>>) dst(%arg8 : memref<8x128xi32, #tpu.memory_space<vmem>>)
        %dma_start3A_538 = arith.constant 0 : i32
        %dma_start3A_539 = arith.constant 0 : i32
        %dma_start3A_540 = tpu.memref_slice %arg8[%dma_start3A_538, %dma_start3A_539] : memref<8x128xi32, #tpu.memory_space<vmem>> -> memref<1x128xi32, #tpu.memory_space<vmem>>
        %dma_start3A_541 = tpu.memref_squeeze %dma_start3A_540 : memref<1x128xi32, #tpu.memory_space<vmem>> -> memref<128xi32, #tpu.memory_space<vmem>>
        %dma_start3A_542 = arith.constant 0 : i32
        %dma_start3A_543 = arith.constant 0 : i32
        %dma_start3A_544 = tpu.memref_slice %arg16[%dma_start3A_542, %dma_start3A_543] : memref<10016x64xf32, #tpu.memory_space<vmem_shared>> -> memref<10016x64xf32, #tpu.memory_space<vmem_shared>>
        tpu.enqueue_indirect_dma source(%dma_start3A_544 : memref<10016x64xf32, #tpu.memory_space<vmem_shared>>) target(%arg11 : memref<128x64xf32, #tpu.memory_space<vmem>>) offsets(%dma_start3A_541 : memref<128xi32, #tpu.memory_space<vmem>>) semaphore(%arg17 : memref<!tpu.dma_semaphore, #tpu.memory_space<semaphore_mem>>)
      } else {
      }
      %dma_wait3A_260 = arith.constant 6 : i32
      %dma_wait3A_261 = arith.constant 0 : i32
      %dma_wait3A_262 = tpu.memref_slice %arg7[%dma_wait3A_260, %dma_wait3A_261] : memref<8x128xi32, #tpu.memory_space<vmem>> -> memref<1x128xi32, #tpu.memory_space<vmem>>
      %dma_wait3A_263 = tpu.memref_squeeze %dma_wait3A_262 : memref<1x128xi32, #tpu.memory_space<vmem>> -> memref<128xi32, #tpu.memory_space<vmem>>
      %dma_wait3A_264 = arith.constant 0 : i32
      %dma_wait3A_265 = arith.constant 0 : i32
      %dma_wait3A_266 = tpu.memref_slice %arg16[%dma_wait3A_264, %dma_wait3A_265] : memref<10016x64xf32, #tpu.memory_space<vmem_shared>> -> memref<10016x64xf32, #tpu.memory_space<vmem_shared>>
      tpu.wait_indirect_dma semaphore(%arg19 : memref<!tpu.dma_semaphore, #tpu.memory_space<semaphore_mem>>) src(%dma_wait3A_266 : memref<10016x64xf32, #tpu.memory_space<vmem_shared>>) dst(%arg13 : memref<128x64xf32, #tpu.memory_space<vmem>>)
      %dma_start3A_267 = arith.constant 6 : i32
      %dma_start3A_268 = arith.constant 0 : i32
      %dma_start3A_269 = tpu.memref_slice %arg9[%dma_start3A_267, %dma_start3A_268] : memref<8x128xi32, #tpu.memory_space<vmem>> -> memref<1x128xi32, #tpu.memory_space<vmem>>
      %dma_start3A_270 = tpu.memref_squeeze %dma_start3A_269 : memref<1x128xi32, #tpu.memory_space<vmem>> -> memref<128xi32, #tpu.memory_space<vmem>>
      %dma_start3A_271 = arith.constant 0 : i32
      %dma_start3A_272 = arith.constant 0 : i32
      %dma_start3A_273 = tpu.memref_slice %arg15[%dma_start3A_271, %dma_start3A_272] : memref<10240x64xf32, #tpu.memory_space<vmem_shared>> -> memref<10240x64xf32, #tpu.memory_space<vmem_shared>>
      tpu.enqueue_indirect_dma source(%arg13 : memref<128x64xf32, #tpu.memory_space<vmem>>) target(%dma_start3A_273 : memref<10240x64xf32, #tpu.memory_space<vmem_shared>>) offsets(%dma_start3A_270 : memref<128xi32, #tpu.memory_space<vmem>>) semaphore(%arg23 : memref<!tpu.dma_semaphore, #tpu.memory_space<semaphore_mem>>) {add = true}
      %add3A_274 = arith.constant 1 : i32
      %add3A_275 = arith.addi %mul3A_74, %add3A_274 : i32
      %lt3A_276 = arith.constant 20 : i32
      %lt3A_277 = arith.cmpi slt, %add3A_275, %lt3A_276 : i32
      %convert_element_type3A_278 = arith.extui %lt3A_277 : i1 to i32
      %cond3A_279 = arith.constant 0 : i32
      %cond3A_280 = arith.cmpi ne, %convert_element_type3A_278, %cond3A_279 : i32
      scf.if %cond3A_280 {
        %dma_wait3A_525 = arith.constant 0 : i32
        %dma_wait3A_526 = arith.constant 0 : i32
        %dma_wait3A_527 = tpu.memref_slice %arg9[%dma_wait3A_525, %dma_wait3A_526] : memref<8x128xi32, #tpu.memory_space<vmem>> -> memref<1x128xi32, #tpu.memory_space<vmem>>
        %dma_wait3A_528 = tpu.memref_squeeze %dma_wait3A_527 : memref<1x128xi32, #tpu.memory_space<vmem>> -> memref<128xi32, #tpu.memory_space<vmem>>
        %dma_wait3A_529 = arith.constant 0 : i32
        %dma_wait3A_530 = arith.constant 0 : i32
        %dma_wait3A_531 = tpu.memref_slice %arg15[%dma_wait3A_529, %dma_wait3A_530] : memref<10240x64xf32, #tpu.memory_space<vmem_shared>> -> memref<10240x64xf32, #tpu.memory_space<vmem_shared>>
        tpu.wait_indirect_dma semaphore(%arg22 : memref<!tpu.dma_semaphore, #tpu.memory_space<semaphore_mem>>) src(%arg12 : memref<128x64xf32, #tpu.memory_space<vmem>>) dst(%dma_wait3A_531 : memref<10240x64xf32, #tpu.memory_space<vmem_shared>>)
        %dma_start3A_532 = arith.constant 1 : i32
        %dma_start3A_533 = arith.constant 0 : i32
        %dma_start3A_534 = tpu.memref_slice %arg8[%dma_start3A_532, %dma_start3A_533] : memref<8x128xi32, #tpu.memory_space<vmem>> -> memref<1x128xi32, #tpu.memory_space<vmem>>
        %dma_start3A_535 = tpu.memref_squeeze %dma_start3A_534 : memref<1x128xi32, #tpu.memory_space<vmem>> -> memref<128xi32, #tpu.memory_space<vmem>>
        %dma_start3A_536 = arith.constant 0 : i32
        %dma_start3A_537 = arith.constant 0 : i32
        %dma_start3A_538 = tpu.memref_slice %arg16[%dma_start3A_536, %dma_start3A_537] : memref<10016x64xf32, #tpu.memory_space<vmem_shared>> -> memref<10016x64xf32, #tpu.memory_space<vmem_shared>>
        tpu.enqueue_indirect_dma source(%dma_start3A_538 : memref<10016x64xf32, #tpu.memory_space<vmem_shared>>) target(%arg12 : memref<128x64xf32, #tpu.memory_space<vmem>>) offsets(%dma_start3A_535 : memref<128xi32, #tpu.memory_space<vmem>>) semaphore(%arg18 : memref<!tpu.dma_semaphore, #tpu.memory_space<semaphore_mem>>)
      } else {
      }
      %dma_wait3A_281 = arith.constant 7 : i32
      %dma_wait3A_282 = arith.constant 0 : i32
      %dma_wait3A_283 = tpu.memref_slice %arg7[%dma_wait3A_281, %dma_wait3A_282] : memref<8x128xi32, #tpu.memory_space<vmem>> -> memref<1x128xi32, #tpu.memory_space<vmem>>
      %dma_wait3A_284 = tpu.memref_squeeze %dma_wait3A_283 : memref<1x128xi32, #tpu.memory_space<vmem>> -> memref<128xi32, #tpu.memory_space<vmem>>
      %dma_wait3A_285 = arith.constant 0 : i32
      %dma_wait3A_286 = arith.constant 0 : i32
      %dma_wait3A_287 = tpu.memref_slice %arg16[%dma_wait3A_285, %dma_wait3A_286] : memref<10016x64xf32, #tpu.memory_space<vmem_shared>> -> memref<10016x64xf32, #tpu.memory_space<vmem_shared>>
      tpu.wait_indirect_dma semaphore(%arg20 : memref<!tpu.dma_semaphore, #tpu.memory_space<semaphore_mem>>) src(%dma_wait3A_287 : memref<10016x64xf32, #tpu.memory_space<vmem_shared>>) dst(%arg14 : memref<128x64xf32, #tpu.memory_space<vmem>>)
      %dma_start3A_288 = arith.constant 7 : i32
      %dma_start3A_289 = arith.constant 0 : i32
      %dma_start3A_290 = tpu.memref_slice %arg9[%dma_start3A_288, %dma_start3A_289] : memref<8x128xi32, #tpu.memory_space<vmem>> -> memref<1x128xi32, #tpu.memory_space<vmem>>
      %dma_start3A_291 = tpu.memref_squeeze %dma_start3A_290 : memref<1x128xi32, #tpu.memory_space<vmem>> -> memref<128xi32, #tpu.memory_space<vmem>>
      %dma_start3A_292 = arith.constant 0 : i32
      %dma_start3A_293 = arith.constant 0 : i32
      %dma_start3A_294 = tpu.memref_slice %arg15[%dma_start3A_292, %dma_start3A_293] : memref<10240x64xf32, #tpu.memory_space<vmem_shared>> -> memref<10240x64xf32, #tpu.memory_space<vmem_shared>>
      tpu.enqueue_indirect_dma source(%arg14 : memref<128x64xf32, #tpu.memory_space<vmem>>) target(%dma_start3A_294 : memref<10240x64xf32, #tpu.memory_space<vmem_shared>>) offsets(%dma_start3A_291 : memref<128xi32, #tpu.memory_space<vmem>>) semaphore(%arg24 : memref<!tpu.dma_semaphore, #tpu.memory_space<semaphore_mem>>) {add = true}
      %mul3A_295 = arith.constant 2 : i32
      %mul3A_296 = arith.muli %mul3A_295, %scan3A_71 : i32
      %add3A_297 = arith.constant 1 : i32
      %add3A_298 = arith.addi %mul3A_296, %add3A_297 : i32
      %ge3A_299 = arith.constant 1 : i32
      %ge3A_300 = arith.cmpi sge, %add3A_298, %ge3A_299 : i32
      %convert_element_type3A_301 = arith.extui %ge3A_300 : i1 to i32
      %cond3A_302 = arith.constant 0 : i32
      %cond3A_303 = arith.cmpi ne, %convert_element_type3A_301, %cond3A_302 : i32
      scf.if %cond3A_303 {
        %mul3A_525 = arith.constant 160 : i32
        %mul3A_526 = arith.muli %arg1, %mul3A_525 : i32
        %dma_wait3A_527 = arith.constant 0 : i32
        %dma_wait3A_528 = tpu.memref_slice %arg4[%mul3A_526, %dma_wait3A_527] : memref<2560x128xi32, #tpu.memory_space<hbm>> -> memref<8x128xi32, #tpu.memory_space<hbm>>
        %dma_wait3A_529 = arith.constant 0 : i32
        %dma_wait3A_530 = tpu.memref_slice %arg4[%mul3A_526, %dma_wait3A_529] : memref<2560x128xi32, #tpu.memory_space<hbm>> -> memref<8x128xi32, #tpu.memory_space<hbm>>
        tpu.wait_dma2 semaphore(%arg28 : memref<!tpu.dma_semaphore, #tpu.memory_space<semaphore_mem>>) src(%dma_wait3A_530 : memref<8x128xi32, #tpu.memory_space<hbm>>) dst(%arg10 : memref<8x128xi32, #tpu.memory_space<vmem>>)
      } else {
      }
      %ge3A_304 = arith.constant 1 : i32
      %ge3A_305 = arith.cmpi sge, %add3A_298, %ge3A_304 : i32
      %convert_element_type3A_306 = arith.extui %ge3A_305 : i1 to i32
      %cond3A_307 = arith.constant 0 : i32
      %cond3A_308 = arith.cmpi ne, %convert_element_type3A_306, %cond3A_307 : i32
      scf.if %cond3A_308 {
        %dma_wait3A_525 = arith.constant 0 : i32
        %dma_wait3A_526 = arith.constant 0 : i32
        %dma_wait3A_527 = tpu.memref_slice %arg9[%dma_wait3A_525, %dma_wait3A_526] : memref<8x128xi32, #tpu.memory_space<vmem>> -> memref<1x128xi32, #tpu.memory_space<vmem>>
        %dma_wait3A_528 = tpu.memref_squeeze %dma_wait3A_527 : memref<1x128xi32, #tpu.memory_space<vmem>> -> memref<128xi32, #tpu.memory_space<vmem>>
        %dma_wait3A_529 = arith.constant 0 : i32
        %dma_wait3A_530 = arith.constant 0 : i32
        %dma_wait3A_531 = tpu.memref_slice %arg15[%dma_wait3A_529, %dma_wait3A_530] : memref<10240x64xf32, #tpu.memory_space<vmem_shared>> -> memref<10240x64xf32, #tpu.memory_space<vmem_shared>>
        tpu.wait_indirect_dma semaphore(%arg23 : memref<!tpu.dma_semaphore, #tpu.memory_space<semaphore_mem>>) src(%arg13 : memref<128x64xf32, #tpu.memory_space<vmem>>) dst(%dma_wait3A_531 : memref<10240x64xf32, #tpu.memory_space<vmem_shared>>)
      } else {
      }
      %dma_start3A_309 = arith.constant 2 : i32
      %dma_start3A_310 = arith.constant 0 : i32
      %dma_start3A_311 = tpu.memref_slice %arg8[%dma_start3A_309, %dma_start3A_310] : memref<8x128xi32, #tpu.memory_space<vmem>> -> memref<1x128xi32, #tpu.memory_space<vmem>>
      %dma_start3A_312 = tpu.memref_squeeze %dma_start3A_311 : memref<1x128xi32, #tpu.memory_space<vmem>> -> memref<128xi32, #tpu.memory_space<vmem>>
      %dma_start3A_313 = arith.constant 0 : i32
      %dma_start3A_314 = arith.constant 0 : i32
      %dma_start3A_315 = tpu.memref_slice %arg16[%dma_start3A_313, %dma_start3A_314] : memref<10016x64xf32, #tpu.memory_space<vmem_shared>> -> memref<10016x64xf32, #tpu.memory_space<vmem_shared>>
      tpu.enqueue_indirect_dma source(%dma_start3A_315 : memref<10016x64xf32, #tpu.memory_space<vmem_shared>>) target(%arg13 : memref<128x64xf32, #tpu.memory_space<vmem>>) offsets(%dma_start3A_312 : memref<128xi32, #tpu.memory_space<vmem>>) semaphore(%arg19 : memref<!tpu.dma_semaphore, #tpu.memory_space<semaphore_mem>>)
      %dma_wait3A_316 = arith.constant 0 : i32
      %dma_wait3A_317 = arith.constant 0 : i32
      %dma_wait3A_318 = tpu.memref_slice %arg8[%dma_wait3A_316, %dma_wait3A_317] : memref<8x128xi32, #tpu.memory_space<vmem>> -> memref<1x128xi32, #tpu.memory_space<vmem>>
      %dma_wait3A_319 = tpu.memref_squeeze %dma_wait3A_318 : memref<1x128xi32, #tpu.memory_space<vmem>> -> memref<128xi32, #tpu.memory_space<vmem>>
      %dma_wait3A_320 = arith.constant 0 : i32
      %dma_wait3A_321 = arith.constant 0 : i32
      %dma_wait3A_322 = tpu.memref_slice %arg16[%dma_wait3A_320, %dma_wait3A_321] : memref<10016x64xf32, #tpu.memory_space<vmem_shared>> -> memref<10016x64xf32, #tpu.memory_space<vmem_shared>>
      tpu.wait_indirect_dma semaphore(%arg17 : memref<!tpu.dma_semaphore, #tpu.memory_space<semaphore_mem>>) src(%dma_wait3A_322 : memref<10016x64xf32, #tpu.memory_space<vmem_shared>>) dst(%arg11 : memref<128x64xf32, #tpu.memory_space<vmem>>)
      %dma_start3A_323 = arith.constant 0 : i32
      %dma_start3A_324 = arith.constant 0 : i32
      %dma_start3A_325 = tpu.memref_slice %arg10[%dma_start3A_323, %dma_start3A_324] : memref<8x128xi32, #tpu.memory_space<vmem>> -> memref<1x128xi32, #tpu.memory_space<vmem>>
      %dma_start3A_326 = tpu.memref_squeeze %dma_start3A_325 : memref<1x128xi32, #tpu.memory_space<vmem>> -> memref<128xi32, #tpu.memory_space<vmem>>
      %dma_start3A_327 = arith.constant 0 : i32
      %dma_start3A_328 = arith.constant 0 : i32
      %dma_start3A_329 = tpu.memref_slice %arg15[%dma_start3A_327, %dma_start3A_328] : memref<10240x64xf32, #tpu.memory_space<vmem_shared>> -> memref<10240x64xf32, #tpu.memory_space<vmem_shared>>
      tpu.enqueue_indirect_dma source(%arg11 : memref<128x64xf32, #tpu.memory_space<vmem>>) target(%dma_start3A_329 : memref<10240x64xf32, #tpu.memory_space<vmem_shared>>) offsets(%dma_start3A_326 : memref<128xi32, #tpu.memory_space<vmem>>) semaphore(%arg21 : memref<!tpu.dma_semaphore, #tpu.memory_space<semaphore_mem>>) {add = true}
      %add3A_330 = arith.constant 1 : i32
      %add3A_331 = arith.addi %add3A_298, %add3A_330 : i32
      %lt3A_332 = arith.constant 20 : i32
      %lt3A_333 = arith.cmpi slt, %add3A_331, %lt3A_332 : i32
      %convert_element_type3A_334 = arith.extui %lt3A_333 : i1 to i32
      %cond3A_335 = arith.constant 0 : i32
      %cond3A_336 = arith.cmpi ne, %convert_element_type3A_334, %cond3A_335 : i32
      scf.if %cond3A_336 {
        %mul3A_525 = arith.constant 160 : i32
        %mul3A_526 = arith.muli %arg1, %mul3A_525 : i32
        %add3A_527 = arith.constant 1 : i32
        %add3A_528 = arith.addi %add3A_298, %add3A_527 : i32
        %mul3A_529 = arith.constant 8 : i32
        %mul3A_530 = arith.muli %add3A_528, %mul3A_529 : i32
        %add3A_531 = arith.addi %mul3A_526, %mul3A_530 : i32
        %dma_start3A_532 = arith.constant 0 : i32
        %dma_start3A_533 = tpu.memref_slice %arg3[%add3A_531, %dma_start3A_532] : memref<2560x128xi32, #tpu.memory_space<hbm>> -> memref<8x128xi32, #tpu.memory_space<hbm>>
        %dma_start3A_534 = arith.constant 0 : i32
        %dma_start3A_535 = tpu.memref_slice %arg3[%add3A_531, %dma_start3A_534] : memref<2560x128xi32, #tpu.memory_space<hbm>> -> memref<8x128xi32, #tpu.memory_space<hbm>>
        tpu.enqueue_dma source(%dma_start3A_535 : memref<8x128xi32, #tpu.memory_space<hbm>>) target(%arg7 : memref<8x128xi32, #tpu.memory_space<vmem>>) target_semaphore(%arg25 : memref<!tpu.dma_semaphore, #tpu.memory_space<semaphore_mem>>)
      } else {
      }
      %ge3A_337 = arith.constant 1 : i32
      %ge3A_338 = arith.cmpi sge, %add3A_298, %ge3A_337 : i32
      %convert_element_type3A_339 = arith.extui %ge3A_338 : i1 to i32
      %cond3A_340 = arith.constant 0 : i32
      %cond3A_341 = arith.cmpi ne, %convert_element_type3A_339, %cond3A_340 : i32
      scf.if %cond3A_341 {
        %dma_wait3A_525 = arith.constant 0 : i32
        %dma_wait3A_526 = arith.constant 0 : i32
        %dma_wait3A_527 = tpu.memref_slice %arg9[%dma_wait3A_525, %dma_wait3A_526] : memref<8x128xi32, #tpu.memory_space<vmem>> -> memref<1x128xi32, #tpu.memory_space<vmem>>
        %dma_wait3A_528 = tpu.memref_squeeze %dma_wait3A_527 : memref<1x128xi32, #tpu.memory_space<vmem>> -> memref<128xi32, #tpu.memory_space<vmem>>
        %dma_wait3A_529 = arith.constant 0 : i32
        %dma_wait3A_530 = arith.constant 0 : i32
        %dma_wait3A_531 = tpu.memref_slice %arg15[%dma_wait3A_529, %dma_wait3A_530] : memref<10240x64xf32, #tpu.memory_space<vmem_shared>> -> memref<10240x64xf32, #tpu.memory_space<vmem_shared>>
        tpu.wait_indirect_dma semaphore(%arg24 : memref<!tpu.dma_semaphore, #tpu.memory_space<semaphore_mem>>) src(%arg14 : memref<128x64xf32, #tpu.memory_space<vmem>>) dst(%dma_wait3A_531 : memref<10240x64xf32, #tpu.memory_space<vmem_shared>>)
      } else {
      }
      %dma_start3A_342 = arith.constant 3 : i32
      %dma_start3A_343 = arith.constant 0 : i32
      %dma_start3A_344 = tpu.memref_slice %arg8[%dma_start3A_342, %dma_start3A_343] : memref<8x128xi32, #tpu.memory_space<vmem>> -> memref<1x128xi32, #tpu.memory_space<vmem>>
      %dma_start3A_345 = tpu.memref_squeeze %dma_start3A_344 : memref<1x128xi32, #tpu.memory_space<vmem>> -> memref<128xi32, #tpu.memory_space<vmem>>
      %dma_start3A_346 = arith.constant 0 : i32
      %dma_start3A_347 = arith.constant 0 : i32
      %dma_start3A_348 = tpu.memref_slice %arg16[%dma_start3A_346, %dma_start3A_347] : memref<10016x64xf32, #tpu.memory_space<vmem_shared>> -> memref<10016x64xf32, #tpu.memory_space<vmem_shared>>
      tpu.enqueue_indirect_dma source(%dma_start3A_348 : memref<10016x64xf32, #tpu.memory_space<vmem_shared>>) target(%arg14 : memref<128x64xf32, #tpu.memory_space<vmem>>) offsets(%dma_start3A_345 : memref<128xi32, #tpu.memory_space<vmem>>) semaphore(%arg20 : memref<!tpu.dma_semaphore, #tpu.memory_space<semaphore_mem>>)
      %dma_wait3A_349 = arith.constant 1 : i32
      %dma_wait3A_350 = arith.constant 0 : i32
      %dma_wait3A_351 = tpu.memref_slice %arg8[%dma_wait3A_349, %dma_wait3A_350] : memref<8x128xi32, #tpu.memory_space<vmem>> -> memref<1x128xi32, #tpu.memory_space<vmem>>
      %dma_wait3A_352 = tpu.memref_squeeze %dma_wait3A_351 : memref<1x128xi32, #tpu.memory_space<vmem>> -> memref<128xi32, #tpu.memory_space<vmem>>
      %dma_wait3A_353 = arith.constant 0 : i32
      %dma_wait3A_354 = arith.constant 0 : i32
      %dma_wait3A_355 = tpu.memref_slice %arg16[%dma_wait3A_353, %dma_wait3A_354] : memref<10016x64xf32, #tpu.memory_space<vmem_shared>> -> memref<10016x64xf32, #tpu.memory_space<vmem_shared>>
      tpu.wait_indirect_dma semaphore(%arg18 : memref<!tpu.dma_semaphore, #tpu.memory_space<semaphore_mem>>) src(%dma_wait3A_355 : memref<10016x64xf32, #tpu.memory_space<vmem_shared>>) dst(%arg12 : memref<128x64xf32, #tpu.memory_space<vmem>>)
      %dma_start3A_356 = arith.constant 1 : i32
      %dma_start3A_357 = arith.constant 0 : i32
      %dma_start3A_358 = tpu.memref_slice %arg10[%dma_start3A_356, %dma_start3A_357] : memref<8x128xi32, #tpu.memory_space<vmem>> -> memref<1x128xi32, #tpu.memory_space<vmem>>
      %dma_start3A_359 = tpu.memref_squeeze %dma_start3A_358 : memref<1x128xi32, #tpu.memory_space<vmem>> -> memref<128xi32, #tpu.memory_space<vmem>>
      %dma_start3A_360 = arith.constant 0 : i32
      %dma_start3A_361 = arith.constant 0 : i32
      %dma_start3A_362 = tpu.memref_slice %arg15[%dma_start3A_360, %dma_start3A_361] : memref<10240x64xf32, #tpu.memory_space<vmem_shared>> -> memref<10240x64xf32, #tpu.memory_space<vmem_shared>>
      tpu.enqueue_indirect_dma source(%arg12 : memref<128x64xf32, #tpu.memory_space<vmem>>) target(%dma_start3A_362 : memref<10240x64xf32, #tpu.memory_space<vmem_shared>>) offsets(%dma_start3A_359 : memref<128xi32, #tpu.memory_space<vmem>>) semaphore(%arg22 : memref<!tpu.dma_semaphore, #tpu.memory_space<semaphore_mem>>) {add = true}
      %dma_wait3A_363 = arith.constant 0 : i32
      %dma_wait3A_364 = arith.constant 0 : i32
      %dma_wait3A_365 = tpu.memref_slice %arg9[%dma_wait3A_363, %dma_wait3A_364] : memref<8x128xi32, #tpu.memory_space<vmem>> -> memref<1x128xi32, #tpu.memory_space<vmem>>
      %dma_wait3A_366 = tpu.memref_squeeze %dma_wait3A_365 : memref<1x128xi32, #tpu.memory_space<vmem>> -> memref<128xi32, #tpu.memory_space<vmem>>
      %dma_wait3A_367 = arith.constant 0 : i32
      %dma_wait3A_368 = arith.constant 0 : i32
      %dma_wait3A_369 = tpu.memref_slice %arg15[%dma_wait3A_367, %dma_wait3A_368] : memref<10240x64xf32, #tpu.memory_space<vmem_shared>> -> memref<10240x64xf32, #tpu.memory_space<vmem_shared>>
      tpu.wait_indirect_dma semaphore(%arg21 : memref<!tpu.dma_semaphore, #tpu.memory_space<semaphore_mem>>) src(%arg11 : memref<128x64xf32, #tpu.memory_space<vmem>>) dst(%dma_wait3A_369 : memref<10240x64xf32, #tpu.memory_space<vmem_shared>>)
      %dma_start3A_370 = arith.constant 4 : i32
      %dma_start3A_371 = arith.constant 0 : i32
      %dma_start3A_372 = tpu.memref_slice %arg8[%dma_start3A_370, %dma_start3A_371] : memref<8x128xi32, #tpu.memory_space<vmem>> -> memref<1x128xi32, #tpu.memory_space<vmem>>
      %dma_start3A_373 = tpu.memref_squeeze %dma_start3A_372 : memref<1x128xi32, #tpu.memory_space<vmem>> -> memref<128xi32, #tpu.memory_space<vmem>>
      %dma_start3A_374 = arith.constant 0 : i32
      %dma_start3A_375 = arith.constant 0 : i32
      %dma_start3A_376 = tpu.memref_slice %arg16[%dma_start3A_374, %dma_start3A_375] : memref<10016x64xf32, #tpu.memory_space<vmem_shared>> -> memref<10016x64xf32, #tpu.memory_space<vmem_shared>>
      tpu.enqueue_indirect_dma source(%dma_start3A_376 : memref<10016x64xf32, #tpu.memory_space<vmem_shared>>) target(%arg11 : memref<128x64xf32, #tpu.memory_space<vmem>>) offsets(%dma_start3A_373 : memref<128xi32, #tpu.memory_space<vmem>>) semaphore(%arg17 : memref<!tpu.dma_semaphore, #tpu.memory_space<semaphore_mem>>)
      %dma_wait3A_377 = arith.constant 2 : i32
      %dma_wait3A_378 = arith.constant 0 : i32
      %dma_wait3A_379 = tpu.memref_slice %arg8[%dma_wait3A_377, %dma_wait3A_378] : memref<8x128xi32, #tpu.memory_space<vmem>> -> memref<1x128xi32, #tpu.memory_space<vmem>>
      %dma_wait3A_380 = tpu.memref_squeeze %dma_wait3A_379 : memref<1x128xi32, #tpu.memory_space<vmem>> -> memref<128xi32, #tpu.memory_space<vmem>>
      %dma_wait3A_381 = arith.constant 0 : i32
      %dma_wait3A_382 = arith.constant 0 : i32
      %dma_wait3A_383 = tpu.memref_slice %arg16[%dma_wait3A_381, %dma_wait3A_382] : memref<10016x64xf32, #tpu.memory_space<vmem_shared>> -> memref<10016x64xf32, #tpu.memory_space<vmem_shared>>
      tpu.wait_indirect_dma semaphore(%arg19 : memref<!tpu.dma_semaphore, #tpu.memory_space<semaphore_mem>>) src(%dma_wait3A_383 : memref<10016x64xf32, #tpu.memory_space<vmem_shared>>) dst(%arg13 : memref<128x64xf32, #tpu.memory_space<vmem>>)
      %dma_start3A_384 = arith.constant 2 : i32
      %dma_start3A_385 = arith.constant 0 : i32
      %dma_start3A_386 = tpu.memref_slice %arg10[%dma_start3A_384, %dma_start3A_385] : memref<8x128xi32, #tpu.memory_space<vmem>> -> memref<1x128xi32, #tpu.memory_space<vmem>>
      %dma_start3A_387 = tpu.memref_squeeze %dma_start3A_386 : memref<1x128xi32, #tpu.memory_space<vmem>> -> memref<128xi32, #tpu.memory_space<vmem>>
      %dma_start3A_388 = arith.constant 0 : i32
      %dma_start3A_389 = arith.constant 0 : i32
      %dma_start3A_390 = tpu.memref_slice %arg15[%dma_start3A_388, %dma_start3A_389] : memref<10240x64xf32, #tpu.memory_space<vmem_shared>> -> memref<10240x64xf32, #tpu.memory_space<vmem_shared>>
      tpu.enqueue_indirect_dma source(%arg13 : memref<128x64xf32, #tpu.memory_space<vmem>>) target(%dma_start3A_390 : memref<10240x64xf32, #tpu.memory_space<vmem_shared>>) offsets(%dma_start3A_387 : memref<128xi32, #tpu.memory_space<vmem>>) semaphore(%arg23 : memref<!tpu.dma_semaphore, #tpu.memory_space<semaphore_mem>>) {add = true}
      %add3A_391 = arith.constant 1 : i32
      %add3A_392 = arith.addi %add3A_298, %add3A_391 : i32
      %lt3A_393 = arith.constant 20 : i32
      %lt3A_394 = arith.cmpi slt, %add3A_392, %lt3A_393 : i32
      %convert_element_type3A_395 = arith.extui %lt3A_394 : i1 to i32
      %cond3A_396 = arith.constant 0 : i32
      %cond3A_397 = arith.cmpi ne, %convert_element_type3A_395, %cond3A_396 : i32
      scf.if %cond3A_397 {
        %mul3A_525 = arith.constant 160 : i32
        %mul3A_526 = arith.muli %arg1, %mul3A_525 : i32
        %add3A_527 = arith.constant 1 : i32
        %add3A_528 = arith.addi %add3A_298, %add3A_527 : i32
        %mul3A_529 = arith.constant 8 : i32
        %mul3A_530 = arith.muli %add3A_528, %mul3A_529 : i32
        %add3A_531 = arith.addi %mul3A_526, %mul3A_530 : i32
        %dma_start3A_532 = arith.constant 0 : i32
        %dma_start3A_533 = tpu.memref_slice %arg4[%add3A_531, %dma_start3A_532] : memref<2560x128xi32, #tpu.memory_space<hbm>> -> memref<8x128xi32, #tpu.memory_space<hbm>>
        %dma_start3A_534 = arith.constant 0 : i32
        %dma_start3A_535 = tpu.memref_slice %arg4[%add3A_531, %dma_start3A_534] : memref<2560x128xi32, #tpu.memory_space<hbm>> -> memref<8x128xi32, #tpu.memory_space<hbm>>
        tpu.enqueue_dma source(%dma_start3A_535 : memref<8x128xi32, #tpu.memory_space<hbm>>) target(%arg9 : memref<8x128xi32, #tpu.memory_space<vmem>>) target_semaphore(%arg27 : memref<!tpu.dma_semaphore, #tpu.memory_space<semaphore_mem>>)
      } else {
      }
      %dma_wait3A_398 = arith.constant 0 : i32
      %dma_wait3A_399 = arith.constant 0 : i32
      %dma_wait3A_400 = tpu.memref_slice %arg9[%dma_wait3A_398, %dma_wait3A_399] : memref<8x128xi32, #tpu.memory_space<vmem>> -> memref<1x128xi32, #tpu.memory_space<vmem>>
      %dma_wait3A_401 = tpu.memref_squeeze %dma_wait3A_400 : memref<1x128xi32, #tpu.memory_space<vmem>> -> memref<128xi32, #tpu.memory_space<vmem>>
      %dma_wait3A_402 = arith.constant 0 : i32
      %dma_wait3A_403 = arith.constant 0 : i32
      %dma_wait3A_404 = tpu.memref_slice %arg15[%dma_wait3A_402, %dma_wait3A_403] : memref<10240x64xf32, #tpu.memory_space<vmem_shared>> -> memref<10240x64xf32, #tpu.memory_space<vmem_shared>>
      tpu.wait_indirect_dma semaphore(%arg22 : memref<!tpu.dma_semaphore, #tpu.memory_space<semaphore_mem>>) src(%arg12 : memref<128x64xf32, #tpu.memory_space<vmem>>) dst(%dma_wait3A_404 : memref<10240x64xf32, #tpu.memory_space<vmem_shared>>)
      %dma_start3A_405 = arith.constant 5 : i32
      %dma_start3A_406 = arith.constant 0 : i32
      %dma_start3A_407 = tpu.memref_slice %arg8[%dma_start3A_405, %dma_start3A_406] : memref<8x128xi32, #tpu.memory_space<vmem>> -> memref<1x128xi32, #tpu.memory_space<vmem>>
      %dma_start3A_408 = tpu.memref_squeeze %dma_start3A_407 : memref<1x128xi32, #tpu.memory_space<vmem>> -> memref<128xi32, #tpu.memory_space<vmem>>
      %dma_start3A_409 = arith.constant 0 : i32
      %dma_start3A_410 = arith.constant 0 : i32
      %dma_start3A_411 = tpu.memref_slice %arg16[%dma_start3A_409, %dma_start3A_410] : memref<10016x64xf32, #tpu.memory_space<vmem_shared>> -> memref<10016x64xf32, #tpu.memory_space<vmem_shared>>
      tpu.enqueue_indirect_dma source(%dma_start3A_411 : memref<10016x64xf32, #tpu.memory_space<vmem_shared>>) target(%arg12 : memref<128x64xf32, #tpu.memory_space<vmem>>) offsets(%dma_start3A_408 : memref<128xi32, #tpu.memory_space<vmem>>) semaphore(%arg18 : memref<!tpu.dma_semaphore, #tpu.memory_space<semaphore_mem>>)
      %dma_wait3A_412 = arith.constant 3 : i32
      %dma_wait3A_413 = arith.constant 0 : i32
      %dma_wait3A_414 = tpu.memref_slice %arg8[%dma_wait3A_412, %dma_wait3A_413] : memref<8x128xi32, #tpu.memory_space<vmem>> -> memref<1x128xi32, #tpu.memory_space<vmem>>
      %dma_wait3A_415 = tpu.memref_squeeze %dma_wait3A_414 : memref<1x128xi32, #tpu.memory_space<vmem>> -> memref<128xi32, #tpu.memory_space<vmem>>
      %dma_wait3A_416 = arith.constant 0 : i32
      %dma_wait3A_417 = arith.constant 0 : i32
      %dma_wait3A_418 = tpu.memref_slice %arg16[%dma_wait3A_416, %dma_wait3A_417] : memref<10016x64xf32, #tpu.memory_space<vmem_shared>> -> memref<10016x64xf32, #tpu.memory_space<vmem_shared>>
      tpu.wait_indirect_dma semaphore(%arg20 : memref<!tpu.dma_semaphore, #tpu.memory_space<semaphore_mem>>) src(%dma_wait3A_418 : memref<10016x64xf32, #tpu.memory_space<vmem_shared>>) dst(%arg14 : memref<128x64xf32, #tpu.memory_space<vmem>>)
      %dma_start3A_419 = arith.constant 3 : i32
      %dma_start3A_420 = arith.constant 0 : i32
      %dma_start3A_421 = tpu.memref_slice %arg10[%dma_start3A_419, %dma_start3A_420] : memref<8x128xi32, #tpu.memory_space<vmem>> -> memref<1x128xi32, #tpu.memory_space<vmem>>
      %dma_start3A_422 = tpu.memref_squeeze %dma_start3A_421 : memref<1x128xi32, #tpu.memory_space<vmem>> -> memref<128xi32, #tpu.memory_space<vmem>>
      %dma_start3A_423 = arith.constant 0 : i32
      %dma_start3A_424 = arith.constant 0 : i32
      %dma_start3A_425 = tpu.memref_slice %arg15[%dma_start3A_423, %dma_start3A_424] : memref<10240x64xf32, #tpu.memory_space<vmem_shared>> -> memref<10240x64xf32, #tpu.memory_space<vmem_shared>>
      tpu.enqueue_indirect_dma source(%arg14 : memref<128x64xf32, #tpu.memory_space<vmem>>) target(%dma_start3A_425 : memref<10240x64xf32, #tpu.memory_space<vmem_shared>>) offsets(%dma_start3A_422 : memref<128xi32, #tpu.memory_space<vmem>>) semaphore(%arg24 : memref<!tpu.dma_semaphore, #tpu.memory_space<semaphore_mem>>) {add = true}
      %dma_wait3A_426 = arith.constant 0 : i32
      %dma_wait3A_427 = arith.constant 0 : i32
      %dma_wait3A_428 = tpu.memref_slice %arg9[%dma_wait3A_426, %dma_wait3A_427] : memref<8x128xi32, #tpu.memory_space<vmem>> -> memref<1x128xi32, #tpu.memory_space<vmem>>
      %dma_wait3A_429 = tpu.memref_squeeze %dma_wait3A_428 : memref<1x128xi32, #tpu.memory_space<vmem>> -> memref<128xi32, #tpu.memory_space<vmem>>
      %dma_wait3A_430 = arith.constant 0 : i32
      %dma_wait3A_431 = arith.constant 0 : i32
      %dma_wait3A_432 = tpu.memref_slice %arg15[%dma_wait3A_430, %dma_wait3A_431] : memref<10240x64xf32, #tpu.memory_space<vmem_shared>> -> memref<10240x64xf32, #tpu.memory_space<vmem_shared>>
      tpu.wait_indirect_dma semaphore(%arg23 : memref<!tpu.dma_semaphore, #tpu.memory_space<semaphore_mem>>) src(%arg13 : memref<128x64xf32, #tpu.memory_space<vmem>>) dst(%dma_wait3A_432 : memref<10240x64xf32, #tpu.memory_space<vmem_shared>>)
      %dma_start3A_433 = arith.constant 6 : i32
      %dma_start3A_434 = arith.constant 0 : i32
      %dma_start3A_435 = tpu.memref_slice %arg8[%dma_start3A_433, %dma_start3A_434] : memref<8x128xi32, #tpu.memory_space<vmem>> -> memref<1x128xi32, #tpu.memory_space<vmem>>
      %dma_start3A_436 = tpu.memref_squeeze %dma_start3A_435 : memref<1x128xi32, #tpu.memory_space<vmem>> -> memref<128xi32, #tpu.memory_space<vmem>>
      %dma_start3A_437 = arith.constant 0 : i32
      %dma_start3A_438 = arith.constant 0 : i32
      %dma_start3A_439 = tpu.memref_slice %arg16[%dma_start3A_437, %dma_start3A_438] : memref<10016x64xf32, #tpu.memory_space<vmem_shared>> -> memref<10016x64xf32, #tpu.memory_space<vmem_shared>>
      tpu.enqueue_indirect_dma source(%dma_start3A_439 : memref<10016x64xf32, #tpu.memory_space<vmem_shared>>) target(%arg13 : memref<128x64xf32, #tpu.memory_space<vmem>>) offsets(%dma_start3A_436 : memref<128xi32, #tpu.memory_space<vmem>>) semaphore(%arg19 : memref<!tpu.dma_semaphore, #tpu.memory_space<semaphore_mem>>)
      %dma_wait3A_440 = arith.constant 4 : i32
      %dma_wait3A_441 = arith.constant 0 : i32
      %dma_wait3A_442 = tpu.memref_slice %arg8[%dma_wait3A_440, %dma_wait3A_441] : memref<8x128xi32, #tpu.memory_space<vmem>> -> memref<1x128xi32, #tpu.memory_space<vmem>>
      %dma_wait3A_443 = tpu.memref_squeeze %dma_wait3A_442 : memref<1x128xi32, #tpu.memory_space<vmem>> -> memref<128xi32, #tpu.memory_space<vmem>>
      %dma_wait3A_444 = arith.constant 0 : i32
      %dma_wait3A_445 = arith.constant 0 : i32
      %dma_wait3A_446 = tpu.memref_slice %arg16[%dma_wait3A_444, %dma_wait3A_445] : memref<10016x64xf32, #tpu.memory_space<vmem_shared>> -> memref<10016x64xf32, #tpu.memory_space<vmem_shared>>
      tpu.wait_indirect_dma semaphore(%arg17 : memref<!tpu.dma_semaphore, #tpu.memory_space<semaphore_mem>>) src(%dma_wait3A_446 : memref<10016x64xf32, #tpu.memory_space<vmem_shared>>) dst(%arg11 : memref<128x64xf32, #tpu.memory_space<vmem>>)
      %dma_start3A_447 = arith.constant 4 : i32
      %dma_start3A_448 = arith.constant 0 : i32
      %dma_start3A_449 = tpu.memref_slice %arg10[%dma_start3A_447, %dma_start3A_448] : memref<8x128xi32, #tpu.memory_space<vmem>> -> memref<1x128xi32, #tpu.memory_space<vmem>>
      %dma_start3A_450 = tpu.memref_squeeze %dma_start3A_449 : memref<1x128xi32, #tpu.memory_space<vmem>> -> memref<128xi32, #tpu.memory_space<vmem>>
      %dma_start3A_451 = arith.constant 0 : i32
      %dma_start3A_452 = arith.constant 0 : i32
      %dma_start3A_453 = tpu.memref_slice %arg15[%dma_start3A_451, %dma_start3A_452] : memref<10240x64xf32, #tpu.memory_space<vmem_shared>> -> memref<10240x64xf32, #tpu.memory_space<vmem_shared>>
      tpu.enqueue_indirect_dma source(%arg11 : memref<128x64xf32, #tpu.memory_space<vmem>>) target(%dma_start3A_453 : memref<10240x64xf32, #tpu.memory_space<vmem_shared>>) offsets(%dma_start3A_450 : memref<128xi32, #tpu.memory_space<vmem>>) semaphore(%arg21 : memref<!tpu.dma_semaphore, #tpu.memory_space<semaphore_mem>>) {add = true}
      %dma_wait3A_454 = arith.constant 0 : i32
      %dma_wait3A_455 = arith.constant 0 : i32
      %dma_wait3A_456 = tpu.memref_slice %arg9[%dma_wait3A_454, %dma_wait3A_455] : memref<8x128xi32, #tpu.memory_space<vmem>> -> memref<1x128xi32, #tpu.memory_space<vmem>>
      %dma_wait3A_457 = tpu.memref_squeeze %dma_wait3A_456 : memref<1x128xi32, #tpu.memory_space<vmem>> -> memref<128xi32, #tpu.memory_space<vmem>>
      %dma_wait3A_458 = arith.constant 0 : i32
      %dma_wait3A_459 = arith.constant 0 : i32
      %dma_wait3A_460 = tpu.memref_slice %arg15[%dma_wait3A_458, %dma_wait3A_459] : memref<10240x64xf32, #tpu.memory_space<vmem_shared>> -> memref<10240x64xf32, #tpu.memory_space<vmem_shared>>
      tpu.wait_indirect_dma semaphore(%arg24 : memref<!tpu.dma_semaphore, #tpu.memory_space<semaphore_mem>>) src(%arg14 : memref<128x64xf32, #tpu.memory_space<vmem>>) dst(%dma_wait3A_460 : memref<10240x64xf32, #tpu.memory_space<vmem_shared>>)
      %dma_start3A_461 = arith.constant 7 : i32
      %dma_start3A_462 = arith.constant 0 : i32
      %dma_start3A_463 = tpu.memref_slice %arg8[%dma_start3A_461, %dma_start3A_462] : memref<8x128xi32, #tpu.memory_space<vmem>> -> memref<1x128xi32, #tpu.memory_space<vmem>>
      %dma_start3A_464 = tpu.memref_squeeze %dma_start3A_463 : memref<1x128xi32, #tpu.memory_space<vmem>> -> memref<128xi32, #tpu.memory_space<vmem>>
      %dma_start3A_465 = arith.constant 0 : i32
      %dma_start3A_466 = arith.constant 0 : i32
      %dma_start3A_467 = tpu.memref_slice %arg16[%dma_start3A_465, %dma_start3A_466] : memref<10016x64xf32, #tpu.memory_space<vmem_shared>> -> memref<10016x64xf32, #tpu.memory_space<vmem_shared>>
      tpu.enqueue_indirect_dma source(%dma_start3A_467 : memref<10016x64xf32, #tpu.memory_space<vmem_shared>>) target(%arg14 : memref<128x64xf32, #tpu.memory_space<vmem>>) offsets(%dma_start3A_464 : memref<128xi32, #tpu.memory_space<vmem>>) semaphore(%arg20 : memref<!tpu.dma_semaphore, #tpu.memory_space<semaphore_mem>>)
      %dma_wait3A_468 = arith.constant 5 : i32
      %dma_wait3A_469 = arith.constant 0 : i32
      %dma_wait3A_470 = tpu.memref_slice %arg8[%dma_wait3A_468, %dma_wait3A_469] : memref<8x128xi32, #tpu.memory_space<vmem>> -> memref<1x128xi32, #tpu.memory_space<vmem>>
      %dma_wait3A_471 = tpu.memref_squeeze %dma_wait3A_470 : memref<1x128xi32, #tpu.memory_space<vmem>> -> memref<128xi32, #tpu.memory_space<vmem>>
      %dma_wait3A_472 = arith.constant 0 : i32
      %dma_wait3A_473 = arith.constant 0 : i32
      %dma_wait3A_474 = tpu.memref_slice %arg16[%dma_wait3A_472, %dma_wait3A_473] : memref<10016x64xf32, #tpu.memory_space<vmem_shared>> -> memref<10016x64xf32, #tpu.memory_space<vmem_shared>>
      tpu.wait_indirect_dma semaphore(%arg18 : memref<!tpu.dma_semaphore, #tpu.memory_space<semaphore_mem>>) src(%dma_wait3A_474 : memref<10016x64xf32, #tpu.memory_space<vmem_shared>>) dst(%arg12 : memref<128x64xf32, #tpu.memory_space<vmem>>)
      %dma_start3A_475 = arith.constant 5 : i32
      %dma_start3A_476 = arith.constant 0 : i32
      %dma_start3A_477 = tpu.memref_slice %arg10[%dma_start3A_475, %dma_start3A_476] : memref<8x128xi32, #tpu.memory_space<vmem>> -> memref<1x128xi32, #tpu.memory_space<vmem>>
      %dma_start3A_478 = tpu.memref_squeeze %dma_start3A_477 : memref<1x128xi32, #tpu.memory_space<vmem>> -> memref<128xi32, #tpu.memory_space<vmem>>
      %dma_start3A_479 = arith.constant 0 : i32
      %dma_start3A_480 = arith.constant 0 : i32
      %dma_start3A_481 = tpu.memref_slice %arg15[%dma_start3A_479, %dma_start3A_480] : memref<10240x64xf32, #tpu.memory_space<vmem_shared>> -> memref<10240x64xf32, #tpu.memory_space<vmem_shared>>
      tpu.enqueue_indirect_dma source(%arg12 : memref<128x64xf32, #tpu.memory_space<vmem>>) target(%dma_start3A_481 : memref<10240x64xf32, #tpu.memory_space<vmem_shared>>) offsets(%dma_start3A_478 : memref<128xi32, #tpu.memory_space<vmem>>) semaphore(%arg22 : memref<!tpu.dma_semaphore, #tpu.memory_space<semaphore_mem>>) {add = true}
      %add3A_482 = arith.constant 1 : i32
      %add3A_483 = arith.addi %add3A_298, %add3A_482 : i32
      %lt3A_484 = arith.constant 20 : i32
      %lt3A_485 = arith.cmpi slt, %add3A_483, %lt3A_484 : i32
      %convert_element_type3A_486 = arith.extui %lt3A_485 : i1 to i32
      %cond3A_487 = arith.constant 0 : i32
      %cond3A_488 = arith.cmpi ne, %convert_element_type3A_486, %cond3A_487 : i32
      scf.if %cond3A_488 {
        %dma_wait3A_525 = arith.constant 0 : i32
        %dma_wait3A_526 = arith.constant 0 : i32
        %dma_wait3A_527 = tpu.memref_slice %arg9[%dma_wait3A_525, %dma_wait3A_526] : memref<8x128xi32, #tpu.memory_space<vmem>> -> memref<1x128xi32, #tpu.memory_space<vmem>>
        %dma_wait3A_528 = tpu.memref_squeeze %dma_wait3A_527 : memref<1x128xi32, #tpu.memory_space<vmem>> -> memref<128xi32, #tpu.memory_space<vmem>>
        %dma_wait3A_529 = arith.constant 0 : i32
        %dma_wait3A_530 = arith.constant 0 : i32
        %dma_wait3A_531 = tpu.memref_slice %arg15[%dma_wait3A_529, %dma_wait3A_530] : memref<10240x64xf32, #tpu.memory_space<vmem_shared>> -> memref<10240x64xf32, #tpu.memory_space<vmem_shared>>
        tpu.wait_indirect_dma semaphore(%arg21 : memref<!tpu.dma_semaphore, #tpu.memory_space<semaphore_mem>>) src(%arg11 : memref<128x64xf32, #tpu.memory_space<vmem>>) dst(%dma_wait3A_531 : memref<10240x64xf32, #tpu.memory_space<vmem_shared>>)
        %mul3A_532 = arith.constant 160 : i32
        %mul3A_533 = arith.muli %arg1, %mul3A_532 : i32
        %dma_wait3A_534 = arith.constant 0 : i32
        %dma_wait3A_535 = tpu.memref_slice %arg3[%mul3A_533, %dma_wait3A_534] : memref<2560x128xi32, #tpu.memory_space<hbm>> -> memref<8x128xi32, #tpu.memory_space<hbm>>
        %dma_wait3A_536 = arith.constant 0 : i32
        %dma_wait3A_537 = tpu.memref_slice %arg3[%mul3A_533, %dma_wait3A_536] : memref<2560x128xi32, #tpu.memory_space<hbm>> -> memref<8x128xi32, #tpu.memory_space<hbm>>
        tpu.wait_dma2 semaphore(%arg25 : memref<!tpu.dma_semaphore, #tpu.memory_space<semaphore_mem>>) src(%dma_wait3A_537 : memref<8x128xi32, #tpu.memory_space<hbm>>) dst(%arg7 : memref<8x128xi32, #tpu.memory_space<vmem>>)
        %dma_start3A_538 = arith.constant 0 : i32
        %dma_start3A_539 = arith.constant 0 : i32
        %dma_start3A_540 = tpu.memref_slice %arg7[%dma_start3A_538, %dma_start3A_539] : memref<8x128xi32, #tpu.memory_space<vmem>> -> memref<1x128xi32, #tpu.memory_space<vmem>>
        %dma_start3A_541 = tpu.memref_squeeze %dma_start3A_540 : memref<1x128xi32, #tpu.memory_space<vmem>> -> memref<128xi32, #tpu.memory_space<vmem>>
        %dma_start3A_542 = arith.constant 0 : i32
        %dma_start3A_543 = arith.constant 0 : i32
        %dma_start3A_544 = tpu.memref_slice %arg16[%dma_start3A_542, %dma_start3A_543] : memref<10016x64xf32, #tpu.memory_space<vmem_shared>> -> memref<10016x64xf32, #tpu.memory_space<vmem_shared>>
        tpu.enqueue_indirect_dma source(%dma_start3A_544 : memref<10016x64xf32, #tpu.memory_space<vmem_shared>>) target(%arg11 : memref<128x64xf32, #tpu.memory_space<vmem>>) offsets(%dma_start3A_541 : memref<128xi32, #tpu.memory_space<vmem>>) semaphore(%arg17 : memref<!tpu.dma_semaphore, #tpu.memory_space<semaphore_mem>>)
      } else {
      }
      %dma_wait3A_489 = arith.constant 6 : i32
      %dma_wait3A_490 = arith.constant 0 : i32
      %dma_wait3A_491 = tpu.memref_slice %arg8[%dma_wait3A_489, %dma_wait3A_490] : memref<8x128xi32, #tpu.memory_space<vmem>> -> memref<1x128xi32, #tpu.memory_space<vmem>>
      %dma_wait3A_492 = tpu.memref_squeeze %dma_wait3A_491 : memref<1x128xi32, #tpu.memory_space<vmem>> -> memref<128xi32, #tpu.memory_space<vmem>>
      %dma_wait3A_493 = arith.constant 0 : i32
      %dma_wait3A_494 = arith.constant 0 : i32
      %dma_wait3A_495 = tpu.memref_slice %arg16[%dma_wait3A_493, %dma_wait3A_494] : memref<10016x64xf32, #tpu.memory_space<vmem_shared>> -> memref<10016x64xf32, #tpu.memory_space<vmem_shared>>
      tpu.wait_indirect_dma semaphore(%arg19 : memref<!tpu.dma_semaphore, #tpu.memory_space<semaphore_mem>>) src(%dma_wait3A_495 : memref<10016x64xf32, #tpu.memory_space<vmem_shared>>) dst(%arg13 : memref<128x64xf32, #tpu.memory_space<vmem>>)
      %dma_start3A_496 = arith.constant 6 : i32
      %dma_start3A_497 = arith.constant 0 : i32
      %dma_start3A_498 = tpu.memref_slice %arg10[%dma_start3A_496, %dma_start3A_497] : memref<8x128xi32, #tpu.memory_space<vmem>> -> memref<1x128xi32, #tpu.memory_space<vmem>>
      %dma_start3A_499 = tpu.memref_squeeze %dma_start3A_498 : memref<1x128xi32, #tpu.memory_space<vmem>> -> memref<128xi32, #tpu.memory_space<vmem>>
      %dma_start3A_500 = arith.constant 0 : i32
      %dma_start3A_501 = arith.constant 0 : i32
      %dma_start3A_502 = tpu.memref_slice %arg15[%dma_start3A_500, %dma_start3A_501] : memref<10240x64xf32, #tpu.memory_space<vmem_shared>> -> memref<10240x64xf32, #tpu.memory_space<vmem_shared>>
      tpu.enqueue_indirect_dma source(%arg13 : memref<128x64xf32, #tpu.memory_space<vmem>>) target(%dma_start3A_502 : memref<10240x64xf32, #tpu.memory_space<vmem_shared>>) offsets(%dma_start3A_499 : memref<128xi32, #tpu.memory_space<vmem>>) semaphore(%arg23 : memref<!tpu.dma_semaphore, #tpu.memory_space<semaphore_mem>>) {add = true}
      %add3A_503 = arith.constant 1 : i32
      %add3A_504 = arith.addi %add3A_298, %add3A_503 : i32
      %lt3A_505 = arith.constant 20 : i32
      %lt3A_506 = arith.cmpi slt, %add3A_504, %lt3A_505 : i32
      %convert_element_type3A_507 = arith.extui %lt3A_506 : i1 to i32
      %cond3A_508 = arith.constant 0 : i32
      %cond3A_509 = arith.cmpi ne, %convert_element_type3A_507, %cond3A_508 : i32
      scf.if %cond3A_509 {
        %dma_wait3A_525 = arith.constant 0 : i32
        %dma_wait3A_526 = arith.constant 0 : i32
        %dma_wait3A_527 = tpu.memref_slice %arg9[%dma_wait3A_525, %dma_wait3A_526] : memref<8x128xi32, #tpu.memory_space<vmem>> -> memref<1x128xi32, #tpu.memory_space<vmem>>
        %dma_wait3A_528 = tpu.memref_squeeze %dma_wait3A_527 : memref<1x128xi32, #tpu.memory_space<vmem>> -> memref<128xi32, #tpu.memory_space<vmem>>
        %dma_wait3A_529 = arith.constant 0 : i32
        %dma_wait3A_530 = arith.constant 0 : i32
        %dma_wait3A_531 = tpu.memref_slice %arg15[%dma_wait3A_529, %dma_wait3A_530] : memref<10240x64xf32, #tpu.memory_space<vmem_shared>> -> memref<10240x64xf32, #tpu.memory_space<vmem_shared>>
        tpu.wait_indirect_dma semaphore(%arg22 : memref<!tpu.dma_semaphore, #tpu.memory_space<semaphore_mem>>) src(%arg12 : memref<128x64xf32, #tpu.memory_space<vmem>>) dst(%dma_wait3A_531 : memref<10240x64xf32, #tpu.memory_space<vmem_shared>>)
        %dma_start3A_532 = arith.constant 1 : i32
        %dma_start3A_533 = arith.constant 0 : i32
        %dma_start3A_534 = tpu.memref_slice %arg7[%dma_start3A_532, %dma_start3A_533] : memref<8x128xi32, #tpu.memory_space<vmem>> -> memref<1x128xi32, #tpu.memory_space<vmem>>
        %dma_start3A_535 = tpu.memref_squeeze %dma_start3A_534 : memref<1x128xi32, #tpu.memory_space<vmem>> -> memref<128xi32, #tpu.memory_space<vmem>>
        %dma_start3A_536 = arith.constant 0 : i32
        %dma_start3A_537 = arith.constant 0 : i32
        %dma_start3A_538 = tpu.memref_slice %arg16[%dma_start3A_536, %dma_start3A_537] : memref<10016x64xf32, #tpu.memory_space<vmem_shared>> -> memref<10016x64xf32, #tpu.memory_space<vmem_shared>>
        tpu.enqueue_indirect_dma source(%dma_start3A_538 : memref<10016x64xf32, #tpu.memory_space<vmem_shared>>) target(%arg12 : memref<128x64xf32, #tpu.memory_space<vmem>>) offsets(%dma_start3A_535 : memref<128xi32, #tpu.memory_space<vmem>>) semaphore(%arg18 : memref<!tpu.dma_semaphore, #tpu.memory_space<semaphore_mem>>)
      } else {
      }
      %dma_wait3A_510 = arith.constant 7 : i32
      %dma_wait3A_511 = arith.constant 0 : i32
      %dma_wait3A_512 = tpu.memref_slice %arg8[%dma_wait3A_510, %dma_wait3A_511] : memref<8x128xi32, #tpu.memory_space<vmem>> -> memref<1x128xi32, #tpu.memory_space<vmem>>
      %dma_wait3A_513 = tpu.memref_squeeze %dma_wait3A_512 : memref<1x128xi32, #tpu.memory_space<vmem>> -> memref<128xi32, #tpu.memory_space<vmem>>
      %dma_wait3A_514 = arith.constant 0 : i32
      %dma_wait3A_515 = arith.constant 0 : i32
      %dma_wait3A_516 = tpu.memref_slice %arg16[%dma_wait3A_514, %dma_wait3A_515] : memref<10016x64xf32, #tpu.memory_space<vmem_shared>> -> memref<10016x64xf32, #tpu.memory_space<vmem_shared>>
      tpu.wait_indirect_dma semaphore(%arg20 : memref<!tpu.dma_semaphore, #tpu.memory_space<semaphore_mem>>) src(%dma_wait3A_516 : memref<10016x64xf32, #tpu.memory_space<vmem_shared>>) dst(%arg14 : memref<128x64xf32, #tpu.memory_space<vmem>>)
      %dma_start3A_517 = arith.constant 7 : i32
      %dma_start3A_518 = arith.constant 0 : i32
      %dma_start3A_519 = tpu.memref_slice %arg10[%dma_start3A_517, %dma_start3A_518] : memref<8x128xi32, #tpu.memory_space<vmem>> -> memref<1x128xi32, #tpu.memory_space<vmem>>
      %dma_start3A_520 = tpu.memref_squeeze %dma_start3A_519 : memref<1x128xi32, #tpu.memory_space<vmem>> -> memref<128xi32, #tpu.memory_space<vmem>>
      %dma_start3A_521 = arith.constant 0 : i32
      %dma_start3A_522 = arith.constant 0 : i32
      %dma_start3A_523 = tpu.memref_slice %arg15[%dma_start3A_521, %dma_start3A_522] : memref<10240x64xf32, #tpu.memory_space<vmem_shared>> -> memref<10240x64xf32, #tpu.memory_space<vmem_shared>>
      tpu.enqueue_indirect_dma source(%arg14 : memref<128x64xf32, #tpu.memory_space<vmem>>) target(%dma_start3A_523 : memref<10240x64xf32, #tpu.memory_space<vmem_shared>>) offsets(%dma_start3A_520 : memref<128xi32, #tpu.memory_space<vmem>>) semaphore(%arg24 : memref<!tpu.dma_semaphore, #tpu.memory_space<semaphore_mem>>) {add = true}
      %scan3A_524 = arith.constant 0 : i32
      scf.yield %scan3A_524 : i32
    }
    %scan3A_42 = arith.constant 10 : i32
    %dma_wait3A = arith.constant 0 : i32
    %dma_wait3A_43 = arith.constant 0 : i32
    %dma_wait3A_44 = tpu.memref_slice %arg9[%dma_wait3A, %dma_wait3A_43] : memref<8x128xi32, #tpu.memory_space<vmem>> -> memref<1x128xi32, #tpu.memory_space<vmem>>
    %dma_wait3A_45 = tpu.memref_squeeze %dma_wait3A_44 : memref<1x128xi32, #tpu.memory_space<vmem>> -> memref<128xi32, #tpu.memory_space<vmem>>
    %dma_wait3A_46 = arith.constant 0 : i32
    %dma_wait3A_47 = arith.constant 0 : i32
    %dma_wait3A_48 = tpu.memref_slice %arg15[%dma_wait3A_46, %dma_wait3A_47] : memref<10240x64xf32, #tpu.memory_space<vmem_shared>> -> memref<10240x64xf32, #tpu.memory_space<vmem_shared>>
    tpu.wait_indirect_dma semaphore(%arg21 : memref<!tpu.dma_semaphore, #tpu.memory_space<semaphore_mem>>) src(%arg11 : memref<128x64xf32, #tpu.memory_space<vmem>>) dst(%dma_wait3A_48 : memref<10240x64xf32, #tpu.memory_space<vmem_shared>>)
    %dma_wait3A_49 = arith.constant 0 : i32
    %dma_wait3A_50 = arith.constant 0 : i32
    %dma_wait3A_51 = tpu.memref_slice %arg9[%dma_wait3A_49, %dma_wait3A_50] : memref<8x128xi32, #tpu.memory_space<vmem>> -> memref<1x128xi32, #tpu.memory_space<vmem>>
    %dma_wait3A_52 = tpu.memref_squeeze %dma_wait3A_51 : memref<1x128xi32, #tpu.memory_space<vmem>> -> memref<128xi32, #tpu.memory_space<vmem>>
    %dma_wait3A_53 = arith.constant 0 : i32
    %dma_wait3A_54 = arith.constant 0 : i32
    %dma_wait3A_55 = tpu.memref_slice %arg15[%dma_wait3A_53, %dma_wait3A_54] : memref<10240x64xf32, #tpu.memory_space<vmem_shared>> -> memref<10240x64xf32, #tpu.memory_space<vmem_shared>>
    tpu.wait_indirect_dma semaphore(%arg22 : memref<!tpu.dma_semaphore, #tpu.memory_space<semaphore_mem>>) src(%arg12 : memref<128x64xf32, #tpu.memory_space<vmem>>) dst(%dma_wait3A_55 : memref<10240x64xf32, #tpu.memory_space<vmem_shared>>)
    %dma_wait3A_56 = arith.constant 0 : i32
    %dma_wait3A_57 = arith.constant 0 : i32
    %dma_wait3A_58 = tpu.memref_slice %arg9[%dma_wait3A_56, %dma_wait3A_57] : memref<8x128xi32, #tpu.memory_space<vmem>> -> memref<1x128xi32, #tpu.memory_space<vmem>>
    %dma_wait3A_59 = tpu.memref_squeeze %dma_wait3A_58 : memref<1x128xi32, #tpu.memory_space<vmem>> -> memref<128xi32, #tpu.memory_space<vmem>>
    %dma_wait3A_60 = arith.constant 0 : i32
    %dma_wait3A_61 = arith.constant 0 : i32
    %dma_wait3A_62 = tpu.memref_slice %arg15[%dma_wait3A_60, %dma_wait3A_61] : memref<10240x64xf32, #tpu.memory_space<vmem_shared>> -> memref<10240x64xf32, #tpu.memory_space<vmem_shared>>
    tpu.wait_indirect_dma semaphore(%arg23 : memref<!tpu.dma_semaphore, #tpu.memory_space<semaphore_mem>>) src(%arg13 : memref<128x64xf32, #tpu.memory_space<vmem>>) dst(%dma_wait3A_62 : memref<10240x64xf32, #tpu.memory_space<vmem_shared>>)
    %dma_wait3A_63 = arith.constant 0 : i32
    %dma_wait3A_64 = arith.constant 0 : i32
    %dma_wait3A_65 = tpu.memref_slice %arg9[%dma_wait3A_63, %dma_wait3A_64] : memref<8x128xi32, #tpu.memory_space<vmem>> -> memref<1x128xi32, #tpu.memory_space<vmem>>
    %dma_wait3A_66 = tpu.memref_squeeze %dma_wait3A_65 : memref<1x128xi32, #tpu.memory_space<vmem>> -> memref<128xi32, #tpu.memory_space<vmem>>
    %dma_wait3A_67 = arith.constant 0 : i32
    %dma_wait3A_68 = arith.constant 0 : i32
    %dma_wait3A_69 = tpu.memref_slice %arg15[%dma_wait3A_67, %dma_wait3A_68] : memref<10240x64xf32, #tpu.memory_space<vmem_shared>> -> memref<10240x64xf32, #tpu.memory_space<vmem_shared>>
    tpu.wait_indirect_dma semaphore(%arg24 : memref<!tpu.dma_semaphore, #tpu.memory_space<semaphore_mem>>) src(%arg14 : memref<128x64xf32, #tpu.memory_space<vmem>>) dst(%dma_wait3A_69 : memref<10240x64xf32, #tpu.memory_space<vmem_shared>>)
    %barrier3A_70 = arith.constant 0 : index
    tpu.barrier barrier_id(%barrier3A_70)
    "tpu.region"() ({
      %run_scoped3A = tpu.sem_alloc : memref<!tpu.dma_semaphore, #tpu.memory_space<semaphore_mem>>
      %dma_start3A_71 = arith.constant 0 : i32
      %dma_start3A_72 = arith.constant 0 : i32
      %dma_start3A_73 = tpu.memref_slice %arg6[%arg0, %dma_start3A_71, %dma_start3A_72] : memref<2x10240x64xf32, #tpu.memory_space<hbm>> -> memref<1x10240x64xf32, #tpu.memory_space<hbm>>
      %dma_start3A_74 = tpu.memref_squeeze %dma_start3A_73 : memref<1x10240x64xf32, #tpu.memory_space<hbm>> -> memref<10240x64xf32, #tpu.memory_space<hbm>>
      %dma_start3A_75 = arith.constant 0 : i32
      %dma_start3A_76 = tpu.memref_slice %dma_start3A_74[%mul3A_15, %dma_start3A_75] : memref<10240x64xf32, #tpu.memory_space<hbm>> -> memref<640x64xf32, #tpu.memory_space<hbm>>
      %dma_start3A_77 = arith.constant 0 : i32
      %dma_start3A_78 = tpu.memref_slice %arg15[%mul3A_15, %dma_start3A_77] : memref<10240x64xf32, #tpu.memory_space<vmem_shared>> -> memref<640x64xf32, #tpu.memory_space<vmem_shared>>
      tpu.enqueue_dma source(%dma_start3A_78 : memref<640x64xf32, #tpu.memory_space<vmem_shared>>) target(%dma_start3A_76 : memref<640x64xf32, #tpu.memory_space<hbm>>) target_semaphore(%run_scoped3A : memref<!tpu.dma_semaphore, #tpu.memory_space<semaphore_mem>>)
      %dma_wait3A_79 = arith.constant 0 : i32
      %dma_wait3A_80 = arith.constant 0 : i32
      %dma_wait3A_81 = tpu.memref_slice %arg6[%arg0, %dma_wait3A_79, %dma_wait3A_80] : memref<2x10240x64xf32, #tpu.memory_space<hbm>> -> memref<1x10240x64xf32, #tpu.memory_space<hbm>>
      %dma_wait3A_82 = tpu.memref_squeeze %dma_wait3A_81 : memref<1x10240x64xf32, #tpu.memory_space<hbm>> -> memref<10240x64xf32, #tpu.memory_space<hbm>>
      %dma_wait3A_83 = arith.constant 0 : i32
      %dma_wait3A_84 = tpu.memref_slice %dma_wait3A_82[%mul3A_15, %dma_wait3A_83] : memref<10240x64xf32, #tpu.memory_space<hbm>> -> memref<640x64xf32, #tpu.memory_space<hbm>>
      %dma_wait3A_85 = arith.constant 0 : i32
      %dma_wait3A_86 = tpu.memref_slice %arg15[%mul3A_15, %dma_wait3A_85] : memref<10240x64xf32, #tpu.memory_space<vmem_shared>> -> memref<640x64xf32, #tpu.memory_space<vmem_shared>>
      tpu.wait_dma2 semaphore(%run_scoped3A : memref<!tpu.dma_semaphore, #tpu.memory_space<semaphore_mem>>) src(%dma_wait3A_86 : memref<640x64xf32, #tpu.memory_space<vmem_shared>>) dst(%dma_wait3A_84 : memref<640x64xf32, #tpu.memory_space<hbm>>)
      tpu.yield
    }) : () -> ()
    return
  }
}

module attributes {stable_mosaic.version = 14 : i64} {
  func.func @_mm_bias_body(%arg0: i32, %arg1: memref<2x1024x64xf32, #tpu.memory_space<vmem>>, %arg2: memref<128x128xf32, #tpu.memory_space<vmem>>, %arg3: memref<1x128xf32, #tpu.memory_space<vmem>>, %arg4: memref<1024x128xf32, #tpu.memory_space<vmem>>, %arg5: memref<2x1024x64xf32, #tpu.memory_space<vmem>>) attributes {dimension_semantics = [#tpu.dimension_semantics<arbitrary>], iteration_bounds = array<i64: 10>, scalar_prefetch = 0 : i64, scratch_operands = 0 : i64, tpu.core_type = #tpu.core_type<tc>, window_params = [{transform_indices = @transform_0, window_bounds = array<i64: 2, 1024, 64>}, {pipeline_mode = #tpu.pipeline_mode<synchronous>, transform_indices = @transform_1, window_bounds = array<i64: 128, 128>}, {pipeline_mode = #tpu.pipeline_mode<synchronous>, transform_indices = @transform_2, window_bounds = array<i64: 1, 128>}, {transform_indices = @transform_3, window_bounds = array<i64: 1024, 128>}, {transform_indices = @transform_4, window_bounds = array<i64: 2, 1024, 64>}]} {
    %get3A = arith.constant 0 : index
    %get3A_0 = arith.constant 0 : index
    %get3A_1 = arith.constant 0 : index
    %get3A_2 = vector.load %arg1[%get3A, %get3A_0, %get3A_1] : memref<2x1024x64xf32, #tpu.memory_space<vmem>>, vector<1x1024x64xf32>
    %get3A_3 = vector.shape_cast %get3A_2 : vector<1x1024x64xf32> to vector<1024x64xf32>
    %get3A_4 = arith.constant 1 : index
    %get3A_5 = arith.constant 0 : index
    %get3A_6 = arith.constant 0 : index
    %get3A_7 = vector.load %arg1[%get3A_4, %get3A_5, %get3A_6] : memref<2x1024x64xf32, #tpu.memory_space<vmem>>, vector<1x1024x64xf32>
    %get3A_8 = vector.shape_cast %get3A_7 : vector<1x1024x64xf32> to vector<1024x64xf32>
    %concatenate3A = tpu.concatenate %get3A_3, %get3A_8 in 1 : vector<1024x64xf32>, vector<1024x64xf32> -> vector<1024x128xf32>
    %get3A_9 = arith.constant 0 : index
    %get3A_10 = arith.constant 0 : index
    %get3A_11 = vector.load %arg2[%get3A_9, %get3A_10] : memref<128x128xf32, #tpu.memory_space<vmem>>, vector<128x128xf32>
    %dot_general3A = arith.constant dense<0.000000e+00> : vector<1024x128xf32>
    %dot_general3A_12 = tpu.matmul %concatenate3A, %get3A_11, %dot_general3A {dimension_numbers = #tpu.dot_dimension_numbers<[1], [1], [0], [0], [0, 0, 1, 0], [], []>, transpose_lhs_hint = false} : vector<1024x128xf32>, vector<128x128xf32>, vector<1024x128xf32> -> vector<1024x128xf32>
    %get3A_13 = arith.constant 0 : index
    %get3A_14 = arith.constant 0 : index
    %get3A_15 = vector.load %arg3[%get3A_13, %get3A_14] : memref<1x128xf32, #tpu.memory_space<vmem>>, vector<1x128xf32>
    %add3A = vector.broadcast %get3A_15 : vector<1x128xf32> to vector<1024x128xf32>
    %add3A_16 = arith.addf %dot_general3A_12, %add3A : vector<1024x128xf32>
    %swap3A = arith.constant 0 : index
    %swap3A_17 = arith.constant 0 : index
    %swap3A_18 = vector.load %arg4[%swap3A, %swap3A_17] : memref<1024x128xf32, #tpu.memory_space<vmem>>, vector<1024x128xf32>
    tpu.vector_store %arg4[%swap3A, %swap3A_17], %add3A_16 {strides = array<i32>} : memref<1024x128xf32, #tpu.memory_space<vmem>>, vector<1024x128xf32>,
    %get3A_19 = arith.constant 0 : index
    %get3A_20 = arith.constant 0 : index
    %get3A_21 = arith.constant 0 : index
    %get3A_22 = vector.load %arg1[%get3A_19, %get3A_20, %get3A_21] : memref<2x1024x64xf32, #tpu.memory_space<vmem>>, vector<2x1024x64xf32>
    %swap3A_23 = arith.constant 0 : index
    %swap3A_24 = arith.constant 0 : index
    %swap3A_25 = arith.constant 0 : index
    %swap3A_26 = vector.load %arg5[%swap3A_23, %swap3A_24, %swap3A_25] : memref<2x1024x64xf32, #tpu.memory_space<vmem>>, vector<2x1024x64xf32>
    tpu.vector_store %arg5[%swap3A_23, %swap3A_24, %swap3A_25], %get3A_22 {strides = array<i32>} : memref<2x1024x64xf32, #tpu.memory_space<vmem>>, vector<2x1024x64xf32>,
    return
  }
  func.func @transform_0(%arg0: i32) -> (i32, i32, i32) {
    %c0_i32 = arith.constant 0 : i32
    %c0_i32_0 = arith.constant 0 : i32
    %c0_i32_1 = arith.constant 0 : i32
    return %c0_i32, %arg0, %c0_i32_0 : i32, i32, i32
  }
  func.func @transform_1(%arg0: i32) -> (i32, i32) {
    %c0_i32 = arith.constant 0 : i32
    %c0_i32_0 = arith.constant 0 : i32
    %c0_i32_1 = arith.constant 0 : i32
    return %c0_i32, %c0_i32_0 : i32, i32
  }
  func.func @transform_2(%arg0: i32) -> (i32, i32) {
    %c0_i32 = arith.constant 0 : i32
    %c0_i32_0 = arith.constant 0 : i32
    %c0_i32_1 = arith.constant 0 : i32
    return %c0_i32, %c0_i32_0 : i32, i32
  }
  func.func @transform_3(%arg0: i32) -> (i32, i32) {
    %c0_i32 = arith.constant 0 : i32
    %c0_i32_0 = arith.constant 0 : i32
    return %arg0, %c0_i32 : i32, i32
  }
  func.func @transform_4(%arg0: i32) -> (i32, i32, i32) {
    %c0_i32 = arith.constant 0 : i32
    %c0_i32_0 = arith.constant 0 : i32
    %c0_i32_1 = arith.constant 0 : i32
    return %c0_i32, %arg0, %c0_i32_0 : i32, i32, i32
  }
}

module attributes {stable_mosaic.version = 14 : i64} {
  func.func @_combine_body(%arg0: i32, %arg1: memref<2x1024x64xf32, #tpu.memory_space<vmem>>, %arg2: memref<1024x1xf32, #tpu.memory_space<vmem>>, %arg3: memref<1024x128xf32, #tpu.memory_space<vmem>>, %arg4: memref<128x128xf32, #tpu.memory_space<vmem>>, %arg5: memref<128x128xf32, #tpu.memory_space<vmem>>, %arg6: memref<1x128xf32, #tpu.memory_space<vmem>>, %arg7: memref<2x1024x64xf32, #tpu.memory_space<vmem>>, %arg8: memref<1024x128xf32, #tpu.memory_space<vmem>>) attributes {dimension_semantics = [#tpu.dimension_semantics<arbitrary>], iteration_bounds = array<i64: 10>, scalar_prefetch = 0 : i64, scratch_operands = 0 : i64, tpu.core_type = #tpu.core_type<tc>, window_params = [{transform_indices = @transform_0, window_bounds = array<i64: 2, 1024, 64>}, {transform_indices = @transform_1, window_bounds = array<i64: 1024, 1>}, {transform_indices = @transform_2, window_bounds = array<i64: 1024, 128>}, {pipeline_mode = #tpu.pipeline_mode<synchronous>, transform_indices = @transform_3, window_bounds = array<i64: 128, 128>}, {pipeline_mode = #tpu.pipeline_mode<synchronous>, transform_indices = @transform_4, window_bounds = array<i64: 128, 128>}, {pipeline_mode = #tpu.pipeline_mode<synchronous>, transform_indices = @transform_5, window_bounds = array<i64: 1, 128>}, {transform_indices = @transform_6, window_bounds = array<i64: 2, 1024, 64>}, {transform_indices = @transform_7, window_bounds = array<i64: 1024, 128>}]} {
    %get3A = arith.constant 0 : index
    %get3A_0 = arith.constant 0 : index
    %get3A_1 = arith.constant 0 : index
    %get3A_2 = vector.load %arg1[%get3A, %get3A_0, %get3A_1] : memref<2x1024x64xf32, #tpu.memory_space<vmem>>, vector<1x1024x64xf32>
    %get3A_3 = vector.shape_cast %get3A_2 : vector<1x1024x64xf32> to vector<1024x64xf32>
    %get3A_4 = arith.constant 1 : index
    %get3A_5 = arith.constant 0 : index
    %get3A_6 = arith.constant 0 : index
    %get3A_7 = vector.load %arg1[%get3A_4, %get3A_5, %get3A_6] : memref<2x1024x64xf32, #tpu.memory_space<vmem>>, vector<1x1024x64xf32>
    %get3A_8 = vector.shape_cast %get3A_7 : vector<1x1024x64xf32> to vector<1024x64xf32>
    %concatenate3A = tpu.concatenate %get3A_3, %get3A_8 in 1 : vector<1024x64xf32>, vector<1024x64xf32> -> vector<1024x128xf32>
    %get3A_9 = arith.constant 0 : index
    %get3A_10 = arith.constant 0 : index
    %get3A_11 = vector.load %arg2[%get3A_9, %get3A_10] : memref<1024x1xf32, #tpu.memory_space<vmem>>, vector<1024x1xf32>
    %max3A = arith.constant 1.000000e+00 : f32
    %max3A_12 = vector.broadcast %max3A : f32 to vector<1024x1xf32>
    %max3A_13 = arith.maximumf %get3A_11, %max3A_12 : vector<1024x1xf32>
    %div3A = arith.constant 1.000000e+00 : f32
    %div3A_14 = vector.broadcast %div3A : f32 to vector<1024x1xf32>
    %div3A_15 = arith.divf %div3A_14, %max3A_13 : vector<1024x1xf32>
    %mul3A = vector.broadcast %div3A_15 : vector<1024x1xf32> to vector<1024x128xf32>
    %mul3A_16 = arith.mulf %concatenate3A, %mul3A : vector<1024x128xf32>
    %get3A_17 = arith.constant 0 : index
    %get3A_18 = arith.constant 0 : index
    %get3A_19 = vector.load %arg4[%get3A_17, %get3A_18] : memref<128x128xf32, #tpu.memory_space<vmem>>, vector<128x128xf32>
    %dot_general3A = arith.constant dense<0.000000e+00> : vector<1024x128xf32>
    %dot_general3A_20 = tpu.matmul %mul3A_16, %get3A_19, %dot_general3A {dimension_numbers = #tpu.dot_dimension_numbers<[1], [1], [0], [0], [0, 0, 1, 0], [], []>, transpose_lhs_hint = false} : vector<1024x128xf32>, vector<128x128xf32>, vector<1024x128xf32> -> vector<1024x128xf32>
    %get3A_21 = arith.constant 0 : index
    %get3A_22 = arith.constant 0 : index
    %get3A_23 = vector.load %arg3[%get3A_21, %get3A_22] : memref<1024x128xf32, #tpu.memory_space<vmem>>, vector<1024x128xf32>
    %add3A = arith.addf %dot_general3A_20, %get3A_23 : vector<1024x128xf32>
    %max3A_24 = arith.constant 0.000000e+00 : f32
    %max3A_25 = vector.broadcast %max3A_24 : f32 to vector<1024x128xf32>
    %max3A_26 = arith.maximumf %add3A, %max3A_25 : vector<1024x128xf32>
    %slice3A = vector.extract_strided_slice %max3A_26 {offsets = [0, 0], sizes = [1024, 64], strides = [1, 1]} : vector<1024x128xf32> to vector<1024x64xf32>
    %swap3A = arith.constant 0 : index
    %swap3A_27 = arith.constant 0 : index
    %swap3A_28 = arith.constant 0 : index
    %swap3A_29 = vector.load %arg7[%swap3A, %swap3A_27, %swap3A_28] : memref<2x1024x64xf32, #tpu.memory_space<vmem>>, vector<1x1024x64xf32>
    %swap3A_30 = vector.shape_cast %swap3A_29 : vector<1x1024x64xf32> to vector<1024x64xf32>
    %swap3A_31 = vector.shape_cast %slice3A : vector<1024x64xf32> to vector<1x1024x64xf32>
    tpu.vector_store %arg7[%swap3A, %swap3A_27, %swap3A_28], %swap3A_31 {strides = array<i32>} : memref<2x1024x64xf32, #tpu.memory_space<vmem>>, vector<1x1024x64xf32>,
    %slice3A_32 = vector.extract_strided_slice %max3A_26 {offsets = [0, 64], sizes = [1024, 64], strides = [1, 1]} : vector<1024x128xf32> to vector<1024x64xf32>
    %swap3A_33 = arith.constant 1 : index
    %swap3A_34 = arith.constant 0 : index
    %swap3A_35 = arith.constant 0 : index
    %swap3A_36 = vector.load %arg7[%swap3A_33, %swap3A_34, %swap3A_35] : memref<2x1024x64xf32, #tpu.memory_space<vmem>>, vector<1x1024x64xf32>
    %swap3A_37 = vector.shape_cast %swap3A_36 : vector<1x1024x64xf32> to vector<1024x64xf32>
    %swap3A_38 = vector.shape_cast %slice3A_32 : vector<1024x64xf32> to vector<1x1024x64xf32>
    tpu.vector_store %arg7[%swap3A_33, %swap3A_34, %swap3A_35], %swap3A_38 {strides = array<i32>} : memref<2x1024x64xf32, #tpu.memory_space<vmem>>, vector<1x1024x64xf32>,
    %get3A_39 = arith.constant 0 : index
    %get3A_40 = arith.constant 0 : index
    %get3A_41 = vector.load %arg5[%get3A_39, %get3A_40] : memref<128x128xf32, #tpu.memory_space<vmem>>, vector<128x128xf32>
    %dot_general3A_42 = arith.constant dense<0.000000e+00> : vector<1024x128xf32>
    %dot_general3A_43 = tpu.matmul %max3A_26, %get3A_41, %dot_general3A_42 {dimension_numbers = #tpu.dot_dimension_numbers<[1], [1], [0], [0], [0, 0, 1, 0], [], []>, transpose_lhs_hint = false} : vector<1024x128xf32>, vector<128x128xf32>, vector<1024x128xf32> -> vector<1024x128xf32>
    %get3A_44 = arith.constant 0 : index
    %get3A_45 = arith.constant 0 : index
    %get3A_46 = vector.load %arg6[%get3A_44, %get3A_45] : memref<1x128xf32, #tpu.memory_space<vmem>>, vector<1x128xf32>
    %add3A_47 = vector.broadcast %get3A_46 : vector<1x128xf32> to vector<1024x128xf32>
    %add3A_48 = arith.addf %dot_general3A_43, %add3A_47 : vector<1024x128xf32>
    %swap3A_49 = arith.constant 0 : index
    %swap3A_50 = arith.constant 0 : index
    %swap3A_51 = vector.load %arg8[%swap3A_49, %swap3A_50] : memref<1024x128xf32, #tpu.memory_space<vmem>>, vector<1024x128xf32>
    tpu.vector_store %arg8[%swap3A_49, %swap3A_50], %add3A_48 {strides = array<i32>} : memref<1024x128xf32, #tpu.memory_space<vmem>>, vector<1024x128xf32>,
    return
  }
  func.func @transform_0(%arg0: i32) -> (i32, i32, i32) {
    %c0_i32 = arith.constant 0 : i32
    %c0_i32_0 = arith.constant 0 : i32
    %c0_i32_1 = arith.constant 0 : i32
    return %c0_i32, %arg0, %c0_i32_0 : i32, i32, i32
  }
  func.func @transform_1(%arg0: i32) -> (i32, i32) {
    %c0_i32 = arith.constant 0 : i32
    %c0_i32_0 = arith.constant 0 : i32
    return %arg0, %c0_i32 : i32, i32
  }
  func.func @transform_2(%arg0: i32) -> (i32, i32) {
    %c0_i32 = arith.constant 0 : i32
    %c0_i32_0 = arith.constant 0 : i32
    return %arg0, %c0_i32 : i32, i32
  }
  func.func @transform_3(%arg0: i32) -> (i32, i32) {
    %c0_i32 = arith.constant 0 : i32
    %c0_i32_0 = arith.constant 0 : i32
    %c0_i32_1 = arith.constant 0 : i32
    return %c0_i32, %c0_i32_0 : i32, i32
  }
  func.func @transform_4(%arg0: i32) -> (i32, i32) {
    %c0_i32 = arith.constant 0 : i32
    %c0_i32_0 = arith.constant 0 : i32
    %c0_i32_1 = arith.constant 0 : i32
    return %c0_i32, %c0_i32_0 : i32, i32
  }
  func.func @transform_5(%arg0: i32) -> (i32, i32) {
    %c0_i32 = arith.constant 0 : i32
    %c0_i32_0 = arith.constant 0 : i32
    %c0_i32_1 = arith.constant 0 : i32
    return %c0_i32, %c0_i32_0 : i32, i32
  }
  func.func @transform_6(%arg0: i32) -> (i32, i32, i32) {
    %c0_i32 = arith.constant 0 : i32
    %c0_i32_0 = arith.constant 0 : i32
    %c0_i32_1 = arith.constant 0 : i32
    return %c0_i32, %arg0, %c0_i32_0 : i32, i32, i32
  }
  func.func @transform_7(%arg0: i32) -> (i32, i32) {
    %c0_i32 = arith.constant 0 : i32
    %c0_i32_0 = arith.constant 0 : i32
    return %arg0, %c0_i32 : i32, i32
  }
}

module attributes {stable_mosaic.version = 14 : i64} {
  func.func @_combine_body(%arg0: i32, %arg1: memref<2x1024x64xf32, #tpu.memory_space<vmem>>, %arg2: memref<1024x1xf32, #tpu.memory_space<vmem>>, %arg3: memref<1024x128xf32, #tpu.memory_space<vmem>>, %arg4: memref<128x128xf32, #tpu.memory_space<vmem>>, %arg5: memref<1024x128xf32, #tpu.memory_space<vmem>>) attributes {dimension_semantics = [#tpu.dimension_semantics<arbitrary>], iteration_bounds = array<i64: 10>, scalar_prefetch = 0 : i64, scratch_operands = 0 : i64, tpu.core_type = #tpu.core_type<tc>, window_params = [{transform_indices = @transform_0, window_bounds = array<i64: 2, 1024, 64>}, {transform_indices = @transform_1, window_bounds = array<i64: 1024, 1>}, {transform_indices = @transform_2, window_bounds = array<i64: 1024, 128>}, {pipeline_mode = #tpu.pipeline_mode<synchronous>, transform_indices = @transform_3, window_bounds = array<i64: 128, 128>}, {transform_indices = @transform_4, window_bounds = array<i64: 1024, 128>}]} {
    %get3A = arith.constant 0 : index
    %get3A_0 = arith.constant 0 : index
    %get3A_1 = arith.constant 0 : index
    %get3A_2 = vector.load %arg1[%get3A, %get3A_0, %get3A_1] : memref<2x1024x64xf32, #tpu.memory_space<vmem>>, vector<1x1024x64xf32>
    %get3A_3 = vector.shape_cast %get3A_2 : vector<1x1024x64xf32> to vector<1024x64xf32>
    %get3A_4 = arith.constant 1 : index
    %get3A_5 = arith.constant 0 : index
    %get3A_6 = arith.constant 0 : index
    %get3A_7 = vector.load %arg1[%get3A_4, %get3A_5, %get3A_6] : memref<2x1024x64xf32, #tpu.memory_space<vmem>>, vector<1x1024x64xf32>
    %get3A_8 = vector.shape_cast %get3A_7 : vector<1x1024x64xf32> to vector<1024x64xf32>
    %concatenate3A = tpu.concatenate %get3A_3, %get3A_8 in 1 : vector<1024x64xf32>, vector<1024x64xf32> -> vector<1024x128xf32>
    %get3A_9 = arith.constant 0 : index
    %get3A_10 = arith.constant 0 : index
    %get3A_11 = vector.load %arg2[%get3A_9, %get3A_10] : memref<1024x1xf32, #tpu.memory_space<vmem>>, vector<1024x1xf32>
    %max3A = arith.constant 1.000000e+00 : f32
    %max3A_12 = vector.broadcast %max3A : f32 to vector<1024x1xf32>
    %max3A_13 = arith.maximumf %get3A_11, %max3A_12 : vector<1024x1xf32>
    %div3A = arith.constant 1.000000e+00 : f32
    %div3A_14 = vector.broadcast %div3A : f32 to vector<1024x1xf32>
    %div3A_15 = arith.divf %div3A_14, %max3A_13 : vector<1024x1xf32>
    %mul3A = vector.broadcast %div3A_15 : vector<1024x1xf32> to vector<1024x128xf32>
    %mul3A_16 = arith.mulf %concatenate3A, %mul3A : vector<1024x128xf32>
    %get3A_17 = arith.constant 0 : index
    %get3A_18 = arith.constant 0 : index
    %get3A_19 = vector.load %arg4[%get3A_17, %get3A_18] : memref<128x128xf32, #tpu.memory_space<vmem>>, vector<128x128xf32>
    %dot_general3A = arith.constant dense<0.000000e+00> : vector<1024x128xf32>
    %dot_general3A_20 = tpu.matmul %mul3A_16, %get3A_19, %dot_general3A {dimension_numbers = #tpu.dot_dimension_numbers<[1], [1], [0], [0], [0, 0, 1, 0], [], []>, transpose_lhs_hint = false} : vector<1024x128xf32>, vector<128x128xf32>, vector<1024x128xf32> -> vector<1024x128xf32>
    %get3A_21 = arith.constant 0 : index
    %get3A_22 = arith.constant 0 : index
    %get3A_23 = vector.load %arg3[%get3A_21, %get3A_22] : memref<1024x128xf32, #tpu.memory_space<vmem>>, vector<1024x128xf32>
    %add3A = arith.addf %dot_general3A_20, %get3A_23 : vector<1024x128xf32>
    %reduce_max3A = arith.constant dense<0xFF800000> : vector<1024xf32>
    %reduce_max3A_24 = vector.multi_reduction <maximumf>, %add3A, %reduce_max3A [1] : vector<1024x128xf32> to vector<1024xf32>
    %broadcast_in_dim3A = vector.shape_cast %reduce_max3A_24 : vector<1024xf32> to vector<1024x1xf32>
    %sub3A = vector.broadcast %broadcast_in_dim3A : vector<1024x1xf32> to vector<1024x128xf32>
    %sub3A_25 = arith.subf %add3A, %sub3A : vector<1024x128xf32>
    %exp3A = math.exp %sub3A_25 : vector<1024x128xf32>
    %reduce_sum3A = arith.constant dense<0.000000e+00> : vector<1024xf32>
    %reduce_sum3A_26 = vector.multi_reduction <add>, %exp3A, %reduce_sum3A [1] : vector<1024x128xf32> to vector<1024xf32>
    %broadcast_in_dim3A_27 = vector.shape_cast %reduce_sum3A_26 : vector<1024xf32> to vector<1024x1xf32>
    %log3A = math.log %broadcast_in_dim3A_27 : vector<1024x1xf32>
    %add3A_28 = arith.addf %log3A, %broadcast_in_dim3A : vector<1024x1xf32>
    %sub3A_29 = vector.broadcast %add3A_28 : vector<1024x1xf32> to vector<1024x128xf32>
    %sub3A_30 = arith.subf %add3A, %sub3A_29 : vector<1024x128xf32>
    %swap3A = arith.constant 0 : index
    %swap3A_31 = arith.constant 0 : index
    %swap3A_32 = vector.load %arg5[%swap3A, %swap3A_31] : memref<1024x128xf32, #tpu.memory_space<vmem>>, vector<1024x128xf32>
    tpu.vector_store %arg5[%swap3A, %swap3A_31], %sub3A_30 {strides = array<i32>} : memref<1024x128xf32, #tpu.memory_space<vmem>>, vector<1024x128xf32>,
    return
  }
  func.func @transform_0(%arg0: i32) -> (i32, i32, i32) {
    %c0_i32 = arith.constant 0 : i32
    %c0_i32_0 = arith.constant 0 : i32
    %c0_i32_1 = arith.constant 0 : i32
    return %c0_i32, %arg0, %c0_i32_0 : i32, i32, i32
  }
  func.func @transform_1(%arg0: i32) -> (i32, i32) {
    %c0_i32 = arith.constant 0 : i32
    %c0_i32_0 = arith.constant 0 : i32
    return %arg0, %c0_i32 : i32, i32
  }
  func.func @transform_2(%arg0: i32) -> (i32, i32) {
    %c0_i32 = arith.constant 0 : i32
    %c0_i32_0 = arith.constant 0 : i32
    return %arg0, %c0_i32 : i32, i32
  }
  func.func @transform_3(%arg0: i32) -> (i32, i32) {
    %c0_i32 = arith.constant 0 : i32
    %c0_i32_0 = arith.constant 0 : i32
    %c0_i32_1 = arith.constant 0 : i32
    return %c0_i32, %c0_i32_0 : i32, i32
  }
  func.func @transform_4(%arg0: i32) -> (i32, i32) {
    %c0_i32 = arith.constant 0 : i32
    %c0_i32_0 = arith.constant 0 : i32
    return %arg0, %c0_i32 : i32, i32
  }
}

</mosaic_0001>

<sc_bundles>
// kernel: sc_degree.3.cloned.1.call-start
scs
__scs_entry_jumppad:
0x0: {  	(pc) =	sbr.rel $0x88, $3  }
0x1: {  	(tag) =	ssettag $0x0;
	lr =	simm.s32 $0x1  }
0x2: {  	[smem:$0x3F99] =	sst lr;
	_ =	strace $0xD0000000  }
0x3: {  	_ = 	snop  }
0x4: {  	_ = 	snop  }
0x5: {  	_ = 	snop  }
0x6: {  	_ = 	snop  }
0x7: {  	_ = 	snop  }
__scs_overlays_trampoline_lowered:
0x8: {  	[smem:$0x3FA8] =	sst s0  }
0x9: {  	[smem:$0x3FA9] =	sst s1  }
0xa: {  	[smem:$0x3FAA] =	sst s2  }
0xb: {  	[smem:$0x3FAB] =	sst s3  }
0xc: {  	[smem:$0x3FAC] =	sst s4  }
0xd: {  	[smem:$0x3FAD] =	sst s5  }
0xe: {  	[smem:$0x3FAE] =	sst s6  }
0xf: {  	[smem:$0x3FAF] =	sst s7  }
0x10: {  	[smem:$0x3FB0] =	sst s8  }
0x11: {  	[smem:$0x3FB1] =	sst s9;
	s0 =	simm.s32 @!p0 $0x0  }
0x12: {  	s1 =	sld [smem:$0x3F97];
	s0 =	simm.s32 @p0 $0x1  }
0x13: {  	[smem:$0x3FB2] =	sst s0;
	s0 =	simm.s32 @!p1 $0x0  }
0x14: {  	s2 =	sld [smem:$0x3F96];
	s0 =	simm.s32 @p1 $0x1  }
0x15: {  	[smem:$0x3FB3] =	sst s0;
	s0 =	simm.s32 @!p2 $0x0  }
0x16: {  	s3 =	sld [smem:$0x3FDB];
	s0 =	simm.s32 @p2 $0x1  }
0x17: {  	s4 =	simm.s32 $0x1BF5;
	[smem:$0x3FB5] =	sst s0  }
0x18: {  	s0 =	sld [smem:$0x3F98];
	_ =	swait.ge [sflag:s4], $0x0  }
0x19: {  	s7 =	sld [smem:$0x3F99]  }
0x1a: {  	s8 =	sadd.s32 $0xFFFFE003, lr  }
0x1b: {  	s9 =	sadd.s32 $0xFFFFFEF7, lr;
	s5 =	simm.s32 $0xFFFFFFFF;
	p2 =	slt.u32 s8, $0xFFFFF086  }
0x1c: {  	p1 =	slt.u32 s9, $0xF7A;
	s5 =	simm.s32 @!p2 $0x0  }
0x1d: {  	s5 =	simm.s32 @p1 $0x1;
	p0 =	seq.s32 s7, s2  }
0x1e: {  	s7 =	smul.u32 @!p0 $0xF7A, s2;
	p2 =	seq.s32 @!p0 s5, $0x0  }
0x1f: {  	s9 =	smul.u32 $0xF7A, s1;
	s8 =	simm.s32 @!p0 $0x1BF5;
	p2 =	por !p2, p0  }
0x20: {  	[sflag:s8] =	ssyncset.s32 @!p0 $0xFFFFF086;
	s6 =	sadd.s32 @!p0 s3, s7;
	s7 =	simm.s32 @!p0 $0x108  }
0x21: {  	s3 =	sadd.s32 s3, s9;
	s6 =	sadd.s32 @!p0 $0x88, s6;
	s7 =	simm.s32 @p2 $0x1082  }
0x22: {  	[simem:s7], [sflag:s8] =	dma.local @!p0 [hbm:s6], $0xF7A  }
0x23: {  	s9 =	sor.u32 $0xD0000000, s2;
	s6 =	simm.s32 $0x108;
	_ =	swait.ge @!p0 [sflag:s8], $0x0  }
0x24: {  	s3 =	sadd.s32 $0x88, s3;
	s6 =	simm.s32 @!p1 $0x1082;
	[sflag:s4] =	ssyncset.s32 $0xFFFFF086  }
0x25: {  	[simem:s6], [sflag:s4] =	dma.local [hbm:s3], $0xF7A  }
0x26: {  	[smem:$0x3F99] =	sst s1;
	(tag) =	ssettag s2;
	_ =	strace s9  }
0x27: {  	s1 =	sld [smem:$0x3FA9]  }
0x28: {  	s2 =	sld [smem:$0x3FAA]  }
0x29: {  	s4 =	sld [smem:$0x3FAC]  }
0x2a: {  	p0 =	seq.s32 s5, $0x0;
	s5 =	sld [smem:$0x3FAD]  }
0x2b: {  	s6 =	sld [smem:$0x3FAE]  }
0x2c: {  	s7 =	sld [smem:$0x3FAF]  }
0x2d: {  	s3 =	simm.s32 $0x108;
	s8 =	sld [smem:$0x3FB0]  }
0x2e: {  	s3 =	simm.s32 @!p0 $0x1082;
	s9 =	sld [smem:$0x3FB1]  }
0x2f: {  	lr =	sadd.s32 s0, s3;
	s0 =	sld [smem:$0x3FA8]  }
0x30: {  	s3 =	sld [smem:$0x3FAB]  }
0x31: {  	[smem:$0x3FB4] =	sst s10  }
0x32: {  	s10 =	sld [smem:$0x3FB2];
	_ =	sdelay $0x3  }
0x33: {  	p0 =	seq.s32 s10, $0x1;
	s10 =	sld [smem:$0x3FB4];
	_ =	sdelay $0x3  }
0x34: {  	[smem:$0x3FB4] =	sst s10  }
0x35: {  	s10 =	sld [smem:$0x3FB3];
	_ =	sdelay $0x3  }
0x36: {  	p1 =	seq.s32 s10, $0x1;
	s10 =	sld [smem:$0x3FB4];
	_ =	sdelay $0x3  }
0x37: {  	[smem:$0x3FB4] =	sst s10  }
0x38: {  	s10 =	sld [smem:$0x3FB5]  }
0x39: {  	_ = 	snop;
	(pc) =	sbr.ind lr, $3  }
0x3a: {  	_ = 	snop  }
0x3b: {  	_ = 	snop  }
0x3c: {  	p2 =	seq.s32 s10, $0x1;
	s10 =	sld [smem:$0x3FB4]  }
0x3d: {  	_ =	shalt  }
0x3e: {  	_ =	shalt  }
0x3f: {  	_ =	shalt  }
0x40: {  	_ =	shalt  }
0x41: {  	_ =	shalt  }
0x42: {  	_ =	shalt  }
0x43: {  	_ =	shalt  }
0x44: {  	_ =	shalt  }
0x45: {  	_ =	shalt  }
0x46: {  	_ =	shalt  }
0x47: {  	_ =	shalt  }
0x48: {  	_ =	shalt  }
0x49: {  	_ =	shalt  }
0x4a: {  	_ =	shalt  }
0x4b: {  	_ =	shalt  }
0x4c: {  	_ =	shalt  }
0x4d: {  	_ =	shalt  }
0x4e: {  	_ =	shalt  }
0x4f: {  	_ =	shalt  }
0x50: {  	_ =	shalt  }
0x51: {  	_ =	shalt  }
0x52: {  	_ =	shalt  }
0x53: {  	_ =	shalt  }
0x54: {  	_ =	shalt  }
0x55: {  	_ =	shalt  }
0x56: {  	_ =	shalt  }
0x57: {  	_ =	shalt  }
0x58: {  	_ =	shalt  }
0x59: {  	_ =	shalt  }
0x5a: {  	_ =	shalt  }
0x5b: {  	_ =	shalt  }
0x5c: {  	_ =	shalt  }
0x5d: {  	_ =	shalt  }
0x5e: {  	_ =	shalt  }
0x5f: {  	_ =	shalt  }
0x60: {  	_ =	shalt  }
0x61: {  	_ =	shalt  }
0x62: {  	_ =	shalt  }
0x63: {  	_ =	shalt  }
0x64: {  	_ =	shalt  }
0x65: {  	_ =	shalt  }
0x66: {  	_ =	shalt  }
0x67: {  	_ =	shalt  }
0x68: {  	_ =	shalt  }
0x69: {  	_ =	shalt  }
0x6a: {  	_ =	shalt  }
0x6b: {  	_ =	shalt  }
0x6c: {  	_ =	shalt  }
0x6d: {  	_ =	shalt  }
0x6e: {  	_ =	shalt  }
0x6f: {  	_ =	shalt  }
0x70: {  	_ =	shalt  }
0x71: {  	_ =	shalt  }
0x72: {  	_ =	shalt  }
0x73: {  	_ =	shalt  }
0x74: {  	_ =	shalt  }
0x75: {  	_ =	shalt  }
0x76: {  	_ =	shalt  }
0x77: {  	_ =	shalt  }
0x78: {  	_ =	shalt  }
0x79: {  	_ =	shalt  }
0x7a: {  	_ =	shalt  }
0x7b: {  	_ =	shalt  }
0x7c: {  	_ =	shalt  }
0x7d: {  	_ =	shalt  }
0x7e: {  	_ =	shalt  }
0x7f: {  	_ =	shalt  }
0x80: {  	_ =	shalt  }
0x81: {  	_ =	shalt  }
0x82: {  	_ =	shalt  }
0x83: {  	_ =	shalt  }
0x84: {  	_ =	shalt  }
0x85: {  	_ =	shalt  }
0x86: {  	_ =	shalt  }
0x87: {  	_ =	shalt  }
.Lfunc_end0:
.L_simem_size_0:
called_computation_lowered:
.L_overlay_start_0:
0x88: {  	s2 =	sld [smem:$0x3FD9]  }
0x89: {  	s3 =	sld [smem:$0x3FFE];
	_ =	sdelay $0x1  }
0x8a: {  	s1 =	srdreg.scid  }
0x8b: {  	s0 =	sand.u32 $0x1, s1  }
0x8c: {  	s16 =	sshll.u32 s0, $0xA;
	s2 =	sadd.s32 s3, s2  }
0x8d: {  	s2 =	sadd.s32 s2, s16  }
0x8e: {  	[smem:$0x3FC0] =	sst s2  }
0x8f: {  	_ = 	snop  }
0x90: {  	(tm) =	ssettm $0x1  }
0x91: {  	s17 =	sld [smem:$0x3FFB];
	_ =	sdelay $0x3  }
0x92: {  	_ =	strace s17  }
0x93: {  	s2 =	sld [smem:$0x3FFC];
	_ =	sdelay $0x3  }
0x94: {  	_ =	strace s2  }
0x95: {  	s2 =	sld [smem:$0x3FFD];
	_ =	sdelay $0x3  }
0x96: {  	_ =	strace s2  }
0x97: {  	_ =	strace $0x8FFFFFFF  }
0x98: {  	s18 =	sld [smem:$0x3FDB];
	_ =	sdelay $0x1  }
0x99: {  	s19 =	simm.s32 $_scs_section_size  }
0x9a: {  	s4 =	simm.s32 $_size__tile_overlayer_lowered;
	s5 =	simm.s32 $_tile_overlayer_lowered  }
0x9b: {  	s22 =	simm.s32 $0x1BFF;
	s21 =	sshll.u32 s5, $0x1;
	s2 =	sadd.s32 s19, s18  }
0x9c: {  	s6 =	simm.s32 $0x0;
	s20 =	sshll.u32 s4, $0x1;
	s4 =	sadd.s32 s21, s2  }
0x9d: {  	[timem:s6], [sflag:s22] =	dma.local [hbm:s4], s20  }
0x9e: {  	_ =	swait.ge [sflag:s22], s20  }
0x9f: {  	s3 =	ssub.s32 $0x0, s20;
	[sflag:s22] =	ssyncset.done $0x0  }
0xa0: {  	[sflag:s22] =	ssyncadd.s32 s3;
	_ =	sdelay $0x1  }
0xa1: {  	s23 =	simm.s32 $0x1B8B  }
0xa2: {  	_ =	swait.ge [sflag:s23], $0x1  }
0xa3: {  	[sflag:s23] =	ssyncset.done $0x0  }
0xa4: {  	s25 =	simm.s32 $0x1B8E;
	s24 =	sld [smem:$0x3FFE];
	[sflag:s23] =	ssyncadd.s32 $0xFFFFFFFF  }
0xa5: {  	s26 =	simm.s32 $execute0_lowered;
	[smem:$0x3FD2] =	sst s25  }
0xa6: {  	s4 =	sshll.u32 s26, $0x1;
	_ =	strace $0x80000046;
	[dreg:$0x1] =	wrdreg $0xFFFFFFFF  }
0xa7: {  	s28 =	simm.s32 $_size_execute0_lowered;
	s2 =	sadd.s32 s2, s4;
	[dreg:$0x0] =	wrdreg $0x0  }
0xa8: {  	s4 =	sshll.u32 s28, $0x1;
	[dreg:$0x2] =	wrdreg s2  }
0xa9: {  	[dreg:$0x3] =	wrdreg s4  }
0xaa: {  	[dreg:$0x4] =	wrdreg $0xC0  }
0xab: {  	_ =	task [dreg:s6], $0x5FFFF  }
0xac: {  	[dreg:$0x1] =	wrdreg $0xFFFFFFFF  }
0xad: {  	[dreg:$0x0] =	wrdreg $0x60  }
0xae: {  	[dreg:$0x2] =	wrdreg s24  }
0xaf: {  	[dreg:$0x3] =	wrdreg $0x7A800  }
0xb0: {  	[dreg:$0x4] =	wrdreg $0x9  }
0xb1: {  	_ =	task.clear_ibuf [dreg:s6], $0x5FFFF;
	_ =	strace $0x90000046  }
0xb2: {  	s29 =	simm.s32 $0x9;
	_ =	strace $0x80000048  }
0xb3: {  	_ =	swait.ge [sflag:s29], $0x1  }
0xb4: {  	[sflag:s29] =	ssyncadd.s32 $0xFFFFFFFF  }
0xb5: {  	_ =	strace $0x90000048  }
0xb6: {  	_ =	sfence  }
0xb7: {  	s30 =	sld [smem:$0x0];
	_ =	sdelay $0x2  }
0xb8: {  	s31 =	sshll.u32 s1, $0xD;
	s1 =	sshrl.u32 s1, $0x2  }
0xb9: {  	s3 =	sand.u32 $0x4000, s31;
	s1 =	sadd.s32 s1, s30  }
0xba: {  	s0 =	sor.u32 s3, s0;
	s1 =	sshll.u32 s1, $0x11  }
0xbb: {  	s0 =	sor.u32 s1, s0  }
0xbc: {  	s0 =	sadd.s32 $0x8F2B, s0  }
0xbd: {  	[sflag:s0] =	ssyncadd.remote.s32 $0x1  }
0xbe: {  	_ =	sfence.sel $0xFFFF  }
0xbf: {  	[dreg:$0x0] =	wrdreg $0xFFFFFFFF;
	(pc) =	sbr.abs _section_cstart, $3  }
0xc0: {  	[dreg:$0x1] =	wrdreg $0xFFFFFFFF  }
0xc1: {  	_ =	task.clear_ibuf [dreg:s6], $0x2FFFF;
	_ =	strace $0x9FFFFFFF  }
0xc2: {  	(tm) =	ssettm $0x7FFFFFFF  }
0xc3: {  	_ =	shalt  }
tec
execute0_lowered:
.L_overlay_start_1:
0x0: {  	(tag) =	ssettag $0x1  }
0x1: {  	s3 =	rddreg [dreg:$0x0]  }
0x2: {  	s5 =	rddreg [dreg:$0x1]  }
0x3: {  	s0 =	rddreg [dreg:$0x2];
	s4 =	srdreg.scid  }
0x4: {  	s1 =	stileid.u32;
	s2 =	simm.s32 $0x0;
	s12 =	simm.s32 $0x1400  }
0x5: {  	s13 =	simm.s32 $0x14000;
	s14 =	simm.s32 $0x5000;
	s15 =	simm.s32 $0x7800  }
0x6: {  	s16 =	simm.s32 $0x0;
	s4 =	sand.u32 $0x1, s4;
	s6 =	smul.u32 $0x280, s1  }
0x7: {  	[smem:$0x7FF] =	sst s2;
	s28 =	sshrl.u32 s1, $0x3;
	s10 =	smul.u32 $0x5000, s1  }
0x8: {  	s9 =	sshll.u32 s1, $0x7;
	s7 =	sshll.u32 s4, $0x4;
	s8 =	smul.u32 $0x2800, s4  }
0x9: {  	_ =	strace $0x80000047;
	s4 =	ssub.s32 $0x2, s4;
	s7 =	sor.u32 s1, s7  }
0xa: {  	s30 =	sand.u32 $0x380, s9;
	s9 =	simm.s32 $0x2800;
	s7 =	smul.u32 $0x500, s7  }
0xb: {  	s29 =	sshrl.u32 s4, $0x1;
	s6 =	sadd.s32 s6, s8;
	s8 =	smul.u32 $0x50000, s28  }
0xc: {  	s31 =	sshrl.u32 s10, $0x2;
	s10 =	simm.s32 $0x80;
	s11 =	ssub.s32 s4, s29  }
0xd: {  	s6 =	sshrl.u32 s6, $0x3;
	s7 =	sadd.s32 s7, s3;
	s8 =	sshrl.u32 s8, $0x2  }
0xe: {  	s6 =	sadd.s32 s6, s3;
	s8 =	sadd.s32 s8, s5;
	s3 =	sadd.s32 $0x2200, s7  }
0xf: {  	s5 =	sadd.s32 s31, s5;
	s6 =	sadd.s32 $0x16200, s6;
	s7 =	smax.u32 s11, $0x1  }
0x10: {  	v0 =	vimm.f32 $0.0e+00;
	v1 =	vimm.f32 $1.000000000e+00;
	s11 =	simm.s32 $0x400;
	s4 =	sadd.s32 s30, s8;
	s8 =	simm.s32 $0x1  }
.LBB2_1:
0x11: {  	[tilespmem:s2], [sflag:$0x1] =	stream.linear.gather [hbm4b:s3+s2], $0x2800, $0x38;
	[tilespmem:$0xA280] =	vst v63  }
0x12: {  	_ =	swait.ge [sflag:s8], $0x2800  }
0x13: {  	[sflag:s8] =	ssyncset.done $0x0  }
0x14: {  	s17 =	simm.s32 $0x0;
	[sflag:s8] =	ssyncadd.s32 $0xFFFFD800  }
.LBB2_2:
0x15: {  	p0 =	sne.s32 s17, $0x9FC0  }
.Ltmp0:
0x16: {  	_ = 	snop;
	(pc) =	sbr.rel @p0 .LBB2_2-.Ltmp0, $3  }
0x17: {  	_ =	sdelay $0x1  }
0x18: {  	s18 =	sshra.s32 s17, $0x2  }
0x19: {  	s17 =	sadd.s32 $0x40, s17;
	[tilespmem:s18+$0x2800] =	vst v0  }
0x1a: {  	s17 =	simm.s32 $0x0  }
.LBB2_4:
0x1b: {  	s18 =	sshra.s32 s17, $0x2  }
0x1c: {  	v2 =	vld [tilespmem:s18+$0x0];
	_ =	sdelay $0x7  }
0x1d: {  	[tilespmem:v2+s9+$0x0] =	vst.idx.add.f32.msk $0xffff, v1  }
0x1e: {  	v2 =	vld [tilespmem:s18+$0x10];
	_ =	sdelay $0x7  }
0x1f: {  	[tilespmem:v2+s9+$0x0] =	vst.idx.add.f32.msk $0xffff, v1  }
0x20: {  	v2 =	vld [tilespmem:s18+$0x20];
	_ =	sdelay $0x7  }
0x21: {  	[tilespmem:v2+s9+$0x0] =	vst.idx.add.f32.msk $0xffff, v1  }
0x22: {  	v2 =	vld [tilespmem:s18+$0x30];
	_ =	sdelay $0x7  }
0x23: {  	[tilespmem:v2+s9+$0x0] =	vst.idx.add.f32.msk $0xffff, v1  }
0x24: {  	v2 =	vld [tilespmem:s18+$0x40];
	_ =	sdelay $0x7  }
0x25: {  	[tilespmem:v2+s9+$0x0] =	vst.idx.add.f32.msk $0xffff, v1  }
0x26: {  	v2 =	vld [tilespmem:s18+$0x50];
	_ =	sdelay $0x7  }
0x27: {  	[tilespmem:v2+s9+$0x0] =	vst.idx.add.f32.msk $0xffff, v1  }
0x28: {  	v2 =	vld [tilespmem:s18+$0x60];
	_ =	sdelay $0x7  }
0x29: {  	[tilespmem:v2+s9+$0x0] =	vst.idx.add.f32.msk $0xffff, v1  }
0x2a: {  	v2 =	vld [tilespmem:s18+$0x70];
	_ =	sdelay $0x2  }
0x2b: {  	p0 =	sne.s32 s17, $0x9E00  }
.Ltmp1:
0x2c: {  	_ = 	snop;
	(pc) =	sbr.rel @p0 .LBB2_4-.Ltmp1, $2  }
0x2d: {  	_ =	sdelay $0x2  }
0x2e: {  	s17 =	sadd.s32 $0x200, s17;
	[tilespmem:v2+s9+$0x0] =	vst.idx.add.f32.msk $0xffff, v1  }
0x2f: {  	[spmem:s4] =	stream.strided.scatter [tilespmem:s9], [sflag:$0x1], $0x2800, s11, s10, $0x38;
	[tilespmem:$0xA280] =	vst v63  }
0x30: {  	_ =	swait.ge [sflag:s8], $0x2800  }
0x31: {  	[sflag:s8] =	ssyncset.done $0x0  }
0x32: {  	[sflag:s8] =	ssyncadd.s32 $0xFFFFD800  }
0x33: {  	[bflag:$0x0] =	sbarrier.arrive $0xFFFF  }
0x34: {  	[tilespmem:s14], [sflag:$0x1] =	stream.strided.gather [spmem:s5], $0x2800, s13, s12, $0x38;
	[tilespmem:$0xA280] =	vst v63  }
0x35: {  	s17 =	simm.s32 $0x0;
	_ =	swait.ge [sflag:s8], $0x2800  }
0x36: {  	s18 =	sand.u32 $0x70, s17;
	s17 =	sand.u32 $0x1C00, s17;
	[sflag:s8] =	ssyncset.done $0x0  }
0x37: {  	s17 =	sor.u32 s18, s17;
	[sflag:s8] =	ssyncadd.s32 $0xFFFFD800  }
0x38: {  	v2 =	vld [tilespmem:s17+$0x5080]  }
0x39: {  	v3 =	vld [tilespmem:s17+$0x5000];
	_ =	sdelay $0x1  }
0x3a: {  	v4 =	vld [tilespmem:s17+$0x5100];
	_ =	sdelay $0x1  }
0x3b: {  	v5 =	vld [tilespmem:s17+$0x5180]  }
0x3c: {  	v2 =	vadd.f32 v2, v3  }
0x3d: {  	v3 =	vld [tilespmem:s17+$0x5200]  }
0x3e: {  	v2 =	vadd.f32 v4, v2  }
0x3f: {  	v56 =	vld [tilespmem:s17+$0x5280]  }
0x40: {  	v2 =	vadd.f32 v5, v2  }
0x41: {  	v57 =	vld [tilespmem:s17+$0x5300]  }
0x42: {  	v2 =	vadd.f32 v3, v2  }
0x43: {  	v3 =	vld [tilespmem:s17+$0x5380]  }
0x44: {  	v2 =	vadd.f32 v56, v2  }
0x45: {  	v58 =	vld [tilespmem:s17+$0x6400]  }
0x46: {  	v2 =	vadd.f32 v57, v2  }
0x47: {  	v59 =	vld [tilespmem:s17+$0x6480]  }
0x48: {  	v2 =	vadd.f32 v3, v2  }
0x49: {  	v3 =	vld [tilespmem:s17+$0x6500]  }
0x4a: {  	v2 =	vadd.f32 v58, v2  }
0x4b: {  	v60 =	vld [tilespmem:s17+$0x6580]  }
0x4c: {  	v2 =	vadd.f32 v59, v2  }
0x4d: {  	v61 =	vld [tilespmem:s17+$0x6600]  }
0x4e: {  	v2 =	vadd.f32 v3, v2  }
0x4f: {  	v3 =	vld [tilespmem:s17+$0x6680]  }
0x50: {  	v2 =	vadd.f32 v60, v2  }
0x51: {  	v62 =	vld [tilespmem:s17+$0x6700]  }
0x52: {  	v2 =	vadd.f32 v61, v2  }
0x53: {  	v63 =	vld [tilespmem:s17+$0x6780]  }
0x54: {  	v2 =	vadd.f32 v3, v2;
	_ =	sdelay $0x1  }
0x55: {  	v2 =	vadd.f32 v62, v2;
	_ =	sdelay $0x1  }
0x56: {  	s31 =	simm.s32 $0x10;
	s19 =	simm.s32 $0x80;
	v2 =	vadd.f32 v63, v2  }
0x57: {  	s20 =	sand.u32 $0x1C00, s19;
	s18 =	sand.u32 $0x70, s31;
	s17 =	simm.s32 $0x7800  }
0x58: {  	s18 =	sor.u32 s18, s20;
	s20 =	simm.s32 $0x20;
	[tilespmem:s17+$0x0] =	vst v2  }
.LBB2_6:
0x59: {  	p0 =	sne.s32 s20, $0x270;
	v2 =	vld [tilespmem:s18+$0x5080]  }
0x5a: {  	v3 =	vld [tilespmem:s18+$0x5000];
	_ =	sdelay $0x1  }
0x5b: {  	v4 =	vld [tilespmem:s18+$0x5100];
	_ =	sdelay $0x1  }
0x5c: {  	v5 =	vld [tilespmem:s18+$0x5180]  }
0x5d: {  	v2 =	vadd.f32 v2, v3  }
0x5e: {  	v3 =	vld [tilespmem:s18+$0x5200]  }
0x5f: {  	v2 =	vadd.f32 v4, v2  }
0x60: {  	v4 =	vld [tilespmem:s18+$0x5280]  }
0x61: {  	v2 =	vadd.f32 v5, v2  }
0x62: {  	v5 =	vld [tilespmem:s18+$0x5300]  }
0x63: {  	v2 =	vadd.f32 v3, v2  }
0x64: {  	v3 =	vld [tilespmem:s18+$0x5380]  }
0x65: {  	v2 =	vadd.f32 v4, v2  }
0x66: {  	v4 =	vld [tilespmem:s18+$0x6400]  }
0x67: {  	v2 =	vadd.f32 v5, v2  }
0x68: {  	v5 =	vld [tilespmem:s18+$0x6480]  }
0x69: {  	v2 =	vadd.f32 v3, v2  }
0x6a: {  	v3 =	vld [tilespmem:s18+$0x6500]  }
0x6b: {  	v2 =	vadd.f32 v4, v2  }
0x6c: {  	v4 =	vld [tilespmem:s18+$0x6580]  }
0x6d: {  	v2 =	vadd.f32 v5, v2  }
0x6e: {  	v5 =	vld [tilespmem:s18+$0x6600]  }
0x6f: {  	v2 =	vadd.f32 v3, v2  }
0x70: {  	v3 =	vld [tilespmem:s18+$0x6680]  }
0x71: {  	v2 =	vadd.f32 v4, v2  }
0x72: {  	v4 =	vld [tilespmem:s18+$0x6700]  }
0x73: {  	v2 =	vadd.f32 v5, v2  }
0x74: {  	v5 =	vld [tilespmem:s18+$0x6780]  }
0x75: {  	v2 =	vadd.f32 v3, v2;
	_ =	sdelay $0x1  }
.Ltmp2:
0x76: {  	v2 =	vadd.f32 v4, v2;
	(pc) =	sbr.rel @p0 .LBB2_6-.Ltmp2, $4  }
0x77: {  	_ = 	snop  }
0x78: {  	s19 =	sadd.s32 $0x80, s19;
	v2 =	vadd.f32 v5, v2  }
0x79: {  	s17 =	sadd.s32 $0x10, s17;
	s21 =	sand.u32 $0x1C00, s19;
	s18 =	sand.u32 $0x70, s20  }
0x7a: {  	s20 =	sadd.s32 $0x10, s20;
	s18 =	sor.u32 s18, s21;
	[tilespmem:s17+$0x0] =	vst v2  }
0x7b: {  	v2 =	vld [tilespmem:s18+$0x5080]  }
0x7c: {  	v3 =	vld [tilespmem:s18+$0x5000];
	_ =	sdelay $0x1  }
0x7d: {  	v4 =	vld [tilespmem:s18+$0x5100];
	_ =	sdelay $0x1  }
0x7e: {  	v5 =	vld [tilespmem:s18+$0x5180]  }
0x7f: {  	v2 =	vadd.f32 v2, v3  }
0x80: {  	v3 =	vld [tilespmem:s18+$0x5200]  }
0x81: {  	v2 =	vadd.f32 v4, v2  }
0x82: {  	v56 =	vld [tilespmem:s18+$0x5280]  }
0x83: {  	v2 =	vadd.f32 v5, v2  }
0x84: {  	v57 =	vld [tilespmem:s18+$0x5300]  }
0x85: {  	v2 =	vadd.f32 v3, v2  }
0x86: {  	v3 =	vld [tilespmem:s18+$0x5380]  }
0x87: {  	v2 =	vadd.f32 v56, v2  }
0x88: {  	v58 =	vld [tilespmem:s18+$0x6400]  }
0x89: {  	v2 =	vadd.f32 v57, v2  }
0x8a: {  	v59 =	vld [tilespmem:s18+$0x6480]  }
0x8b: {  	v2 =	vadd.f32 v3, v2  }
0x8c: {  	v3 =	vld [tilespmem:s18+$0x6500]  }
0x8d: {  	v2 =	vadd.f32 v58, v2  }
0x8e: {  	v60 =	vld [tilespmem:s18+$0x6580]  }
0x8f: {  	v2 =	vadd.f32 v59, v2  }
0x90: {  	v61 =	vld [tilespmem:s18+$0x6600]  }
0x91: {  	v2 =	vadd.f32 v3, v2  }
0x92: {  	v3 =	vld [tilespmem:s18+$0x6680]  }
0x93: {  	v2 =	vadd.f32 v60, v2  }
0x94: {  	v62 =	vld [tilespmem:s18+$0x6700]  }
0x95: {  	v2 =	vadd.f32 v61, v2  }
0x96: {  	v63 =	vld [tilespmem:s18+$0x6780]  }
0x97: {  	v2 =	vadd.f32 v3, v2;
	_ =	sdelay $0x1  }
0x98: {  	v2 =	vadd.f32 v62, v2;
	_ =	sdelay $0x1  }
0x99: {  	s16 =	sadd.s32 $0x1, s16;
	v2 =	vadd.f32 v63, v2  }
0x9a: {  	s17 =	sadd.s32 $0x10, s17;
	p0 =	sne.s32 s16, s7  }
.Ltmp3:
0x9b: {  	[tilespmem:s17+$0x0] =	vst v2;
	(pc) =	sbr.rel @p0 .LBB2_1-.Ltmp3, $4  }
0x9c: {  	[hbm4b:s6+s2] =	stream.linear.scatter [tilespmem:s15], [sflag:$0x1], $0x280, $0x38;
	[tilespmem:$0xA280] =	vst v63  }
0x9d: {  	_ =	swait.ge [sflag:s8], $0x280  }
0x9e: {  	[sflag:s8] =	ssyncset.done $0x0  }
0x9f: {  	[sflag:s8] =	ssyncadd.s32 $0xFFFFFD80  }
0xa0: {  	_ =	sfence.sel $0x180000  }
0xa1: {  	[bflag:$0x0] =	sbarrier.arrive $0xFFFF  }
0xa2: {  	p0 =	sne.s32 s1, $0x0;
	_ =	strace $0x90000047  }
0xa3: {  	s0 =	sadd.s32 @!p0 $0x100000, s0;
	[bflag:$0x2] =	sbarrier.arrive $0xFFFF  }
0xa4: {  	[sflag:s0] =	ssyncadd.tile.s32 @!p0 $0x1;
	_ =	shalt  }
.Lfunc_end2:
_tile_overlayer_lowered:
.L_overlay_start_2:
0xa5: {  	(tag) =	ssettag $0x2  }
0xa6: {  	s0 =	rddreg [dreg:$0x0];
	s2 =	stileid.u32  }
0xa7: {  	s1 =	rddreg [dreg:$0x1];
	p0 =	sne.s32 s2, $0x0  }
0xa8: {  	s3 =	rddreg [dreg:$0x2];
	[bflag:$0x3] =	sbarrier.arrive $0xFFFF;
	s2 =	simm.s32 @!p0 $0x1C01  }
0xa9: {  	[timem:s3], [sflag:s2] =	dma.local @!p0 [hbm:s0], s1  }
0xaa: {  	s0 =	simm.s32 @!p0 $0x1  }
0xab: {  	_ =	swait.ge @!p0 [sflag:s0], s1  }
0xac: {  	s1 =	ssub.s32 @!p0 $0x0, s1;
	[sflag:s0] =	ssyncset.done @!p0 $0x0  }
0xad: {  	[sflag:s0] =	ssyncadd.s32 @!p0 s1  }
0xae: {  	[bflag:$0x3] =	sbarrier.arrive $0xFFFF  }
0xaf: {  	_ =	shalt  }

// kernel: sc_segment_sum.4.cloned.1.call-start
scs
__scs_entry_jumppad:
0x0: {  	(pc) =	sbr.rel $0x88, $3  }
0x1: {  	(tag) =	ssettag $0x0;
	lr =	simm.s32 $0x1  }
0x2: {  	[smem:$0x3F99] =	sst lr;
	_ =	strace $0xD0000000  }
0x3: {  	_ = 	snop  }
0x4: {  	_ = 	snop  }
0x5: {  	_ = 	snop  }
0x6: {  	_ = 	snop  }
0x7: {  	_ = 	snop  }
__scs_overlays_trampoline_lowered:
0x8: {  	[smem:$0x3FA8] =	sst s0  }
0x9: {  	[smem:$0x3FA9] =	sst s1  }
0xa: {  	[smem:$0x3FAA] =	sst s2  }
0xb: {  	[smem:$0x3FAB] =	sst s3  }
0xc: {  	[smem:$0x3FAC] =	sst s4  }
0xd: {  	[smem:$0x3FAD] =	sst s5  }
0xe: {  	[smem:$0x3FAE] =	sst s6  }
0xf: {  	[smem:$0x3FAF] =	sst s7  }
0x10: {  	[smem:$0x3FB0] =	sst s8  }
0x11: {  	[smem:$0x3FB1] =	sst s9;
	s0 =	simm.s32 @!p0 $0x0  }
0x12: {  	s1 =	sld [smem:$0x3F97];
	s0 =	simm.s32 @p0 $0x1  }
0x13: {  	[smem:$0x3FB2] =	sst s0;
	s0 =	simm.s32 @!p1 $0x0  }
0x14: {  	s2 =	sld [smem:$0x3F96];
	s0 =	simm.s32 @p1 $0x1  }
0x15: {  	[smem:$0x3FB3] =	sst s0;
	s0 =	simm.s32 @!p2 $0x0  }
0x16: {  	s3 =	sld [smem:$0x3FDB];
	s0 =	simm.s32 @p2 $0x1  }
0x17: {  	s4 =	simm.s32 $0x1BF5;
	[smem:$0x3FB5] =	sst s0  }
0x18: {  	s0 =	sld [smem:$0x3F98];
	_ =	swait.ge [sflag:s4], $0x0  }
0x19: {  	s7 =	sld [smem:$0x3F99]  }
0x1a: {  	s8 =	sadd.s32 $0xFFFFE003, lr  }
0x1b: {  	s9 =	sadd.s32 $0xFFFFFEF7, lr;
	s5 =	simm.s32 $0xFFFFFFFF;
	p2 =	slt.u32 s8, $0xFFFFF086  }
0x1c: {  	p1 =	slt.u32 s9, $0xF7A;
	s5 =	simm.s32 @!p2 $0x0  }
0x1d: {  	s5 =	simm.s32 @p1 $0x1;
	p0 =	seq.s32 s7, s2  }
0x1e: {  	s7 =	smul.u32 @!p0 $0xF7A, s2;
	p2 =	seq.s32 @!p0 s5, $0x0  }
0x1f: {  	s9 =	smul.u32 $0xF7A, s1;
	s8 =	simm.s32 @!p0 $0x1BF5;
	p2 =	por !p2, p0  }
0x20: {  	[sflag:s8] =	ssyncset.s32 @!p0 $0xFFFFF086;
	s6 =	sadd.s32 @!p0 s3, s7;
	s7 =	simm.s32 @!p0 $0x108  }
0x21: {  	s3 =	sadd.s32 s3, s9;
	s6 =	sadd.s32 @!p0 $0x88, s6;
	s7 =	simm.s32 @p2 $0x1082  }
0x22: {  	[simem:s7], [sflag:s8] =	dma.local @!p0 [hbm:s6], $0xF7A  }
0x23: {  	s9 =	sor.u32 $0xD0000000, s2;
	s6 =	simm.s32 $0x108;
	_ =	swait.ge @!p0 [sflag:s8], $0x0  }
0x24: {  	s3 =	sadd.s32 $0x88, s3;
	s6 =	simm.s32 @!p1 $0x1082;
	[sflag:s4] =	ssyncset.s32 $0xFFFFF086  }
0x25: {  	[simem:s6], [sflag:s4] =	dma.local [hbm:s3], $0xF7A  }
0x26: {  	[smem:$0x3F99] =	sst s1;
	(tag) =	ssettag s2;
	_ =	strace s9  }
0x27: {  	s1 =	sld [smem:$0x3FA9]  }
0x28: {  	s2 =	sld [smem:$0x3FAA]  }
0x29: {  	s4 =	sld [smem:$0x3FAC]  }
0x2a: {  	p0 =	seq.s32 s5, $0x0;
	s5 =	sld [smem:$0x3FAD]  }
0x2b: {  	s6 =	sld [smem:$0x3FAE]  }
0x2c: {  	s7 =	sld [smem:$0x3FAF]  }
0x2d: {  	s3 =	simm.s32 $0x108;
	s8 =	sld [smem:$0x3FB0]  }
0x2e: {  	s3 =	simm.s32 @!p0 $0x1082;
	s9 =	sld [smem:$0x3FB1]  }
0x2f: {  	lr =	sadd.s32 s0, s3;
	s0 =	sld [smem:$0x3FA8]  }
0x30: {  	s3 =	sld [smem:$0x3FAB]  }
0x31: {  	[smem:$0x3FB4] =	sst s10  }
0x32: {  	s10 =	sld [smem:$0x3FB2];
	_ =	sdelay $0x3  }
0x33: {  	p0 =	seq.s32 s10, $0x1;
	s10 =	sld [smem:$0x3FB4];
	_ =	sdelay $0x3  }
0x34: {  	[smem:$0x3FB4] =	sst s10  }
0x35: {  	s10 =	sld [smem:$0x3FB3];
	_ =	sdelay $0x3  }
0x36: {  	p1 =	seq.s32 s10, $0x1;
	s10 =	sld [smem:$0x3FB4];
	_ =	sdelay $0x3  }
0x37: {  	[smem:$0x3FB4] =	sst s10  }
0x38: {  	s10 =	sld [smem:$0x3FB5]  }
0x39: {  	_ = 	snop;
	(pc) =	sbr.ind lr, $3  }
0x3a: {  	_ = 	snop  }
0x3b: {  	_ = 	snop  }
0x3c: {  	p2 =	seq.s32 s10, $0x1;
	s10 =	sld [smem:$0x3FB4]  }
0x3d: {  	_ =	shalt  }
0x3e: {  	_ =	shalt  }
0x3f: {  	_ =	shalt  }
0x40: {  	_ =	shalt  }
0x41: {  	_ =	shalt  }
0x42: {  	_ =	shalt  }
0x43: {  	_ =	shalt  }
0x44: {  	_ =	shalt  }
0x45: {  	_ =	shalt  }
0x46: {  	_ =	shalt  }
0x47: {  	_ =	shalt  }
0x48: {  	_ =	shalt  }
0x49: {  	_ =	shalt  }
0x4a: {  	_ =	shalt  }
0x4b: {  	_ =	shalt  }
0x4c: {  	_ =	shalt  }
0x4d: {  	_ =	shalt  }
0x4e: {  	_ =	shalt  }
0x4f: {  	_ =	shalt  }
0x50: {  	_ =	shalt  }
0x51: {  	_ =	shalt  }
0x52: {  	_ =	shalt  }
0x53: {  	_ =	shalt  }
0x54: {  	_ =	shalt  }
0x55: {  	_ =	shalt  }
0x56: {  	_ =	shalt  }
0x57: {  	_ =	shalt  }
0x58: {  	_ =	shalt  }
0x59: {  	_ =	shalt  }
0x5a: {  	_ =	shalt  }
0x5b: {  	_ =	shalt  }
0x5c: {  	_ =	shalt  }
0x5d: {  	_ =	shalt  }
0x5e: {  	_ =	shalt  }
0x5f: {  	_ =	shalt  }
0x60: {  	_ =	shalt  }
0x61: {  	_ =	shalt  }
0x62: {  	_ =	shalt  }
0x63: {  	_ =	shalt  }
0x64: {  	_ =	shalt  }
0x65: {  	_ =	shalt  }
0x66: {  	_ =	shalt  }
0x67: {  	_ =	shalt  }
0x68: {  	_ =	shalt  }
0x69: {  	_ =	shalt  }
0x6a: {  	_ =	shalt  }
0x6b: {  	_ =	shalt  }
0x6c: {  	_ =	shalt  }
0x6d: {  	_ =	shalt  }
0x6e: {  	_ =	shalt  }
0x6f: {  	_ =	shalt  }
0x70: {  	_ =	shalt  }
0x71: {  	_ =	shalt  }
0x72: {  	_ =	shalt  }
0x73: {  	_ =	shalt  }
0x74: {  	_ =	shalt  }
0x75: {  	_ =	shalt  }
0x76: {  	_ =	shalt  }
0x77: {  	_ =	shalt  }
0x78: {  	_ =	shalt  }
0x79: {  	_ =	shalt  }
0x7a: {  	_ =	shalt  }
0x7b: {  	_ =	shalt  }
0x7c: {  	_ =	shalt  }
0x7d: {  	_ =	shalt  }
0x7e: {  	_ =	shalt  }
0x7f: {  	_ =	shalt  }
0x80: {  	_ =	shalt  }
0x81: {  	_ =	shalt  }
0x82: {  	_ =	shalt  }
0x83: {  	_ =	shalt  }
0x84: {  	_ =	shalt  }
0x85: {  	_ =	shalt  }
0x86: {  	_ =	shalt  }
0x87: {  	_ =	shalt  }
.Lfunc_end0:
.L_simem_size_0:
called_computation.1_lowered:
.L_overlay_start_0:
0x88: {  	s2 =	sld [smem:$0x3FD9]  }
0x89: {  	s3 =	sld [smem:$0x3FFE];
	_ =	sdelay $0x1  }
0x8a: {  	s1 =	srdreg.scid  }
0x8b: {  	s0 =	sand.u32 $0x1, s1  }
0x8c: {  	s17 =	sshll.u32 s0, $0xA;
	s2 =	sadd.s32 s3, s2  }
0x8d: {  	s2 =	sadd.s32 s2, s17  }
0x8e: {  	[smem:$0x3FC0] =	sst s2  }
0x8f: {  	_ = 	snop  }
0x90: {  	s2 =	sld [smem:$0x3FD0];
	(tm) =	ssettm $0x1  }
0x91: {  	s18 =	sld [smem:$0x3FFB];
	_ =	sdelay $0x3  }
0x92: {  	_ =	strace s18  }
0x93: {  	s3 =	sld [smem:$0x3FFC];
	_ =	sdelay $0x3  }
0x94: {  	_ =	strace s3  }
0x95: {  	s3 =	sld [smem:$0x3FFD];
	_ =	sdelay $0x3  }
0x96: {  	_ =	strace s3  }
0x97: {  	_ =	strace $0x8FFFFFFF  }
0x98: {  	s19 =	sld [smem:$0x3FDB];
	_ =	sdelay $0x1  }
0x99: {  	s4 =	simm.s32 $_scs_section_size  }
0x9a: {  	s5 =	simm.s32 $_size__tile_overlayer_lowered;
	s6 =	simm.s32 $_tile_overlayer_lowered  }
0x9b: {  	s22 =	simm.s32 $0x1BFF;
	s21 =	sshll.u32 s6, $0x1;
	s3 =	sadd.s32 s4, s19  }
0x9c: {  	s7 =	simm.s32 $0x0;
	s20 =	sshll.u32 s5, $0x1;
	s5 =	sadd.s32 s21, s3  }
0x9d: {  	[timem:s7], [sflag:s22] =	dma.local [hbm:s5], s20  }
0x9e: {  	_ =	swait.ge [sflag:s22], s20  }
0x9f: {  	s4 =	ssub.s32 $0x0, s20;
	[sflag:s22] =	ssyncset.done $0x0  }
0xa0: {  	[sflag:s22] =	ssyncadd.s32 s4;
	_ =	sdelay $0x1  }
0xa1: {  	s23 =	simm.s32 $0x1B8B  }
0xa2: {  	_ =	swait.ge [sflag:s23], $0x1  }
0xa3: {  	[sflag:s23] =	ssyncset.done $0x0  }
0xa4: {  	s25 =	simm.s32 $0x1B8E;
	s24 =	sld [smem:$0x3FFE];
	[sflag:s23] =	ssyncadd.s32 $0xFFFFFFFF  }
0xa5: {  	s26 =	simm.s32 $execute0_lowered;
	[smem:$0x3FD2] =	sst s25  }
0xa6: {  	s5 =	sshll.u32 s26, $0x1;
	_ =	strace $0x80000049;
	[dreg:$0x1] =	wrdreg $0xFFFFFFFF  }
0xa7: {  	s28 =	simm.s32 $_size_execute0_lowered;
	s3 =	sadd.s32 s3, s5;
	[dreg:$0x0] =	wrdreg $0x0  }
0xa8: {  	s5 =	sshll.u32 s28, $0x1;
	[dreg:$0x2] =	wrdreg s3  }
0xa9: {  	[dreg:$0x3] =	wrdreg s5  }
0xaa: {  	[dreg:$0x4] =	wrdreg $0xC0  }
0xab: {  	_ =	task [dreg:s7], $0x5FFFF  }
0xac: {  	[dreg:$0x1] =	wrdreg $0xFFFFFFFF  }
0xad: {  	[dreg:$0x0] =	wrdreg $0x60  }
0xae: {  	[dreg:$0x2] =	wrdreg s24  }
0xaf: {  	[dreg:$0x3] =	wrdreg s2  }
0xb0: {  	[dreg:$0x4] =	wrdreg $0x130000  }
0xb1: {  	[dreg:$0x5] =	wrdreg $0x90000  }
0xb2: {  	[dreg:$0x6] =	wrdreg $0x9  }
0xb3: {  	_ =	task.clear_ibuf [dreg:s7], $0x7FFFF;
	_ =	strace $0x90000049  }
0xb4: {  	s29 =	simm.s32 $0x9;
	_ =	strace $0x8000004B  }
0xb5: {  	_ =	swait.ge [sflag:s29], $0x1  }
0xb6: {  	[sflag:s29] =	ssyncadd.s32 $0xFFFFFFFF  }
0xb7: {  	_ =	strace $0x9000004B  }
0xb8: {  	_ =	sfence  }
0xb9: {  	s30 =	sld [smem:$0x0];
	_ =	sdelay $0x2  }
0xba: {  	s31 =	sshll.u32 s1, $0xD;
	s1 =	sshrl.u32 s1, $0x2  }
0xbb: {  	s3 =	sand.u32 $0x4000, s31;
	s1 =	sadd.s32 s1, s30  }
0xbc: {  	s0 =	sor.u32 s3, s0;
	s1 =	sshll.u32 s1, $0x11  }
0xbd: {  	s0 =	sor.u32 s1, s0  }
0xbe: {  	s0 =	sadd.s32 $0x8F2B, s0  }
0xbf: {  	[sflag:s0] =	ssyncadd.remote.s32 $0x1  }
0xc0: {  	_ =	sfence.sel $0xFFFF  }
0xc1: {  	[dreg:$0x0] =	wrdreg $0xFFFFFFFF;
	(pc) =	sbr.abs _section_cstart, $3  }
0xc2: {  	[dreg:$0x1] =	wrdreg $0xFFFFFFFF  }
0xc3: {  	_ =	task.clear_ibuf [dreg:s7], $0x2FFFF;
	_ =	strace $0x9FFFFFFF  }
0xc4: {  	(tm) =	ssettm $0x7FFFFFFF  }
0xc5: {  	_ =	shalt  }
tec
execute0_lowered:
.L_overlay_start_1:
0x0: {  	(tag) =	ssettag $0x1  }
0x1: {  	s0 =	rddreg [dreg:$0x0]  }
0x2: {  	s1 =	rddreg [dreg:$0x1]  }
0x3: {  	s2 =	rddreg [dreg:$0x2]  }
0x4: {  	s3 =	rddreg [dreg:$0x3]  }
0x5: {  	s12 =	stileid.u32;
	s5 =	srdreg.scid;
	s4 =	simm.s32 $0x0  }
0x6: {  	s19 =	simm.s32 $0x100;
	s20 =	simm.s32 $0x180;
	s21 =	simm.s32 $0x880  }
0x7: {  	s22 =	simm.s32 $0x200;
	s11 =	simm.s32 $0x900;
	[smem:$0x7FF] =	sst s4  }
0x8: {  	s24 =	simm.s32 $0x280;
	_ =	strace $0x8000004A;
	[dreg:$0x5] =	wrdreg s19  }
0x9: {  	s25 =	simm.s32 $0x980;
	s14 =	simm.s32 $0xA00;
	[dreg:$0x6] =	wrdreg s20  }
0xa: {  	s16 =	simm.s32 $0x380;
	s28 =	simm.s32 $0x2;
	[dreg:$0x7] =	wrdreg s21  }
0xb: {  	s29 =	simm.s32 $0x5;
	s30 =	simm.s32 $0x3;
	[dreg:$0x8] =	wrdreg s22  }
0xc: {  	s31 =	simm.s32 $0xC00;
	s7 =	smul.u32 $0xA00, s12;
	[dreg:$0x9] =	wrdreg s11  }
0xd: {  	s5 =	sand.u32 $0x1, s5;
	s8 =	smul.u32 $0x9C80, s12;
	[dreg:$0xa] =	wrdreg s24  }
0xe: {  	s23 =	sshll.u32 s12, $0x6;
	s26 =	smul.u32 $0x28000, s12;
	[dreg:$0xb] =	wrdreg s25  }
0xf: {  	s6 =	smul.u32 $0x14000, s5;
	s5 =	ssub.s32 $0x2, s5;
	[dreg:$0xd] =	wrdreg s14  }
0x10: {  	s13 =	sor.u32 $0x1C0D, s23;
	[dreg:$0xe] =	wrdreg s16;
	s20 =	simm.s32 $0xB00  }
0x11: {  	s19 =	smul.u32 $0xA000, s12;
	s21 =	simm.s32 $0x480;
	[dreg:$0x10] =	wrdreg s20  }
0x12: {  	s22 =	simm.s32 $0xB80;
	s23 =	simm.s32 $0x500;
	[dreg:$0x11] =	wrdreg s21  }
0x13: {  	s24 =	simm.s32 $0x580;
	s14 =	simm.s32 $0x600;
	[dreg:$0x12] =	wrdreg s22  }
0x14: {  	s16 =	simm.s32 $0xD00;
	s9 =	sadd.s32 s7, s0;
	[dreg:$0x13] =	wrdreg s23  }
0x15: {  	s18 =	sshrl.u32 s5, $0x1;
	s10 =	sadd.s32 s8, s2;
	[dreg:$0x14] =	wrdreg s24  }
0x16: {  	s8 =	sshrl.u32 s8, $0x3;
	s7 =	sadd.s32 s1, s7;
	[dreg:$0x16] =	wrdreg s14  }
0x17: {  	s15 =	sshrl.u32 s26, $0x2;
	s26 =	simm.s32 $0xC80;
	[dreg:$0x17] =	wrdreg s16  }
0x18: {  	s20 =	simm.s32 $0xD80;
	s16 =	simm.s32 $0xD;
	[smem:$0x7FD] =	sst s13  }
0x19: {  	s21 =	simm.s32 $0x700;
	s22 =	simm.s32 $0xE00;
	[dreg:$0x15] =	wrdreg s26  }
0x1a: {  	s23 =	simm.s32 $0x780;
	s24 =	simm.s32 $0xE80;
	[dreg:$0x19] =	wrdreg s20  }
0x1b: {  	s1 =	simm.s32 $0x4;
	s0 =	sadd.s32 s6, s0;
	[dreg:$0x1a] =	wrdreg s21  }
0x1c: {  	s5 =	ssub.s32 s5, s18;
	s6 =	simm.s32 $0x300;
	[dreg:$0x1b] =	wrdreg s22  }
0x1d: {  	s17 =	sadd.s32 s15, s3;
	s18 =	simm.s32 $0xA80;
	[dreg:$0x1c] =	wrdreg s23  }
0x1e: {  	s12 =	sshrl.u32 s19, $0x3;
	s11 =	sadd.s32 s19, s3;
	[dreg:$0x1d] =	wrdreg s24  }
0x1f: {  	s19 =	sshrl.u32 s10, $0x3;
	s20 =	simm.s32 $0x3000;
	[dreg:$0xc] =	wrdreg s6  }
0x20: {  	s21 =	simm.s32 $0x5000;
	s22 =	simm.s32 $0x1;
	[dreg:$0xf] =	wrdreg s18  }
0x21: {  	s24 =	simm.s32 $0x400;
	s10 =	simm.s32 $0x8;
	[smem:$0x7F8] =	sst s17  }
0x22: {  	s8 =	sadd.s32 s8, s0;
	s5 =	smax.u32 s5, $0x1;
	[smem:$0x7FA] =	sst s19  }
0x23: {  	s0 =	sadd.s32 $0x3EC00, s0;
	s25 =	sadd.s32 $0x2000, s17;
	[smem:$0x7F4] =	sst s5  }
0x24: {  	s15 =	sadd.s32 $0x6000, s17;
	s18 =	simm.s32 $0x680;
	[smem:$0x7F5] =	sst s25  }
0x25: {  	s19 =	simm.s32 $0x80;
	s26 =	sshrl.u32 s11, $0x3;
	[smem:$0x7F7] =	sst s15  }
0x26: {  	s11 =	simm.s32 $0xA;
	s8 =	sadd.s32 $0x16C00, s8;
	[dreg:$0x18] =	wrdreg s18  }
0x27: {  	s18 =	simm.s32 $0x1000;
	s25 =	simm.s32 $0xF80;
	[smem:$0x7FC] =	sst s26  }
0x28: {  	s0 =	sadd.s32 s12, s0;
	s26 =	simm.s32 $0x7000;
	[dreg:$0x1f] =	wrdreg s8  }
0x29: {  	s5 =	simm.s32 $0x7;
	s12 =	simm.s32 $0xC;
	[dreg:$0x1e] =	wrdreg s25  }
0x2a: {  	s8 =	sadd.s32 $0xC200, s9;
	s9 =	sadd.s32 $0x4000, s17;
	[smem:$0x7FB] =	sst s0  }
0x2b: {  	s17 =	sadd.s32 $0x8000, s17;
	s0 =	simm.s32 $0x6;
	[smem:$0x7F6] =	sst s9  }
0x2c: {  	v0 =	vimm.f32 $0.0e+00;
	[smem:$0x7F9] =	sst s17;
	s17 =	simm.s32 $0x800;
	s9 =	simm.s32 $0x0  }
.LBB2_1:
0x2d: {  	s25 =	sld [smem:$0x7FA]  }
0x2e: {  	[smem:$0x7F3] =	sst s9  }
0x2f: {  	s6 =	rddreg [dreg:$0x1f]  }
0x30: {  	[spmem:s25], [sflag:s13] =	dma.local [hbm:s6], $0x1390  }
0x31: {  	_ =	swait.ge [sflag:s16], $0x1390  }
0x32: {  	[sflag:s16] =	ssyncset.done $0x0  }
0x33: {  	s15 =	simm.s32 $0x100;
	s14 =	simm.s32 $0x0;
	[sflag:s16] =	ssyncadd.s32 $0xFFFFEC70  }
.LBB2_2:
0x34: {  	p0 =	sne.s32 s15, $0x7F00;
	[tilespmem:s14+$0x1030] =	vst v0;
	s23 =	smov.u32 s15;
	s15 =	sadd.s32 $0x100, s15  }
.Ltmp0:
0x35: {  	[tilespmem:s14+$0x1020] =	vst v0;
	(pc) =	sbr.rel @p0 .LBB2_2-.Ltmp0, $3  }
0x36: {  	[tilespmem:s14+$0x1000] =	vst v0  }
0x37: {  	[tilespmem:s14+$0x1010] =	vst v0;
	_ =	sdelay $0x1  }
0x38: {  	s14 =	sshra.s32 s23, $0x2  }
0x39: {  	[tilespmem:s14+$0x1030] =	vst v0  }
0x3a: {  	[tilespmem:s14+$0x1020] =	vst v0  }
0x3b: {  	[tilespmem:s14+$0x1000] =	vst v0  }
0x3c: {  	[tilespmem:s14+$0x1010] =	vst v0;
	s9 =	simm.s32 $0x0  }
0x3d: {  	[tilespmem:s9], [sflag:$0xD] =	stream.linear.gather [hbm4b:s7+s9], $0x400, $0x38;
	[tilespmem:$0x1CC80] =	vst v63  }
0x3e: {  	_ =	swait.ge [sflag:s16], $0x400  }
0x3f: {  	[sflag:s16] =	ssyncset.done $0x0  }
0x40: {  	[sflag:s16] =	ssyncadd.s32 $0xFFFFFC00  }
0x41: {  	[tilespmem:s17], [sflag:$0xD] =	stream.linear.gather [hbm4b:s8+s9], $0x400, $0x38;
	[tilespmem:$0x1CC80] =	vst v63  }
0x42: {  	_ =	swait.ge [sflag:s16], $0x400  }
0x43: {  	s6 =	sld [smem:$0x7F8]  }
0x44: {  	[sflag:s16] =	ssyncset.done $0x0  }
0x45: {  	[sflag:s16] =	ssyncadd.s32 $0xFFFFFC00  }
0x46: {  	[spmem:s6] =	stream.linear.scatter [tilespmem:s18], [sflag:$0xD], $0x2000, $0x38;
	[tilespmem:$0x1CC80] =	vst v63  }
0x47: {  	_ =	swait.ge [sflag:s16], $0x2000  }
0x48: {  	s13 =	sld [smem:$0x7F5]  }
0x49: {  	[sflag:s16] =	ssyncset.done $0x0  }
0x4a: {  	[sflag:s16] =	ssyncadd.s32 $0xFFFFE000  }
0x4b: {  	[spmem:s13] =	stream.linear.scatter [tilespmem:s18], [sflag:$0xD], $0x2000, $0x38;
	[tilespmem:$0x1CC80] =	vst v63  }
0x4c: {  	_ =	swait.ge [sflag:s16], $0x2000  }
0x4d: {  	s15 =	sld [smem:$0x7F6]  }
0x4e: {  	[sflag:s16] =	ssyncset.done $0x0  }
0x4f: {  	[sflag:s16] =	ssyncadd.s32 $0xFFFFE000  }
0x50: {  	[spmem:s15] =	stream.linear.scatter [tilespmem:s18], [sflag:$0xD], $0x2000, $0x38;
	[tilespmem:$0x1CC80] =	vst v63  }
0x51: {  	_ =	swait.ge [sflag:s16], $0x2000  }
0x52: {  	s23 =	sld [smem:$0x7F7]  }
0x53: {  	[sflag:s16] =	ssyncset.done $0x0  }
0x54: {  	[sflag:s16] =	ssyncadd.s32 $0xFFFFE000  }
0x55: {  	[spmem:s23] =	stream.linear.scatter [tilespmem:s18], [sflag:$0xD], $0x2000, $0x38;
	[tilespmem:$0x1CC80] =	vst v63  }
0x56: {  	_ =	swait.ge [sflag:s16], $0x2000  }
0x57: {  	s25 =	sld [smem:$0x7F9]  }
0x58: {  	[sflag:s16] =	ssyncset.done $0x0  }
0x59: {  	[sflag:s16] =	ssyncadd.s32 $0xFFFFE000  }
0x5a: {  	[spmem:s25] =	stream.linear.scatter [tilespmem:s18], [sflag:$0xD], $0x2000, $0x38;
	[tilespmem:$0x1CC80] =	vst v63  }
0x5b: {  	_ =	swait.ge [sflag:s16], $0x2000  }
0x5c: {  	[sflag:s16] =	ssyncset.done $0x0  }
0x5d: {  	p0 =	por $0x1, $0x1;
	[sflag:s16] =	ssyncadd.s32 $0xFFFFE000  }
0x5e: {  	p0 =	por p0, p0;
	[bflag:$0x0] =	sbarrier.arrive $0xFFFF  }
0x5f: {  	[tilespmem:s18], [sflag:$0x1] =	stream.indirect.gather [spmem:s2], $0x40, s9, s19, $0xb8;
	[tilespmem:$0x1CC80] =	vst v63  }
0x60: {  	s14 =	simm.s32 @!p0 $0xB  }
0x61: {  	[tilespmem:s20], [sflag:$0x2] =	stream.indirect.gather [spmem:s2], $0x40, s19, s19, $0xb8;
	[tilespmem:$0x1CC80] =	vst v63  }
0x62: {  	_ =	swait.ge @!p0 [sflag:s14], $0x400  }
0x63: {  	[sflag:s14] =	ssyncset.done @!p0 $0x0  }
0x64: {  	[sflag:s14] =	ssyncadd.s32 @!p0 $0xFFFFFC00;
	s14 =	simm.s32 @!p0 $0x7  }
0x65: {  	_ =	swait.ge @!p0 [sflag:s14], $0x2000  }
0x66: {  	[sflag:s14] =	ssyncset.done @!p0 $0x0  }
0x67: {  	s15 =	rddreg [dreg:$0x5];
	[sflag:s14] =	ssyncadd.s32 @!p0 $0xFFFFE000  }
0x68: {  	[tilespmem:s21], [sflag:$0x3] =	stream.indirect.gather [spmem:s2], $0x40, s15, s19, $0xb8;
	[tilespmem:$0x1CC80] =	vst v63  }
0x69: {  	_ =	swait.ge [sflag:s22], $0x2000  }
0x6a: {  	[sflag:s22] =	ssyncset.done $0x0  }
0x6b: {  	s6 =	sadd.s32 $0x0, s7;
	[sflag:s22] =	ssyncadd.s32 $0xFFFFE000  }
0x6c: {  	[spmem:s3] =	stream.indirect.scatter.add.f32 [tilespmem:s18], [sflag:$0x5], $0x40, s17, s19, $0xb8;
	[tilespmem:$0x1CC80] =	vst v63  }
0x6d: {  	s14 =	sadd.s32 $0x80, s6;
	s15 =	simm.s32 @!p0 $0x8  }
0x6e: {  	[tilespmem:s24], [sflag:$0xA] =	stream.linear.gather [hbm4b:s14+s4], $0x400, $0x38;
	[tilespmem:$0x1CC80] =	vst v63  }
0x6f: {  	_ =	swait.ge @!p0 [sflag:s15], $0x2000  }
0x70: {  	[sflag:s15] =	ssyncset.done @!p0 $0x0  }
0x71: {  	s9 =	rddreg [dreg:$0x6];
	[sflag:s15] =	ssyncadd.s32 @!p0 $0xFFFFE000  }
0x72: {  	[tilespmem:s26], [sflag:$0x4] =	stream.indirect.gather [spmem:s2], $0x40, s9, s19, $0xb8;
	[tilespmem:$0x1CC80] =	vst v63  }
0x73: {  	_ =	swait.ge [sflag:s28], $0x2000  }
0x74: {  	[sflag:s28] =	ssyncset.done $0x0  }
0x75: {  	s13 =	rddreg [dreg:$0x7];
	[sflag:s28] =	ssyncadd.s32 $0xFFFFE000  }
0x76: {  	[spmem:s3] =	stream.indirect.scatter.add.f32 [tilespmem:s20], [sflag:$0x6], $0x40, s13, s19, $0xb8;
	[tilespmem:$0x1CC80] =	vst v63  }
0x77: {  	_ =	swait.ge [sflag:s29], $0x2000  }
0x78: {  	[sflag:s29] =	ssyncset.done $0x0  }
0x79: {  	s15 =	rddreg [dreg:$0x8];
	[sflag:s29] =	ssyncadd.s32 $0xFFFFE000  }
0x7a: {  	[tilespmem:s18], [sflag:$0x1] =	stream.indirect.gather [spmem:s2], $0x40, s15, s19, $0xb8;
	[tilespmem:$0x1CC80] =	vst v63  }
0x7b: {  	_ =	swait.ge [sflag:s30], $0x2000  }
0x7c: {  	[sflag:s30] =	ssyncset.done $0x0  }
0x7d: {  	s25 =	sadd.s32 $0x0, s8;
	s23 =	rddreg [dreg:$0x9];
	[sflag:s30] =	ssyncadd.s32 $0xFFFFE000  }
0x7e: {  	[spmem:s3] =	stream.indirect.scatter.add.f32 [tilespmem:s21], [sflag:$0x7], $0x40, s23, s19, $0xb8;
	[tilespmem:$0x1CC80] =	vst v63  }
0x7f: {  	s6 =	sadd.s32 $0x80, s25  }
0x80: {  	[tilespmem:s31], [sflag:$0xC] =	stream.linear.gather [hbm4b:s6+s4], $0x400, $0x38;
	[tilespmem:$0x1CC80] =	vst v63  }
0x81: {  	_ =	swait.ge [sflag:s0], $0x2000  }
0x82: {  	[sflag:s0] =	ssyncset.done $0x0  }
0x83: {  	s9 =	rddreg [dreg:$0xa];
	[sflag:s0] =	ssyncadd.s32 $0xFFFFE000  }
0x84: {  	[tilespmem:s20], [sflag:$0x2] =	stream.indirect.gather [spmem:s2], $0x40, s9, s19, $0xb8;
	[tilespmem:$0x1CC80] =	vst v63  }
0x85: {  	_ =	swait.ge [sflag:s1], $0x2000  }
0x86: {  	[sflag:s1] =	ssyncset.done $0x0  }
0x87: {  	s13 =	rddreg [dreg:$0xb];
	[sflag:s1] =	ssyncadd.s32 $0xFFFFE000  }
0x88: {  	[spmem:s3] =	stream.indirect.scatter.add.f32 [tilespmem:s26], [sflag:$0x8], $0x40, s13, s19, $0xb8;
	[tilespmem:$0x1CC80] =	vst v63  }
0x89: {  	_ =	swait.ge [sflag:s5], $0x2000  }
0x8a: {  	[sflag:s5] =	ssyncset.done $0x0  }
0x8b: {  	s15 =	rddreg [dreg:$0xc];
	[sflag:s5] =	ssyncadd.s32 $0xFFFFE000  }
0x8c: {  	[tilespmem:s21], [sflag:$0x3] =	stream.indirect.gather [spmem:s2], $0x40, s15, s19, $0xb8;
	[tilespmem:$0x1CC80] =	vst v63  }
0x8d: {  	_ =	swait.ge [sflag:s22], $0x2000  }
0x8e: {  	[sflag:s22] =	ssyncset.done $0x0  }
0x8f: {  	s23 =	rddreg [dreg:$0xd];
	[sflag:s22] =	ssyncadd.s32 $0xFFFFE000  }
0x90: {  	[spmem:s3] =	stream.indirect.scatter.add.f32 [tilespmem:s18], [sflag:$0x5], $0x40, s23, s19, $0xb8;
	[tilespmem:$0x1CC80] =	vst v63  }
0x91: {  	_ =	swait.ge [sflag:s10], $0x2000  }
0x92: {  	[sflag:s10] =	ssyncset.done $0x0  }
0x93: {  	s25 =	rddreg [dreg:$0xe];
	[sflag:s10] =	ssyncadd.s32 $0xFFFFE000  }
0x94: {  	[tilespmem:s26], [sflag:$0x4] =	stream.indirect.gather [spmem:s2], $0x40, s25, s19, $0xb8;
	[tilespmem:$0x1CC80] =	vst v63  }
0x95: {  	_ =	swait.ge [sflag:s28], $0x2000  }
0x96: {  	[sflag:s28] =	ssyncset.done $0x0  }
0x97: {  	s6 =	rddreg [dreg:$0xf];
	[sflag:s28] =	ssyncadd.s32 $0xFFFFE000  }
0x98: {  	[spmem:s3] =	stream.indirect.scatter.add.f32 [tilespmem:s20], [sflag:$0x6], $0x40, s6, s19, $0xb8;
	[tilespmem:$0x1CC80] =	vst v63  }
0x99: {  	_ =	swait.ge [sflag:s29], $0x2000  }
0x9a: {  	[sflag:s29] =	ssyncset.done $0x0  }
0x9b: {  	[sflag:s29] =	ssyncadd.s32 $0xFFFFE000  }
0x9c: {  	_ =	swait.ge [sflag:s11], $0x400  }
0x9d: {  	[sflag:s11] =	ssyncset.done $0x0  }
0x9e: {  	[sflag:s11] =	ssyncadd.s32 $0xFFFFFC00  }
0x9f: {  	[tilespmem:s18], [sflag:$0x1] =	stream.indirect.gather [spmem:s2], $0x40, s24, s19, $0xb8;
	[tilespmem:$0x1CC80] =	vst v63  }
0xa0: {  	_ =	swait.ge [sflag:s30], $0x2000  }
0xa1: {  	[sflag:s30] =	ssyncset.done $0x0  }
0xa2: {  	s9 =	rddreg [dreg:$0x10];
	[sflag:s30] =	ssyncadd.s32 $0xFFFFE000  }
0xa3: {  	[spmem:s3] =	stream.indirect.scatter.add.f32 [tilespmem:s21], [sflag:$0x7], $0x40, s9, s19, $0xb8;
	[tilespmem:$0x1CC80] =	vst v63  }
0xa4: {  	_ =	swait.ge [sflag:s0], $0x2000  }
0xa5: {  	[sflag:s0] =	ssyncset.done $0x0  }
0xa6: {  	s13 =	rddreg [dreg:$0x11];
	[sflag:s0] =	ssyncadd.s32 $0xFFFFE000  }
0xa7: {  	[tilespmem:s20], [sflag:$0x2] =	stream.indirect.gather [spmem:s2], $0x40, s13, s19, $0xb8;
	[tilespmem:$0x1CC80] =	vst v63  }
0xa8: {  	_ =	swait.ge [sflag:s1], $0x2000  }
0xa9: {  	[sflag:s1] =	ssyncset.done $0x0  }
0xaa: {  	s15 =	rddreg [dreg:$0x12];
	[sflag:s1] =	ssyncadd.s32 $0xFFFFE000  }
0xab: {  	[spmem:s3] =	stream.indirect.scatter.add.f32 [tilespmem:s26], [sflag:$0x8], $0x40, s15, s19, $0xb8;
	[tilespmem:$0x1CC80] =	vst v63  }
0xac: {  	_ =	swait.ge [sflag:s12], $0x400  }
0xad: {  	[sflag:s12] =	ssyncset.done $0x0  }
0xae: {  	[sflag:s12] =	ssyncadd.s32 $0xFFFFFC00  }
0xaf: {  	_ =	swait.ge [sflag:s5], $0x2000  }
0xb0: {  	[sflag:s5] =	ssyncset.done $0x0  }
0xb1: {  	s23 =	rddreg [dreg:$0x13];
	[sflag:s5] =	ssyncadd.s32 $0xFFFFE000  }
0xb2: {  	[tilespmem:s21], [sflag:$0x3] =	stream.indirect.gather [spmem:s2], $0x40, s23, s19, $0xb8;
	[tilespmem:$0x1CC80] =	vst v63  }
0xb3: {  	_ =	swait.ge [sflag:s22], $0x2000  }
0xb4: {  	p0 =	por $0x0, $0x0;
	[sflag:s22] =	ssyncset.done $0x0  }
0xb5: {  	s15 =	sadd.s32 @!p0 $0x0, s7;
	[sflag:s22] =	ssyncadd.s32 $0xFFFFE000  }
0xb6: {  	[spmem:s3] =	stream.indirect.scatter.add.f32 [tilespmem:s18], [sflag:$0x5], $0x40, s31, s19, $0xb8;
	[tilespmem:$0x1CC80] =	vst v63  }
0xb7: {  	s14 =	simm.s32 @!p0 $0x0;
	s15 =	sadd.s32 @!p0 $0x100, s15  }
0xb8: {  	[tilespmem:s14], [sflag:$0x9] =	stream.linear.gather @!p0 [hbm4b:s15+s14], $0x400, $0x38;
	[tilespmem:$0x1CC80] =	vst v63  }
0xb9: {  	_ =	swait.ge [sflag:s10], $0x2000  }
0xba: {  	[sflag:s10] =	ssyncset.done $0x0  }
0xbb: {  	s25 =	rddreg [dreg:$0x14];
	[sflag:s10] =	ssyncadd.s32 $0xFFFFE000  }
0xbc: {  	[tilespmem:s26], [sflag:$0x4] =	stream.indirect.gather [spmem:s2], $0x40, s25, s19, $0xb8;
	[tilespmem:$0x1CC80] =	vst v63  }
0xbd: {  	_ =	swait.ge [sflag:s28], $0x2000  }
0xbe: {  	[sflag:s28] =	ssyncset.done $0x0  }
0xbf: {  	s6 =	rddreg [dreg:$0x15];
	[sflag:s28] =	ssyncadd.s32 $0xFFFFE000  }
0xc0: {  	[spmem:s3] =	stream.indirect.scatter.add.f32 [tilespmem:s20], [sflag:$0x6], $0x40, s6, s19, $0xb8;
	[tilespmem:$0x1CC80] =	vst v63  }
0xc1: {  	_ =	swait.ge [sflag:s29], $0x2000  }
0xc2: {  	[sflag:s29] =	ssyncset.done $0x0  }
0xc3: {  	s9 =	rddreg [dreg:$0x16];
	[sflag:s29] =	ssyncadd.s32 $0xFFFFE000  }
0xc4: {  	[tilespmem:s18], [sflag:$0x1] =	stream.indirect.gather [spmem:s2], $0x40, s9, s19, $0xb8;
	[tilespmem:$0x1CC80] =	vst v63  }
0xc5: {  	_ =	swait.ge [sflag:s30], $0x2000  }
0xc6: {  	[sflag:s30] =	ssyncset.done $0x0  }
0xc7: {  	s23 =	sadd.s32 @!p0 $0x0, s8;
	s13 =	rddreg [dreg:$0x17];
	[sflag:s30] =	ssyncadd.s32 $0xFFFFE000  }
0xc8: {  	[spmem:s3] =	stream.indirect.scatter.add.f32 [tilespmem:s21], [sflag:$0x7], $0x40, s13, s19, $0xb8;
	[tilespmem:$0x1CC80] =	vst v63  }
0xc9: {  	s15 =	sadd.s32 @!p0 $0x100, s23;
	s23 =	simm.s32 @!p0 $0x800  }
0xca: {  	[tilespmem:s23], [sflag:$0xB] =	stream.linear.gather @!p0 [hbm4b:s15+s14], $0x400, $0x38;
	[tilespmem:$0x1CC80] =	vst v63  }
0xcb: {  	_ =	swait.ge [sflag:s0], $0x2000  }
0xcc: {  	[sflag:s0] =	ssyncset.done $0x0  }
0xcd: {  	s25 =	rddreg [dreg:$0x18];
	[sflag:s0] =	ssyncadd.s32 $0xFFFFE000  }
0xce: {  	[tilespmem:s20], [sflag:$0x2] =	stream.indirect.gather [spmem:s2], $0x40, s25, s19, $0xb8;
	[tilespmem:$0x1CC80] =	vst v63  }
0xcf: {  	_ =	swait.ge [sflag:s1], $0x2000  }
0xd0: {  	[sflag:s1] =	ssyncset.done $0x0  }
0xd1: {  	s6 =	rddreg [dreg:$0x19];
	[sflag:s1] =	ssyncadd.s32 $0xFFFFE000  }
0xd2: {  	[spmem:s3] =	stream.indirect.scatter.add.f32 [tilespmem:s26], [sflag:$0x8], $0x40, s6, s19, $0xb8;
	[tilespmem:$0x1CC80] =	vst v63  }
0xd3: {  	_ =	swait.ge [sflag:s5], $0x2000  }
0xd4: {  	[sflag:s5] =	ssyncset.done $0x0  }
0xd5: {  	s9 =	rddreg [dreg:$0x1a];
	[sflag:s5] =	ssyncadd.s32 $0xFFFFE000  }
0xd6: {  	[tilespmem:s21], [sflag:$0x3] =	stream.indirect.gather [spmem:s2], $0x40, s9, s19, $0xb8;
	[tilespmem:$0x1CC80] =	vst v63  }
0xd7: {  	_ =	swait.ge [sflag:s22], $0x2000  }
0xd8: {  	[sflag:s22] =	ssyncset.done $0x0  }
0xd9: {  	s13 =	rddreg [dreg:$0x1b];
	[sflag:s22] =	ssyncadd.s32 $0xFFFFE000  }
0xda: {  	[spmem:s3] =	stream.indirect.scatter.add.f32 [tilespmem:s18], [sflag:$0x5], $0x40, s13, s19, $0xb8;
	[tilespmem:$0x1CC80] =	vst v63  }
0xdb: {  	_ =	swait.ge [sflag:s10], $0x2000  }
0xdc: {  	[sflag:s10] =	ssyncset.done $0x0  }
0xdd: {  	s23 =	rddreg [dreg:$0x1c];
	[sflag:s10] =	ssyncadd.s32 $0xFFFFE000  }
0xde: {  	[tilespmem:s26], [sflag:$0x4] =	stream.indirect.gather [spmem:s2], $0x40, s23, s19, $0xb8;
	[tilespmem:$0x1CC80] =	vst v63  }
0xdf: {  	_ =	swait.ge [sflag:s28], $0x2000  }
0xe0: {  	[sflag:s28] =	ssyncset.done $0x0  }
0xe1: {  	s23 =	simm.s32 @p0 $0x3;
	s25 =	rddreg [dreg:$0x1d];
	[sflag:s28] =	ssyncadd.s32 $0xFFFFE000  }
0xe2: {  	[spmem:s3] =	stream.indirect.scatter.add.f32 [tilespmem:s20], [sflag:$0x6], $0x40, s25, s19, $0xb8;
	[tilespmem:$0x1CC80] =	vst v63  }
0xe3: {  	_ =	swait.ge @p0 [sflag:s23], $0x2000  }
0xe4: {  	s15 =	simm.s32 @p0 $0x5000;
	[sflag:s23] =	ssyncset.done @p0 $0x0  }
0xe5: {  	s25 =	simm.s32 @p0 $0x80;
	[sflag:s23] =	ssyncadd.s32 @p0 $0xFFFFE000;
	s23 =	simm.s32 @p0 $0xF00  }
0xe6: {  	[spmem:s3] =	stream.indirect.scatter.add.f32 @p0 [tilespmem:s15], [sflag:$0x7], $0x40, s23, s25, $0xb8;
	[tilespmem:$0x1CC80] =	vst v63  }
0xe7: {  	s15 =	simm.s32 @!p0 $0x5  }
0xe8: {  	_ =	swait.ge @!p0 [sflag:s15], $0x2000  }
0xe9: {  	[sflag:s15] =	ssyncset.done @!p0 $0x0  }
0xea: {  	s23 =	simm.s32 @!p0 $0x9;
	[sflag:s15] =	ssyncadd.s32 @!p0 $0xFFFFE000  }
0xeb: {  	_ =	swait.ge @!p0 [sflag:s23], $0x400  }
0xec: {  	[sflag:s23] =	ssyncset.done @!p0 $0x0  }
0xed: {  	s15 =	simm.s32 @!p0 $0x80;
	[sflag:s23] =	ssyncadd.s32 @!p0 $0xFFFFFC00;
	s23 =	simm.s32 @!p0 $0x1000  }
0xee: {  	[tilespmem:s23], [sflag:$0x1] =	stream.indirect.gather @!p0 [spmem:s2], $0x40, s14, s15, $0xb8;
	[tilespmem:$0x1CC80] =	vst v63  }
0xef: {  	s14 =	simm.s32 @!p0 $0x3  }
0xf0: {  	_ =	swait.ge @!p0 [sflag:s14], $0x2000  }
0xf1: {  	[sflag:s14] =	ssyncset.done @!p0 $0x0  }
0xf2: {  	s23 =	simm.s32 @!p0 $0xF00;
	[sflag:s14] =	ssyncadd.s32 @!p0 $0xFFFFE000;
	s14 =	simm.s32 @!p0 $0x5000  }
0xf3: {  	[spmem:s3] =	stream.indirect.scatter.add.f32 @!p0 [tilespmem:s14], [sflag:$0x7], $0x40, s23, s15, $0xb8;
	[tilespmem:$0x1CC80] =	vst v63  }
0xf4: {  	s14 =	simm.s32 @!p0 $0x6  }
0xf5: {  	_ =	swait.ge @!p0 [sflag:s14], $0x2000  }
0xf6: {  	[sflag:s14] =	ssyncset.done @!p0 $0x0  }
0xf7: {  	s23 =	simm.s32 @!p0 $0x3000;
	[sflag:s14] =	ssyncadd.s32 @!p0 $0xFFFFE000  }
0xf8: {  	[tilespmem:s23], [sflag:$0x2] =	stream.indirect.gather @!p0 [spmem:s2], $0x40, s15, s15, $0xb8;
	[tilespmem:$0x1CC80] =	vst v63  }
0xf9: {  	p6 =	por $0x0, $0x0;
	_ =	swait.ge [sflag:s1], $0x2000  }
0xfa: {  	s14 =	simm.s32 $0x100;
	s15 =	simm.s32 $0x200;
	[sflag:s1] =	ssyncset.done $0x0  }
0xfb: {  	p0 =	por p6, p6;
	s25 =	rddreg [dreg:$0x1e];
	[sflag:s1] =	ssyncadd.s32 $0xFFFFE000  }
.LBB2_4:
0xfc: {  	s9 =	simm.s32 @!p0 $0xB  }
0xfd: {  	[spmem:s3] =	stream.indirect.scatter.add.f32 [tilespmem:s26], [sflag:$0x8], $0x40, s25, s19, $0xb8;
	[tilespmem:$0x1CC80] =	vst v63  }
0xfe: {  	_ =	swait.ge @!p0 [sflag:s9], $0x400  }
0xff: {  	[sflag:s9] =	ssyncset.done @!p0 $0x0  }
0x100: {  	[sflag:s9] =	ssyncadd.s32 @!p0 $0xFFFFFC00;
	s9 =	simm.s32 @!p0 $0x7  }
0x101: {  	_ =	swait.ge @!p0 [sflag:s9], $0x2000  }
0x102: {  	[sflag:s9] =	ssyncset.done @!p0 $0x0  }
0x103: {  	s13 =	rddreg [dreg:$0x5];
	[sflag:s9] =	ssyncadd.s32 @!p0 $0xFFFFE000  }
0x104: {  	[tilespmem:s21], [sflag:$0x3] =	stream.indirect.gather [spmem:s2], $0x40, s13, s19, $0xb8;
	[tilespmem:$0x1CC80] =	vst v63  }
0x105: {  	_ =	swait.ge [sflag:s22], $0x2000  }
0x106: {  	[sflag:s22] =	ssyncset.done $0x0  }
0x107: {  	s25 =	sadd.s32 s14, s7;
	[sflag:s22] =	ssyncadd.s32 $0xFFFFE000  }
0x108: {  	[spmem:s3] =	stream.indirect.scatter.add.f32 [tilespmem:s18], [sflag:$0x5], $0x40, s17, s19, $0xb8;
	[tilespmem:$0x1CC80] =	vst v63  }
0x109: {  	s9 =	sadd.s32 $0x80, s25;
	s25 =	simm.s32 @!p0 $0x8  }
0x10a: {  	[tilespmem:s24], [sflag:$0xA] =	stream.linear.gather [hbm4b:s9+s4], $0x400, $0x38;
	[tilespmem:$0x1CC80] =	vst v63  }
0x10b: {  	_ =	swait.ge @!p0 [sflag:s25], $0x2000  }
0x10c: {  	[sflag:s25] =	ssyncset.done @!p0 $0x0  }
0x10d: {  	s6 =	rddreg [dreg:$0x6];
	[sflag:s25] =	ssyncadd.s32 @!p0 $0xFFFFE000  }
0x10e: {  	[tilespmem:s26], [sflag:$0x4] =	stream.indirect.gather [spmem:s2], $0x40, s6, s19, $0xb8;
	[tilespmem:$0x1CC80] =	vst v63  }
0x10f: {  	_ =	swait.ge [sflag:s28], $0x2000  }
0x110: {  	[sflag:s28] =	ssyncset.done $0x0  }
0x111: {  	s13 =	rddreg [dreg:$0x7];
	[sflag:s28] =	ssyncadd.s32 $0xFFFFE000  }
0x112: {  	[spmem:s3] =	stream.indirect.scatter.add.f32 [tilespmem:s20], [sflag:$0x6], $0x40, s13, s19, $0xb8;
	[tilespmem:$0x1CC80] =	vst v63  }
0x113: {  	_ =	swait.ge [sflag:s29], $0x2000  }
0x114: {  	[sflag:s29] =	ssyncset.done $0x0  }
0x115: {  	s25 =	rddreg [dreg:$0x8];
	[sflag:s29] =	ssyncadd.s32 $0xFFFFE000  }
0x116: {  	[tilespmem:s18], [sflag:$0x1] =	stream.indirect.gather [spmem:s2], $0x40, s25, s19, $0xb8;
	[tilespmem:$0x1CC80] =	vst v63  }
0x117: {  	_ =	swait.ge [sflag:s30], $0x2000  }
0x118: {  	[sflag:s30] =	ssyncset.done $0x0  }
0x119: {  	s13 =	sadd.s32 s14, s8;
	s6 =	rddreg [dreg:$0x9];
	[sflag:s30] =	ssyncadd.s32 $0xFFFFE000  }
0x11a: {  	[spmem:s3] =	stream.indirect.scatter.add.f32 [tilespmem:s21], [sflag:$0x7], $0x40, s6, s19, $0xb8;
	[tilespmem:$0x1CC80] =	vst v63  }
0x11b: {  	s6 =	sadd.s32 $0x80, s13  }
0x11c: {  	[tilespmem:s31], [sflag:$0xC] =	stream.linear.gather [hbm4b:s6+s4], $0x400, $0x38;
	[tilespmem:$0x1CC80] =	vst v63  }
0x11d: {  	_ =	swait.ge [sflag:s0], $0x2000  }
0x11e: {  	[sflag:s0] =	ssyncset.done $0x0  }
0x11f: {  	s13 =	rddreg [dreg:$0xa];
	[sflag:s0] =	ssyncadd.s32 $0xFFFFE000  }
0x120: {  	[tilespmem:s20], [sflag:$0x2] =	stream.indirect.gather [spmem:s2], $0x40, s13, s19, $0xb8;
	[tilespmem:$0x1CC80] =	vst v63  }
0x121: {  	_ =	swait.ge [sflag:s1], $0x2000  }
0x122: {  	[sflag:s1] =	ssyncset.done $0x0  }
0x123: {  	s25 =	rddreg [dreg:$0xb];
	[sflag:s1] =	ssyncadd.s32 $0xFFFFE000  }
0x124: {  	[spmem:s3] =	stream.indirect.scatter.add.f32 [tilespmem:s26], [sflag:$0x8], $0x40, s25, s19, $0xb8;
	[tilespmem:$0x1CC80] =	vst v63  }
0x125: {  	_ =	swait.ge [sflag:s5], $0x2000  }
0x126: {  	[sflag:s5] =	ssyncset.done $0x0  }
0x127: {  	s6 =	rddreg [dreg:$0xc];
	[sflag:s5] =	ssyncadd.s32 $0xFFFFE000  }
0x128: {  	[tilespmem:s21], [sflag:$0x3] =	stream.indirect.gather [spmem:s2], $0x40, s6, s19, $0xb8;
	[tilespmem:$0x1CC80] =	vst v63  }
0x129: {  	_ =	swait.ge [sflag:s22], $0x2000  }
0x12a: {  	[sflag:s22] =	ssyncset.done $0x0  }
0x12b: {  	s13 =	rddreg [dreg:$0xd];
	[sflag:s22] =	ssyncadd.s32 $0xFFFFE000  }
0x12c: {  	[spmem:s3] =	stream.indirect.scatter.add.f32 [tilespmem:s18], [sflag:$0x5], $0x40, s13, s19, $0xb8;
	[tilespmem:$0x1CC80] =	vst v63  }
0x12d: {  	_ =	swait.ge [sflag:s10], $0x2000  }
0x12e: {  	[sflag:s10] =	ssyncset.done $0x0  }
0x12f: {  	s25 =	rddreg [dreg:$0xe];
	[sflag:s10] =	ssyncadd.s32 $0xFFFFE000  }
0x130: {  	[tilespmem:s26], [sflag:$0x4] =	stream.indirect.gather [spmem:s2], $0x40, s25, s19, $0xb8;
	[tilespmem:$0x1CC80] =	vst v63  }
0x131: {  	_ =	swait.ge [sflag:s28], $0x2000  }
0x132: {  	[sflag:s28] =	ssyncset.done $0x0  }
0x133: {  	s6 =	rddreg [dreg:$0xf];
	[sflag:s28] =	ssyncadd.s32 $0xFFFFE000  }
0x134: {  	[spmem:s3] =	stream.indirect.scatter.add.f32 [tilespmem:s20], [sflag:$0x6], $0x40, s6, s19, $0xb8;
	[tilespmem:$0x1CC80] =	vst v63  }
0x135: {  	_ =	swait.ge [sflag:s29], $0x2000  }
0x136: {  	[sflag:s29] =	ssyncset.done $0x0  }
0x137: {  	[sflag:s29] =	ssyncadd.s32 $0xFFFFE000  }
0x138: {  	_ =	swait.ge [sflag:s11], $0x400  }
0x139: {  	[sflag:s11] =	ssyncset.done $0x0  }
0x13a: {  	[sflag:s11] =	ssyncadd.s32 $0xFFFFFC00  }
0x13b: {  	[tilespmem:s18], [sflag:$0x1] =	stream.indirect.gather [spmem:s2], $0x40, s24, s19, $0xb8;
	[tilespmem:$0x1CC80] =	vst v63  }
0x13c: {  	_ =	swait.ge [sflag:s30], $0x2000  }
0x13d: {  	[sflag:s30] =	ssyncset.done $0x0  }
0x13e: {  	s13 =	rddreg [dreg:$0x10];
	[sflag:s30] =	ssyncadd.s32 $0xFFFFE000  }
0x13f: {  	[spmem:s3] =	stream.indirect.scatter.add.f32 [tilespmem:s21], [sflag:$0x7], $0x40, s13, s19, $0xb8;
	[tilespmem:$0x1CC80] =	vst v63  }
0x140: {  	_ =	swait.ge [sflag:s0], $0x2000  }
0x141: {  	[sflag:s0] =	ssyncset.done $0x0  }
0x142: {  	s25 =	rddreg [dreg:$0x11];
	[sflag:s0] =	ssyncadd.s32 $0xFFFFE000  }
0x143: {  	[tilespmem:s20], [sflag:$0x2] =	stream.indirect.gather [spmem:s2], $0x40, s25, s19, $0xb8;
	[tilespmem:$0x1CC80] =	vst v63  }
0x144: {  	_ =	swait.ge [sflag:s1], $0x2000  }
0x145: {  	[sflag:s1] =	ssyncset.done $0x0  }
0x146: {  	s6 =	rddreg [dreg:$0x12];
	[sflag:s1] =	ssyncadd.s32 $0xFFFFE000  }
0x147: {  	[spmem:s3] =	stream.indirect.scatter.add.f32 [tilespmem:s26], [sflag:$0x8], $0x40, s6, s19, $0xb8;
	[tilespmem:$0x1CC80] =	vst v63  }
0x148: {  	_ =	swait.ge [sflag:s12], $0x400  }
0x149: {  	[sflag:s12] =	ssyncset.done $0x0  }
0x14a: {  	[sflag:s12] =	ssyncadd.s32 $0xFFFFFC00  }
0x14b: {  	_ =	swait.ge [sflag:s5], $0x2000  }
0x14c: {  	[sflag:s5] =	ssyncset.done $0x0  }
0x14d: {  	s13 =	rddreg [dreg:$0x13];
	[sflag:s5] =	ssyncadd.s32 $0xFFFFE000  }
0x14e: {  	[tilespmem:s21], [sflag:$0x3] =	stream.indirect.gather [spmem:s2], $0x40, s13, s19, $0xb8;
	[tilespmem:$0x1CC80] =	vst v63  }
0x14f: {  	p2 =	seq.s32 s15, $0x0;
	_ =	swait.ge [sflag:s22], $0x2000  }
0x150: {  	p0 =	por p2, p2;
	p2 =	seq.s32 s14, $0x900;
	[sflag:s22] =	ssyncset.done $0x0  }
0x151: {  	s9 =	sadd.s32 @!p2 s14, s7;
	[sflag:s22] =	ssyncadd.s32 $0xFFFFE000  }
0x152: {  	[spmem:s3] =	stream.indirect.scatter.add.f32 [tilespmem:s18], [sflag:$0x5], $0x40, s31, s19, $0xb8;
	[tilespmem:$0x1CC80] =	vst v63  }
0x153: {  	s9 =	sadd.s32 @!p2 $0x100, s9;
	s25 =	simm.s32 @!p2 $0x0  }
0x154: {  	[tilespmem:s25], [sflag:$0x9] =	stream.linear.gather @!p2 [hbm4b:s9+s25], $0x400, $0x38;
	[tilespmem:$0x1CC80] =	vst v63  }
0x155: {  	s14 =	sadd.s32 @!p2 s14, s8;
	_ =	swait.ge [sflag:s10], $0x2000  }
0x156: {  	s23 =	smov.u32 s15;
	s6 =	sadd.s32 @!p2 $0x100, s14;
	[sflag:s10] =	ssyncset.done $0x0  }
0x157: {  	s14 =	smov.u32 s23;
	s23 =	rddreg [dreg:$0x14];
	[sflag:s10] =	ssyncadd.s32 $0xFFFFE000  }
0x158: {  	[tilespmem:s26], [sflag:$0x4] =	stream.indirect.gather [spmem:s2], $0x40, s23, s19, $0xb8;
	[tilespmem:$0x1CC80] =	vst v63  }
0x159: {  	_ =	swait.ge [sflag:s28], $0x2000  }
0x15a: {  	[sflag:s28] =	ssyncset.done $0x0  }
0x15b: {  	s13 =	rddreg [dreg:$0x15];
	[sflag:s28] =	ssyncadd.s32 $0xFFFFE000  }
0x15c: {  	[spmem:s3] =	stream.indirect.scatter.add.f32 [tilespmem:s20], [sflag:$0x6], $0x40, s13, s19, $0xb8;
	[tilespmem:$0x1CC80] =	vst v63  }
0x15d: {  	_ =	swait.ge [sflag:s29], $0x2000  }
0x15e: {  	[sflag:s29] =	ssyncset.done $0x0  }
0x15f: {  	s23 =	rddreg [dreg:$0x16];
	[sflag:s29] =	ssyncadd.s32 $0xFFFFE000  }
0x160: {  	[tilespmem:s18], [sflag:$0x1] =	stream.indirect.gather [spmem:s2], $0x40, s23, s19, $0xb8;
	[tilespmem:$0x1CC80] =	vst v63  }
0x161: {  	_ =	swait.ge [sflag:s30], $0x2000  }
0x162: {  	[sflag:s30] =	ssyncset.done $0x0  }
0x163: {  	s13 =	rddreg [dreg:$0x17];
	[sflag:s30] =	ssyncadd.s32 $0xFFFFE000  }
0x164: {  	[spmem:s3] =	stream.indirect.scatter.add.f32 [tilespmem:s21], [sflag:$0x7], $0x40, s13, s19, $0xb8;
	[tilespmem:$0x1CC80] =	vst v63  }
0x165: {  	s23 =	simm.s32 @!p2 $0x800  }
0x166: {  	[tilespmem:s23], [sflag:$0xB] =	stream.linear.gather @!p2 [hbm4b:s6+s25], $0x400, $0x38;
	[tilespmem:$0x1CC80] =	vst v63  }
0x167: {  	_ =	swait.ge [sflag:s0], $0x2000  }
0x168: {  	[sflag:s0] =	ssyncset.done $0x0  }
0x169: {  	s9 =	rddreg [dreg:$0x18];
	[sflag:s0] =	ssyncadd.s32 $0xFFFFE000  }
0x16a: {  	[tilespmem:s20], [sflag:$0x2] =	stream.indirect.gather [spmem:s2], $0x40, s9, s19, $0xb8;
	[tilespmem:$0x1CC80] =	vst v63  }
0x16b: {  	_ =	swait.ge [sflag:s1], $0x2000  }
0x16c: {  	[sflag:s1] =	ssyncset.done $0x0  }
0x16d: {  	s13 =	rddreg [dreg:$0x19];
	[sflag:s1] =	ssyncadd.s32 $0xFFFFE000  }
0x16e: {  	[spmem:s3] =	stream.indirect.scatter.add.f32 [tilespmem:s26], [sflag:$0x8], $0x40, s13, s19, $0xb8;
	[tilespmem:$0x1CC80] =	vst v63  }
0x16f: {  	_ =	swait.ge [sflag:s5], $0x2000  }
0x170: {  	[sflag:s5] =	ssyncset.done $0x0  }
0x171: {  	s23 =	rddreg [dreg:$0x1a];
	[sflag:s5] =	ssyncadd.s32 $0xFFFFE000  }
0x172: {  	[tilespmem:s21], [sflag:$0x3] =	stream.indirect.gather [spmem:s2], $0x40, s23, s19, $0xb8;
	[tilespmem:$0x1CC80] =	vst v63  }
0x173: {  	_ =	swait.ge [sflag:s22], $0x2000  }
0x174: {  	[sflag:s22] =	ssyncset.done $0x0  }
0x175: {  	s9 =	rddreg [dreg:$0x1b];
	[sflag:s22] =	ssyncadd.s32 $0xFFFFE000  }
0x176: {  	[spmem:s3] =	stream.indirect.scatter.add.f32 [tilespmem:s18], [sflag:$0x5], $0x40, s9, s19, $0xb8;
	[tilespmem:$0x1CC80] =	vst v63  }
0x177: {  	_ =	swait.ge [sflag:s10], $0x2000  }
0x178: {  	[sflag:s10] =	ssyncset.done $0x0  }
0x179: {  	s13 =	rddreg [dreg:$0x1c];
	[sflag:s10] =	ssyncadd.s32 $0xFFFFE000  }
0x17a: {  	[tilespmem:s26], [sflag:$0x4] =	stream.indirect.gather [spmem:s2], $0x40, s13, s19, $0xb8;
	[tilespmem:$0x1CC80] =	vst v63  }
0x17b: {  	_ =	swait.ge [sflag:s28], $0x2000  }
0x17c: {  	[sflag:s28] =	ssyncset.done $0x0  }
0x17d: {  	s9 =	simm.s32 @p2 $0x3;
	s23 =	rddreg [dreg:$0x1d];
	[sflag:s28] =	ssyncadd.s32 $0xFFFFE000  }
0x17e: {  	[spmem:s3] =	stream.indirect.scatter.add.f32 [tilespmem:s20], [sflag:$0x6], $0x40, s23, s19, $0xb8;
	[tilespmem:$0x1CC80] =	vst v63  }
0x17f: {  	_ =	swait.ge @p2 [sflag:s9], $0x2000  }
0x180: {  	s6 =	simm.s32 @p2 $0x5000;
	s13 =	simm.s32 @p2 $0xF00;
	[sflag:s9] =	ssyncset.done @p2 $0x0  }
0x181: {  	s23 =	simm.s32 @p2 $0x80;
	[sflag:s9] =	ssyncadd.s32 @p2 $0xFFFFE000;
	s9 =	simm.s32 @!p2 $0x5  }
0x182: {  	[spmem:s3] =	stream.indirect.scatter.add.f32 @p2 [tilespmem:s6], [sflag:$0x7], $0x40, s13, s23, $0xb8;
	[tilespmem:$0x1CC80] =	vst v63  }
0x183: {  	_ =	swait.ge @!p2 [sflag:s9], $0x2000  }
0x184: {  	[sflag:s9] =	ssyncset.done @!p2 $0x0  }
0x185: {  	s6 =	simm.s32 @!p2 $0x9;
	[sflag:s9] =	ssyncadd.s32 @!p2 $0xFFFFE000  }
0x186: {  	_ =	swait.ge @!p2 [sflag:s6], $0x400  }
0x187: {  	s13 =	simm.s32 @!p2 $0x1000;
	[sflag:s6] =	ssyncset.done @!p2 $0x0  }
0x188: {  	s9 =	simm.s32 @!p2 $0x80;
	[sflag:s6] =	ssyncadd.s32 @!p2 $0xFFFFFC00;
	s6 =	simm.s32 @!p2 $0x3  }
0x189: {  	[tilespmem:s13], [sflag:$0x1] =	stream.indirect.gather @!p2 [spmem:s2], $0x40, s25, s9, $0xb8;
	[tilespmem:$0x1CC80] =	vst v63  }
0x18a: {  	_ =	swait.ge @!p2 [sflag:s6], $0x2000  }
0x18b: {  	s23 =	simm.s32 @!p2 $0x5000;
	[sflag:s6] =	ssyncset.done @!p2 $0x0  }
0x18c: {  	s13 =	simm.s32 @!p2 $0xF00;
	[sflag:s6] =	ssyncadd.s32 @!p2 $0xFFFFE000;
	s6 =	simm.s32 @!p2 $0x6  }
0x18d: {  	[spmem:s3] =	stream.indirect.scatter.add.f32 @!p2 [tilespmem:s23], [sflag:$0x7], $0x40, s13, s9, $0xb8;
	[tilespmem:$0x1CC80] =	vst v63  }
0x18e: {  	s15 =	sadd.s32 $0x100, s15;
	_ =	swait.ge @!p2 [sflag:s6], $0x2000  }
0x18f: {  	p1 =	sne.s32 s15, $0xA00;
	[sflag:s6] =	ssyncset.done @!p2 $0x0  }
.Ltmp1:
0x190: {  	s13 =	simm.s32 @!p2 $0x3000;
	[sflag:s6] =	ssyncadd.s32 @!p2 $0xFFFFE000;
	(pc) =	sbr.rel @p1 .LBB2_4-.Ltmp1, $4  }
0x191: {  	[tilespmem:s13], [sflag:$0x2] =	stream.indirect.gather @!p2 [spmem:s2], $0x40, s9, s9, $0xb8;
	[tilespmem:$0x1CC80] =	vst v63  }
0x192: {  	_ =	swait.ge [sflag:s1], $0x2000  }
0x193: {  	[sflag:s1] =	ssyncset.done $0x0  }
0x194: {  	s25 =	rddreg [dreg:$0x1e];
	[sflag:s1] =	ssyncadd.s32 $0xFFFFE000  }
0x195: {  	s6 =	simm.s32 @!p0 $0xB  }
0x196: {  	[spmem:s3] =	stream.indirect.scatter.add.f32 [tilespmem:s26], [sflag:$0x8], $0x40, s25, s19, $0xb8;
	[tilespmem:$0x1CC80] =	vst v63  }
0x197: {  	_ =	swait.ge @!p0 [sflag:s6], $0x400  }
0x198: {  	[sflag:s6] =	ssyncset.done @!p0 $0x0  }
0x199: {  	[sflag:s6] =	ssyncadd.s32 @!p0 $0xFFFFFC00;
	s6 =	simm.s32 @!p0 $0x7  }
0x19a: {  	_ =	swait.ge @!p0 [sflag:s6], $0x2000  }
0x19b: {  	[sflag:s6] =	ssyncset.done @!p0 $0x0  }
0x19c: {  	s9 =	rddreg [dreg:$0x5];
	[sflag:s6] =	ssyncadd.s32 @!p0 $0xFFFFE000  }
0x19d: {  	[tilespmem:s21], [sflag:$0x3] =	stream.indirect.gather [spmem:s2], $0x40, s9, s19, $0xb8;
	[tilespmem:$0x1CC80] =	vst v63  }
0x19e: {  	_ =	swait.ge [sflag:s22], $0x2000  }
0x19f: {  	[sflag:s22] =	ssyncset.done $0x0  }
0x1a0: {  	s15 =	sadd.s32 s14, s7;
	[sflag:s22] =	ssyncadd.s32 $0xFFFFE000  }
0x1a1: {  	[spmem:s3] =	stream.indirect.scatter.add.f32 [tilespmem:s18], [sflag:$0x5], $0x40, s17, s19, $0xb8;
	[tilespmem:$0x1CC80] =	vst v63  }
0x1a2: {  	s6 =	sadd.s32 $0x80, s15;
	s9 =	simm.s32 @!p0 $0x8  }
0x1a3: {  	[tilespmem:s24], [sflag:$0xA] =	stream.linear.gather [hbm4b:s6+s4], $0x400, $0x38;
	[tilespmem:$0x1CC80] =	vst v63  }
0x1a4: {  	_ =	swait.ge @!p0 [sflag:s9], $0x2000  }
0x1a5: {  	[sflag:s9] =	ssyncset.done @!p0 $0x0  }
0x1a6: {  	s23 =	rddreg [dreg:$0x6];
	[sflag:s9] =	ssyncadd.s32 @!p0 $0xFFFFE000  }
0x1a7: {  	[tilespmem:s26], [sflag:$0x4] =	stream.indirect.gather [spmem:s2], $0x40, s23, s19, $0xb8;
	[tilespmem:$0x1CC80] =	vst v63  }
0x1a8: {  	_ =	swait.ge [sflag:s28], $0x2000  }
0x1a9: {  	[sflag:s28] =	ssyncset.done $0x0  }
0x1aa: {  	s25 =	rddreg [dreg:$0x7];
	[sflag:s28] =	ssyncadd.s32 $0xFFFFE000  }
0x1ab: {  	[spmem:s3] =	stream.indirect.scatter.add.f32 [tilespmem:s20], [sflag:$0x6], $0x40, s25, s19, $0xb8;
	[tilespmem:$0x1CC80] =	vst v63  }
0x1ac: {  	_ =	swait.ge [sflag:s29], $0x2000  }
0x1ad: {  	[sflag:s29] =	ssyncset.done $0x0  }
0x1ae: {  	s9 =	rddreg [dreg:$0x8];
	[sflag:s29] =	ssyncadd.s32 $0xFFFFE000  }
0x1af: {  	[tilespmem:s18], [sflag:$0x1] =	stream.indirect.gather [spmem:s2], $0x40, s9, s19, $0xb8;
	[tilespmem:$0x1CC80] =	vst v63  }
0x1b0: {  	_ =	swait.ge [sflag:s30], $0x2000  }
0x1b1: {  	[sflag:s30] =	ssyncset.done $0x0  }
0x1b2: {  	s15 =	sadd.s32 s14, s8;
	s13 =	rddreg [dreg:$0x9];
	[sflag:s30] =	ssyncadd.s32 $0xFFFFE000  }
0x1b3: {  	[spmem:s3] =	stream.indirect.scatter.add.f32 [tilespmem:s21], [sflag:$0x7], $0x40, s13, s19, $0xb8;
	[tilespmem:$0x1CC80] =	vst v63  }
0x1b4: {  	s23 =	sadd.s32 $0x80, s15  }
0x1b5: {  	[tilespmem:s31], [sflag:$0xC] =	stream.linear.gather [hbm4b:s23+s4], $0x400, $0x38;
	[tilespmem:$0x1CC80] =	vst v63  }
0x1b6: {  	_ =	swait.ge [sflag:s0], $0x2000  }
0x1b7: {  	[sflag:s0] =	ssyncset.done $0x0  }
0x1b8: {  	s25 =	rddreg [dreg:$0xa];
	[sflag:s0] =	ssyncadd.s32 $0xFFFFE000  }
0x1b9: {  	[tilespmem:s20], [sflag:$0x2] =	stream.indirect.gather [spmem:s2], $0x40, s25, s19, $0xb8;
	[tilespmem:$0x1CC80] =	vst v63  }
0x1ba: {  	_ =	swait.ge [sflag:s1], $0x2000  }
0x1bb: {  	[sflag:s1] =	ssyncset.done $0x0  }
0x1bc: {  	s9 =	rddreg [dreg:$0xb];
	[sflag:s1] =	ssyncadd.s32 $0xFFFFE000  }
0x1bd: {  	[spmem:s3] =	stream.indirect.scatter.add.f32 [tilespmem:s26], [sflag:$0x8], $0x40, s9, s19, $0xb8;
	[tilespmem:$0x1CC80] =	vst v63  }
0x1be: {  	_ =	swait.ge [sflag:s5], $0x2000  }
0x1bf: {  	[sflag:s5] =	ssyncset.done $0x0  }
0x1c0: {  	s13 =	rddreg [dreg:$0xc];
	[sflag:s5] =	ssyncadd.s32 $0xFFFFE000  }
0x1c1: {  	[tilespmem:s21], [sflag:$0x3] =	stream.indirect.gather [spmem:s2], $0x40, s13, s19, $0xb8;
	[tilespmem:$0x1CC80] =	vst v63  }
0x1c2: {  	_ =	swait.ge [sflag:s22], $0x2000  }
0x1c3: {  	[sflag:s22] =	ssyncset.done $0x0  }
0x1c4: {  	s15 =	rddreg [dreg:$0xd];
	[sflag:s22] =	ssyncadd.s32 $0xFFFFE000  }
0x1c5: {  	[spmem:s3] =	stream.indirect.scatter.add.f32 [tilespmem:s18], [sflag:$0x5], $0x40, s15, s19, $0xb8;
	[tilespmem:$0x1CC80] =	vst v63  }
0x1c6: {  	_ =	swait.ge [sflag:s10], $0x2000  }
0x1c7: {  	[sflag:s10] =	ssyncset.done $0x0  }
0x1c8: {  	s23 =	rddreg [dreg:$0xe];
	[sflag:s10] =	ssyncadd.s32 $0xFFFFE000  }
0x1c9: {  	[tilespmem:s26], [sflag:$0x4] =	stream.indirect.gather [spmem:s2], $0x40, s23, s19, $0xb8;
	[tilespmem:$0x1CC80] =	vst v63  }
0x1ca: {  	_ =	swait.ge [sflag:s28], $0x2000  }
0x1cb: {  	[sflag:s28] =	ssyncset.done $0x0  }
0x1cc: {  	s25 =	rddreg [dreg:$0xf];
	[sflag:s28] =	ssyncadd.s32 $0xFFFFE000  }
0x1cd: {  	[spmem:s3] =	stream.indirect.scatter.add.f32 [tilespmem:s20], [sflag:$0x6], $0x40, s25, s19, $0xb8;
	[tilespmem:$0x1CC80] =	vst v63  }
0x1ce: {  	_ =	swait.ge [sflag:s29], $0x2000  }
0x1cf: {  	[sflag:s29] =	ssyncset.done $0x0  }
0x1d0: {  	[sflag:s29] =	ssyncadd.s32 $0xFFFFE000  }
0x1d1: {  	_ =	swait.ge [sflag:s11], $0x400  }
0x1d2: {  	[sflag:s11] =	ssyncset.done $0x0  }
0x1d3: {  	[sflag:s11] =	ssyncadd.s32 $0xFFFFFC00  }
0x1d4: {  	[tilespmem:s18], [sflag:$0x1] =	stream.indirect.gather [spmem:s2], $0x40, s24, s19, $0xb8;
	[tilespmem:$0x1CC80] =	vst v63  }
0x1d5: {  	_ =	swait.ge [sflag:s30], $0x2000  }
0x1d6: {  	[sflag:s30] =	ssyncset.done $0x0  }
0x1d7: {  	s9 =	rddreg [dreg:$0x10];
	[sflag:s30] =	ssyncadd.s32 $0xFFFFE000  }
0x1d8: {  	[spmem:s3] =	stream.indirect.scatter.add.f32 [tilespmem:s21], [sflag:$0x7], $0x40, s9, s19, $0xb8;
	[tilespmem:$0x1CC80] =	vst v63  }
0x1d9: {  	_ =	swait.ge [sflag:s0], $0x2000  }
0x1da: {  	[sflag:s0] =	ssyncset.done $0x0  }
0x1db: {  	s13 =	rddreg [dreg:$0x11];
	[sflag:s0] =	ssyncadd.s32 $0xFFFFE000  }
0x1dc: {  	[tilespmem:s20], [sflag:$0x2] =	stream.indirect.gather [spmem:s2], $0x40, s13, s19, $0xb8;
	[tilespmem:$0x1CC80] =	vst v63  }
0x1dd: {  	_ =	swait.ge [sflag:s1], $0x2000  }
0x1de: {  	[sflag:s1] =	ssyncset.done $0x0  }
0x1df: {  	s15 =	rddreg [dreg:$0x12];
	[sflag:s1] =	ssyncadd.s32 $0xFFFFE000  }
0x1e0: {  	[spmem:s3] =	stream.indirect.scatter.add.f32 [tilespmem:s26], [sflag:$0x8], $0x40, s15, s19, $0xb8;
	[tilespmem:$0x1CC80] =	vst v63  }
0x1e1: {  	_ =	swait.ge [sflag:s12], $0x400  }
0x1e2: {  	[sflag:s12] =	ssyncset.done $0x0  }
0x1e3: {  	[sflag:s12] =	ssyncadd.s32 $0xFFFFFC00  }
0x1e4: {  	_ =	swait.ge [sflag:s5], $0x2000  }
0x1e5: {  	[sflag:s5] =	ssyncset.done $0x0  }
0x1e6: {  	s23 =	rddreg [dreg:$0x13];
	[sflag:s5] =	ssyncadd.s32 $0xFFFFE000  }
0x1e7: {  	[tilespmem:s21], [sflag:$0x3] =	stream.indirect.gather [spmem:s2], $0x40, s23, s19, $0xb8;
	[tilespmem:$0x1CC80] =	vst v63  }
0x1e8: {  	_ =	swait.ge [sflag:s22], $0x2000  }
0x1e9: {  	p0 =	seq.s32 s14, $0x900;
	[sflag:s22] =	ssyncset.done $0x0  }
0x1ea: {  	s6 =	sadd.s32 @!p0 s14, s7;
	[sflag:s22] =	ssyncadd.s32 $0xFFFFE000  }
0x1eb: {  	[spmem:s3] =	stream.indirect.scatter.add.f32 [tilespmem:s18], [sflag:$0x5], $0x40, s31, s19, $0xb8;
	[tilespmem:$0x1CC80] =	vst v63  }
0x1ec: {  	s6 =	sadd.s32 @!p0 $0x100, s6;
	s15 =	simm.s32 @!p0 $0x0  }
0x1ed: {  	[tilespmem:s15], [sflag:$0x9] =	stream.linear.gather @!p0 [hbm4b:s6+s15], $0x400, $0x38;
	[tilespmem:$0x1CC80] =	vst v63  }
0x1ee: {  	_ =	swait.ge [sflag:s10], $0x2000  }
0x1ef: {  	[sflag:s10] =	ssyncset.done $0x0  }
0x1f0: {  	s25 =	rddreg [dreg:$0x14];
	[sflag:s10] =	ssyncadd.s32 $0xFFFFE000  }
0x1f1: {  	[tilespmem:s26], [sflag:$0x4] =	stream.indirect.gather [spmem:s2], $0x40, s25, s19, $0xb8;
	[tilespmem:$0x1CC80] =	vst v63  }
0x1f2: {  	_ =	swait.ge [sflag:s28], $0x2000  }
0x1f3: {  	[sflag:s28] =	ssyncset.done $0x0  }
0x1f4: {  	s9 =	rddreg [dreg:$0x15];
	[sflag:s28] =	ssyncadd.s32 $0xFFFFE000  }
0x1f5: {  	[spmem:s3] =	stream.indirect.scatter.add.f32 [tilespmem:s20], [sflag:$0x6], $0x40, s9, s19, $0xb8;
	[tilespmem:$0x1CC80] =	vst v63  }
0x1f6: {  	_ =	swait.ge [sflag:s29], $0x2000  }
0x1f7: {  	[sflag:s29] =	ssyncset.done $0x0  }
0x1f8: {  	s13 =	rddreg [dreg:$0x16];
	[sflag:s29] =	ssyncadd.s32 $0xFFFFE000  }
0x1f9: {  	[tilespmem:s18], [sflag:$0x1] =	stream.indirect.gather [spmem:s2], $0x40, s13, s19, $0xb8;
	[tilespmem:$0x1CC80] =	vst v63  }
0x1fa: {  	_ =	swait.ge [sflag:s30], $0x2000  }
0x1fb: {  	[sflag:s30] =	ssyncset.done $0x0  }
0x1fc: {  	s9 =	sadd.s32 @!p0 s14, s8;
	s23 =	rddreg [dreg:$0x17];
	[sflag:s30] =	ssyncadd.s32 $0xFFFFE000  }
0x1fd: {  	[spmem:s3] =	stream.indirect.scatter.add.f32 [tilespmem:s21], [sflag:$0x7], $0x40, s23, s19, $0xb8;
	[tilespmem:$0x1CC80] =	vst v63  }
0x1fe: {  	s6 =	sadd.s32 @!p0 $0x100, s9;
	s9 =	simm.s32 @!p0 $0x800  }
0x1ff: {  	[tilespmem:s9], [sflag:$0xB] =	stream.linear.gather @!p0 [hbm4b:s6+s15], $0x400, $0x38;
	[tilespmem:$0x1CC80] =	vst v63  }
0x200: {  	_ =	swait.ge [sflag:s0], $0x2000  }
0x201: {  	[sflag:s0] =	ssyncset.done $0x0  }
0x202: {  	s25 =	rddreg [dreg:$0x18];
	[sflag:s0] =	ssyncadd.s32 $0xFFFFE000  }
0x203: {  	[tilespmem:s20], [sflag:$0x2] =	stream.indirect.gather [spmem:s2], $0x40, s25, s19, $0xb8;
	[tilespmem:$0x1CC80] =	vst v63  }
0x204: {  	_ =	swait.ge [sflag:s1], $0x2000  }
0x205: {  	[sflag:s1] =	ssyncset.done $0x0  }
0x206: {  	s9 =	rddreg [dreg:$0x19];
	[sflag:s1] =	ssyncadd.s32 $0xFFFFE000  }
0x207: {  	[spmem:s3] =	stream.indirect.scatter.add.f32 [tilespmem:s26], [sflag:$0x8], $0x40, s9, s19, $0xb8;
	[tilespmem:$0x1CC80] =	vst v63  }
0x208: {  	_ =	swait.ge [sflag:s5], $0x2000  }
0x209: {  	[sflag:s5] =	ssyncset.done $0x0  }
0x20a: {  	s13 =	rddreg [dreg:$0x1a];
	[sflag:s5] =	ssyncadd.s32 $0xFFFFE000  }
0x20b: {  	[tilespmem:s21], [sflag:$0x3] =	stream.indirect.gather [spmem:s2], $0x40, s13, s19, $0xb8;
	[tilespmem:$0x1CC80] =	vst v63  }
0x20c: {  	_ =	swait.ge [sflag:s22], $0x2000  }
0x20d: {  	[sflag:s22] =	ssyncset.done $0x0  }
0x20e: {  	s14 =	rddreg [dreg:$0x1b];
	[sflag:s22] =	ssyncadd.s32 $0xFFFFE000  }
0x20f: {  	[spmem:s3] =	stream.indirect.scatter.add.f32 [tilespmem:s18], [sflag:$0x5], $0x40, s14, s19, $0xb8;
	[tilespmem:$0x1CC80] =	vst v63  }
0x210: {  	_ =	swait.ge [sflag:s10], $0x2000  }
0x211: {  	[sflag:s10] =	ssyncset.done $0x0  }
0x212: {  	s23 =	rddreg [dreg:$0x1c];
	[sflag:s10] =	ssyncadd.s32 $0xFFFFE000  }
0x213: {  	[tilespmem:s26], [sflag:$0x4] =	stream.indirect.gather [spmem:s2], $0x40, s23, s19, $0xb8;
	[tilespmem:$0x1CC80] =	vst v63  }
0x214: {  	_ =	swait.ge [sflag:s28], $0x2000  }
0x215: {  	[sflag:s28] =	ssyncset.done $0x0  }
0x216: {  	s9 =	simm.s32 @p0 $0x3;
	s25 =	rddreg [dreg:$0x1d];
	[sflag:s28] =	ssyncadd.s32 $0xFFFFE000  }
0x217: {  	[spmem:s3] =	stream.indirect.scatter.add.f32 [tilespmem:s20], [sflag:$0x6], $0x40, s25, s19, $0xb8;
	[tilespmem:$0x1CC80] =	vst v63  }
0x218: {  	_ =	swait.ge @p0 [sflag:s9], $0x2000  }
0x219: {  	s6 =	simm.s32 @p0 $0x5000;
	[sflag:s9] =	ssyncset.done @p0 $0x0  }
0x21a: {  	s13 =	simm.s32 @p0 $0x80;
	[sflag:s9] =	ssyncadd.s32 @p0 $0xFFFFE000;
	s9 =	simm.s32 @p0 $0xF00  }
0x21b: {  	[spmem:s3] =	stream.indirect.scatter.add.f32 @p0 [tilespmem:s6], [sflag:$0x7], $0x40, s9, s13, $0xb8;
	[tilespmem:$0x1CC80] =	vst v63  }
0x21c: {  	s6 =	simm.s32 @!p0 $0x5  }
0x21d: {  	_ =	swait.ge @!p0 [sflag:s6], $0x2000  }
0x21e: {  	[sflag:s6] =	ssyncset.done @!p0 $0x0  }
0x21f: {  	s9 =	simm.s32 @!p0 $0x9;
	[sflag:s6] =	ssyncadd.s32 @!p0 $0xFFFFE000  }
0x220: {  	_ =	swait.ge @!p0 [sflag:s9], $0x400  }
0x221: {  	[sflag:s9] =	ssyncset.done @!p0 $0x0  }
0x222: {  	s6 =	simm.s32 @!p0 $0x80;
	[sflag:s9] =	ssyncadd.s32 @!p0 $0xFFFFFC00;
	s9 =	simm.s32 @!p0 $0x1000  }
0x223: {  	[tilespmem:s9], [sflag:$0x1] =	stream.indirect.gather @!p0 [spmem:s2], $0x40, s15, s6, $0xb8;
	[tilespmem:$0x1CC80] =	vst v63  }
0x224: {  	s9 =	simm.s32 @!p0 $0x3  }
0x225: {  	_ =	swait.ge @!p0 [sflag:s9], $0x2000  }
0x226: {  	[sflag:s9] =	ssyncset.done @!p0 $0x0  }
0x227: {  	s13 =	simm.s32 @!p0 $0xF00;
	[sflag:s9] =	ssyncadd.s32 @!p0 $0xFFFFE000;
	s9 =	simm.s32 @!p0 $0x5000  }
0x228: {  	[spmem:s3] =	stream.indirect.scatter.add.f32 @!p0 [tilespmem:s9], [sflag:$0x7], $0x40, s13, s6, $0xb8;
	[tilespmem:$0x1CC80] =	vst v63  }
0x229: {  	s9 =	simm.s32 @!p0 $0x6  }
0x22a: {  	_ =	swait.ge @!p0 [sflag:s9], $0x2000  }
0x22b: {  	[sflag:s9] =	ssyncset.done @!p0 $0x0  }
0x22c: {  	[sflag:s9] =	ssyncadd.s32 @!p0 $0xFFFFE000;
	s9 =	simm.s32 @!p0 $0x3000  }
0x22d: {  	[tilespmem:s9], [sflag:$0x2] =	stream.indirect.gather @!p0 [spmem:s2], $0x40, s6, s6, $0xb8;
	[tilespmem:$0x1CC80] =	vst v63  }
0x22e: {  	_ =	swait.ge [sflag:s1], $0x2000  }
0x22f: {  	[sflag:s1] =	ssyncset.done $0x0  }
0x230: {  	s13 =	rddreg [dreg:$0x1e];
	[sflag:s1] =	ssyncadd.s32 $0xFFFFE000  }
0x231: {  	[spmem:s3] =	stream.indirect.scatter.add.f32 [tilespmem:s26], [sflag:$0x8], $0x40, s13, s19, $0xb8;
	[tilespmem:$0x1CC80] =	vst v63  }
0x232: {  	_ =	swait.ge [sflag:s29], $0x2000  }
0x233: {  	[sflag:s29] =	ssyncset.done $0x0  }
0x234: {  	[sflag:s29] =	ssyncadd.s32 $0xFFFFE000  }
0x235: {  	_ =	swait.ge [sflag:s0], $0x2000  }
0x236: {  	[sflag:s0] =	ssyncset.done $0x0  }
0x237: {  	[sflag:s0] =	ssyncadd.s32 $0xFFFFE000  }
0x238: {  	_ =	swait.ge [sflag:s5], $0x2000  }
0x239: {  	[sflag:s5] =	ssyncset.done $0x0  }
0x23a: {  	[sflag:s5] =	ssyncadd.s32 $0xFFFFE000  }
0x23b: {  	_ =	swait.ge [sflag:s10], $0x2000  }
0x23c: {  	[sflag:s10] =	ssyncset.done $0x0  }
0x23d: {  	[sflag:s10] =	ssyncadd.s32 $0xFFFFE000  }
0x23e: {  	[bflag:$0x0] =	sbarrier.arrive $0xFFFF  }
0x23f: {  	s13 =	sld [smem:$0x7FD]  }
0x240: {  	s14 =	sld [smem:$0x7FB]  }
0x241: {  	s15 =	sld [smem:$0x7FC];
	_ =	sdelay $0x2  }
0x242: {  	[hbm:s14], [sflag:s13] =	dma.local [spmem:s15], $0x1400  }
0x243: {  	_ =	swait.ge [sflag:s16], $0x1400  }
0x244: {  	s23 =	sld [smem:$0x7F3]  }
0x245: {  	s25 =	sld [smem:$0x7F4];
	_ =	sdelay $0x1  }
0x246: {  	s9 =	sadd.s32 $0x1, s23  }
0x247: {  	p0 =	sne.s32 s9, s25  }
.Ltmp2:
0x248: {  	_ = 	snop;
	(pc) =	sbr.rel @p0 .LBB2_1-.Ltmp2, $3  }
0x249: {  	_ =	sdelay $0x1  }
0x24a: {  	[sflag:s16] =	ssyncset.done $0x0  }
0x24b: {  	[sflag:s16] =	ssyncadd.s32 $0xFFFFEC00  }
0x24c: {  	_ =	sfence.sel $0x180000  }
0x24d: {  	[bflag:$0x0] =	sbarrier.arrive $0xFFFF  }
0x24e: {  	_ =	strace $0x9000004A  }
0x24f: {  	s0 =	stileid.u32;
	[bflag:$0x2] =	sbarrier.arrive $0xFFFF  }
0x250: {  	p0 =	sne.s32 s0, $0x0;
	s0 =	rddreg [dreg:$0x4]  }
0x251: {  	s0 =	sadd.s32 @!p0 $0x100000, s0  }
0x252: {  	[sflag:s0] =	ssyncadd.tile.s32 @!p0 $0x1;
	_ =	shalt  }
.Lfunc_end2:
_tile_overlayer_lowered:
.L_overlay_start_2:
0x253: {  	(tag) =	ssettag $0x2  }
0x254: {  	s0 =	rddreg [dreg:$0x0];
	s2 =	stileid.u32  }
0x255: {  	s1 =	rddreg [dreg:$0x1];
	p0 =	sne.s32 s2, $0x0  }
0x256: {  	s3 =	rddreg [dreg:$0x2];
	[bflag:$0x3] =	sbarrier.arrive $0xFFFF;
	s2 =	simm.s32 @!p0 $0x1C0D  }
0x257: {  	[timem:s3], [sflag:s2] =	dma.local @!p0 [hbm:s0], s1  }
0x258: {  	s0 =	simm.s32 @!p0 $0xD  }
0x259: {  	_ =	swait.ge @!p0 [sflag:s0], s1  }
0x25a: {  	s1 =	ssub.s32 @!p0 $0x0, s1;
	[sflag:s0] =	ssyncset.done @!p0 $0x0  }
0x25b: {  	[sflag:s0] =	ssyncadd.s32 @!p0 s1  }
0x25c: {  	[bflag:$0x3] =	sbarrier.arrive $0xFFFF  }
0x25d: {  	_ =	shalt  }

// kernel: sc_segment_sum.7.cloned.1.call-start
scs
__scs_entry_jumppad:
0x0: {  	(pc) =	sbr.rel $0x88, $3  }
0x1: {  	(tag) =	ssettag $0x0;
	lr =	simm.s32 $0x1  }
0x2: {  	[smem:$0x3F99] =	sst lr;
	_ =	strace $0xD0000000  }
0x3: {  	_ = 	snop  }
0x4: {  	_ = 	snop  }
0x5: {  	_ = 	snop  }
0x6: {  	_ = 	snop  }
0x7: {  	_ = 	snop  }
__scs_overlays_trampoline_lowered:
0x8: {  	[smem:$0x3FA8] =	sst s0  }
0x9: {  	[smem:$0x3FA9] =	sst s1  }
0xa: {  	[smem:$0x3FAA] =	sst s2  }
0xb: {  	[smem:$0x3FAB] =	sst s3  }
0xc: {  	[smem:$0x3FAC] =	sst s4  }
0xd: {  	[smem:$0x3FAD] =	sst s5  }
0xe: {  	[smem:$0x3FAE] =	sst s6  }
0xf: {  	[smem:$0x3FAF] =	sst s7  }
0x10: {  	[smem:$0x3FB0] =	sst s8  }
0x11: {  	[smem:$0x3FB1] =	sst s9;
	s0 =	simm.s32 @!p0 $0x0  }
0x12: {  	s1 =	sld [smem:$0x3F97];
	s0 =	simm.s32 @p0 $0x1  }
0x13: {  	[smem:$0x3FB2] =	sst s0;
	s0 =	simm.s32 @!p1 $0x0  }
0x14: {  	s2 =	sld [smem:$0x3F96];
	s0 =	simm.s32 @p1 $0x1  }
0x15: {  	[smem:$0x3FB3] =	sst s0;
	s0 =	simm.s32 @!p2 $0x0  }
0x16: {  	s3 =	sld [smem:$0x3FDB];
	s0 =	simm.s32 @p2 $0x1  }
0x17: {  	s4 =	simm.s32 $0x1BF5;
	[smem:$0x3FB5] =	sst s0  }
0x18: {  	s0 =	sld [smem:$0x3F98];
	_ =	swait.ge [sflag:s4], $0x0  }
0x19: {  	s7 =	sld [smem:$0x3F99]  }
0x1a: {  	s8 =	sadd.s32 $0xFFFFE003, lr  }
0x1b: {  	s9 =	sadd.s32 $0xFFFFFEF7, lr;
	s5 =	simm.s32 $0xFFFFFFFF;
	p2 =	slt.u32 s8, $0xFFFFF086  }
0x1c: {  	p1 =	slt.u32 s9, $0xF7A;
	s5 =	simm.s32 @!p2 $0x0  }
0x1d: {  	s5 =	simm.s32 @p1 $0x1;
	p0 =	seq.s32 s7, s2  }
0x1e: {  	s7 =	smul.u32 @!p0 $0xF7A, s2;
	p2 =	seq.s32 @!p0 s5, $0x0  }
0x1f: {  	s9 =	smul.u32 $0xF7A, s1;
	s8 =	simm.s32 @!p0 $0x1BF5;
	p2 =	por !p2, p0  }
0x20: {  	[sflag:s8] =	ssyncset.s32 @!p0 $0xFFFFF086;
	s6 =	sadd.s32 @!p0 s3, s7;
	s7 =	simm.s32 @!p0 $0x108  }
0x21: {  	s3 =	sadd.s32 s3, s9;
	s6 =	sadd.s32 @!p0 $0x88, s6;
	s7 =	simm.s32 @p2 $0x1082  }
0x22: {  	[simem:s7], [sflag:s8] =	dma.local @!p0 [hbm:s6], $0xF7A  }
0x23: {  	s9 =	sor.u32 $0xD0000000, s2;
	s6 =	simm.s32 $0x108;
	_ =	swait.ge @!p0 [sflag:s8], $0x0  }
0x24: {  	s3 =	sadd.s32 $0x88, s3;
	s6 =	simm.s32 @!p1 $0x1082;
	[sflag:s4] =	ssyncset.s32 $0xFFFFF086  }
0x25: {  	[simem:s6], [sflag:s4] =	dma.local [hbm:s3], $0xF7A  }
0x26: {  	[smem:$0x3F99] =	sst s1;
	(tag) =	ssettag s2;
	_ =	strace s9  }
0x27: {  	s1 =	sld [smem:$0x3FA9]  }
0x28: {  	s2 =	sld [smem:$0x3FAA]  }
0x29: {  	s4 =	sld [smem:$0x3FAC]  }
0x2a: {  	p0 =	seq.s32 s5, $0x0;
	s5 =	sld [smem:$0x3FAD]  }
0x2b: {  	s6 =	sld [smem:$0x3FAE]  }
0x2c: {  	s7 =	sld [smem:$0x3FAF]  }
0x2d: {  	s3 =	simm.s32 $0x108;
	s8 =	sld [smem:$0x3FB0]  }
0x2e: {  	s3 =	simm.s32 @!p0 $0x1082;
	s9 =	sld [smem:$0x3FB1]  }
0x2f: {  	lr =	sadd.s32 s0, s3;
	s0 =	sld [smem:$0x3FA8]  }
0x30: {  	s3 =	sld [smem:$0x3FAB]  }
0x31: {  	[smem:$0x3FB4] =	sst s10  }
0x32: {  	s10 =	sld [smem:$0x3FB2];
	_ =	sdelay $0x3  }
0x33: {  	p0 =	seq.s32 s10, $0x1;
	s10 =	sld [smem:$0x3FB4];
	_ =	sdelay $0x3  }
0x34: {  	[smem:$0x3FB4] =	sst s10  }
0x35: {  	s10 =	sld [smem:$0x3FB3];
	_ =	sdelay $0x3  }
0x36: {  	p1 =	seq.s32 s10, $0x1;
	s10 =	sld [smem:$0x3FB4];
	_ =	sdelay $0x3  }
0x37: {  	[smem:$0x3FB4] =	sst s10  }
0x38: {  	s10 =	sld [smem:$0x3FB5]  }
0x39: {  	_ = 	snop;
	(pc) =	sbr.ind lr, $3  }
0x3a: {  	_ = 	snop  }
0x3b: {  	_ = 	snop  }
0x3c: {  	p2 =	seq.s32 s10, $0x1;
	s10 =	sld [smem:$0x3FB4]  }
0x3d: {  	_ =	shalt  }
0x3e: {  	_ =	shalt  }
0x3f: {  	_ =	shalt  }
0x40: {  	_ =	shalt  }
0x41: {  	_ =	shalt  }
0x42: {  	_ =	shalt  }
0x43: {  	_ =	shalt  }
0x44: {  	_ =	shalt  }
0x45: {  	_ =	shalt  }
0x46: {  	_ =	shalt  }
0x47: {  	_ =	shalt  }
0x48: {  	_ =	shalt  }
0x49: {  	_ =	shalt  }
0x4a: {  	_ =	shalt  }
0x4b: {  	_ =	shalt  }
0x4c: {  	_ =	shalt  }
0x4d: {  	_ =	shalt  }
0x4e: {  	_ =	shalt  }
0x4f: {  	_ =	shalt  }
0x50: {  	_ =	shalt  }
0x51: {  	_ =	shalt  }
0x52: {  	_ =	shalt  }
0x53: {  	_ =	shalt  }
0x54: {  	_ =	shalt  }
0x55: {  	_ =	shalt  }
0x56: {  	_ =	shalt  }
0x57: {  	_ =	shalt  }
0x58: {  	_ =	shalt  }
0x59: {  	_ =	shalt  }
0x5a: {  	_ =	shalt  }
0x5b: {  	_ =	shalt  }
0x5c: {  	_ =	shalt  }
0x5d: {  	_ =	shalt  }
0x5e: {  	_ =	shalt  }
0x5f: {  	_ =	shalt  }
0x60: {  	_ =	shalt  }
0x61: {  	_ =	shalt  }
0x62: {  	_ =	shalt  }
0x63: {  	_ =	shalt  }
0x64: {  	_ =	shalt  }
0x65: {  	_ =	shalt  }
0x66: {  	_ =	shalt  }
0x67: {  	_ =	shalt  }
0x68: {  	_ =	shalt  }
0x69: {  	_ =	shalt  }
0x6a: {  	_ =	shalt  }
0x6b: {  	_ =	shalt  }
0x6c: {  	_ =	shalt  }
0x6d: {  	_ =	shalt  }
0x6e: {  	_ =	shalt  }
0x6f: {  	_ =	shalt  }
0x70: {  	_ =	shalt  }
0x71: {  	_ =	shalt  }
0x72: {  	_ =	shalt  }
0x73: {  	_ =	shalt  }
0x74: {  	_ =	shalt  }
0x75: {  	_ =	shalt  }
0x76: {  	_ =	shalt  }
0x77: {  	_ =	shalt  }
0x78: {  	_ =	shalt  }
0x79: {  	_ =	shalt  }
0x7a: {  	_ =	shalt  }
0x7b: {  	_ =	shalt  }
0x7c: {  	_ =	shalt  }
0x7d: {  	_ =	shalt  }
0x7e: {  	_ =	shalt  }
0x7f: {  	_ =	shalt  }
0x80: {  	_ =	shalt  }
0x81: {  	_ =	shalt  }
0x82: {  	_ =	shalt  }
0x83: {  	_ =	shalt  }
0x84: {  	_ =	shalt  }
0x85: {  	_ =	shalt  }
0x86: {  	_ =	shalt  }
0x87: {  	_ =	shalt  }
.Lfunc_end0:
.L_simem_size_0:
called_computation.2_lowered:
.L_overlay_start_0:
0x88: {  	s2 =	sld [smem:$0x3FD9]  }
0x89: {  	s3 =	sld [smem:$0x3FFE];
	_ =	sdelay $0x1  }
0x8a: {  	s1 =	srdreg.scid  }
0x8b: {  	s0 =	sand.u32 $0x1, s1  }
0x8c: {  	s17 =	sshll.u32 s0, $0xA;
	s2 =	sadd.s32 s3, s2  }
0x8d: {  	s2 =	sadd.s32 s2, s17  }
0x8e: {  	[smem:$0x3FC0] =	sst s2  }
0x8f: {  	_ = 	snop  }
0x90: {  	s2 =	sld [smem:$0x3FD0];
	(tm) =	ssettm $0x1  }
0x91: {  	s18 =	sld [smem:$0x3FFB];
	_ =	sdelay $0x3  }
0x92: {  	_ =	strace s18  }
0x93: {  	s3 =	sld [smem:$0x3FFC];
	_ =	sdelay $0x3  }
0x94: {  	_ =	strace s3  }
0x95: {  	s3 =	sld [smem:$0x3FFD];
	_ =	sdelay $0x3  }
0x96: {  	_ =	strace s3  }
0x97: {  	_ =	strace $0x8FFFFFFF  }
0x98: {  	s19 =	sld [smem:$0x3FDB];
	_ =	sdelay $0x1  }
0x99: {  	s4 =	simm.s32 $_scs_section_size  }
0x9a: {  	s5 =	simm.s32 $_size__tile_overlayer_lowered;
	s6 =	simm.s32 $_tile_overlayer_lowered  }
0x9b: {  	s22 =	simm.s32 $0x1BFF;
	s21 =	sshll.u32 s6, $0x1;
	s3 =	sadd.s32 s4, s19  }
0x9c: {  	s7 =	simm.s32 $0x0;
	s20 =	sshll.u32 s5, $0x1;
	s5 =	sadd.s32 s21, s3  }
0x9d: {  	[timem:s7], [sflag:s22] =	dma.local [hbm:s5], s20  }
0x9e: {  	_ =	swait.ge [sflag:s22], s20  }
0x9f: {  	s4 =	ssub.s32 $0x0, s20;
	[sflag:s22] =	ssyncset.done $0x0  }
0xa0: {  	[sflag:s22] =	ssyncadd.s32 s4;
	_ =	sdelay $0x1  }
0xa1: {  	s23 =	simm.s32 $0x1B8B  }
0xa2: {  	_ =	swait.ge [sflag:s23], $0x1  }
0xa3: {  	[sflag:s23] =	ssyncset.done $0x0  }
0xa4: {  	s25 =	simm.s32 $0x1B8E;
	s24 =	sld [smem:$0x3FFE];
	[sflag:s23] =	ssyncadd.s32 $0xFFFFFFFF  }
0xa5: {  	s26 =	simm.s32 $execute0_lowered;
	[smem:$0x3FD2] =	sst s25  }
0xa6: {  	s5 =	sshll.u32 s26, $0x1;
	_ =	strace $0x8000004C;
	[dreg:$0x1] =	wrdreg $0xFFFFFFFF  }
0xa7: {  	s28 =	simm.s32 $_size_execute0_lowered;
	s3 =	sadd.s32 s3, s5;
	[dreg:$0x0] =	wrdreg $0x0  }
0xa8: {  	s5 =	sshll.u32 s28, $0x1;
	[dreg:$0x2] =	wrdreg s3  }
0xa9: {  	[dreg:$0x3] =	wrdreg s5  }
0xaa: {  	[dreg:$0x4] =	wrdreg $0xC0  }
0xab: {  	_ =	task [dreg:s7], $0x5FFFF  }
0xac: {  	[dreg:$0x1] =	wrdreg $0xFFFFFFFF  }
0xad: {  	[dreg:$0x0] =	wrdreg $0x60  }
0xae: {  	[dreg:$0x2] =	wrdreg s24  }
0xaf: {  	[dreg:$0x3] =	wrdreg s2  }
0xb0: {  	[dreg:$0x4] =	wrdreg $0x130000  }
0xb1: {  	[dreg:$0x5] =	wrdreg $0x90000  }
0xb2: {  	[dreg:$0x6] =	wrdreg $0x9  }
0xb3: {  	_ =	task.clear_ibuf [dreg:s7], $0x7FFFF;
	_ =	strace $0x9000004C  }
0xb4: {  	s29 =	simm.s32 $0x9;
	_ =	strace $0x8000004E  }
0xb5: {  	_ =	swait.ge [sflag:s29], $0x1  }
0xb6: {  	[sflag:s29] =	ssyncadd.s32 $0xFFFFFFFF  }
0xb7: {  	_ =	strace $0x9000004E  }
0xb8: {  	_ =	sfence  }
0xb9: {  	s30 =	sld [smem:$0x0];
	_ =	sdelay $0x2  }
0xba: {  	s31 =	sshll.u32 s1, $0xD;
	s1 =	sshrl.u32 s1, $0x2  }
0xbb: {  	s3 =	sand.u32 $0x4000, s31;
	s1 =	sadd.s32 s1, s30  }
0xbc: {  	s0 =	sor.u32 s3, s0;
	s1 =	sshll.u32 s1, $0x11  }
0xbd: {  	s0 =	sor.u32 s1, s0  }
0xbe: {  	s0 =	sadd.s32 $0x8F2B, s0  }
0xbf: {  	[sflag:s0] =	ssyncadd.remote.s32 $0x1  }
0xc0: {  	_ =	sfence.sel $0xFFFF  }
0xc1: {  	[dreg:$0x0] =	wrdreg $0xFFFFFFFF;
	(pc) =	sbr.abs _section_cstart, $3  }
0xc2: {  	[dreg:$0x1] =	wrdreg $0xFFFFFFFF  }
0xc3: {  	_ =	task.clear_ibuf [dreg:s7], $0x2FFFF;
	_ =	strace $0x9FFFFFFF  }
0xc4: {  	(tm) =	ssettm $0x7FFFFFFF  }
0xc5: {  	_ =	shalt  }
tec
execute0_lowered:
.L_overlay_start_1:
0x0: {  	(tag) =	ssettag $0x1  }
0x1: {  	s0 =	rddreg [dreg:$0x0]  }
0x2: {  	s1 =	rddreg [dreg:$0x1]  }
0x3: {  	s2 =	rddreg [dreg:$0x2]  }
0x4: {  	s3 =	rddreg [dreg:$0x3]  }
0x5: {  	s12 =	stileid.u32;
	s5 =	srdreg.scid;
	s4 =	simm.s32 $0x0  }
0x6: {  	s19 =	simm.s32 $0x100;
	s20 =	simm.s32 $0x180;
	s21 =	simm.s32 $0x880  }
0x7: {  	s22 =	simm.s32 $0x200;
	s11 =	simm.s32 $0x900;
	[smem:$0x7FF] =	sst s4  }
0x8: {  	s24 =	simm.s32 $0x280;
	_ =	strace $0x8000004D;
	[dreg:$0x5] =	wrdreg s19  }
0x9: {  	s25 =	simm.s32 $0x980;
	s14 =	simm.s32 $0xA00;
	[dreg:$0x6] =	wrdreg s20  }
0xa: {  	s16 =	simm.s32 $0x380;
	s28 =	simm.s32 $0x2;
	[dreg:$0x7] =	wrdreg s21  }
0xb: {  	s29 =	simm.s32 $0x5;
	s30 =	simm.s32 $0x3;
	[dreg:$0x8] =	wrdreg s22  }
0xc: {  	s31 =	simm.s32 $0xC00;
	s7 =	smul.u32 $0xA00, s12;
	[dreg:$0x9] =	wrdreg s11  }
0xd: {  	s5 =	sand.u32 $0x1, s5;
	s8 =	smul.u32 $0x9C80, s12;
	[dreg:$0xa] =	wrdreg s24  }
0xe: {  	s23 =	sshll.u32 s12, $0x6;
	s26 =	smul.u32 $0x28000, s12;
	[dreg:$0xb] =	wrdreg s25  }
0xf: {  	s6 =	smul.u32 $0x14000, s5;
	s5 =	ssub.s32 $0x2, s5;
	[dreg:$0xd] =	wrdreg s14  }
0x10: {  	s13 =	sor.u32 $0x1C0D, s23;
	[dreg:$0xe] =	wrdreg s16;
	s20 =	simm.s32 $0xB00  }
0x11: {  	s19 =	smul.u32 $0xA000, s12;
	s21 =	simm.s32 $0x480;
	[dreg:$0x10] =	wrdreg s20  }
0x12: {  	s22 =	simm.s32 $0xB80;
	s23 =	simm.s32 $0x500;
	[dreg:$0x11] =	wrdreg s21  }
0x13: {  	s24 =	simm.s32 $0x580;
	s14 =	simm.s32 $0x600;
	[dreg:$0x12] =	wrdreg s22  }
0x14: {  	s16 =	simm.s32 $0xD00;
	s9 =	sadd.s32 s7, s0;
	[dreg:$0x13] =	wrdreg s23  }
0x15: {  	s18 =	sshrl.u32 s5, $0x1;
	s10 =	sadd.s32 s8, s2;
	[dreg:$0x14] =	wrdreg s24  }
0x16: {  	s8 =	sshrl.u32 s8, $0x3;
	s7 =	sadd.s32 s1, s7;
	[dreg:$0x16] =	wrdreg s14  }
0x17: {  	s15 =	sshrl.u32 s26, $0x2;
	s26 =	simm.s32 $0xC80;
	[dreg:$0x17] =	wrdreg s16  }
0x18: {  	s20 =	simm.s32 $0xD80;
	s16 =	simm.s32 $0xD;
	[smem:$0x7FD] =	sst s13  }
0x19: {  	s21 =	simm.s32 $0x700;
	s22 =	simm.s32 $0xE00;
	[dreg:$0x15] =	wrdreg s26  }
0x1a: {  	s23 =	simm.s32 $0x780;
	s24 =	simm.s32 $0xE80;
	[dreg:$0x19] =	wrdreg s20  }
0x1b: {  	s1 =	simm.s32 $0x4;
	s0 =	sadd.s32 s6, s0;
	[dreg:$0x1a] =	wrdreg s21  }
0x1c: {  	s5 =	ssub.s32 s5, s18;
	s6 =	simm.s32 $0x300;
	[dreg:$0x1b] =	wrdreg s22  }
0x1d: {  	s17 =	sadd.s32 s15, s3;
	s18 =	simm.s32 $0xA80;
	[dreg:$0x1c] =	wrdreg s23  }
0x1e: {  	s12 =	sshrl.u32 s19, $0x3;
	s11 =	sadd.s32 s19, s3;
	[dreg:$0x1d] =	wrdreg s24  }
0x1f: {  	s19 =	sshrl.u32 s10, $0x3;
	s20 =	simm.s32 $0x3000;
	[dreg:$0xc] =	wrdreg s6  }
0x20: {  	s21 =	simm.s32 $0x5000;
	s22 =	simm.s32 $0x1;
	[dreg:$0xf] =	wrdreg s18  }
0x21: {  	s24 =	simm.s32 $0x400;
	s10 =	simm.s32 $0x8;
	[smem:$0x7F8] =	sst s17  }
0x22: {  	s8 =	sadd.s32 s8, s0;
	s5 =	smax.u32 s5, $0x1;
	[smem:$0x7FA] =	sst s19  }
0x23: {  	s0 =	sadd.s32 $0x16C00, s0;
	s25 =	sadd.s32 $0x2000, s17;
	[smem:$0x7F4] =	sst s5  }
0x24: {  	s15 =	sadd.s32 $0x6000, s17;
	s18 =	simm.s32 $0x680;
	[smem:$0x7F5] =	sst s25  }
0x25: {  	s19 =	simm.s32 $0x80;
	s26 =	sshrl.u32 s11, $0x3;
	[smem:$0x7F7] =	sst s15  }
0x26: {  	s11 =	simm.s32 $0xA;
	s8 =	sadd.s32 $0x66C00, s8;
	[dreg:$0x18] =	wrdreg s18  }
0x27: {  	s18 =	simm.s32 $0x1000;
	s25 =	simm.s32 $0xF80;
	[smem:$0x7FC] =	sst s26  }
0x28: {  	s0 =	sadd.s32 s12, s0;
	s26 =	simm.s32 $0x7000;
	[dreg:$0x1f] =	wrdreg s8  }
0x29: {  	s5 =	simm.s32 $0x7;
	s12 =	simm.s32 $0xC;
	[dreg:$0x1e] =	wrdreg s25  }
0x2a: {  	s8 =	sadd.s32 $0xC200, s9;
	s9 =	sadd.s32 $0x4000, s17;
	[smem:$0x7FB] =	sst s0  }
0x2b: {  	s17 =	sadd.s32 $0x8000, s17;
	s0 =	simm.s32 $0x6;
	[smem:$0x7F6] =	sst s9  }
0x2c: {  	v0 =	vimm.f32 $0.0e+00;
	[smem:$0x7F9] =	sst s17;
	s17 =	simm.s32 $0x800;
	s9 =	simm.s32 $0x0  }
.LBB2_1:
0x2d: {  	s25 =	sld [smem:$0x7FA]  }
0x2e: {  	[smem:$0x7F3] =	sst s9  }
0x2f: {  	s6 =	rddreg [dreg:$0x1f]  }
0x30: {  	[spmem:s25], [sflag:s13] =	dma.local [hbm:s6], $0x1390  }
0x31: {  	_ =	swait.ge [sflag:s16], $0x1390  }
0x32: {  	[sflag:s16] =	ssyncset.done $0x0  }
0x33: {  	s15 =	simm.s32 $0x100;
	s14 =	simm.s32 $0x0;
	[sflag:s16] =	ssyncadd.s32 $0xFFFFEC70  }
.LBB2_2:
0x34: {  	p0 =	sne.s32 s15, $0x7F00;
	[tilespmem:s14+$0x1030] =	vst v0;
	s23 =	smov.u32 s15;
	s15 =	sadd.s32 $0x100, s15  }
.Ltmp0:
0x35: {  	[tilespmem:s14+$0x1020] =	vst v0;
	(pc) =	sbr.rel @p0 .LBB2_2-.Ltmp0, $3  }
0x36: {  	[tilespmem:s14+$0x1000] =	vst v0  }
0x37: {  	[tilespmem:s14+$0x1010] =	vst v0;
	_ =	sdelay $0x1  }
0x38: {  	s14 =	sshra.s32 s23, $0x2  }
0x39: {  	[tilespmem:s14+$0x1030] =	vst v0  }
0x3a: {  	[tilespmem:s14+$0x1020] =	vst v0  }
0x3b: {  	[tilespmem:s14+$0x1000] =	vst v0  }
0x3c: {  	[tilespmem:s14+$0x1010] =	vst v0;
	s9 =	simm.s32 $0x0  }
0x3d: {  	[tilespmem:s9], [sflag:$0xD] =	stream.linear.gather [hbm4b:s7+s9], $0x400, $0x38;
	[tilespmem:$0x1CC80] =	vst v63  }
0x3e: {  	_ =	swait.ge [sflag:s16], $0x400  }
0x3f: {  	[sflag:s16] =	ssyncset.done $0x0  }
0x40: {  	[sflag:s16] =	ssyncadd.s32 $0xFFFFFC00  }
0x41: {  	[tilespmem:s17], [sflag:$0xD] =	stream.linear.gather [hbm4b:s8+s9], $0x400, $0x38;
	[tilespmem:$0x1CC80] =	vst v63  }
0x42: {  	_ =	swait.ge [sflag:s16], $0x400  }
0x43: {  	s6 =	sld [smem:$0x7F8]  }
0x44: {  	[sflag:s16] =	ssyncset.done $0x0  }
0x45: {  	[sflag:s16] =	ssyncadd.s32 $0xFFFFFC00  }
0x46: {  	[spmem:s6] =	stream.linear.scatter [tilespmem:s18], [sflag:$0xD], $0x2000, $0x38;
	[tilespmem:$0x1CC80] =	vst v63  }
0x47: {  	_ =	swait.ge [sflag:s16], $0x2000  }
0x48: {  	s13 =	sld [smem:$0x7F5]  }
0x49: {  	[sflag:s16] =	ssyncset.done $0x0  }
0x4a: {  	[sflag:s16] =	ssyncadd.s32 $0xFFFFE000  }
0x4b: {  	[spmem:s13] =	stream.linear.scatter [tilespmem:s18], [sflag:$0xD], $0x2000, $0x38;
	[tilespmem:$0x1CC80] =	vst v63  }
0x4c: {  	_ =	swait.ge [sflag:s16], $0x2000  }
0x4d: {  	s15 =	sld [smem:$0x7F6]  }
0x4e: {  	[sflag:s16] =	ssyncset.done $0x0  }
0x4f: {  	[sflag:s16] =	ssyncadd.s32 $0xFFFFE000  }
0x50: {  	[spmem:s15] =	stream.linear.scatter [tilespmem:s18], [sflag:$0xD], $0x2000, $0x38;
	[tilespmem:$0x1CC80] =	vst v63  }
0x51: {  	_ =	swait.ge [sflag:s16], $0x2000  }
0x52: {  	s23 =	sld [smem:$0x7F7]  }
0x53: {  	[sflag:s16] =	ssyncset.done $0x0  }
0x54: {  	[sflag:s16] =	ssyncadd.s32 $0xFFFFE000  }
0x55: {  	[spmem:s23] =	stream.linear.scatter [tilespmem:s18], [sflag:$0xD], $0x2000, $0x38;
	[tilespmem:$0x1CC80] =	vst v63  }
0x56: {  	_ =	swait.ge [sflag:s16], $0x2000  }
0x57: {  	s25 =	sld [smem:$0x7F9]  }
0x58: {  	[sflag:s16] =	ssyncset.done $0x0  }
0x59: {  	[sflag:s16] =	ssyncadd.s32 $0xFFFFE000  }
0x5a: {  	[spmem:s25] =	stream.linear.scatter [tilespmem:s18], [sflag:$0xD], $0x2000, $0x38;
	[tilespmem:$0x1CC80] =	vst v63  }
0x5b: {  	_ =	swait.ge [sflag:s16], $0x2000  }
0x5c: {  	[sflag:s16] =	ssyncset.done $0x0  }
0x5d: {  	p0 =	por $0x1, $0x1;
	[sflag:s16] =	ssyncadd.s32 $0xFFFFE000  }
0x5e: {  	p0 =	por p0, p0;
	[bflag:$0x0] =	sbarrier.arrive $0xFFFF  }
0x5f: {  	[tilespmem:s18], [sflag:$0x1] =	stream.indirect.gather [spmem:s2], $0x40, s9, s19, $0xb8;
	[tilespmem:$0x1CC80] =	vst v63  }
0x60: {  	s14 =	simm.s32 @!p0 $0xB  }
0x61: {  	[tilespmem:s20], [sflag:$0x2] =	stream.indirect.gather [spmem:s2], $0x40, s19, s19, $0xb8;
	[tilespmem:$0x1CC80] =	vst v63  }
0x62: {  	_ =	swait.ge @!p0 [sflag:s14], $0x400  }
0x63: {  	[sflag:s14] =	ssyncset.done @!p0 $0x0  }
0x64: {  	[sflag:s14] =	ssyncadd.s32 @!p0 $0xFFFFFC00;
	s14 =	simm.s32 @!p0 $0x7  }
0x65: {  	_ =	swait.ge @!p0 [sflag:s14], $0x2000  }
0x66: {  	[sflag:s14] =	ssyncset.done @!p0 $0x0  }
0x67: {  	s15 =	rddreg [dreg:$0x5];
	[sflag:s14] =	ssyncadd.s32 @!p0 $0xFFFFE000  }
0x68: {  	[tilespmem:s21], [sflag:$0x3] =	stream.indirect.gather [spmem:s2], $0x40, s15, s19, $0xb8;
	[tilespmem:$0x1CC80] =	vst v63  }
0x69: {  	_ =	swait.ge [sflag:s22], $0x2000  }
0x6a: {  	[sflag:s22] =	ssyncset.done $0x0  }
0x6b: {  	s6 =	sadd.s32 $0x0, s7;
	[sflag:s22] =	ssyncadd.s32 $0xFFFFE000  }
0x6c: {  	[spmem:s3] =	stream.indirect.scatter.add.f32 [tilespmem:s18], [sflag:$0x5], $0x40, s17, s19, $0xb8;
	[tilespmem:$0x1CC80] =	vst v63  }
0x6d: {  	s14 =	sadd.s32 $0x80, s6;
	s15 =	simm.s32 @!p0 $0x8  }
0x6e: {  	[tilespmem:s24], [sflag:$0xA] =	stream.linear.gather [hbm4b:s14+s4], $0x400, $0x38;
	[tilespmem:$0x1CC80] =	vst v63  }
0x6f: {  	_ =	swait.ge @!p0 [sflag:s15], $0x2000  }
0x70: {  	[sflag:s15] =	ssyncset.done @!p0 $0x0  }
0x71: {  	s9 =	rddreg [dreg:$0x6];
	[sflag:s15] =	ssyncadd.s32 @!p0 $0xFFFFE000  }
0x72: {  	[tilespmem:s26], [sflag:$0x4] =	stream.indirect.gather [spmem:s2], $0x40, s9, s19, $0xb8;
	[tilespmem:$0x1CC80] =	vst v63  }
0x73: {  	_ =	swait.ge [sflag:s28], $0x2000  }
0x74: {  	[sflag:s28] =	ssyncset.done $0x0  }
0x75: {  	s13 =	rddreg [dreg:$0x7];
	[sflag:s28] =	ssyncadd.s32 $0xFFFFE000  }
0x76: {  	[spmem:s3] =	stream.indirect.scatter.add.f32 [tilespmem:s20], [sflag:$0x6], $0x40, s13, s19, $0xb8;
	[tilespmem:$0x1CC80] =	vst v63  }
0x77: {  	_ =	swait.ge [sflag:s29], $0x2000  }
0x78: {  	[sflag:s29] =	ssyncset.done $0x0  }
0x79: {  	s15 =	rddreg [dreg:$0x8];
	[sflag:s29] =	ssyncadd.s32 $0xFFFFE000  }
0x7a: {  	[tilespmem:s18], [sflag:$0x1] =	stream.indirect.gather [spmem:s2], $0x40, s15, s19, $0xb8;
	[tilespmem:$0x1CC80] =	vst v63  }
0x7b: {  	_ =	swait.ge [sflag:s30], $0x2000  }
0x7c: {  	[sflag:s30] =	ssyncset.done $0x0  }
0x7d: {  	s25 =	sadd.s32 $0x0, s8;
	s23 =	rddreg [dreg:$0x9];
	[sflag:s30] =	ssyncadd.s32 $0xFFFFE000  }
0x7e: {  	[spmem:s3] =	stream.indirect.scatter.add.f32 [tilespmem:s21], [sflag:$0x7], $0x40, s23, s19, $0xb8;
	[tilespmem:$0x1CC80] =	vst v63  }
0x7f: {  	s6 =	sadd.s32 $0x80, s25  }
0x80: {  	[tilespmem:s31], [sflag:$0xC] =	stream.linear.gather [hbm4b:s6+s4], $0x400, $0x38;
	[tilespmem:$0x1CC80] =	vst v63  }
0x81: {  	_ =	swait.ge [sflag:s0], $0x2000  }
0x82: {  	[sflag:s0] =	ssyncset.done $0x0  }
0x83: {  	s9 =	rddreg [dreg:$0xa];
	[sflag:s0] =	ssyncadd.s32 $0xFFFFE000  }
0x84: {  	[tilespmem:s20], [sflag:$0x2] =	stream.indirect.gather [spmem:s2], $0x40, s9, s19, $0xb8;
	[tilespmem:$0x1CC80] =	vst v63  }
0x85: {  	_ =	swait.ge [sflag:s1], $0x2000  }
0x86: {  	[sflag:s1] =	ssyncset.done $0x0  }
0x87: {  	s13 =	rddreg [dreg:$0xb];
	[sflag:s1] =	ssyncadd.s32 $0xFFFFE000  }
0x88: {  	[spmem:s3] =	stream.indirect.scatter.add.f32 [tilespmem:s26], [sflag:$0x8], $0x40, s13, s19, $0xb8;
	[tilespmem:$0x1CC80] =	vst v63  }
0x89: {  	_ =	swait.ge [sflag:s5], $0x2000  }
0x8a: {  	[sflag:s5] =	ssyncset.done $0x0  }
0x8b: {  	s15 =	rddreg [dreg:$0xc];
	[sflag:s5] =	ssyncadd.s32 $0xFFFFE000  }
0x8c: {  	[tilespmem:s21], [sflag:$0x3] =	stream.indirect.gather [spmem:s2], $0x40, s15, s19, $0xb8;
	[tilespmem:$0x1CC80] =	vst v63  }
0x8d: {  	_ =	swait.ge [sflag:s22], $0x2000  }
0x8e: {  	[sflag:s22] =	ssyncset.done $0x0  }
0x8f: {  	s23 =	rddreg [dreg:$0xd];
	[sflag:s22] =	ssyncadd.s32 $0xFFFFE000  }
0x90: {  	[spmem:s3] =	stream.indirect.scatter.add.f32 [tilespmem:s18], [sflag:$0x5], $0x40, s23, s19, $0xb8;
	[tilespmem:$0x1CC80] =	vst v63  }
0x91: {  	_ =	swait.ge [sflag:s10], $0x2000  }
0x92: {  	[sflag:s10] =	ssyncset.done $0x0  }
0x93: {  	s25 =	rddreg [dreg:$0xe];
	[sflag:s10] =	ssyncadd.s32 $0xFFFFE000  }
0x94: {  	[tilespmem:s26], [sflag:$0x4] =	stream.indirect.gather [spmem:s2], $0x40, s25, s19, $0xb8;
	[tilespmem:$0x1CC80] =	vst v63  }
0x95: {  	_ =	swait.ge [sflag:s28], $0x2000  }
0x96: {  	[sflag:s28] =	ssyncset.done $0x0  }
0x97: {  	s6 =	rddreg [dreg:$0xf];
	[sflag:s28] =	ssyncadd.s32 $0xFFFFE000  }
0x98: {  	[spmem:s3] =	stream.indirect.scatter.add.f32 [tilespmem:s20], [sflag:$0x6], $0x40, s6, s19, $0xb8;
	[tilespmem:$0x1CC80] =	vst v63  }
0x99: {  	_ =	swait.ge [sflag:s29], $0x2000  }
0x9a: {  	[sflag:s29] =	ssyncset.done $0x0  }
0x9b: {  	[sflag:s29] =	ssyncadd.s32 $0xFFFFE000  }
0x9c: {  	_ =	swait.ge [sflag:s11], $0x400  }
0x9d: {  	[sflag:s11] =	ssyncset.done $0x0  }
0x9e: {  	[sflag:s11] =	ssyncadd.s32 $0xFFFFFC00  }
0x9f: {  	[tilespmem:s18], [sflag:$0x1] =	stream.indirect.gather [spmem:s2], $0x40, s24, s19, $0xb8;
	[tilespmem:$0x1CC80] =	vst v63  }
0xa0: {  	_ =	swait.ge [sflag:s30], $0x2000  }
0xa1: {  	[sflag:s30] =	ssyncset.done $0x0  }
0xa2: {  	s9 =	rddreg [dreg:$0x10];
	[sflag:s30] =	ssyncadd.s32 $0xFFFFE000  }
0xa3: {  	[spmem:s3] =	stream.indirect.scatter.add.f32 [tilespmem:s21], [sflag:$0x7], $0x40, s9, s19, $0xb8;
	[tilespmem:$0x1CC80] =	vst v63  }
0xa4: {  	_ =	swait.ge [sflag:s0], $0x2000  }
0xa5: {  	[sflag:s0] =	ssyncset.done $0x0  }
0xa6: {  	s13 =	rddreg [dreg:$0x11];
	[sflag:s0] =	ssyncadd.s32 $0xFFFFE000  }
0xa7: {  	[tilespmem:s20], [sflag:$0x2] =	stream.indirect.gather [spmem:s2], $0x40, s13, s19, $0xb8;
	[tilespmem:$0x1CC80] =	vst v63  }
0xa8: {  	_ =	swait.ge [sflag:s1], $0x2000  }
0xa9: {  	[sflag:s1] =	ssyncset.done $0x0  }
0xaa: {  	s15 =	rddreg [dreg:$0x12];
	[sflag:s1] =	ssyncadd.s32 $0xFFFFE000  }
0xab: {  	[spmem:s3] =	stream.indirect.scatter.add.f32 [tilespmem:s26], [sflag:$0x8], $0x40, s15, s19, $0xb8;
	[tilespmem:$0x1CC80] =	vst v63  }
0xac: {  	_ =	swait.ge [sflag:s12], $0x400  }
0xad: {  	[sflag:s12] =	ssyncset.done $0x0  }
0xae: {  	[sflag:s12] =	ssyncadd.s32 $0xFFFFFC00  }
0xaf: {  	_ =	swait.ge [sflag:s5], $0x2000  }
0xb0: {  	[sflag:s5] =	ssyncset.done $0x0  }
0xb1: {  	s23 =	rddreg [dreg:$0x13];
	[sflag:s5] =	ssyncadd.s32 $0xFFFFE000  }
0xb2: {  	[tilespmem:s21], [sflag:$0x3] =	stream.indirect.gather [spmem:s2], $0x40, s23, s19, $0xb8;
	[tilespmem:$0x1CC80] =	vst v63  }
0xb3: {  	_ =	swait.ge [sflag:s22], $0x2000  }
0xb4: {  	p0 =	por $0x0, $0x0;
	[sflag:s22] =	ssyncset.done $0x0  }
0xb5: {  	s15 =	sadd.s32 @!p0 $0x0, s7;
	[sflag:s22] =	ssyncadd.s32 $0xFFFFE000  }
0xb6: {  	[spmem:s3] =	stream.indirect.scatter.add.f32 [tilespmem:s18], [sflag:$0x5], $0x40, s31, s19, $0xb8;
	[tilespmem:$0x1CC80] =	vst v63  }
0xb7: {  	s14 =	simm.s32 @!p0 $0x0;
	s15 =	sadd.s32 @!p0 $0x100, s15  }
0xb8: {  	[tilespmem:s14], [sflag:$0x9] =	stream.linear.gather @!p0 [hbm4b:s15+s14], $0x400, $0x38;
	[tilespmem:$0x1CC80] =	vst v63  }
0xb9: {  	_ =	swait.ge [sflag:s10], $0x2000  }
0xba: {  	[sflag:s10] =	ssyncset.done $0x0  }
0xbb: {  	s25 =	rddreg [dreg:$0x14];
	[sflag:s10] =	ssyncadd.s32 $0xFFFFE000  }
0xbc: {  	[tilespmem:s26], [sflag:$0x4] =	stream.indirect.gather [spmem:s2], $0x40, s25, s19, $0xb8;
	[tilespmem:$0x1CC80] =	vst v63  }
0xbd: {  	_ =	swait.ge [sflag:s28], $0x2000  }
0xbe: {  	[sflag:s28] =	ssyncset.done $0x0  }
0xbf: {  	s6 =	rddreg [dreg:$0x15];
	[sflag:s28] =	ssyncadd.s32 $0xFFFFE000  }
0xc0: {  	[spmem:s3] =	stream.indirect.scatter.add.f32 [tilespmem:s20], [sflag:$0x6], $0x40, s6, s19, $0xb8;
	[tilespmem:$0x1CC80] =	vst v63  }
0xc1: {  	_ =	swait.ge [sflag:s29], $0x2000  }
0xc2: {  	[sflag:s29] =	ssyncset.done $0x0  }
0xc3: {  	s9 =	rddreg [dreg:$0x16];
	[sflag:s29] =	ssyncadd.s32 $0xFFFFE000  }
0xc4: {  	[tilespmem:s18], [sflag:$0x1] =	stream.indirect.gather [spmem:s2], $0x40, s9, s19, $0xb8;
	[tilespmem:$0x1CC80] =	vst v63  }
0xc5: {  	_ =	swait.ge [sflag:s30], $0x2000  }
0xc6: {  	[sflag:s30] =	ssyncset.done $0x0  }
0xc7: {  	s23 =	sadd.s32 @!p0 $0x0, s8;
	s13 =	rddreg [dreg:$0x17];
	[sflag:s30] =	ssyncadd.s32 $0xFFFFE000  }
0xc8: {  	[spmem:s3] =	stream.indirect.scatter.add.f32 [tilespmem:s21], [sflag:$0x7], $0x40, s13, s19, $0xb8;
	[tilespmem:$0x1CC80] =	vst v63  }
0xc9: {  	s15 =	sadd.s32 @!p0 $0x100, s23;
	s23 =	simm.s32 @!p0 $0x800  }
0xca: {  	[tilespmem:s23], [sflag:$0xB] =	stream.linear.gather @!p0 [hbm4b:s15+s14], $0x400, $0x38;
	[tilespmem:$0x1CC80] =	vst v63  }
0xcb: {  	_ =	swait.ge [sflag:s0], $0x2000  }
0xcc: {  	[sflag:s0] =	ssyncset.done $0x0  }
0xcd: {  	s25 =	rddreg [dreg:$0x18];
	[sflag:s0] =	ssyncadd.s32 $0xFFFFE000  }
0xce: {  	[tilespmem:s20], [sflag:$0x2] =	stream.indirect.gather [spmem:s2], $0x40, s25, s19, $0xb8;
	[tilespmem:$0x1CC80] =	vst v63  }
0xcf: {  	_ =	swait.ge [sflag:s1], $0x2000  }
0xd0: {  	[sflag:s1] =	ssyncset.done $0x0  }
0xd1: {  	s6 =	rddreg [dreg:$0x19];
	[sflag:s1] =	ssyncadd.s32 $0xFFFFE000  }
0xd2: {  	[spmem:s3] =	stream.indirect.scatter.add.f32 [tilespmem:s26], [sflag:$0x8], $0x40, s6, s19, $0xb8;
	[tilespmem:$0x1CC80] =	vst v63  }
0xd3: {  	_ =	swait.ge [sflag:s5], $0x2000  }
0xd4: {  	[sflag:s5] =	ssyncset.done $0x0  }
0xd5: {  	s9 =	rddreg [dreg:$0x1a];
	[sflag:s5] =	ssyncadd.s32 $0xFFFFE000  }
0xd6: {  	[tilespmem:s21], [sflag:$0x3] =	stream.indirect.gather [spmem:s2], $0x40, s9, s19, $0xb8;
	[tilespmem:$0x1CC80] =	vst v63  }
0xd7: {  	_ =	swait.ge [sflag:s22], $0x2000  }
0xd8: {  	[sflag:s22] =	ssyncset.done $0x0  }
0xd9: {  	s13 =	rddreg [dreg:$0x1b];
	[sflag:s22] =	ssyncadd.s32 $0xFFFFE000  }
0xda: {  	[spmem:s3] =	stream.indirect.scatter.add.f32 [tilespmem:s18], [sflag:$0x5], $0x40, s13, s19, $0xb8;
	[tilespmem:$0x1CC80] =	vst v63  }
0xdb: {  	_ =	swait.ge [sflag:s10], $0x2000  }
0xdc: {  	[sflag:s10] =	ssyncset.done $0x0  }
0xdd: {  	s23 =	rddreg [dreg:$0x1c];
	[sflag:s10] =	ssyncadd.s32 $0xFFFFE000  }
0xde: {  	[tilespmem:s26], [sflag:$0x4] =	stream.indirect.gather [spmem:s2], $0x40, s23, s19, $0xb8;
	[tilespmem:$0x1CC80] =	vst v63  }
0xdf: {  	_ =	swait.ge [sflag:s28], $0x2000  }
0xe0: {  	[sflag:s28] =	ssyncset.done $0x0  }
0xe1: {  	s23 =	simm.s32 @p0 $0x3;
	s25 =	rddreg [dreg:$0x1d];
	[sflag:s28] =	ssyncadd.s32 $0xFFFFE000  }
0xe2: {  	[spmem:s3] =	stream.indirect.scatter.add.f32 [tilespmem:s20], [sflag:$0x6], $0x40, s25, s19, $0xb8;
	[tilespmem:$0x1CC80] =	vst v63  }
0xe3: {  	_ =	swait.ge @p0 [sflag:s23], $0x2000  }
0xe4: {  	s15 =	simm.s32 @p0 $0x5000;
	[sflag:s23] =	ssyncset.done @p0 $0x0  }
0xe5: {  	s25 =	simm.s32 @p0 $0x80;
	[sflag:s23] =	ssyncadd.s32 @p0 $0xFFFFE000;
	s23 =	simm.s32 @p0 $0xF00  }
0xe6: {  	[spmem:s3] =	stream.indirect.scatter.add.f32 @p0 [tilespmem:s15], [sflag:$0x7], $0x40, s23, s25, $0xb8;
	[tilespmem:$0x1CC80] =	vst v63  }
0xe7: {  	s15 =	simm.s32 @!p0 $0x5  }
0xe8: {  	_ =	swait.ge @!p0 [sflag:s15], $0x2000  }
0xe9: {  	[sflag:s15] =	ssyncset.done @!p0 $0x0  }
0xea: {  	s23 =	simm.s32 @!p0 $0x9;
	[sflag:s15] =	ssyncadd.s32 @!p0 $0xFFFFE000  }
0xeb: {  	_ =	swait.ge @!p0 [sflag:s23], $0x400  }
0xec: {  	[sflag:s23] =	ssyncset.done @!p0 $0x0  }
0xed: {  	s15 =	simm.s32 @!p0 $0x80;
	[sflag:s23] =	ssyncadd.s32 @!p0 $0xFFFFFC00;
	s23 =	simm.s32 @!p0 $0x1000  }
0xee: {  	[tilespmem:s23], [sflag:$0x1] =	stream.indirect.gather @!p0 [spmem:s2], $0x40, s14, s15, $0xb8;
	[tilespmem:$0x1CC80] =	vst v63  }
0xef: {  	s14 =	simm.s32 @!p0 $0x3  }
0xf0: {  	_ =	swait.ge @!p0 [sflag:s14], $0x2000  }
0xf1: {  	[sflag:s14] =	ssyncset.done @!p0 $0x0  }
0xf2: {  	s23 =	simm.s32 @!p0 $0xF00;
	[sflag:s14] =	ssyncadd.s32 @!p0 $0xFFFFE000;
	s14 =	simm.s32 @!p0 $0x5000  }
0xf3: {  	[spmem:s3] =	stream.indirect.scatter.add.f32 @!p0 [tilespmem:s14], [sflag:$0x7], $0x40, s23, s15, $0xb8;
	[tilespmem:$0x1CC80] =	vst v63  }
0xf4: {  	s14 =	simm.s32 @!p0 $0x6  }
0xf5: {  	_ =	swait.ge @!p0 [sflag:s14], $0x2000  }
0xf6: {  	[sflag:s14] =	ssyncset.done @!p0 $0x0  }
0xf7: {  	s23 =	simm.s32 @!p0 $0x3000;
	[sflag:s14] =	ssyncadd.s32 @!p0 $0xFFFFE000  }
0xf8: {  	[tilespmem:s23], [sflag:$0x2] =	stream.indirect.gather @!p0 [spmem:s2], $0x40, s15, s15, $0xb8;
	[tilespmem:$0x1CC80] =	vst v63  }
0xf9: {  	p6 =	por $0x0, $0x0;
	_ =	swait.ge [sflag:s1], $0x2000  }
0xfa: {  	s14 =	simm.s32 $0x100;
	s15 =	simm.s32 $0x200;
	[sflag:s1] =	ssyncset.done $0x0  }
0xfb: {  	p0 =	por p6, p6;
	s25 =	rddreg [dreg:$0x1e];
	[sflag:s1] =	ssyncadd.s32 $0xFFFFE000  }
.LBB2_4:
0xfc: {  	s9 =	simm.s32 @!p0 $0xB  }
0xfd: {  	[spmem:s3] =	stream.indirect.scatter.add.f32 [tilespmem:s26], [sflag:$0x8], $0x40, s25, s19, $0xb8;
	[tilespmem:$0x1CC80] =	vst v63  }
0xfe: {  	_ =	swait.ge @!p0 [sflag:s9], $0x400  }
0xff: {  	[sflag:s9] =	ssyncset.done @!p0 $0x0  }
0x100: {  	[sflag:s9] =	ssyncadd.s32 @!p0 $0xFFFFFC00;
	s9 =	simm.s32 @!p0 $0x7  }
0x101: {  	_ =	swait.ge @!p0 [sflag:s9], $0x2000  }
0x102: {  	[sflag:s9] =	ssyncset.done @!p0 $0x0  }
0x103: {  	s13 =	rddreg [dreg:$0x5];
	[sflag:s9] =	ssyncadd.s32 @!p0 $0xFFFFE000  }
0x104: {  	[tilespmem:s21], [sflag:$0x3] =	stream.indirect.gather [spmem:s2], $0x40, s13, s19, $0xb8;
	[tilespmem:$0x1CC80] =	vst v63  }
0x105: {  	_ =	swait.ge [sflag:s22], $0x2000  }
0x106: {  	[sflag:s22] =	ssyncset.done $0x0  }
0x107: {  	s25 =	sadd.s32 s14, s7;
	[sflag:s22] =	ssyncadd.s32 $0xFFFFE000  }
0x108: {  	[spmem:s3] =	stream.indirect.scatter.add.f32 [tilespmem:s18], [sflag:$0x5], $0x40, s17, s19, $0xb8;
	[tilespmem:$0x1CC80] =	vst v63  }
0x109: {  	s9 =	sadd.s32 $0x80, s25;
	s25 =	simm.s32 @!p0 $0x8  }
0x10a: {  	[tilespmem:s24], [sflag:$0xA] =	stream.linear.gather [hbm4b:s9+s4], $0x400, $0x38;
	[tilespmem:$0x1CC80] =	vst v63  }
0x10b: {  	_ =	swait.ge @!p0 [sflag:s25], $0x2000  }
0x10c: {  	[sflag:s25] =	ssyncset.done @!p0 $0x0  }
0x10d: {  	s6 =	rddreg [dreg:$0x6];
	[sflag:s25] =	ssyncadd.s32 @!p0 $0xFFFFE000  }
0x10e: {  	[tilespmem:s26], [sflag:$0x4] =	stream.indirect.gather [spmem:s2], $0x40, s6, s19, $0xb8;
	[tilespmem:$0x1CC80] =	vst v63  }
0x10f: {  	_ =	swait.ge [sflag:s28], $0x2000  }
0x110: {  	[sflag:s28] =	ssyncset.done $0x0  }
0x111: {  	s13 =	rddreg [dreg:$0x7];
	[sflag:s28] =	ssyncadd.s32 $0xFFFFE000  }
0x112: {  	[spmem:s3] =	stream.indirect.scatter.add.f32 [tilespmem:s20], [sflag:$0x6], $0x40, s13, s19, $0xb8;
	[tilespmem:$0x1CC80] =	vst v63  }
0x113: {  	_ =	swait.ge [sflag:s29], $0x2000  }
0x114: {  	[sflag:s29] =	ssyncset.done $0x0  }
0x115: {  	s25 =	rddreg [dreg:$0x8];
	[sflag:s29] =	ssyncadd.s32 $0xFFFFE000  }
0x116: {  	[tilespmem:s18], [sflag:$0x1] =	stream.indirect.gather [spmem:s2], $0x40, s25, s19, $0xb8;
	[tilespmem:$0x1CC80] =	vst v63  }
0x117: {  	_ =	swait.ge [sflag:s30], $0x2000  }
0x118: {  	[sflag:s30] =	ssyncset.done $0x0  }
0x119: {  	s13 =	sadd.s32 s14, s8;
	s6 =	rddreg [dreg:$0x9];
	[sflag:s30] =	ssyncadd.s32 $0xFFFFE000  }
0x11a: {  	[spmem:s3] =	stream.indirect.scatter.add.f32 [tilespmem:s21], [sflag:$0x7], $0x40, s6, s19, $0xb8;
	[tilespmem:$0x1CC80] =	vst v63  }
0x11b: {  	s6 =	sadd.s32 $0x80, s13  }
0x11c: {  	[tilespmem:s31], [sflag:$0xC] =	stream.linear.gather [hbm4b:s6+s4], $0x400, $0x38;
	[tilespmem:$0x1CC80] =	vst v63  }
0x11d: {  	_ =	swait.ge [sflag:s0], $0x2000  }
0x11e: {  	[sflag:s0] =	ssyncset.done $0x0  }
0x11f: {  	s13 =	rddreg [dreg:$0xa];
	[sflag:s0] =	ssyncadd.s32 $0xFFFFE000  }
0x120: {  	[tilespmem:s20], [sflag:$0x2] =	stream.indirect.gather [spmem:s2], $0x40, s13, s19, $0xb8;
	[tilespmem:$0x1CC80] =	vst v63  }
0x121: {  	_ =	swait.ge [sflag:s1], $0x2000  }
0x122: {  	[sflag:s1] =	ssyncset.done $0x0  }
0x123: {  	s25 =	rddreg [dreg:$0xb];
	[sflag:s1] =	ssyncadd.s32 $0xFFFFE000  }
0x124: {  	[spmem:s3] =	stream.indirect.scatter.add.f32 [tilespmem:s26], [sflag:$0x8], $0x40, s25, s19, $0xb8;
	[tilespmem:$0x1CC80] =	vst v63  }
0x125: {  	_ =	swait.ge [sflag:s5], $0x2000  }
0x126: {  	[sflag:s5] =	ssyncset.done $0x0  }
0x127: {  	s6 =	rddreg [dreg:$0xc];
	[sflag:s5] =	ssyncadd.s32 $0xFFFFE000  }
0x128: {  	[tilespmem:s21], [sflag:$0x3] =	stream.indirect.gather [spmem:s2], $0x40, s6, s19, $0xb8;
	[tilespmem:$0x1CC80] =	vst v63  }
0x129: {  	_ =	swait.ge [sflag:s22], $0x2000  }
0x12a: {  	[sflag:s22] =	ssyncset.done $0x0  }
0x12b: {  	s13 =	rddreg [dreg:$0xd];
	[sflag:s22] =	ssyncadd.s32 $0xFFFFE000  }
0x12c: {  	[spmem:s3] =	stream.indirect.scatter.add.f32 [tilespmem:s18], [sflag:$0x5], $0x40, s13, s19, $0xb8;
	[tilespmem:$0x1CC80] =	vst v63  }
0x12d: {  	_ =	swait.ge [sflag:s10], $0x2000  }
0x12e: {  	[sflag:s10] =	ssyncset.done $0x0  }
0x12f: {  	s25 =	rddreg [dreg:$0xe];
	[sflag:s10] =	ssyncadd.s32 $0xFFFFE000  }
0x130: {  	[tilespmem:s26], [sflag:$0x4] =	stream.indirect.gather [spmem:s2], $0x40, s25, s19, $0xb8;
	[tilespmem:$0x1CC80] =	vst v63  }
0x131: {  	_ =	swait.ge [sflag:s28], $0x2000  }
0x132: {  	[sflag:s28] =	ssyncset.done $0x0  }
0x133: {  	s6 =	rddreg [dreg:$0xf];
	[sflag:s28] =	ssyncadd.s32 $0xFFFFE000  }
0x134: {  	[spmem:s3] =	stream.indirect.scatter.add.f32 [tilespmem:s20], [sflag:$0x6], $0x40, s6, s19, $0xb8;
	[tilespmem:$0x1CC80] =	vst v63  }
0x135: {  	_ =	swait.ge [sflag:s29], $0x2000  }
0x136: {  	[sflag:s29] =	ssyncset.done $0x0  }
0x137: {  	[sflag:s29] =	ssyncadd.s32 $0xFFFFE000  }
0x138: {  	_ =	swait.ge [sflag:s11], $0x400  }
0x139: {  	[sflag:s11] =	ssyncset.done $0x0  }
0x13a: {  	[sflag:s11] =	ssyncadd.s32 $0xFFFFFC00  }
0x13b: {  	[tilespmem:s18], [sflag:$0x1] =	stream.indirect.gather [spmem:s2], $0x40, s24, s19, $0xb8;
	[tilespmem:$0x1CC80] =	vst v63  }
0x13c: {  	_ =	swait.ge [sflag:s30], $0x2000  }
0x13d: {  	[sflag:s30] =	ssyncset.done $0x0  }
0x13e: {  	s13 =	rddreg [dreg:$0x10];
	[sflag:s30] =	ssyncadd.s32 $0xFFFFE000  }
0x13f: {  	[spmem:s3] =	stream.indirect.scatter.add.f32 [tilespmem:s21], [sflag:$0x7], $0x40, s13, s19, $0xb8;
	[tilespmem:$0x1CC80] =	vst v63  }
0x140: {  	_ =	swait.ge [sflag:s0], $0x2000  }
0x141: {  	[sflag:s0] =	ssyncset.done $0x0  }
0x142: {  	s25 =	rddreg [dreg:$0x11];
	[sflag:s0] =	ssyncadd.s32 $0xFFFFE000  }
0x143: {  	[tilespmem:s20], [sflag:$0x2] =	stream.indirect.gather [spmem:s2], $0x40, s25, s19, $0xb8;
	[tilespmem:$0x1CC80] =	vst v63  }
0x144: {  	_ =	swait.ge [sflag:s1], $0x2000  }
0x145: {  	[sflag:s1] =	ssyncset.done $0x0  }
0x146: {  	s6 =	rddreg [dreg:$0x12];
	[sflag:s1] =	ssyncadd.s32 $0xFFFFE000  }
0x147: {  	[spmem:s3] =	stream.indirect.scatter.add.f32 [tilespmem:s26], [sflag:$0x8], $0x40, s6, s19, $0xb8;
	[tilespmem:$0x1CC80] =	vst v63  }
0x148: {  	_ =	swait.ge [sflag:s12], $0x400  }
0x149: {  	[sflag:s12] =	ssyncset.done $0x0  }
0x14a: {  	[sflag:s12] =	ssyncadd.s32 $0xFFFFFC00  }
0x14b: {  	_ =	swait.ge [sflag:s5], $0x2000  }
0x14c: {  	[sflag:s5] =	ssyncset.done $0x0  }
0x14d: {  	s13 =	rddreg [dreg:$0x13];
	[sflag:s5] =	ssyncadd.s32 $0xFFFFE000  }
0x14e: {  	[tilespmem:s21], [sflag:$0x3] =	stream.indirect.gather [spmem:s2], $0x40, s13, s19, $0xb8;
	[tilespmem:$0x1CC80] =	vst v63  }
0x14f: {  	p2 =	seq.s32 s15, $0x0;
	_ =	swait.ge [sflag:s22], $0x2000  }
0x150: {  	p0 =	por p2, p2;
	p2 =	seq.s32 s14, $0x900;
	[sflag:s22] =	ssyncset.done $0x0  }
0x151: {  	s9 =	sadd.s32 @!p2 s14, s7;
	[sflag:s22] =	ssyncadd.s32 $0xFFFFE000  }
0x152: {  	[spmem:s3] =	stream.indirect.scatter.add.f32 [tilespmem:s18], [sflag:$0x5], $0x40, s31, s19, $0xb8;
	[tilespmem:$0x1CC80] =	vst v63  }
0x153: {  	s9 =	sadd.s32 @!p2 $0x100, s9;
	s25 =	simm.s32 @!p2 $0x0  }
0x154: {  	[tilespmem:s25], [sflag:$0x9] =	stream.linear.gather @!p2 [hbm4b:s9+s25], $0x400, $0x38;
	[tilespmem:$0x1CC80] =	vst v63  }
0x155: {  	s14 =	sadd.s32 @!p2 s14, s8;
	_ =	swait.ge [sflag:s10], $0x2000  }
0x156: {  	s23 =	smov.u32 s15;
	s6 =	sadd.s32 @!p2 $0x100, s14;
	[sflag:s10] =	ssyncset.done $0x0  }
0x157: {  	s14 =	smov.u32 s23;
	s23 =	rddreg [dreg:$0x14];
	[sflag:s10] =	ssyncadd.s32 $0xFFFFE000  }
0x158: {  	[tilespmem:s26], [sflag:$0x4] =	stream.indirect.gather [spmem:s2], $0x40, s23, s19, $0xb8;
	[tilespmem:$0x1CC80] =	vst v63  }
0x159: {  	_ =	swait.ge [sflag:s28], $0x2000  }
0x15a: {  	[sflag:s28] =	ssyncset.done $0x0  }
0x15b: {  	s13 =	rddreg [dreg:$0x15];
	[sflag:s28] =	ssyncadd.s32 $0xFFFFE000  }
0x15c: {  	[spmem:s3] =	stream.indirect.scatter.add.f32 [tilespmem:s20], [sflag:$0x6], $0x40, s13, s19, $0xb8;
	[tilespmem:$0x1CC80] =	vst v63  }
0x15d: {  	_ =	swait.ge [sflag:s29], $0x2000  }
0x15e: {  	[sflag:s29] =	ssyncset.done $0x0  }
0x15f: {  	s23 =	rddreg [dreg:$0x16];
	[sflag:s29] =	ssyncadd.s32 $0xFFFFE000  }
0x160: {  	[tilespmem:s18], [sflag:$0x1] =	stream.indirect.gather [spmem:s2], $0x40, s23, s19, $0xb8;
	[tilespmem:$0x1CC80] =	vst v63  }
0x161: {  	_ =	swait.ge [sflag:s30], $0x2000  }
0x162: {  	[sflag:s30] =	ssyncset.done $0x0  }
0x163: {  	s13 =	rddreg [dreg:$0x17];
	[sflag:s30] =	ssyncadd.s32 $0xFFFFE000  }
0x164: {  	[spmem:s3] =	stream.indirect.scatter.add.f32 [tilespmem:s21], [sflag:$0x7], $0x40, s13, s19, $0xb8;
	[tilespmem:$0x1CC80] =	vst v63  }
0x165: {  	s23 =	simm.s32 @!p2 $0x800  }
0x166: {  	[tilespmem:s23], [sflag:$0xB] =	stream.linear.gather @!p2 [hbm4b:s6+s25], $0x400, $0x38;
	[tilespmem:$0x1CC80] =	vst v63  }
0x167: {  	_ =	swait.ge [sflag:s0], $0x2000  }
0x168: {  	[sflag:s0] =	ssyncset.done $0x0  }
0x169: {  	s9 =	rddreg [dreg:$0x18];
	[sflag:s0] =	ssyncadd.s32 $0xFFFFE000  }
0x16a: {  	[tilespmem:s20], [sflag:$0x2] =	stream.indirect.gather [spmem:s2], $0x40, s9, s19, $0xb8;
	[tilespmem:$0x1CC80] =	vst v63  }
0x16b: {  	_ =	swait.ge [sflag:s1], $0x2000  }
0x16c: {  	[sflag:s1] =	ssyncset.done $0x0  }
0x16d: {  	s13 =	rddreg [dreg:$0x19];
	[sflag:s1] =	ssyncadd.s32 $0xFFFFE000  }
0x16e: {  	[spmem:s3] =	stream.indirect.scatter.add.f32 [tilespmem:s26], [sflag:$0x8], $0x40, s13, s19, $0xb8;
	[tilespmem:$0x1CC80] =	vst v63  }
0x16f: {  	_ =	swait.ge [sflag:s5], $0x2000  }
0x170: {  	[sflag:s5] =	ssyncset.done $0x0  }
0x171: {  	s23 =	rddreg [dreg:$0x1a];
	[sflag:s5] =	ssyncadd.s32 $0xFFFFE000  }
0x172: {  	[tilespmem:s21], [sflag:$0x3] =	stream.indirect.gather [spmem:s2], $0x40, s23, s19, $0xb8;
	[tilespmem:$0x1CC80] =	vst v63  }
0x173: {  	_ =	swait.ge [sflag:s22], $0x2000  }
0x174: {  	[sflag:s22] =	ssyncset.done $0x0  }
0x175: {  	s9 =	rddreg [dreg:$0x1b];
	[sflag:s22] =	ssyncadd.s32 $0xFFFFE000  }
0x176: {  	[spmem:s3] =	stream.indirect.scatter.add.f32 [tilespmem:s18], [sflag:$0x5], $0x40, s9, s19, $0xb8;
	[tilespmem:$0x1CC80] =	vst v63  }
0x177: {  	_ =	swait.ge [sflag:s10], $0x2000  }
0x178: {  	[sflag:s10] =	ssyncset.done $0x0  }
0x179: {  	s13 =	rddreg [dreg:$0x1c];
	[sflag:s10] =	ssyncadd.s32 $0xFFFFE000  }
0x17a: {  	[tilespmem:s26], [sflag:$0x4] =	stream.indirect.gather [spmem:s2], $0x40, s13, s19, $0xb8;
	[tilespmem:$0x1CC80] =	vst v63  }
0x17b: {  	_ =	swait.ge [sflag:s28], $0x2000  }
0x17c: {  	[sflag:s28] =	ssyncset.done $0x0  }
0x17d: {  	s9 =	simm.s32 @p2 $0x3;
	s23 =	rddreg [dreg:$0x1d];
	[sflag:s28] =	ssyncadd.s32 $0xFFFFE000  }
0x17e: {  	[spmem:s3] =	stream.indirect.scatter.add.f32 [tilespmem:s20], [sflag:$0x6], $0x40, s23, s19, $0xb8;
	[tilespmem:$0x1CC80] =	vst v63  }
0x17f: {  	_ =	swait.ge @p2 [sflag:s9], $0x2000  }
0x180: {  	s6 =	simm.s32 @p2 $0x5000;
	s13 =	simm.s32 @p2 $0xF00;
	[sflag:s9] =	ssyncset.done @p2 $0x0  }
0x181: {  	s23 =	simm.s32 @p2 $0x80;
	[sflag:s9] =	ssyncadd.s32 @p2 $0xFFFFE000;
	s9 =	simm.s32 @!p2 $0x5  }
0x182: {  	[spmem:s3] =	stream.indirect.scatter.add.f32 @p2 [tilespmem:s6], [sflag:$0x7], $0x40, s13, s23, $0xb8;
	[tilespmem:$0x1CC80] =	vst v63  }
0x183: {  	_ =	swait.ge @!p2 [sflag:s9], $0x2000  }
0x184: {  	[sflag:s9] =	ssyncset.done @!p2 $0x0  }
0x185: {  	s6 =	simm.s32 @!p2 $0x9;
	[sflag:s9] =	ssyncadd.s32 @!p2 $0xFFFFE000  }
0x186: {  	_ =	swait.ge @!p2 [sflag:s6], $0x400  }
0x187: {  	s13 =	simm.s32 @!p2 $0x1000;
	[sflag:s6] =	ssyncset.done @!p2 $0x0  }
0x188: {  	s9 =	simm.s32 @!p2 $0x80;
	[sflag:s6] =	ssyncadd.s32 @!p2 $0xFFFFFC00;
	s6 =	simm.s32 @!p2 $0x3  }
0x189: {  	[tilespmem:s13], [sflag:$0x1] =	stream.indirect.gather @!p2 [spmem:s2], $0x40, s25, s9, $0xb8;
	[tilespmem:$0x1CC80] =	vst v63  }
0x18a: {  	_ =	swait.ge @!p2 [sflag:s6], $0x2000  }
0x18b: {  	s23 =	simm.s32 @!p2 $0x5000;
	[sflag:s6] =	ssyncset.done @!p2 $0x0  }
0x18c: {  	s13 =	simm.s32 @!p2 $0xF00;
	[sflag:s6] =	ssyncadd.s32 @!p2 $0xFFFFE000;
	s6 =	simm.s32 @!p2 $0x6  }
0x18d: {  	[spmem:s3] =	stream.indirect.scatter.add.f32 @!p2 [tilespmem:s23], [sflag:$0x7], $0x40, s13, s9, $0xb8;
	[tilespmem:$0x1CC80] =	vst v63  }
0x18e: {  	s15 =	sadd.s32 $0x100, s15;
	_ =	swait.ge @!p2 [sflag:s6], $0x2000  }
0x18f: {  	p1 =	sne.s32 s15, $0xA00;
	[sflag:s6] =	ssyncset.done @!p2 $0x0  }
.Ltmp1:
0x190: {  	s13 =	simm.s32 @!p2 $0x3000;
	[sflag:s6] =	ssyncadd.s32 @!p2 $0xFFFFE000;
	(pc) =	sbr.rel @p1 .LBB2_4-.Ltmp1, $4  }
0x191: {  	[tilespmem:s13], [sflag:$0x2] =	stream.indirect.gather @!p2 [spmem:s2], $0x40, s9, s9, $0xb8;
	[tilespmem:$0x1CC80] =	vst v63  }
0x192: {  	_ =	swait.ge [sflag:s1], $0x2000  }
0x193: {  	[sflag:s1] =	ssyncset.done $0x0  }
0x194: {  	s25 =	rddreg [dreg:$0x1e];
	[sflag:s1] =	ssyncadd.s32 $0xFFFFE000  }
0x195: {  	s6 =	simm.s32 @!p0 $0xB  }
0x196: {  	[spmem:s3] =	stream.indirect.scatter.add.f32 [tilespmem:s26], [sflag:$0x8], $0x40, s25, s19, $0xb8;
	[tilespmem:$0x1CC80] =	vst v63  }
0x197: {  	_ =	swait.ge @!p0 [sflag:s6], $0x400  }
0x198: {  	[sflag:s6] =	ssyncset.done @!p0 $0x0  }
0x199: {  	[sflag:s6] =	ssyncadd.s32 @!p0 $0xFFFFFC00;
	s6 =	simm.s32 @!p0 $0x7  }
0x19a: {  	_ =	swait.ge @!p0 [sflag:s6], $0x2000  }
0x19b: {  	[sflag:s6] =	ssyncset.done @!p0 $0x0  }
0x19c: {  	s9 =	rddreg [dreg:$0x5];
	[sflag:s6] =	ssyncadd.s32 @!p0 $0xFFFFE000  }
0x19d: {  	[tilespmem:s21], [sflag:$0x3] =	stream.indirect.gather [spmem:s2], $0x40, s9, s19, $0xb8;
	[tilespmem:$0x1CC80] =	vst v63  }
0x19e: {  	_ =	swait.ge [sflag:s22], $0x2000  }
0x19f: {  	[sflag:s22] =	ssyncset.done $0x0  }
0x1a0: {  	s15 =	sadd.s32 s14, s7;
	[sflag:s22] =	ssyncadd.s32 $0xFFFFE000  }
0x1a1: {  	[spmem:s3] =	stream.indirect.scatter.add.f32 [tilespmem:s18], [sflag:$0x5], $0x40, s17, s19, $0xb8;
	[tilespmem:$0x1CC80] =	vst v63  }
0x1a2: {  	s6 =	sadd.s32 $0x80, s15;
	s9 =	simm.s32 @!p0 $0x8  }
0x1a3: {  	[tilespmem:s24], [sflag:$0xA] =	stream.linear.gather [hbm4b:s6+s4], $0x400, $0x38;
	[tilespmem:$0x1CC80] =	vst v63  }
0x1a4: {  	_ =	swait.ge @!p0 [sflag:s9], $0x2000  }
0x1a5: {  	[sflag:s9] =	ssyncset.done @!p0 $0x0  }
0x1a6: {  	s23 =	rddreg [dreg:$0x6];
	[sflag:s9] =	ssyncadd.s32 @!p0 $0xFFFFE000  }
0x1a7: {  	[tilespmem:s26], [sflag:$0x4] =	stream.indirect.gather [spmem:s2], $0x40, s23, s19, $0xb8;
	[tilespmem:$0x1CC80] =	vst v63  }
0x1a8: {  	_ =	swait.ge [sflag:s28], $0x2000  }
0x1a9: {  	[sflag:s28] =	ssyncset.done $0x0  }
0x1aa: {  	s25 =	rddreg [dreg:$0x7];
	[sflag:s28] =	ssyncadd.s32 $0xFFFFE000  }
0x1ab: {  	[spmem:s3] =	stream.indirect.scatter.add.f32 [tilespmem:s20], [sflag:$0x6], $0x40, s25, s19, $0xb8;
	[tilespmem:$0x1CC80] =	vst v63  }
0x1ac: {  	_ =	swait.ge [sflag:s29], $0x2000  }
0x1ad: {  	[sflag:s29] =	ssyncset.done $0x0  }
0x1ae: {  	s9 =	rddreg [dreg:$0x8];
	[sflag:s29] =	ssyncadd.s32 $0xFFFFE000  }
0x1af: {  	[tilespmem:s18], [sflag:$0x1] =	stream.indirect.gather [spmem:s2], $0x40, s9, s19, $0xb8;
	[tilespmem:$0x1CC80] =	vst v63  }
0x1b0: {  	_ =	swait.ge [sflag:s30], $0x2000  }
0x1b1: {  	[sflag:s30] =	ssyncset.done $0x0  }
0x1b2: {  	s15 =	sadd.s32 s14, s8;
	s13 =	rddreg [dreg:$0x9];
	[sflag:s30] =	ssyncadd.s32 $0xFFFFE000  }
0x1b3: {  	[spmem:s3] =	stream.indirect.scatter.add.f32 [tilespmem:s21], [sflag:$0x7], $0x40, s13, s19, $0xb8;
	[tilespmem:$0x1CC80] =	vst v63  }
0x1b4: {  	s23 =	sadd.s32 $0x80, s15  }
0x1b5: {  	[tilespmem:s31], [sflag:$0xC] =	stream.linear.gather [hbm4b:s23+s4], $0x400, $0x38;
	[tilespmem:$0x1CC80] =	vst v63  }
0x1b6: {  	_ =	swait.ge [sflag:s0], $0x2000  }
0x1b7: {  	[sflag:s0] =	ssyncset.done $0x0  }
0x1b8: {  	s25 =	rddreg [dreg:$0xa];
	[sflag:s0] =	ssyncadd.s32 $0xFFFFE000  }
0x1b9: {  	[tilespmem:s20], [sflag:$0x2] =	stream.indirect.gather [spmem:s2], $0x40, s25, s19, $0xb8;
	[tilespmem:$0x1CC80] =	vst v63  }
0x1ba: {  	_ =	swait.ge [sflag:s1], $0x2000  }
0x1bb: {  	[sflag:s1] =	ssyncset.done $0x0  }
0x1bc: {  	s9 =	rddreg [dreg:$0xb];
	[sflag:s1] =	ssyncadd.s32 $0xFFFFE000  }
0x1bd: {  	[spmem:s3] =	stream.indirect.scatter.add.f32 [tilespmem:s26], [sflag:$0x8], $0x40, s9, s19, $0xb8;
	[tilespmem:$0x1CC80] =	vst v63  }
0x1be: {  	_ =	swait.ge [sflag:s5], $0x2000  }
0x1bf: {  	[sflag:s5] =	ssyncset.done $0x0  }
0x1c0: {  	s13 =	rddreg [dreg:$0xc];
	[sflag:s5] =	ssyncadd.s32 $0xFFFFE000  }
0x1c1: {  	[tilespmem:s21], [sflag:$0x3] =	stream.indirect.gather [spmem:s2], $0x40, s13, s19, $0xb8;
	[tilespmem:$0x1CC80] =	vst v63  }
0x1c2: {  	_ =	swait.ge [sflag:s22], $0x2000  }
0x1c3: {  	[sflag:s22] =	ssyncset.done $0x0  }
0x1c4: {  	s15 =	rddreg [dreg:$0xd];
	[sflag:s22] =	ssyncadd.s32 $0xFFFFE000  }
0x1c5: {  	[spmem:s3] =	stream.indirect.scatter.add.f32 [tilespmem:s18], [sflag:$0x5], $0x40, s15, s19, $0xb8;
	[tilespmem:$0x1CC80] =	vst v63  }
0x1c6: {  	_ =	swait.ge [sflag:s10], $0x2000  }
0x1c7: {  	[sflag:s10] =	ssyncset.done $0x0  }
0x1c8: {  	s23 =	rddreg [dreg:$0xe];
	[sflag:s10] =	ssyncadd.s32 $0xFFFFE000  }
0x1c9: {  	[tilespmem:s26], [sflag:$0x4] =	stream.indirect.gather [spmem:s2], $0x40, s23, s19, $0xb8;
	[tilespmem:$0x1CC80] =	vst v63  }
0x1ca: {  	_ =	swait.ge [sflag:s28], $0x2000  }
0x1cb: {  	[sflag:s28] =	ssyncset.done $0x0  }
0x1cc: {  	s25 =	rddreg [dreg:$0xf];
	[sflag:s28] =	ssyncadd.s32 $0xFFFFE000  }
0x1cd: {  	[spmem:s3] =	stream.indirect.scatter.add.f32 [tilespmem:s20], [sflag:$0x6], $0x40, s25, s19, $0xb8;
	[tilespmem:$0x1CC80] =	vst v63  }
0x1ce: {  	_ =	swait.ge [sflag:s29], $0x2000  }
0x1cf: {  	[sflag:s29] =	ssyncset.done $0x0  }
0x1d0: {  	[sflag:s29] =	ssyncadd.s32 $0xFFFFE000  }
0x1d1: {  	_ =	swait.ge [sflag:s11], $0x400  }
0x1d2: {  	[sflag:s11] =	ssyncset.done $0x0  }
0x1d3: {  	[sflag:s11] =	ssyncadd.s32 $0xFFFFFC00  }
0x1d4: {  	[tilespmem:s18], [sflag:$0x1] =	stream.indirect.gather [spmem:s2], $0x40, s24, s19, $0xb8;
	[tilespmem:$0x1CC80] =	vst v63  }
0x1d5: {  	_ =	swait.ge [sflag:s30], $0x2000  }
0x1d6: {  	[sflag:s30] =	ssyncset.done $0x0  }
0x1d7: {  	s9 =	rddreg [dreg:$0x10];
	[sflag:s30] =	ssyncadd.s32 $0xFFFFE000  }
0x1d8: {  	[spmem:s3] =	stream.indirect.scatter.add.f32 [tilespmem:s21], [sflag:$0x7], $0x40, s9, s19, $0xb8;
	[tilespmem:$0x1CC80] =	vst v63  }
0x1d9: {  	_ =	swait.ge [sflag:s0], $0x2000  }
0x1da: {  	[sflag:s0] =	ssyncset.done $0x0  }
0x1db: {  	s13 =	rddreg [dreg:$0x11];
	[sflag:s0] =	ssyncadd.s32 $0xFFFFE000  }
0x1dc: {  	[tilespmem:s20], [sflag:$0x2] =	stream.indirect.gather [spmem:s2], $0x40, s13, s19, $0xb8;
	[tilespmem:$0x1CC80] =	vst v63  }
0x1dd: {  	_ =	swait.ge [sflag:s1], $0x2000  }
0x1de: {  	[sflag:s1] =	ssyncset.done $0x0  }
0x1df: {  	s15 =	rddreg [dreg:$0x12];
	[sflag:s1] =	ssyncadd.s32 $0xFFFFE000  }
0x1e0: {  	[spmem:s3] =	stream.indirect.scatter.add.f32 [tilespmem:s26], [sflag:$0x8], $0x40, s15, s19, $0xb8;
	[tilespmem:$0x1CC80] =	vst v63  }
0x1e1: {  	_ =	swait.ge [sflag:s12], $0x400  }
0x1e2: {  	[sflag:s12] =	ssyncset.done $0x0  }
0x1e3: {  	[sflag:s12] =	ssyncadd.s32 $0xFFFFFC00  }
0x1e4: {  	_ =	swait.ge [sflag:s5], $0x2000  }
0x1e5: {  	[sflag:s5] =	ssyncset.done $0x0  }
0x1e6: {  	s23 =	rddreg [dreg:$0x13];
	[sflag:s5] =	ssyncadd.s32 $0xFFFFE000  }
0x1e7: {  	[tilespmem:s21], [sflag:$0x3] =	stream.indirect.gather [spmem:s2], $0x40, s23, s19, $0xb8;
	[tilespmem:$0x1CC80] =	vst v63  }
0x1e8: {  	_ =	swait.ge [sflag:s22], $0x2000  }
0x1e9: {  	p0 =	seq.s32 s14, $0x900;
	[sflag:s22] =	ssyncset.done $0x0  }
0x1ea: {  	s6 =	sadd.s32 @!p0 s14, s7;
	[sflag:s22] =	ssyncadd.s32 $0xFFFFE000  }
0x1eb: {  	[spmem:s3] =	stream.indirect.scatter.add.f32 [tilespmem:s18], [sflag:$0x5], $0x40, s31, s19, $0xb8;
	[tilespmem:$0x1CC80] =	vst v63  }
0x1ec: {  	s6 =	sadd.s32 @!p0 $0x100, s6;
	s15 =	simm.s32 @!p0 $0x0  }
0x1ed: {  	[tilespmem:s15], [sflag:$0x9] =	stream.linear.gather @!p0 [hbm4b:s6+s15], $0x400, $0x38;
	[tilespmem:$0x1CC80] =	vst v63  }
0x1ee: {  	_ =	swait.ge [sflag:s10], $0x2000  }
0x1ef: {  	[sflag:s10] =	ssyncset.done $0x0  }
0x1f0: {  	s25 =	rddreg [dreg:$0x14];
	[sflag:s10] =	ssyncadd.s32 $0xFFFFE000  }
0x1f1: {  	[tilespmem:s26], [sflag:$0x4] =	stream.indirect.gather [spmem:s2], $0x40, s25, s19, $0xb8;
	[tilespmem:$0x1CC80] =	vst v63  }
0x1f2: {  	_ =	swait.ge [sflag:s28], $0x2000  }
0x1f3: {  	[sflag:s28] =	ssyncset.done $0x0  }
0x1f4: {  	s9 =	rddreg [dreg:$0x15];
	[sflag:s28] =	ssyncadd.s32 $0xFFFFE000  }
0x1f5: {  	[spmem:s3] =	stream.indirect.scatter.add.f32 [tilespmem:s20], [sflag:$0x6], $0x40, s9, s19, $0xb8;
	[tilespmem:$0x1CC80] =	vst v63  }
0x1f6: {  	_ =	swait.ge [sflag:s29], $0x2000  }
0x1f7: {  	[sflag:s29] =	ssyncset.done $0x0  }
0x1f8: {  	s13 =	rddreg [dreg:$0x16];
	[sflag:s29] =	ssyncadd.s32 $0xFFFFE000  }
0x1f9: {  	[tilespmem:s18], [sflag:$0x1] =	stream.indirect.gather [spmem:s2], $0x40, s13, s19, $0xb8;
	[tilespmem:$0x1CC80] =	vst v63  }
0x1fa: {  	_ =	swait.ge [sflag:s30], $0x2000  }
0x1fb: {  	[sflag:s30] =	ssyncset.done $0x0  }
0x1fc: {  	s9 =	sadd.s32 @!p0 s14, s8;
	s23 =	rddreg [dreg:$0x17];
	[sflag:s30] =	ssyncadd.s32 $0xFFFFE000  }
0x1fd: {  	[spmem:s3] =	stream.indirect.scatter.add.f32 [tilespmem:s21], [sflag:$0x7], $0x40, s23, s19, $0xb8;
	[tilespmem:$0x1CC80] =	vst v63  }
0x1fe: {  	s6 =	sadd.s32 @!p0 $0x100, s9;
	s9 =	simm.s32 @!p0 $0x800  }
0x1ff: {  	[tilespmem:s9], [sflag:$0xB] =	stream.linear.gather @!p0 [hbm4b:s6+s15], $0x400, $0x38;
	[tilespmem:$0x1CC80] =	vst v63  }
0x200: {  	_ =	swait.ge [sflag:s0], $0x2000  }
0x201: {  	[sflag:s0] =	ssyncset.done $0x0  }
0x202: {  	s25 =	rddreg [dreg:$0x18];
	[sflag:s0] =	ssyncadd.s32 $0xFFFFE000  }
0x203: {  	[tilespmem:s20], [sflag:$0x2] =	stream.indirect.gather [spmem:s2], $0x40, s25, s19, $0xb8;
	[tilespmem:$0x1CC80] =	vst v63  }
0x204: {  	_ =	swait.ge [sflag:s1], $0x2000  }
0x205: {  	[sflag:s1] =	ssyncset.done $0x0  }
0x206: {  	s9 =	rddreg [dreg:$0x19];
	[sflag:s1] =	ssyncadd.s32 $0xFFFFE000  }
0x207: {  	[spmem:s3] =	stream.indirect.scatter.add.f32 [tilespmem:s26], [sflag:$0x8], $0x40, s9, s19, $0xb8;
	[tilespmem:$0x1CC80] =	vst v63  }
0x208: {  	_ =	swait.ge [sflag:s5], $0x2000  }
0x209: {  	[sflag:s5] =	ssyncset.done $0x0  }
0x20a: {  	s13 =	rddreg [dreg:$0x1a];
	[sflag:s5] =	ssyncadd.s32 $0xFFFFE000  }
0x20b: {  	[tilespmem:s21], [sflag:$0x3] =	stream.indirect.gather [spmem:s2], $0x40, s13, s19, $0xb8;
	[tilespmem:$0x1CC80] =	vst v63  }
0x20c: {  	_ =	swait.ge [sflag:s22], $0x2000  }
0x20d: {  	[sflag:s22] =	ssyncset.done $0x0  }
0x20e: {  	s14 =	rddreg [dreg:$0x1b];
	[sflag:s22] =	ssyncadd.s32 $0xFFFFE000  }
0x20f: {  	[spmem:s3] =	stream.indirect.scatter.add.f32 [tilespmem:s18], [sflag:$0x5], $0x40, s14, s19, $0xb8;
	[tilespmem:$0x1CC80] =	vst v63  }
0x210: {  	_ =	swait.ge [sflag:s10], $0x2000  }
0x211: {  	[sflag:s10] =	ssyncset.done $0x0  }
0x212: {  	s23 =	rddreg [dreg:$0x1c];
	[sflag:s10] =	ssyncadd.s32 $0xFFFFE000  }
0x213: {  	[tilespmem:s26], [sflag:$0x4] =	stream.indirect.gather [spmem:s2], $0x40, s23, s19, $0xb8;
	[tilespmem:$0x1CC80] =	vst v63  }
0x214: {  	_ =	swait.ge [sflag:s28], $0x2000  }
0x215: {  	[sflag:s28] =	ssyncset.done $0x0  }
0x216: {  	s9 =	simm.s32 @p0 $0x3;
	s25 =	rddreg [dreg:$0x1d];
	[sflag:s28] =	ssyncadd.s32 $0xFFFFE000  }
0x217: {  	[spmem:s3] =	stream.indirect.scatter.add.f32 [tilespmem:s20], [sflag:$0x6], $0x40, s25, s19, $0xb8;
	[tilespmem:$0x1CC80] =	vst v63  }
0x218: {  	_ =	swait.ge @p0 [sflag:s9], $0x2000  }
0x219: {  	s6 =	simm.s32 @p0 $0x5000;
	[sflag:s9] =	ssyncset.done @p0 $0x0  }
0x21a: {  	s13 =	simm.s32 @p0 $0x80;
	[sflag:s9] =	ssyncadd.s32 @p0 $0xFFFFE000;
	s9 =	simm.s32 @p0 $0xF00  }
0x21b: {  	[spmem:s3] =	stream.indirect.scatter.add.f32 @p0 [tilespmem:s6], [sflag:$0x7], $0x40, s9, s13, $0xb8;
	[tilespmem:$0x1CC80] =	vst v63  }
0x21c: {  	s6 =	simm.s32 @!p0 $0x5  }
0x21d: {  	_ =	swait.ge @!p0 [sflag:s6], $0x2000  }
0x21e: {  	[sflag:s6] =	ssyncset.done @!p0 $0x0  }
0x21f: {  	s9 =	simm.s32 @!p0 $0x9;
	[sflag:s6] =	ssyncadd.s32 @!p0 $0xFFFFE000  }
0x220: {  	_ =	swait.ge @!p0 [sflag:s9], $0x400  }
0x221: {  	[sflag:s9] =	ssyncset.done @!p0 $0x0  }
0x222: {  	s6 =	simm.s32 @!p0 $0x80;
	[sflag:s9] =	ssyncadd.s32 @!p0 $0xFFFFFC00;
	s9 =	simm.s32 @!p0 $0x1000  }
0x223: {  	[tilespmem:s9], [sflag:$0x1] =	stream.indirect.gather @!p0 [spmem:s2], $0x40, s15, s6, $0xb8;
	[tilespmem:$0x1CC80] =	vst v63  }
0x224: {  	s9 =	simm.s32 @!p0 $0x3  }
0x225: {  	_ =	swait.ge @!p0 [sflag:s9], $0x2000  }
0x226: {  	[sflag:s9] =	ssyncset.done @!p0 $0x0  }
0x227: {  	s13 =	simm.s32 @!p0 $0xF00;
	[sflag:s9] =	ssyncadd.s32 @!p0 $0xFFFFE000;
	s9 =	simm.s32 @!p0 $0x5000  }
0x228: {  	[spmem:s3] =	stream.indirect.scatter.add.f32 @!p0 [tilespmem:s9], [sflag:$0x7], $0x40, s13, s6, $0xb8;
	[tilespmem:$0x1CC80] =	vst v63  }
0x229: {  	s9 =	simm.s32 @!p0 $0x6  }
0x22a: {  	_ =	swait.ge @!p0 [sflag:s9], $0x2000  }
0x22b: {  	[sflag:s9] =	ssyncset.done @!p0 $0x0  }
0x22c: {  	[sflag:s9] =	ssyncadd.s32 @!p0 $0xFFFFE000;
	s9 =	simm.s32 @!p0 $0x3000  }
0x22d: {  	[tilespmem:s9], [sflag:$0x2] =	stream.indirect.gather @!p0 [spmem:s2], $0x40, s6, s6, $0xb8;
	[tilespmem:$0x1CC80] =	vst v63  }
0x22e: {  	_ =	swait.ge [sflag:s1], $0x2000  }
0x22f: {  	[sflag:s1] =	ssyncset.done $0x0  }
0x230: {  	s13 =	rddreg [dreg:$0x1e];
	[sflag:s1] =	ssyncadd.s32 $0xFFFFE000  }
0x231: {  	[spmem:s3] =	stream.indirect.scatter.add.f32 [tilespmem:s26], [sflag:$0x8], $0x40, s13, s19, $0xb8;
	[tilespmem:$0x1CC80] =	vst v63  }
0x232: {  	_ =	swait.ge [sflag:s29], $0x2000  }
0x233: {  	[sflag:s29] =	ssyncset.done $0x0  }
0x234: {  	[sflag:s29] =	ssyncadd.s32 $0xFFFFE000  }
0x235: {  	_ =	swait.ge [sflag:s0], $0x2000  }
0x236: {  	[sflag:s0] =	ssyncset.done $0x0  }
0x237: {  	[sflag:s0] =	ssyncadd.s32 $0xFFFFE000  }
0x238: {  	_ =	swait.ge [sflag:s5], $0x2000  }
0x239: {  	[sflag:s5] =	ssyncset.done $0x0  }
0x23a: {  	[sflag:s5] =	ssyncadd.s32 $0xFFFFE000  }
0x23b: {  	_ =	swait.ge [sflag:s10], $0x2000  }
0x23c: {  	[sflag:s10] =	ssyncset.done $0x0  }
0x23d: {  	[sflag:s10] =	ssyncadd.s32 $0xFFFFE000  }
0x23e: {  	[bflag:$0x0] =	sbarrier.arrive $0xFFFF  }
0x23f: {  	s13 =	sld [smem:$0x7FD]  }
0x240: {  	s14 =	sld [smem:$0x7FB]  }
0x241: {  	s15 =	sld [smem:$0x7FC];
	_ =	sdelay $0x2  }
0x242: {  	[hbm:s14], [sflag:s13] =	dma.local [spmem:s15], $0x1400  }
0x243: {  	_ =	swait.ge [sflag:s16], $0x1400  }
0x244: {  	s23 =	sld [smem:$0x7F3]  }
0x245: {  	s25 =	sld [smem:$0x7F4];
	_ =	sdelay $0x1  }
0x246: {  	s9 =	sadd.s32 $0x1, s23  }
0x247: {  	p0 =	sne.s32 s9, s25  }
.Ltmp2:
0x248: {  	_ = 	snop;
	(pc) =	sbr.rel @p0 .LBB2_1-.Ltmp2, $3  }
0x249: {  	_ =	sdelay $0x1  }
0x24a: {  	[sflag:s16] =	ssyncset.done $0x0  }
0x24b: {  	[sflag:s16] =	ssyncadd.s32 $0xFFFFEC00  }
0x24c: {  	_ =	sfence.sel $0x180000  }
0x24d: {  	[bflag:$0x0] =	sbarrier.arrive $0xFFFF  }
0x24e: {  	_ =	strace $0x9000004D  }
0x24f: {  	s0 =	stileid.u32;
	[bflag:$0x2] =	sbarrier.arrive $0xFFFF  }
0x250: {  	p0 =	sne.s32 s0, $0x0;
	s0 =	rddreg [dreg:$0x4]  }
0x251: {  	s0 =	sadd.s32 @!p0 $0x100000, s0  }
0x252: {  	[sflag:s0] =	ssyncadd.tile.s32 @!p0 $0x1;
	_ =	shalt  }
.Lfunc_end2:
_tile_overlayer_lowered:
.L_overlay_start_2:
0x253: {  	(tag) =	ssettag $0x2  }
0x254: {  	s0 =	rddreg [dreg:$0x0];
	s2 =	stileid.u32  }
0x255: {  	s1 =	rddreg [dreg:$0x1];
	p0 =	sne.s32 s2, $0x0  }
0x256: {  	s3 =	rddreg [dreg:$0x2];
	[bflag:$0x3] =	sbarrier.arrive $0xFFFF;
	s2 =	simm.s32 @!p0 $0x1C0D  }
0x257: {  	[timem:s3], [sflag:s2] =	dma.local @!p0 [hbm:s0], s1  }
0x258: {  	s0 =	simm.s32 @!p0 $0xD  }
0x259: {  	_ =	swait.ge @!p0 [sflag:s0], s1  }
0x25a: {  	s1 =	ssub.s32 @!p0 $0x0, s1;
	[sflag:s0] =	ssyncset.done @!p0 $0x0  }
0x25b: {  	[sflag:s0] =	ssyncadd.s32 @!p0 s1  }
0x25c: {  	[bflag:$0x3] =	sbarrier.arrive $0xFFFF  }
0x25d: {  	_ =	shalt  }

</sc_bundles>
